<compile_context>
chip_gen: v7x
topology: tpu7x:2x2x1
jax: 0.10.2.dev20260603
libtpu: 0.0.44.dev20260713+nightly
codegen_flags: <defaults>
</compile_context>

<pallas_src>
import jax
import jax.numpy as jnp
from jax import lax
from jax.experimental import pallas as pl
from jax.experimental.pallas import tpu as pltpu
from jax.experimental.pallas import tpu_sc as plsc

N = 10000
NPAD = 10240
E = 160000
IN = 256
OUT = 256
EIN = 16

NC = 2
NS = 16
NW = NC * NS

BLKE = 1280
EC1 = 64 * BLKE
EC2 = E - EC1

BLK = 128
ZROWS = NPAD // NS

_INV_SQRT_BN = (1.0 + 1e-5) ** -0.5


def _leaky(x):
    return jnp.where(x > 0, x, 0.1 * x)


def _mesh():
    return plsc.VectorSubcoreMesh(core_axis_name="c", subcore_axis_name="s",
                                  num_cores=NC, num_subcores=NS)


def _node_embed_body(h_ref, w_ref, o_ref):
    o_ref[...] = jnp.dot(h_ref[...], w_ref[...],
                         preferred_element_type=jnp.float32)


def _node_embed(h_pad, W):
    blk = 512
    grid = NPAD // blk
    return pl.pallas_call(
        _node_embed_body,
        grid=(grid,),
        in_specs=[
            pl.BlockSpec((blk, IN), lambda i: (i, 0)),
            pl.BlockSpec((IN, OUT), lambda i: (0, 0)),
        ],
        out_specs=pl.BlockSpec((blk, OUT), lambda i: (i, 0)),
        out_shape=jax.ShapeDtypeStruct((NPAD, OUT), jnp.float32),
    )(h_pad, W)


def _make_gather_hn(ec, name):
    per_w = ec // NW
    assert per_w % 8 == 0
    nfull = per_w // BLK
    tail = per_w - nfull * BLK
    ng = nfull // 3
    leftover = nfull % 3

    def body(hn_hbm, src_hbm, dst_hbm, hs_hbm, hd_hbm, *scr):
        if tail:
            idx_full, r0, r1, r2, rt, sem = scr
        else:
            idx_full, r0, r1, r2, sem = scr
        wid = lax.axis_index("s") * NC + lax.axis_index("c")
        base = wid * per_w
        rows = (r0, r1, r2)

        def one_pass(which_idx, which_out):
            pltpu.sync_copy(which_idx.at[pl.ds(base, per_w)], idx_full)

            def do_set(goff, nk):
                hs = []
                for k in range(nk):
                    isl = idx_full.at[pl.ds(goff + k * BLK, BLK)]
                    cp = pltpu.make_async_copy(hn_hbm.at[isl], rows[k], sem)
                    cp.start()
                    hs.append(cp)
                for cp in hs:
                    cp.wait()
                ws = []
                for k in range(nk):
                    cp = pltpu.make_async_copy(
                        rows[k],
                        which_out.at[pl.ds(base + goff + k * BLK, BLK)], sem)
                    cp.start()
                    ws.append(cp)
                for cp in ws:
                    cp.wait()

            def group(g, carry):
                do_set(g * (3 * BLK), 3)
                return carry

            lax.fori_loop(0, ng, group, 0)
            if leftover:
                do_set(ng * 3 * BLK, leftover)
            if tail:
                toff = nfull * BLK
                isl = idx_full.at[pl.ds(toff, tail)]
                pltpu.sync_copy(hn_hbm.at[isl], rt)
                pltpu.sync_copy(rt, which_out.at[pl.ds(base + toff, tail)])

        one_pass(src_hbm, hs_hbm)
        one_pass(dst_hbm, hd_hbm)

    scratch = [pltpu.VMEM((per_w,), jnp.int32)]
    scratch += [pltpu.VMEM((BLK, OUT), jnp.float32)] * 3
    if tail:
        scratch += [pltpu.VMEM((tail, OUT), jnp.float32)]
    scratch += [pltpu.SemaphoreType.DMA]

    return pl.kernel(
        body,
        name=name,
        out_type=[jax.ShapeDtypeStruct((ec, OUT), jnp.float32),
                  jax.ShapeDtypeStruct((ec, OUT), jnp.float32)],
        mesh=_mesh(),
        scratch_types=scratch,
    )


def _gather_hn_1(hn, src, dst):
    return _make_gather_hn(EC1, "sc_g1a")(hn, src, dst)


def _gather_hn_2(hn, src, dst):
    return _make_gather_hn(EC2, "sc_g1b")(hn, src, dst)


def _make_edge_body(aliased):
    def body(*refs):
        if aliased:
            (hs_ref, hd_ref, ew_ref, wf_ref, b_ref, wee_ref, wsf_ref,
             wfc_ref, waw_ref, wao_ref, _sat_prev, _wp_prev,
             sat_ref, p01_ref, p2_ref, wpart_ref) = refs
        else:
            (hs_ref, hd_ref, ew_ref, wf_ref, b_ref, wee_ref, wsf_ref,
             wfc_ref, waw_ref, wao_ref,
             sat_ref, p01_ref, p2_ref, wpart_ref) = refs
        hs = hs_ref[...]
        hd = hd_ref[...]
        ew = ew_ref[...]
        ee = jnp.dot(ew, wee_ref[...], preferred_element_type=jnp.float32)
        esa = jnp.dot(_leaky(ee), wsf_ref[...],
                      preferred_element_type=jnp.float32)
        w1 = esa * ee

        sat_ref[0:OUT, :] = hs.T
        sat_ref[OUT:2 * OUT, :] = hd.T
        sat_ref[2 * OUT:2 * OUT + EIN, :] = w1.T

        wf = wf_ref[...].astype(jnp.bfloat16)
        z2 = (jnp.dot(hs.astype(jnp.bfloat16), wf[0:OUT],
                      preferred_element_type=jnp.float32)
              + jnp.dot(hd.astype(jnp.bfloat16), wf[OUT:2 * OUT],
                        preferred_element_type=jnp.float32)
              + jnp.dot(w1.astype(jnp.bfloat16), wf[2 * OUT:2 * OUT + EIN],
                        preferred_element_type=jnp.float32)
              + b_ref[...])
        inw = _leaky(z2)
        att = jnp.dot(inw, wfc_ref[...], preferred_element_type=jnp.float32)
        ex = jnp.exp(att)
        w2 = att * w1

        exhs = ex * hs
        p01_ref[0, :, :] = exhs[:, 0:128]
        p01_ref[1, :, :] = exhs[:, 128:256]
        p2_ref[:, 0:EIN] = ex * w2
        p2_ref[:, EIN:EIN + 1] = ex
        p2_ref[:, EIN + 1:128] = jnp.zeros_like(ex) * jnp.zeros(
            (1, 127 - EIN), jnp.float32)

        wpart_ref[...] = (
            jnp.dot(w2 * _INV_SQRT_BN, waw_ref[...],
                    preferred_element_type=jnp.float32)
            + jnp.dot(ew, wao_ref[...], preferred_element_type=jnp.float32))

    return body


def _make_edge_chain(ec, blk_off, aliased):
    grid = ec // BLKE
    full = lambda r, c: pl.BlockSpec((r, c), lambda i: (0, 0))
    in_specs = [
        pl.BlockSpec((BLKE, OUT), lambda i: (i, 0)),
        pl.BlockSpec((BLKE, OUT), lambda i: (i, 0)),
        pl.BlockSpec((BLKE, EIN), lambda i: (i, 0)),
        full(2 * OUT + EIN, OUT),
        full(1, OUT),
        full(EIN, EIN),
        full(EIN, 1),
        full(OUT, 1),
        full(EIN, EIN),
        full(EIN, EIN),
    ]
    kwargs = {}
    if aliased:
        in_specs += [pl.BlockSpec(memory_space=pl.ANY),
                     pl.BlockSpec(memory_space=pl.ANY)]
        kwargs["input_output_aliases"] = {10: 0, 11: 3}
    return pl.pallas_call(
        _make_edge_body(aliased),
        grid=(grid,),
        in_specs=in_specs,
        out_specs=[
            pl.BlockSpec((2 * OUT + EIN, BLKE), lambda i: (0, i + blk_off)),
            pl.BlockSpec((2, BLKE, 128), lambda i: (0, i, 0)),
            pl.BlockSpec((BLKE, 128), lambda i: (i, 0)),
            pl.BlockSpec((BLKE, EIN), lambda i: (i + blk_off, 0)),
        ],
        out_shape=[
            jax.ShapeDtypeStruct((2 * OUT + EIN, E), jnp.float32),
            jax.ShapeDtypeStruct((2, ec, 128), jnp.float32),
            jax.ShapeDtypeStruct((ec, 128), jnp.float32),
            jax.ShapeDtypeStruct((E, EIN), jnp.float32),
        ],
        **kwargs,
    )


def _make_segment_scatter(ec, name):
    per_t = ec // NS
    assert per_t % 8 == 0
    nfull_a = per_t // BLK
    tail_a = per_t - nfull_a * BLK
    ng_a = nfull_a // 2
    left_a = nfull_a % 2
    half = ec // NC
    per_tb = half // NS
    assert per_tb % 8 == 0
    nfull_b = per_tb // BLK
    tail_b = per_tb - nfull_b * BLK
    ng_b = nfull_b // 2
    left_b = nfull_b % 2

    def body(p01_hbm, p2_hbm, dst_hbm, zero_hbm, u01_hbm, u2_hbm, *scr):
        scr = list(scr)
        i0, i1, r0, r1 = scr[:4]
        scr = scr[4:]
        if tail_a:
            idx_ta, rows_ta = scr[:2]
            scr = scr[2:]
        if tail_b:
            idx_tb, rows_tb = scr[:2]
            scr = scr[2:]
        sem, shared = scr
        c = lax.axis_index("c")
        s = lax.axis_index("s")
        idxs = (i0, i1)
        rows = (r0, r1)

        def zero_my_slice():
            pltpu.sync_copy(zero_hbm, shared.at[pl.ds(s * ZROWS, ZROWS)])

        def do_group(off, nk, read_rows):
            hs = []
            for k in range(nk):
                cp = pltpu.make_async_copy(
                    dst_hbm.at[pl.ds(off + k * BLK, BLK)], idxs[k], sem)
                cp.start()
                hs.append(cp)
                hs.append(read_rows(off + k * BLK, rows[k]))
            for cp in hs:
                cp.wait()
            sc = []
            for k in range(nk):
                cp = pltpu.async_copy(rows[k], shared.at[idxs[k]], sem,
                                      add=True)
                sc.append(cp)
            for cp in sc:
                cp.wait()

        def do_tail(off, n, idx_ref, rows_ref, p_at):
            pltpu.sync_copy(dst_hbm.at[pl.ds(off, n)], idx_ref)
            pltpu.sync_copy(p_at(off, n), rows_ref)
            pltpu.sync_copy(rows_ref, shared.at[idx_ref], add=True)

        def read_a(off, rref):
            cp = pltpu.make_async_copy(p01_hbm.at[c, pl.ds(off, BLK)], rref,
                                       sem)
            cp.start()
            return cp

        def read_b(off, rref):
            cp = pltpu.make_async_copy(p2_hbm.at[pl.ds(off, BLK)], rref, sem)
            cp.start()
            return cp

        def writeout(u_hbm):
            pltpu.sync_copy(shared.at[pl.ds(s * ZROWS, ZROWS)],
                            u_hbm.at[c, pl.ds(s * ZROWS, ZROWS)])

        zero_my_slice()
        plsc.subcore_barrier()
        base = s * per_t

        def body_a(g, carry):
            do_group(base + g * (2 * BLK), 2, read_a)
            return carry

        lax.fori_loop(0, ng_a, body_a, 0)
        if left_a:
            do_group(base + ng_a * 2 * BLK, 1, read_a)
        if tail_a:
            do_tail(base + nfull_a * BLK, tail_a, idx_ta, rows_ta,
                    lambda off, n: p01_hbm.at[c, pl.ds(off, n)])
        plsc.subcore_barrier()
        writeout(u01_hbm)
        zero_my_slice()
        plsc.subcore_barrier()

        base_b = c * half + s * per_tb

        def body_b(g, carry):
            do_group(base_b + g * (2 * BLK), 2, read_b)
            return carry

        lax.fori_loop(0, ng_b, body_b, 0)
        if left_b:
            do_group(base_b + ng_b * 2 * BLK, 1, read_b)
        if tail_b:
            do_tail(base_b + nfull_b * BLK, tail_b, idx_tb, rows_tb,
                    lambda off, n: p2_hbm.at[pl.ds(off, n)])
        plsc.subcore_barrier()
        writeout(u2_hbm)

    scratch = [pltpu.VMEM((BLK,), jnp.int32)] * 2
    scratch += [pltpu.VMEM((BLK, 128), jnp.float32)] * 2
    if tail_a:
        scratch += [pltpu.VMEM((tail_a,), jnp.int32),
                    pltpu.VMEM((tail_a, 128), jnp.float32)]
    if tail_b:
        scratch += [pltpu.VMEM((tail_b,), jnp.int32),
                    pltpu.VMEM((tail_b, 128), jnp.float32)]
    scratch += [pltpu.SemaphoreType.DMA,
                pltpu.VMEM_SHARED((NPAD, 128), jnp.float32)]

    return pl.kernel(
        body,
        name=name,
        out_type=[jax.ShapeDtypeStruct((2, NPAD, 128), jnp.float32),
                  jax.ShapeDtypeStruct((2, NPAD, 128), jnp.float32)],
        mesh=_mesh(),
        scratch_types=scratch,
    )


def _segment_scatter_1(p01, p2, dst, zero_blk):
    return _make_segment_scatter(EC1, "sc_scat_a")(p01, p2, dst, zero_blk)


def _segment_scatter_2(p01, p2, dst, zero_blk):
    return _make_segment_scatter(EC2, "sc_scat_b")(p01, p2, dst, zero_blk)


def _node_update_body(ua_ref, ub_ref, va_ref, vb_ref, hn_ref, wc_ref,
                      bc_ref, was_ref, wad_ref, ho_ref, t_ref):
    u0 = ua_ref[0, :, :] + ub_ref[0, :, :]
    u1 = ua_ref[1, :, :] + ub_ref[1, :, :]
    u2 = va_ref[0, :, :] + va_ref[1, :, :] + vb_ref[0, :, :] + vb_ref[1, :, :]
    hn = hn_ref[...]
    denom = u2[:, EIN:EIN + 1]
    rcp = jnp.where(denom > 0, 1.0 / jnp.maximum(denom, 1e-12), 0.0)
    wc = wc_ref[...]
    h_new = (jnp.dot(u0 * rcp, wc[0:128], preferred_element_type=jnp.float32)
             + jnp.dot(u1 * rcp, wc[128:256],
                       preferred_element_type=jnp.float32)
             + jnp.dot(u2[:, 0:EIN] * rcp, wc[256:272],
                       preferred_element_type=jnp.float32)
             + jnp.dot(hn, wc[272:272 + OUT],
                       preferred_element_type=jnp.float32)
             + bc_ref[...])
    h_out = jnp.where(denom > 0, h_new, hn)
    ho_ref[...] = h_out
    t_ref[:, 0:EIN] = jnp.dot(h_out, was_ref[...],
                              preferred_element_type=jnp.float32)
    t_ref[:, EIN:2 * EIN] = jnp.dot(h_out, wad_ref[...],
                                    preferred_element_type=jnp.float32)
    t_ref[:, 2 * EIN:128] = jnp.zeros_like(t_ref[:, 2 * EIN:128])


def _node_update(u01a, u01b, u2a, u2b, hn, Wc, b_c, Was, Wad):
    blk = 512
    grid = NPAD // blk
    full = lambda r, c: pl.BlockSpec((r, c), lambda i: (0, 0))
    stk = pl.BlockSpec((2, blk, 128), lambda i: (0, i, 0))
    return pl.pallas_call(
        _node_update_body,
        grid=(grid,),
        in_specs=[
            stk, stk, stk, stk,
            pl.BlockSpec((blk, OUT), lambda i: (i, 0)),
            full(2 * OUT + EIN, OUT),
            full(1, OUT),
            full(OUT, EIN),
            full(OUT, EIN),
        ],
        out_specs=[
            pl.BlockSpec((blk, OUT), lambda i: (i, 0)),
            pl.BlockSpec((blk, 128), lambda i: (i, 0)),
        ],
        out_shape=[
            jax.ShapeDtypeStruct((NPAD, OUT), jnp.float32),
            jax.ShapeDtypeStruct((NPAD, 128), jnp.float32),
        ],
    )(u01a, u01b, u2a, u2b, hn, Wc, b_c, Was, Wad)


_G2_PER_W = E // NW
_G2_NFULL = _G2_PER_W // BLK
_G2_TAIL = _G2_PER_W - _G2_NFULL * BLK
_G2_NG = 19


def _gather_pq_body(t_hbm, src_hbm, dst_hbm, wp_hbm, wout_hbm,
                    si_full, di_full,
                    rs0, rs1, rd0, rd1,
                    wp0, wp1,
                    rs_t, rd_t, wp_t, sem):
    wid = lax.axis_index("s") * NC + lax.axis_index("c")
    base = wid * _G2_PER_W
    rss = (rs0, rs1)
    rds = (rd0, rd1)
    wps = (wp0, wp1)

    pltpu.sync_copy(src_hbm.at[pl.ds(base, _G2_PER_W)], si_full)
    pltpu.sync_copy(dst_hbm.at[pl.ds(base, _G2_PER_W)], di_full)

    def compute_rows(n, rs_ref, rd_ref, wp_ref):
        def row(j, carry):
            wp_ref[j, :] = (rs_ref[j, pl.ds(0, EIN)]
                            + rd_ref[j, pl.ds(EIN, EIN)]
                            + wp_ref[j, :])
            return carry

        lax.fori_loop(0, n, row, 0)

    def do_set(goff, nk):
        hs = []
        for k in range(nk):
            loc = goff + k * BLK
            for cp in (
                pltpu.make_async_copy(
                    t_hbm.at[si_full.at[pl.ds(loc, BLK)]], rss[k], sem),
                pltpu.make_async_copy(
                    t_hbm.at[di_full.at[pl.ds(loc, BLK)]], rds[k], sem),
                pltpu.make_async_copy(
                    wp_hbm.at[pl.ds(base + loc, BLK)], wps[k], sem),
            ):
                cp.start()
                hs.append(cp)
        for cp in hs:
            cp.wait()
        for k in range(nk):
            compute_rows(BLK, rss[k], rds[k], wps[k])
        ws = []
        for k in range(nk):
            cp = pltpu.make_async_copy(
                wps[k], wout_hbm.at[pl.ds(base + goff + k * BLK, BLK)], sem)
            cp.start()
            ws.append(cp)
        for cp in ws:
            cp.wait()

    def group(g, carry):
        do_set(g * (2 * BLK), 2)
        return carry

    lax.fori_loop(0, _G2_NG, group, 0)
    do_set(_G2_NG * 2 * BLK, 1)
    toff = _G2_NFULL * BLK
    pltpu.sync_copy(t_hbm.at[si_full.at[pl.ds(toff, _G2_TAIL)]], rs_t)
    pltpu.sync_copy(t_hbm.at[di_full.at[pl.ds(toff, _G2_TAIL)]], rd_t)
    pltpu.sync_copy(wp_hbm.at[pl.ds(base + toff, _G2_TAIL)], wp_t)
    compute_rows(_G2_TAIL, rs_t, rd_t, wp_t)
    pltpu.sync_copy(wp_t, wout_hbm.at[pl.ds(base + toff, _G2_TAIL)])


def _gather_pq(T, src, dst, wpart):
    f = pl.kernel(
        _gather_pq_body,
        name="sc_g2",
        out_type=[jax.ShapeDtypeStruct((E, EIN), jnp.float32)],
        mesh=_mesh(),
        scratch_types=(
            [pltpu.VMEM((_G2_PER_W,), jnp.int32)] * 2
            + [pltpu.VMEM((BLK, 128), jnp.float32)] * 4
            + [pltpu.VMEM((BLK, EIN), jnp.float32)] * 2
            + [pltpu.VMEM((_G2_TAIL, 128), jnp.float32)] * 2
            + [pltpu.VMEM((_G2_TAIL, EIN), jnp.float32)] * 1
            + [pltpu.SemaphoreType.DMA]
        ),
    )
    (w_out,) = f(T, src, dst, wpart)
    return w_out


def kernel(h, edge_w, W_embed_node, W_attn_fc, W_inter_fuse, b_inter_fuse,
           W_embed_edge, W_edge_sf_atten, W_concentrate_h, b_concentrate_h,
           W_aggre, edge_index):
    src = edge_index[0].astype(jnp.int32)
    dst = edge_index[1].astype(jnp.int32)

    h_pad = jnp.pad(h, ((0, NPAD - N), (0, 0)))
    hn = _node_embed(h_pad, W_embed_node)

    src1, src2 = src[:EC1], src[EC1:]
    dst1, dst2 = dst[:EC1], dst[EC1:]
    hs1, hd1 = _gather_hn_1(hn, src1, dst1)
    hs2, hd2 = _gather_hn_2(hn, src2, dst2)

    b_if = b_inter_fuse.reshape(1, OUT)
    waw = W_aggre[2 * OUT:2 * OUT + EIN]
    wao = W_aggre[2 * OUT + EIN:]
    chain1 = _make_edge_chain(EC1, 0, False)
    chain2 = _make_edge_chain(EC2, EC1 // BLKE, True)
    sat1, p01_1, p2_1, wp1 = chain1(
        hs1, hd1, edge_w[:EC1], W_inter_fuse, b_if, W_embed_edge,
        W_edge_sf_atten, W_attn_fc, waw, wao)
    sat, p01_2, p2_2, wpart = chain2(
        hs2, hd2, edge_w[EC1:], W_inter_fuse, b_if, W_embed_edge,
        W_edge_sf_atten, W_attn_fc, waw, wao, sat1, wp1)

    zero_blk = jnp.zeros((ZROWS, 128), jnp.float32)
    u01a, u2a = _segment_scatter_1(p01_1, p2_1, dst1, zero_blk)
    u01b, u2b = _segment_scatter_2(p01_2, p2_2, dst2, zero_blk)

    h_out_pad, T = _node_update(
        u01a, u01b, u2a, u2b, hn, W_concentrate_h,
        b_concentrate_h.reshape(1, OUT), W_aggre[0:OUT], W_aggre[OUT:2 * OUT])

    w_out = _gather_pq(T, src, dst, wpart)

    return h_out_pad[:N], w_out, sat.T

# --- scband reference (transcript-rebuilt; emitter-appended) ---
"""Pipeline reference for scband-gatnet-59528246722754 (READ-ONLY COPY).

The authoritative reference and input builder live on the scoring server;
editing this copy changes nothing except your own understanding.
"""

import jax, jax.numpy as jnp
import numpy as np

N = 10000
E = 160000
IN = 256
OUT = 256
EIN = 16
EOUT = 16


def _leaky(x):
    return jnp.where(x > 0, x, 0.1 * x)


def _lin(k, fi, fo):
    return jax.random.normal(k, (fi, fo), jnp.float32) * (1.0 / np.sqrt(fi))


def setup_inputs(seed: int = 0) -> dict:
    key = jax.random.key(seed)
    ks = jax.random.split(key, 12)
    h = jax.random.normal(ks[0], (N, IN), jnp.float32)
    edge_index = jax.random.randint(ks[1], (2, E), 0, N)
    edge_w = jax.random.normal(ks[2], (E, EIN), jnp.float32)
    return {
        'h': h,
        'edge_w': edge_w,
        'W_embed_node': _lin(ks[3], IN, OUT),
        'W_attn_fc': _lin(ks[4], OUT, 1),
        'W_inter_fuse': _lin(ks[5], 2 * OUT + EIN, OUT),
        'b_inter_fuse': jnp.zeros((OUT,), jnp.float32),
        'W_embed_edge': _lin(ks[6], EIN, EIN),
        'W_edge_sf_atten': _lin(ks[7], EIN, 1),
        'W_concentrate_h': _lin(ks[8], 2 * OUT + EIN, OUT),
        'b_concentrate_h': jnp.zeros((OUT,), jnp.float32),
        'W_aggre': _lin(ks[9], 2 * OUT + 2 * EIN, EOUT),
        'edge_index': edge_index,
    }


def reference(h, edge_w, W_embed_node, W_attn_fc, W_inter_fuse, b_inter_fuse,
              W_embed_edge, W_edge_sf_atten, W_concentrate_h, b_concentrate_h,
              W_aggre, edge_index):
    # interGATLayer.forward with use_env=False, eval mode (dropouts identity,
    # BatchNorm1d uses fresh running stats mean=0/var=1).
    src = edge_index[0]
    dst = edge_index[1]
    n = h.shape[0]
    hn = h @ W_embed_node            # g.ndata['h'] = embed_node(h)
    oh = hn                          # g.ndata['oh']
    ow = edge_w                      # g.edata['ow'] = g.edata['w'] (UDF-internal ow write does not persist in DGL)
    # --- self_attention (apply_edges) ---
    ee = edge_w @ W_embed_edge
    esa = _leaky(ee) @ W_edge_sf_atten          # [E,1]
    w1 = esa * ee                                # edata['w'] after self_attention
    # --- inter_attention (apply_edges) ---
    hs = hn[src]
    hd = hn[dst]
    sat = jnp.concatenate([hs, hd, w1], axis=1)  # [E, 2*OUT+EIN]
    z2 = sat @ W_inter_fuse + b_inter_fuse
    inw = _leaky(z2)
    ew = inw @ W_attn_fc                         # [E,1]
    w2 = ew * w1                                 # edata['w'] after inter_attention
    # --- update_all(message_func2, reduce_func2): per-dst softmax attention ---
    att = (inw @ W_attn_fc)[:, 0]                # attn_fc(mailbox['inw'])
    amax = jax.ops.segment_max(att, dst, num_segments=n)
    amax = jnp.where(jnp.isfinite(amax), amax, 0.0)
    ex = jnp.exp(att - amax[dst])
    denom = jax.ops.segment_sum(ex, dst, num_segments=n)
    alpha = ex / jnp.maximum(denom[dst], 1e-12)
    t = jnp.concatenate([hs, w2], axis=1)        # cat(mailbox['sh'], mailbox['w'])
    agg = jax.ops.segment_sum(alpha[:, None] * t, dst, num_segments=n)
    t2 = jnp.concatenate([agg, oh], axis=1)
    h_new = t2 @ W_concentrate_h + b_concentrate_h
    deg = jax.ops.segment_sum(jnp.ones_like(att), dst, num_segments=n)
    h_out = jnp.where(deg[:, None] > 0, h_new, hn)  # zero in-degree nodes keep old h
    # --- edge_calc (apply_edges) ---
    w_bn = w2 / jnp.sqrt(1.0 + 1e-5)             # eval BN: mean=0, var=1, affine identity
    z = jnp.concatenate([h_out[src], h_out[dst], w_bn, ow], axis=1)
    w_out = z @ W_aggre
    return (h_out, w_out, sat)

if __name__ == "__main__":
    import jax
    _d = setup_inputs()
    print(jax.jit(kernel)(*tuple(_d.values())))

</pallas_src>

<mosaic_0001>
#map = affine_map<(d0, d1) -> (0, 0)>
#map1 = affine_map<(d0, d1) -> (0)>
module attributes {stable_mosaic.version = 14 : i64} {
  func.func @sc_g1a(%arg0: i32, %arg1: i32, %arg2: memref<10240x256xf32, #tpu.memory_space<hbm>>, %arg3: memref<81920xi32, #tpu.memory_space<hbm>>, %arg4: memref<81920xi32, #tpu.memory_space<hbm>>, %arg5: memref<81920x256xf32, #tpu.memory_space<hbm>>, %arg6: memref<81920x256xf32, #tpu.memory_space<hbm>>, %arg7: memref<2560xi32, #tpu.memory_space<vmem>>, %arg8: memref<128x256xf32, #tpu.memory_space<vmem>>, %arg9: memref<128x256xf32, #tpu.memory_space<vmem>>, %arg10: memref<128x256xf32, #tpu.memory_space<vmem>>, %arg11: memref<!tpu.dma_semaphore, #tpu.memory_space<semaphore_mem>>) attributes {dimension_semantics = [#tpu.dimension_semantics<core_parallel>, #tpu.dimension_semantics<subcore_parallel>], iteration_bounds = array<i64: 2, 16>, scalar_prefetch = 0 : i64, scratch_operands = 5 : i64, tpu.core_type = #tpu.core_type<sc_vector_subcore>, window_params = [{transform_indices = #map}, {transform_indices = #map1}, {transform_indices = #map1}, {transform_indices = #map}, {transform_indices = #map}]} {
    %mul3A = arith.constant 2 : i32
    %mul3A_0 = arith.muli %arg1, %mul3A : i32
    %add3A = arith.addi %mul3A_0, %arg0 : i32
    %mul3A_1 = arith.constant 2560 : i32
    %mul3A_2 = arith.muli %add3A, %mul3A_1 : i32
    "tpu.region"() ({
      %run_scoped3A = tpu.sem_alloc : memref<!tpu.dma_semaphore, #tpu.memory_space<semaphore_mem>>
      %dma_start3A_100 = tpu.memref_slice %arg3[%mul3A_2] : memref<81920xi32, #tpu.memory_space<hbm>> -> memref<2560xi32, #tpu.memory_space<hbm>>
      %dma_start3A_101 = tpu.memref_slice %arg3[%mul3A_2] : memref<81920xi32, #tpu.memory_space<hbm>> -> memref<2560xi32, #tpu.memory_space<hbm>>
      tpu.enqueue_dma source(%dma_start3A_101 : memref<2560xi32, #tpu.memory_space<hbm>>) target(%arg7 : memref<2560xi32, #tpu.memory_space<vmem>>) target_semaphore(%run_scoped3A : memref<!tpu.dma_semaphore, #tpu.memory_space<semaphore_mem>>)
      %dma_wait3A_102 = tpu.memref_slice %arg3[%mul3A_2] : memref<81920xi32, #tpu.memory_space<hbm>> -> memref<2560xi32, #tpu.memory_space<hbm>>
      %dma_wait3A_103 = tpu.memref_slice %arg3[%mul3A_2] : memref<81920xi32, #tpu.memory_space<hbm>> -> memref<2560xi32, #tpu.memory_space<hbm>>
      tpu.wait_dma2 semaphore(%run_scoped3A : memref<!tpu.dma_semaphore, #tpu.memory_space<semaphore_mem>>) src(%dma_wait3A_103 : memref<2560xi32, #tpu.memory_space<hbm>>) dst(%arg7 : memref<2560xi32, #tpu.memory_space<vmem>>)
      tpu.yield
    }) : () -> ()
    %scan3A = arith.constant 0 : i32
    %scan3A_3 = arith.constant 0 : i32
    %scan3A_4 = arith.constant 6 : i32
    %scan3A_5 = arith.addi %scan3A_3, %scan3A_4 : i32
    %scan3A_6 = arith.constant 1 : i32
    scf.for %scan3A_100 = %scan3A_3 to %scan3A_5 step %scan3A_6  : i32 {
      %mul3A_101 = arith.constant 384 : i32
      %mul3A_102 = arith.muli %scan3A_100, %mul3A_101 : i32
      %add3A_103 = arith.constant 0 : i32
      %add3A_104 = arith.addi %mul3A_102, %add3A_103 : i32
      %dma_start3A_105 = tpu.memref_slice %arg7[%add3A_104] : memref<2560xi32, #tpu.memory_space<vmem>> -> memref<128xi32, #tpu.memory_space<vmem>>
      %dma_start3A_106 = arith.constant 0 : i32
      %dma_start3A_107 = arith.constant 0 : i32
      %dma_start3A_108 = tpu.memref_slice %arg2[%dma_start3A_106, %dma_start3A_107] : memref<10240x256xf32, #tpu.memory_space<hbm>> -> memref<10240x256xf32, #tpu.memory_space<hbm>>
      tpu.enqueue_indirect_dma source(%dma_start3A_108 : memref<10240x256xf32, #tpu.memory_space<hbm>>) target(%arg8 : memref<128x256xf32, #tpu.memory_space<vmem>>) offsets(%dma_start3A_105 : memref<128xi32, #tpu.memory_space<vmem>>) semaphore(%arg11 : memref<!tpu.dma_semaphore, #tpu.memory_space<semaphore_mem>>)
      %add3A_109 = arith.constant 128 : i32
      %add3A_110 = arith.addi %mul3A_102, %add3A_109 : i32
      %dma_start3A_111 = tpu.memref_slice %arg7[%add3A_110] : memref<2560xi32, #tpu.memory_space<vmem>> -> memref<128xi32, #tpu.memory_space<vmem>>
      %dma_start3A_112 = arith.constant 0 : i32
      %dma_start3A_113 = arith.constant 0 : i32
      %dma_start3A_114 = tpu.memref_slice %arg2[%dma_start3A_112, %dma_start3A_113] : memref<10240x256xf32, #tpu.memory_space<hbm>> -> memref<10240x256xf32, #tpu.memory_space<hbm>>
      tpu.enqueue_indirect_dma source(%dma_start3A_114 : memref<10240x256xf32, #tpu.memory_space<hbm>>) target(%arg9 : memref<128x256xf32, #tpu.memory_space<vmem>>) offsets(%dma_start3A_111 : memref<128xi32, #tpu.memory_space<vmem>>) semaphore(%arg11 : memref<!tpu.dma_semaphore, #tpu.memory_space<semaphore_mem>>)
      %add3A_115 = arith.constant 256 : i32
      %add3A_116 = arith.addi %mul3A_102, %add3A_115 : i32
      %dma_start3A_117 = tpu.memref_slice %arg7[%add3A_116] : memref<2560xi32, #tpu.memory_space<vmem>> -> memref<128xi32, #tpu.memory_space<vmem>>
      %dma_start3A_118 = arith.constant 0 : i32
      %dma_start3A_119 = arith.constant 0 : i32
      %dma_start3A_120 = tpu.memref_slice %arg2[%dma_start3A_118, %dma_start3A_119] : memref<10240x256xf32, #tpu.memory_space<hbm>> -> memref<10240x256xf32, #tpu.memory_space<hbm>>
      tpu.enqueue_indirect_dma source(%dma_start3A_120 : memref<10240x256xf32, #tpu.memory_space<hbm>>) target(%arg10 : memref<128x256xf32, #tpu.memory_space<vmem>>) offsets(%dma_start3A_117 : memref<128xi32, #tpu.memory_space<vmem>>) semaphore(%arg11 : memref<!tpu.dma_semaphore, #tpu.memory_space<semaphore_mem>>)
      %dma_wait3A_121 = tpu.memref_slice %arg7[%add3A_104] : memref<2560xi32, #tpu.memory_space<vmem>> -> memref<128xi32, #tpu.memory_space<vmem>>
      %dma_wait3A_122 = arith.constant 0 : i32
      %dma_wait3A_123 = arith.constant 0 : i32
      %dma_wait3A_124 = tpu.memref_slice %arg2[%dma_wait3A_122, %dma_wait3A_123] : memref<10240x256xf32, #tpu.memory_space<hbm>> -> memref<10240x256xf32, #tpu.memory_space<hbm>>
      tpu.wait_indirect_dma semaphore(%arg11 : memref<!tpu.dma_semaphore, #tpu.memory_space<semaphore_mem>>) src(%dma_wait3A_124 : memref<10240x256xf32, #tpu.memory_space<hbm>>) dst(%arg8 : memref<128x256xf32, #tpu.memory_space<vmem>>)
      %dma_wait3A_125 = tpu.memref_slice %arg7[%add3A_110] : memref<2560xi32, #tpu.memory_space<vmem>> -> memref<128xi32, #tpu.memory_space<vmem>>
      %dma_wait3A_126 = arith.constant 0 : i32
      %dma_wait3A_127 = arith.constant 0 : i32
      %dma_wait3A_128 = tpu.memref_slice %arg2[%dma_wait3A_126, %dma_wait3A_127] : memref<10240x256xf32, #tpu.memory_space<hbm>> -> memref<10240x256xf32, #tpu.memory_space<hbm>>
      tpu.wait_indirect_dma semaphore(%arg11 : memref<!tpu.dma_semaphore, #tpu.memory_space<semaphore_mem>>) src(%dma_wait3A_128 : memref<10240x256xf32, #tpu.memory_space<hbm>>) dst(%arg9 : memref<128x256xf32, #tpu.memory_space<vmem>>)
      %dma_wait3A_129 = tpu.memref_slice %arg7[%add3A_116] : memref<2560xi32, #tpu.memory_space<vmem>> -> memref<128xi32, #tpu.memory_space<vmem>>
      %dma_wait3A_130 = arith.constant 0 : i32
      %dma_wait3A_131 = arith.constant 0 : i32
      %dma_wait3A_132 = tpu.memref_slice %arg2[%dma_wait3A_130, %dma_wait3A_131] : memref<10240x256xf32, #tpu.memory_space<hbm>> -> memref<10240x256xf32, #tpu.memory_space<hbm>>
      tpu.wait_indirect_dma semaphore(%arg11 : memref<!tpu.dma_semaphore, #tpu.memory_space<semaphore_mem>>) src(%dma_wait3A_132 : memref<10240x256xf32, #tpu.memory_space<hbm>>) dst(%arg10 : memref<128x256xf32, #tpu.memory_space<vmem>>)
      %add3A_133 = arith.addi %mul3A_2, %mul3A_102 : i32
      %add3A_134 = arith.constant 0 : i32
      %add3A_135 = arith.addi %add3A_133, %add3A_134 : i32
      %dma_start3A_136 = arith.constant 0 : i32
      %dma_start3A_137 = tpu.memref_slice %arg5[%add3A_135, %dma_start3A_136] : memref<81920x256xf32, #tpu.memory_space<hbm>> -> memref<128x256xf32, #tpu.memory_space<hbm>>
      %dma_start3A_138 = arith.constant 0 : i32
      %dma_start3A_139 = tpu.memref_slice %arg5[%add3A_135, %dma_start3A_138] : memref<81920x256xf32, #tpu.memory_space<hbm>> -> memref<128x256xf32, #tpu.memory_space<hbm>>
      tpu.enqueue_dma source(%arg8 : memref<128x256xf32, #tpu.memory_space<vmem>>) target(%dma_start3A_139 : memref<128x256xf32, #tpu.memory_space<hbm>>) target_semaphore(%arg11 : memref<!tpu.dma_semaphore, #tpu.memory_space<semaphore_mem>>)
      %add3A_140 = arith.addi %mul3A_2, %mul3A_102 : i32
      %add3A_141 = arith.constant 128 : i32
      %add3A_142 = arith.addi %add3A_140, %add3A_141 : i32
      %dma_start3A_143 = arith.constant 0 : i32
      %dma_start3A_144 = tpu.memref_slice %arg5[%add3A_142, %dma_start3A_143] : memref<81920x256xf32, #tpu.memory_space<hbm>> -> memref<128x256xf32, #tpu.memory_space<hbm>>
      %dma_start3A_145 = arith.constant 0 : i32
      %dma_start3A_146 = tpu.memref_slice %arg5[%add3A_142, %dma_start3A_145] : memref<81920x256xf32, #tpu.memory_space<hbm>> -> memref<128x256xf32, #tpu.memory_space<hbm>>
      tpu.enqueue_dma source(%arg9 : memref<128x256xf32, #tpu.memory_space<vmem>>) target(%dma_start3A_146 : memref<128x256xf32, #tpu.memory_space<hbm>>) target_semaphore(%arg11 : memref<!tpu.dma_semaphore, #tpu.memory_space<semaphore_mem>>)
      %add3A_147 = arith.addi %mul3A_2, %mul3A_102 : i32
      %add3A_148 = arith.constant 256 : i32
      %add3A_149 = arith.addi %add3A_147, %add3A_148 : i32
      %dma_start3A_150 = arith.constant 0 : i32
      %dma_start3A_151 = tpu.memref_slice %arg5[%add3A_149, %dma_start3A_150] : memref<81920x256xf32, #tpu.memory_space<hbm>> -> memref<128x256xf32, #tpu.memory_space<hbm>>
      %dma_start3A_152 = arith.constant 0 : i32
      %dma_start3A_153 = tpu.memref_slice %arg5[%add3A_149, %dma_start3A_152] : memref<81920x256xf32, #tpu.memory_space<hbm>> -> memref<128x256xf32, #tpu.memory_space<hbm>>
      tpu.enqueue_dma source(%arg10 : memref<128x256xf32, #tpu.memory_space<vmem>>) target(%dma_start3A_153 : memref<128x256xf32, #tpu.memory_space<hbm>>) target_semaphore(%arg11 : memref<!tpu.dma_semaphore, #tpu.memory_space<semaphore_mem>>)
      %dma_wait3A_154 = arith.constant 0 : i32
      %dma_wait3A_155 = tpu.memref_slice %arg5[%add3A_135, %dma_wait3A_154] : memref<81920x256xf32, #tpu.memory_space<hbm>> -> memref<128x256xf32, #tpu.memory_space<hbm>>
      %dma_wait3A_156 = arith.constant 0 : i32
      %dma_wait3A_157 = tpu.memref_slice %arg5[%add3A_135, %dma_wait3A_156] : memref<81920x256xf32, #tpu.memory_space<hbm>> -> memref<128x256xf32, #tpu.memory_space<hbm>>
      tpu.wait_dma2 semaphore(%arg11 : memref<!tpu.dma_semaphore, #tpu.memory_space<semaphore_mem>>) src(%arg8 : memref<128x256xf32, #tpu.memory_space<vmem>>) dst(%dma_wait3A_157 : memref<128x256xf32, #tpu.memory_space<hbm>>)
      %dma_wait3A_158 = arith.constant 0 : i32
      %dma_wait3A_159 = tpu.memref_slice %arg5[%add3A_142, %dma_wait3A_158] : memref<81920x256xf32, #tpu.memory_space<hbm>> -> memref<128x256xf32, #tpu.memory_space<hbm>>
      %dma_wait3A_160 = arith.constant 0 : i32
      %dma_wait3A_161 = tpu.memref_slice %arg5[%add3A_142, %dma_wait3A_160] : memref<81920x256xf32, #tpu.memory_space<hbm>> -> memref<128x256xf32, #tpu.memory_space<hbm>>
      tpu.wait_dma2 semaphore(%arg11 : memref<!tpu.dma_semaphore, #tpu.memory_space<semaphore_mem>>) src(%arg9 : memref<128x256xf32, #tpu.memory_space<vmem>>) dst(%dma_wait3A_161 : memref<128x256xf32, #tpu.memory_space<hbm>>)
      %dma_wait3A_162 = arith.constant 0 : i32
      %dma_wait3A_163 = tpu.memref_slice %arg5[%add3A_149, %dma_wait3A_162] : memref<81920x256xf32, #tpu.memory_space<hbm>> -> memref<128x256xf32, #tpu.memory_space<hbm>>
      %dma_wait3A_164 = arith.constant 0 : i32
      %dma_wait3A_165 = tpu.memref_slice %arg5[%add3A_149, %dma_wait3A_164] : memref<81920x256xf32, #tpu.memory_space<hbm>> -> memref<128x256xf32, #tpu.memory_space<hbm>>
      tpu.wait_dma2 semaphore(%arg11 : memref<!tpu.dma_semaphore, #tpu.memory_space<semaphore_mem>>) src(%arg10 : memref<128x256xf32, #tpu.memory_space<vmem>>) dst(%dma_wait3A_165 : memref<128x256xf32, #tpu.memory_space<hbm>>)
    }
    %scan3A_7 = arith.constant 6 : i32
    %dma_start3A = arith.constant 2304 : i32
    %dma_start3A_8 = tpu.memref_slice %arg7[%dma_start3A] : memref<2560xi32, #tpu.memory_space<vmem>> -> memref<128xi32, #tpu.memory_space<vmem>>
    %dma_start3A_9 = arith.constant 0 : i32
    %dma_start3A_10 = arith.constant 0 : i32
    %dma_start3A_11 = tpu.memref_slice %arg2[%dma_start3A_9, %dma_start3A_10] : memref<10240x256xf32, #tpu.memory_space<hbm>> -> memref<10240x256xf32, #tpu.memory_space<hbm>>
    tpu.enqueue_indirect_dma source(%dma_start3A_11 : memref<10240x256xf32, #tpu.memory_space<hbm>>) target(%arg8 : memref<128x256xf32, #tpu.memory_space<vmem>>) offsets(%dma_start3A_8 : memref<128xi32, #tpu.memory_space<vmem>>) semaphore(%arg11 : memref<!tpu.dma_semaphore, #tpu.memory_space<semaphore_mem>>)
    %dma_start3A_12 = arith.constant 2432 : i32
    %dma_start3A_13 = tpu.memref_slice %arg7[%dma_start3A_12] : memref<2560xi32, #tpu.memory_space<vmem>> -> memref<128xi32, #tpu.memory_space<vmem>>
    %dma_start3A_14 = arith.constant 0 : i32
    %dma_start3A_15 = arith.constant 0 : i32
    %dma_start3A_16 = tpu.memref_slice %arg2[%dma_start3A_14, %dma_start3A_15] : memref<10240x256xf32, #tpu.memory_space<hbm>> -> memref<10240x256xf32, #tpu.memory_space<hbm>>
    tpu.enqueue_indirect_dma source(%dma_start3A_16 : memref<10240x256xf32, #tpu.memory_space<hbm>>) target(%arg9 : memref<128x256xf32, #tpu.memory_space<vmem>>) offsets(%dma_start3A_13 : memref<128xi32, #tpu.memory_space<vmem>>) semaphore(%arg11 : memref<!tpu.dma_semaphore, #tpu.memory_space<semaphore_mem>>)
    %dma_wait3A = arith.constant 2304 : i32
    %dma_wait3A_17 = tpu.memref_slice %arg7[%dma_wait3A] : memref<2560xi32, #tpu.memory_space<vmem>> -> memref<128xi32, #tpu.memory_space<vmem>>
    %dma_wait3A_18 = arith.constant 0 : i32
    %dma_wait3A_19 = arith.constant 0 : i32
    %dma_wait3A_20 = tpu.memref_slice %arg2[%dma_wait3A_18, %dma_wait3A_19] : memref<10240x256xf32, #tpu.memory_space<hbm>> -> memref<10240x256xf32, #tpu.memory_space<hbm>>
    tpu.wait_indirect_dma semaphore(%arg11 : memref<!tpu.dma_semaphore, #tpu.memory_space<semaphore_mem>>) src(%dma_wait3A_20 : memref<10240x256xf32, #tpu.memory_space<hbm>>) dst(%arg8 : memref<128x256xf32, #tpu.memory_space<vmem>>)
    %dma_wait3A_21 = arith.constant 2432 : i32
    %dma_wait3A_22 = tpu.memref_slice %arg7[%dma_wait3A_21] : memref<2560xi32, #tpu.memory_space<vmem>> -> memref<128xi32, #tpu.memory_space<vmem>>
    %dma_wait3A_23 = arith.constant 0 : i32
    %dma_wait3A_24 = arith.constant 0 : i32
    %dma_wait3A_25 = tpu.memref_slice %arg2[%dma_wait3A_23, %dma_wait3A_24] : memref<10240x256xf32, #tpu.memory_space<hbm>> -> memref<10240x256xf32, #tpu.memory_space<hbm>>
    tpu.wait_indirect_dma semaphore(%arg11 : memref<!tpu.dma_semaphore, #tpu.memory_space<semaphore_mem>>) src(%dma_wait3A_25 : memref<10240x256xf32, #tpu.memory_space<hbm>>) dst(%arg9 : memref<128x256xf32, #tpu.memory_space<vmem>>)
    %add3A_26 = arith.constant 2304 : i32
    %add3A_27 = arith.addi %mul3A_2, %add3A_26 : i32
    %add3A_28 = arith.constant 0 : i32
    %add3A_29 = arith.addi %add3A_27, %add3A_28 : i32
    %dma_start3A_30 = arith.constant 0 : i32
    %dma_start3A_31 = tpu.memref_slice %arg5[%add3A_29, %dma_start3A_30] : memref<81920x256xf32, #tpu.memory_space<hbm>> -> memref<128x256xf32, #tpu.memory_space<hbm>>
    %dma_start3A_32 = arith.constant 0 : i32
    %dma_start3A_33 = tpu.memref_slice %arg5[%add3A_29, %dma_start3A_32] : memref<81920x256xf32, #tpu.memory_space<hbm>> -> memref<128x256xf32, #tpu.memory_space<hbm>>
    tpu.enqueue_dma source(%arg8 : memref<128x256xf32, #tpu.memory_space<vmem>>) target(%dma_start3A_33 : memref<128x256xf32, #tpu.memory_space<hbm>>) target_semaphore(%arg11 : memref<!tpu.dma_semaphore, #tpu.memory_space<semaphore_mem>>)
    %add3A_34 = arith.constant 2304 : i32
    %add3A_35 = arith.addi %mul3A_2, %add3A_34 : i32
    %add3A_36 = arith.constant 128 : i32
    %add3A_37 = arith.addi %add3A_35, %add3A_36 : i32
    %dma_start3A_38 = arith.constant 0 : i32
    %dma_start3A_39 = tpu.memref_slice %arg5[%add3A_37, %dma_start3A_38] : memref<81920x256xf32, #tpu.memory_space<hbm>> -> memref<128x256xf32, #tpu.memory_space<hbm>>
    %dma_start3A_40 = arith.constant 0 : i32
    %dma_start3A_41 = tpu.memref_slice %arg5[%add3A_37, %dma_start3A_40] : memref<81920x256xf32, #tpu.memory_space<hbm>> -> memref<128x256xf32, #tpu.memory_space<hbm>>
    tpu.enqueue_dma source(%arg9 : memref<128x256xf32, #tpu.memory_space<vmem>>) target(%dma_start3A_41 : memref<128x256xf32, #tpu.memory_space<hbm>>) target_semaphore(%arg11 : memref<!tpu.dma_semaphore, #tpu.memory_space<semaphore_mem>>)
    %dma_wait3A_42 = arith.constant 0 : i32
    %dma_wait3A_43 = tpu.memref_slice %arg5[%add3A_29, %dma_wait3A_42] : memref<81920x256xf32, #tpu.memory_space<hbm>> -> memref<128x256xf32, #tpu.memory_space<hbm>>
    %dma_wait3A_44 = arith.constant 0 : i32
    %dma_wait3A_45 = tpu.memref_slice %arg5[%add3A_29, %dma_wait3A_44] : memref<81920x256xf32, #tpu.memory_space<hbm>> -> memref<128x256xf32, #tpu.memory_space<hbm>>
    tpu.wait_dma2 semaphore(%arg11 : memref<!tpu.dma_semaphore, #tpu.memory_space<semaphore_mem>>) src(%arg8 : memref<128x256xf32, #tpu.memory_space<vmem>>) dst(%dma_wait3A_45 : memref<128x256xf32, #tpu.memory_space<hbm>>)
    %dma_wait3A_46 = arith.constant 0 : i32
    %dma_wait3A_47 = tpu.memref_slice %arg5[%add3A_37, %dma_wait3A_46] : memref<81920x256xf32, #tpu.memory_space<hbm>> -> memref<128x256xf32, #tpu.memory_space<hbm>>
    %dma_wait3A_48 = arith.constant 0 : i32
    %dma_wait3A_49 = tpu.memref_slice %arg5[%add3A_37, %dma_wait3A_48] : memref<81920x256xf32, #tpu.memory_space<hbm>> -> memref<128x256xf32, #tpu.memory_space<hbm>>
    tpu.wait_dma2 semaphore(%arg11 : memref<!tpu.dma_semaphore, #tpu.memory_space<semaphore_mem>>) src(%arg9 : memref<128x256xf32, #tpu.memory_space<vmem>>) dst(%dma_wait3A_49 : memref<128x256xf32, #tpu.memory_space<hbm>>)
    "tpu.region"() ({
      %run_scoped3A = tpu.sem_alloc : memref<!tpu.dma_semaphore, #tpu.memory_space<semaphore_mem>>
      %dma_start3A_100 = tpu.memref_slice %arg4[%mul3A_2] : memref<81920xi32, #tpu.memory_space<hbm>> -> memref<2560xi32, #tpu.memory_space<hbm>>
      %dma_start3A_101 = tpu.memref_slice %arg4[%mul3A_2] : memref<81920xi32, #tpu.memory_space<hbm>> -> memref<2560xi32, #tpu.memory_space<hbm>>
      tpu.enqueue_dma source(%dma_start3A_101 : memref<2560xi32, #tpu.memory_space<hbm>>) target(%arg7 : memref<2560xi32, #tpu.memory_space<vmem>>) target_semaphore(%run_scoped3A : memref<!tpu.dma_semaphore, #tpu.memory_space<semaphore_mem>>)
      %dma_wait3A_102 = tpu.memref_slice %arg4[%mul3A_2] : memref<81920xi32, #tpu.memory_space<hbm>> -> memref<2560xi32, #tpu.memory_space<hbm>>
      %dma_wait3A_103 = tpu.memref_slice %arg4[%mul3A_2] : memref<81920xi32, #tpu.memory_space<hbm>> -> memref<2560xi32, #tpu.memory_space<hbm>>
      tpu.wait_dma2 semaphore(%run_scoped3A : memref<!tpu.dma_semaphore, #tpu.memory_space<semaphore_mem>>) src(%dma_wait3A_103 : memref<2560xi32, #tpu.memory_space<hbm>>) dst(%arg7 : memref<2560xi32, #tpu.memory_space<vmem>>)
      tpu.yield
    }) : () -> ()
    %scan3A_50 = arith.constant 0 : i32
    %scan3A_51 = arith.constant 0 : i32
    %scan3A_52 = arith.constant 6 : i32
    %scan3A_53 = arith.addi %scan3A_51, %scan3A_52 : i32
    %scan3A_54 = arith.constant 1 : i32
    scf.for %scan3A_100 = %scan3A_51 to %scan3A_53 step %scan3A_54  : i32 {
      %mul3A_101 = arith.constant 384 : i32
      %mul3A_102 = arith.muli %scan3A_100, %mul3A_101 : i32
      %add3A_103 = arith.constant 0 : i32
      %add3A_104 = arith.addi %mul3A_102, %add3A_103 : i32
      %dma_start3A_105 = tpu.memref_slice %arg7[%add3A_104] : memref<2560xi32, #tpu.memory_space<vmem>> -> memref<128xi32, #tpu.memory_space<vmem>>
      %dma_start3A_106 = arith.constant 0 : i32
      %dma_start3A_107 = arith.constant 0 : i32
      %dma_start3A_108 = tpu.memref_slice %arg2[%dma_start3A_106, %dma_start3A_107] : memref<10240x256xf32, #tpu.memory_space<hbm>> -> memref<10240x256xf32, #tpu.memory_space<hbm>>
      tpu.enqueue_indirect_dma source(%dma_start3A_108 : memref<10240x256xf32, #tpu.memory_space<hbm>>) target(%arg8 : memref<128x256xf32, #tpu.memory_space<vmem>>) offsets(%dma_start3A_105 : memref<128xi32, #tpu.memory_space<vmem>>) semaphore(%arg11 : memref<!tpu.dma_semaphore, #tpu.memory_space<semaphore_mem>>)
      %add3A_109 = arith.constant 128 : i32
      %add3A_110 = arith.addi %mul3A_102, %add3A_109 : i32
      %dma_start3A_111 = tpu.memref_slice %arg7[%add3A_110] : memref<2560xi32, #tpu.memory_space<vmem>> -> memref<128xi32, #tpu.memory_space<vmem>>
      %dma_start3A_112 = arith.constant 0 : i32
      %dma_start3A_113 = arith.constant 0 : i32
      %dma_start3A_114 = tpu.memref_slice %arg2[%dma_start3A_112, %dma_start3A_113] : memref<10240x256xf32, #tpu.memory_space<hbm>> -> memref<10240x256xf32, #tpu.memory_space<hbm>>
      tpu.enqueue_indirect_dma source(%dma_start3A_114 : memref<10240x256xf32, #tpu.memory_space<hbm>>) target(%arg9 : memref<128x256xf32, #tpu.memory_space<vmem>>) offsets(%dma_start3A_111 : memref<128xi32, #tpu.memory_space<vmem>>) semaphore(%arg11 : memref<!tpu.dma_semaphore, #tpu.memory_space<semaphore_mem>>)
      %add3A_115 = arith.constant 256 : i32
      %add3A_116 = arith.addi %mul3A_102, %add3A_115 : i32
      %dma_start3A_117 = tpu.memref_slice %arg7[%add3A_116] : memref<2560xi32, #tpu.memory_space<vmem>> -> memref<128xi32, #tpu.memory_space<vmem>>
      %dma_start3A_118 = arith.constant 0 : i32
      %dma_start3A_119 = arith.constant 0 : i32
      %dma_start3A_120 = tpu.memref_slice %arg2[%dma_start3A_118, %dma_start3A_119] : memref<10240x256xf32, #tpu.memory_space<hbm>> -> memref<10240x256xf32, #tpu.memory_space<hbm>>
      tpu.enqueue_indirect_dma source(%dma_start3A_120 : memref<10240x256xf32, #tpu.memory_space<hbm>>) target(%arg10 : memref<128x256xf32, #tpu.memory_space<vmem>>) offsets(%dma_start3A_117 : memref<128xi32, #tpu.memory_space<vmem>>) semaphore(%arg11 : memref<!tpu.dma_semaphore, #tpu.memory_space<semaphore_mem>>)
      %dma_wait3A_121 = tpu.memref_slice %arg7[%add3A_104] : memref<2560xi32, #tpu.memory_space<vmem>> -> memref<128xi32, #tpu.memory_space<vmem>>
      %dma_wait3A_122 = arith.constant 0 : i32
      %dma_wait3A_123 = arith.constant 0 : i32
      %dma_wait3A_124 = tpu.memref_slice %arg2[%dma_wait3A_122, %dma_wait3A_123] : memref<10240x256xf32, #tpu.memory_space<hbm>> -> memref<10240x256xf32, #tpu.memory_space<hbm>>
      tpu.wait_indirect_dma semaphore(%arg11 : memref<!tpu.dma_semaphore, #tpu.memory_space<semaphore_mem>>) src(%dma_wait3A_124 : memref<10240x256xf32, #tpu.memory_space<hbm>>) dst(%arg8 : memref<128x256xf32, #tpu.memory_space<vmem>>)
      %dma_wait3A_125 = tpu.memref_slice %arg7[%add3A_110] : memref<2560xi32, #tpu.memory_space<vmem>> -> memref<128xi32, #tpu.memory_space<vmem>>
      %dma_wait3A_126 = arith.constant 0 : i32
      %dma_wait3A_127 = arith.constant 0 : i32
      %dma_wait3A_128 = tpu.memref_slice %arg2[%dma_wait3A_126, %dma_wait3A_127] : memref<10240x256xf32, #tpu.memory_space<hbm>> -> memref<10240x256xf32, #tpu.memory_space<hbm>>
      tpu.wait_indirect_dma semaphore(%arg11 : memref<!tpu.dma_semaphore, #tpu.memory_space<semaphore_mem>>) src(%dma_wait3A_128 : memref<10240x256xf32, #tpu.memory_space<hbm>>) dst(%arg9 : memref<128x256xf32, #tpu.memory_space<vmem>>)
      %dma_wait3A_129 = tpu.memref_slice %arg7[%add3A_116] : memref<2560xi32, #tpu.memory_space<vmem>> -> memref<128xi32, #tpu.memory_space<vmem>>
      %dma_wait3A_130 = arith.constant 0 : i32
      %dma_wait3A_131 = arith.constant 0 : i32
      %dma_wait3A_132 = tpu.memref_slice %arg2[%dma_wait3A_130, %dma_wait3A_131] : memref<10240x256xf32, #tpu.memory_space<hbm>> -> memref<10240x256xf32, #tpu.memory_space<hbm>>
      tpu.wait_indirect_dma semaphore(%arg11 : memref<!tpu.dma_semaphore, #tpu.memory_space<semaphore_mem>>) src(%dma_wait3A_132 : memref<10240x256xf32, #tpu.memory_space<hbm>>) dst(%arg10 : memref<128x256xf32, #tpu.memory_space<vmem>>)
      %add3A_133 = arith.addi %mul3A_2, %mul3A_102 : i32
      %add3A_134 = arith.constant 0 : i32
      %add3A_135 = arith.addi %add3A_133, %add3A_134 : i32
      %dma_start3A_136 = arith.constant 0 : i32
      %dma_start3A_137 = tpu.memref_slice %arg6[%add3A_135, %dma_start3A_136] : memref<81920x256xf32, #tpu.memory_space<hbm>> -> memref<128x256xf32, #tpu.memory_space<hbm>>
      %dma_start3A_138 = arith.constant 0 : i32
      %dma_start3A_139 = tpu.memref_slice %arg6[%add3A_135, %dma_start3A_138] : memref<81920x256xf32, #tpu.memory_space<hbm>> -> memref<128x256xf32, #tpu.memory_space<hbm>>
      tpu.enqueue_dma source(%arg8 : memref<128x256xf32, #tpu.memory_space<vmem>>) target(%dma_start3A_139 : memref<128x256xf32, #tpu.memory_space<hbm>>) target_semaphore(%arg11 : memref<!tpu.dma_semaphore, #tpu.memory_space<semaphore_mem>>)
      %add3A_140 = arith.addi %mul3A_2, %mul3A_102 : i32
      %add3A_141 = arith.constant 128 : i32
      %add3A_142 = arith.addi %add3A_140, %add3A_141 : i32
      %dma_start3A_143 = arith.constant 0 : i32
      %dma_start3A_144 = tpu.memref_slice %arg6[%add3A_142, %dma_start3A_143] : memref<81920x256xf32, #tpu.memory_space<hbm>> -> memref<128x256xf32, #tpu.memory_space<hbm>>
      %dma_start3A_145 = arith.constant 0 : i32
      %dma_start3A_146 = tpu.memref_slice %arg6[%add3A_142, %dma_start3A_145] : memref<81920x256xf32, #tpu.memory_space<hbm>> -> memref<128x256xf32, #tpu.memory_space<hbm>>
      tpu.enqueue_dma source(%arg9 : memref<128x256xf32, #tpu.memory_space<vmem>>) target(%dma_start3A_146 : memref<128x256xf32, #tpu.memory_space<hbm>>) target_semaphore(%arg11 : memref<!tpu.dma_semaphore, #tpu.memory_space<semaphore_mem>>)
      %add3A_147 = arith.addi %mul3A_2, %mul3A_102 : i32
      %add3A_148 = arith.constant 256 : i32
      %add3A_149 = arith.addi %add3A_147, %add3A_148 : i32
      %dma_start3A_150 = arith.constant 0 : i32
      %dma_start3A_151 = tpu.memref_slice %arg6[%add3A_149, %dma_start3A_150] : memref<81920x256xf32, #tpu.memory_space<hbm>> -> memref<128x256xf32, #tpu.memory_space<hbm>>
      %dma_start3A_152 = arith.constant 0 : i32
      %dma_start3A_153 = tpu.memref_slice %arg6[%add3A_149, %dma_start3A_152] : memref<81920x256xf32, #tpu.memory_space<hbm>> -> memref<128x256xf32, #tpu.memory_space<hbm>>
      tpu.enqueue_dma source(%arg10 : memref<128x256xf32, #tpu.memory_space<vmem>>) target(%dma_start3A_153 : memref<128x256xf32, #tpu.memory_space<hbm>>) target_semaphore(%arg11 : memref<!tpu.dma_semaphore, #tpu.memory_space<semaphore_mem>>)
      %dma_wait3A_154 = arith.constant 0 : i32
      %dma_wait3A_155 = tpu.memref_slice %arg6[%add3A_135, %dma_wait3A_154] : memref<81920x256xf32, #tpu.memory_space<hbm>> -> memref<128x256xf32, #tpu.memory_space<hbm>>
      %dma_wait3A_156 = arith.constant 0 : i32
      %dma_wait3A_157 = tpu.memref_slice %arg6[%add3A_135, %dma_wait3A_156] : memref<81920x256xf32, #tpu.memory_space<hbm>> -> memref<128x256xf32, #tpu.memory_space<hbm>>
      tpu.wait_dma2 semaphore(%arg11 : memref<!tpu.dma_semaphore, #tpu.memory_space<semaphore_mem>>) src(%arg8 : memref<128x256xf32, #tpu.memory_space<vmem>>) dst(%dma_wait3A_157 : memref<128x256xf32, #tpu.memory_space<hbm>>)
      %dma_wait3A_158 = arith.constant 0 : i32
      %dma_wait3A_159 = tpu.memref_slice %arg6[%add3A_142, %dma_wait3A_158] : memref<81920x256xf32, #tpu.memory_space<hbm>> -> memref<128x256xf32, #tpu.memory_space<hbm>>
      %dma_wait3A_160 = arith.constant 0 : i32
      %dma_wait3A_161 = tpu.memref_slice %arg6[%add3A_142, %dma_wait3A_160] : memref<81920x256xf32, #tpu.memory_space<hbm>> -> memref<128x256xf32, #tpu.memory_space<hbm>>
      tpu.wait_dma2 semaphore(%arg11 : memref<!tpu.dma_semaphore, #tpu.memory_space<semaphore_mem>>) src(%arg9 : memref<128x256xf32, #tpu.memory_space<vmem>>) dst(%dma_wait3A_161 : memref<128x256xf32, #tpu.memory_space<hbm>>)
      %dma_wait3A_162 = arith.constant 0 : i32
      %dma_wait3A_163 = tpu.memref_slice %arg6[%add3A_149, %dma_wait3A_162] : memref<81920x256xf32, #tpu.memory_space<hbm>> -> memref<128x256xf32, #tpu.memory_space<hbm>>
      %dma_wait3A_164 = arith.constant 0 : i32
      %dma_wait3A_165 = tpu.memref_slice %arg6[%add3A_149, %dma_wait3A_164] : memref<81920x256xf32, #tpu.memory_space<hbm>> -> memref<128x256xf32, #tpu.memory_space<hbm>>
      tpu.wait_dma2 semaphore(%arg11 : memref<!tpu.dma_semaphore, #tpu.memory_space<semaphore_mem>>) src(%arg10 : memref<128x256xf32, #tpu.memory_space<vmem>>) dst(%dma_wait3A_165 : memref<128x256xf32, #tpu.memory_space<hbm>>)
    }
    %scan3A_55 = arith.constant 6 : i32
    %dma_start3A_56 = arith.constant 2304 : i32
    %dma_start3A_57 = tpu.memref_slice %arg7[%dma_start3A_56] : memref<2560xi32, #tpu.memory_space<vmem>> -> memref<128xi32, #tpu.memory_space<vmem>>
    %dma_start3A_58 = arith.constant 0 : i32
    %dma_start3A_59 = arith.constant 0 : i32
    %dma_start3A_60 = tpu.memref_slice %arg2[%dma_start3A_58, %dma_start3A_59] : memref<10240x256xf32, #tpu.memory_space<hbm>> -> memref<10240x256xf32, #tpu.memory_space<hbm>>
    tpu.enqueue_indirect_dma source(%dma_start3A_60 : memref<10240x256xf32, #tpu.memory_space<hbm>>) target(%arg8 : memref<128x256xf32, #tpu.memory_space<vmem>>) offsets(%dma_start3A_57 : memref<128xi32, #tpu.memory_space<vmem>>) semaphore(%arg11 : memref<!tpu.dma_semaphore, #tpu.memory_space<semaphore_mem>>)
    %dma_start3A_61 = arith.constant 2432 : i32
    %dma_start3A_62 = tpu.memref_slice %arg7[%dma_start3A_61] : memref<2560xi32, #tpu.memory_space<vmem>> -> memref<128xi32, #tpu.memory_space<vmem>>
    %dma_start3A_63 = arith.constant 0 : i32
    %dma_start3A_64 = arith.constant 0 : i32
    %dma_start3A_65 = tpu.memref_slice %arg2[%dma_start3A_63, %dma_start3A_64] : memref<10240x256xf32, #tpu.memory_space<hbm>> -> memref<10240x256xf32, #tpu.memory_space<hbm>>
    tpu.enqueue_indirect_dma source(%dma_start3A_65 : memref<10240x256xf32, #tpu.memory_space<hbm>>) target(%arg9 : memref<128x256xf32, #tpu.memory_space<vmem>>) offsets(%dma_start3A_62 : memref<128xi32, #tpu.memory_space<vmem>>) semaphore(%arg11 : memref<!tpu.dma_semaphore, #tpu.memory_space<semaphore_mem>>)
    %dma_wait3A_66 = arith.constant 2304 : i32
    %dma_wait3A_67 = tpu.memref_slice %arg7[%dma_wait3A_66] : memref<2560xi32, #tpu.memory_space<vmem>> -> memref<128xi32, #tpu.memory_space<vmem>>
    %dma_wait3A_68 = arith.constant 0 : i32
    %dma_wait3A_69 = arith.constant 0 : i32
    %dma_wait3A_70 = tpu.memref_slice %arg2[%dma_wait3A_68, %dma_wait3A_69] : memref<10240x256xf32, #tpu.memory_space<hbm>> -> memref<10240x256xf32, #tpu.memory_space<hbm>>
    tpu.wait_indirect_dma semaphore(%arg11 : memref<!tpu.dma_semaphore, #tpu.memory_space<semaphore_mem>>) src(%dma_wait3A_70 : memref<10240x256xf32, #tpu.memory_space<hbm>>) dst(%arg8 : memref<128x256xf32, #tpu.memory_space<vmem>>)
    %dma_wait3A_71 = arith.constant 2432 : i32
    %dma_wait3A_72 = tpu.memref_slice %arg7[%dma_wait3A_71] : memref<2560xi32, #tpu.memory_space<vmem>> -> memref<128xi32, #tpu.memory_space<vmem>>
    %dma_wait3A_73 = arith.constant 0 : i32
    %dma_wait3A_74 = arith.constant 0 : i32
    %dma_wait3A_75 = tpu.memref_slice %arg2[%dma_wait3A_73, %dma_wait3A_74] : memref<10240x256xf32, #tpu.memory_space<hbm>> -> memref<10240x256xf32, #tpu.memory_space<hbm>>
    tpu.wait_indirect_dma semaphore(%arg11 : memref<!tpu.dma_semaphore, #tpu.memory_space<semaphore_mem>>) src(%dma_wait3A_75 : memref<10240x256xf32, #tpu.memory_space<hbm>>) dst(%arg9 : memref<128x256xf32, #tpu.memory_space<vmem>>)
    %add3A_76 = arith.constant 2304 : i32
    %add3A_77 = arith.addi %mul3A_2, %add3A_76 : i32
    %add3A_78 = arith.constant 0 : i32
    %add3A_79 = arith.addi %add3A_77, %add3A_78 : i32
    %dma_start3A_80 = arith.constant 0 : i32
    %dma_start3A_81 = tpu.memref_slice %arg6[%add3A_79, %dma_start3A_80] : memref<81920x256xf32, #tpu.memory_space<hbm>> -> memref<128x256xf32, #tpu.memory_space<hbm>>
    %dma_start3A_82 = arith.constant 0 : i32
    %dma_start3A_83 = tpu.memref_slice %arg6[%add3A_79, %dma_start3A_82] : memref<81920x256xf32, #tpu.memory_space<hbm>> -> memref<128x256xf32, #tpu.memory_space<hbm>>
    tpu.enqueue_dma source(%arg8 : memref<128x256xf32, #tpu.memory_space<vmem>>) target(%dma_start3A_83 : memref<128x256xf32, #tpu.memory_space<hbm>>) target_semaphore(%arg11 : memref<!tpu.dma_semaphore, #tpu.memory_space<semaphore_mem>>)
    %add3A_84 = arith.constant 2304 : i32
    %add3A_85 = arith.addi %mul3A_2, %add3A_84 : i32
    %add3A_86 = arith.constant 128 : i32
    %add3A_87 = arith.addi %add3A_85, %add3A_86 : i32
    %dma_start3A_88 = arith.constant 0 : i32
    %dma_start3A_89 = tpu.memref_slice %arg6[%add3A_87, %dma_start3A_88] : memref<81920x256xf32, #tpu.memory_space<hbm>> -> memref<128x256xf32, #tpu.memory_space<hbm>>
    %dma_start3A_90 = arith.constant 0 : i32
    %dma_start3A_91 = tpu.memref_slice %arg6[%add3A_87, %dma_start3A_90] : memref<81920x256xf32, #tpu.memory_space<hbm>> -> memref<128x256xf32, #tpu.memory_space<hbm>>
    tpu.enqueue_dma source(%arg9 : memref<128x256xf32, #tpu.memory_space<vmem>>) target(%dma_start3A_91 : memref<128x256xf32, #tpu.memory_space<hbm>>) target_semaphore(%arg11 : memref<!tpu.dma_semaphore, #tpu.memory_space<semaphore_mem>>)
    %dma_wait3A_92 = arith.constant 0 : i32
    %dma_wait3A_93 = tpu.memref_slice %arg6[%add3A_79, %dma_wait3A_92] : memref<81920x256xf32, #tpu.memory_space<hbm>> -> memref<128x256xf32, #tpu.memory_space<hbm>>
    %dma_wait3A_94 = arith.constant 0 : i32
    %dma_wait3A_95 = tpu.memref_slice %arg6[%add3A_79, %dma_wait3A_94] : memref<81920x256xf32, #tpu.memory_space<hbm>> -> memref<128x256xf32, #tpu.memory_space<hbm>>
    tpu.wait_dma2 semaphore(%arg11 : memref<!tpu.dma_semaphore, #tpu.memory_space<semaphore_mem>>) src(%arg8 : memref<128x256xf32, #tpu.memory_space<vmem>>) dst(%dma_wait3A_95 : memref<128x256xf32, #tpu.memory_space<hbm>>)
    %dma_wait3A_96 = arith.constant 0 : i32
    %dma_wait3A_97 = tpu.memref_slice %arg6[%add3A_87, %dma_wait3A_96] : memref<81920x256xf32, #tpu.memory_space<hbm>> -> memref<128x256xf32, #tpu.memory_space<hbm>>
    %dma_wait3A_98 = arith.constant 0 : i32
    %dma_wait3A_99 = tpu.memref_slice %arg6[%add3A_87, %dma_wait3A_98] : memref<81920x256xf32, #tpu.memory_space<hbm>> -> memref<128x256xf32, #tpu.memory_space<hbm>>
    tpu.wait_dma2 semaphore(%arg11 : memref<!tpu.dma_semaphore, #tpu.memory_space<semaphore_mem>>) src(%arg9 : memref<128x256xf32, #tpu.memory_space<vmem>>) dst(%dma_wait3A_99 : memref<128x256xf32, #tpu.memory_space<hbm>>)
    return
  }
}

#map = affine_map<(d0, d1) -> (0, 0, 0)>
#map1 = affine_map<(d0, d1) -> (0, 0)>
#map2 = affine_map<(d0, d1) -> (0)>
module attributes {stable_mosaic.version = 14 : i64} {
  func.func @sc_scat_b(%arg0: i32, %arg1: i32, %arg2: memref<2x78080x128xf32, #tpu.memory_space<hbm>>, %arg3: memref<78080x128xf32, #tpu.memory_space<hbm>>, %arg4: memref<78080xi32, #tpu.memory_space<hbm>>, %arg5: memref<640x128xf32, #tpu.memory_space<hbm>>, %arg6: memref<2x10240x128xf32, #tpu.memory_space<hbm>>, %arg7: memref<2x10240x128xf32, #tpu.memory_space<hbm>>, %arg8: memref<128xi32, #tpu.memory_space<vmem>>, %arg9: memref<128xi32, #tpu.memory_space<vmem>>, %arg10: memref<128x128xf32, #tpu.memory_space<vmem>>, %arg11: memref<128x128xf32, #tpu.memory_space<vmem>>, %arg12: memref<16xi32, #tpu.memory_space<vmem>>, %arg13: memref<16x128xf32, #tpu.memory_space<vmem>>, %arg14: memref<8xi32, #tpu.memory_space<vmem>>, %arg15: memref<8x128xf32, #tpu.memory_space<vmem>>, %arg16: memref<!tpu.dma_semaphore, #tpu.memory_space<semaphore_mem>>, %arg17: memref<10240x128xf32, #tpu.memory_space<vmem_shared>>) attributes {dimension_semantics = [#tpu.dimension_semantics<core_parallel>, #tpu.dimension_semantics<subcore_parallel>], iteration_bounds = array<i64: 2, 16>, scalar_prefetch = 0 : i64, scratch_operands = 10 : i64, tpu.core_type = #tpu.core_type<sc_vector_subcore>, window_params = [{transform_indices = #map}, {transform_indices = #map1}, {transform_indices = #map2}, {transform_indices = #map1}, {transform_indices = #map}, {transform_indices = #map}]} {
    %mul3A = arith.constant 640 : i32
    %mul3A_0 = arith.muli %arg1, %mul3A : i32
    "tpu.region"() ({
      %run_scoped3A = tpu.sem_alloc : memref<!tpu.dma_semaphore, #tpu.memory_space<semaphore_mem>>
      %dma_start3A_57 = arith.constant 0 : i32
      %dma_start3A_58 = tpu.memref_slice %arg17[%mul3A_0, %dma_start3A_57] : memref<10240x128xf32, #tpu.memory_space<vmem_shared>> -> memref<640x128xf32, #tpu.memory_space<vmem_shared>>
      tpu.enqueue_dma source(%arg5 : memref<640x128xf32, #tpu.memory_space<hbm>>) target(%dma_start3A_58 : memref<640x128xf32, #tpu.memory_space<vmem_shared>>) target_semaphore(%run_scoped3A : memref<!tpu.dma_semaphore, #tpu.memory_space<semaphore_mem>>)
      %dma_wait3A_59 = arith.constant 0 : i32
      %dma_wait3A_60 = tpu.memref_slice %arg17[%mul3A_0, %dma_wait3A_59] : memref<10240x128xf32, #tpu.memory_space<vmem_shared>> -> memref<640x128xf32, #tpu.memory_space<vmem_shared>>
      tpu.wait_dma2 semaphore(%run_scoped3A : memref<!tpu.dma_semaphore, #tpu.memory_space<semaphore_mem>>) src(%arg5 : memref<640x128xf32, #tpu.memory_space<hbm>>) dst(%dma_wait3A_60 : memref<640x128xf32, #tpu.memory_space<vmem_shared>>)
      tpu.yield
    }) : () -> ()
    %barrier3A = arith.constant 0 : index
    tpu.barrier barrier_id(%barrier3A)
    %mul3A_1 = arith.constant 4880 : i32
    %mul3A_2 = arith.muli %arg1, %mul3A_1 : i32
    %scan3A = arith.constant 0 : i32
    %scan3A_3 = arith.constant 0 : i32
    %scan3A_4 = arith.constant 19 : i32
    %scan3A_5 = arith.addi %scan3A_3, %scan3A_4 : i32
    %scan3A_6 = arith.constant 1 : i32
    scf.for %scan3A_57 = %scan3A_3 to %scan3A_5 step %scan3A_6  : i32 {
      %mul3A_58 = arith.constant 256 : i32
      %mul3A_59 = arith.muli %scan3A_57, %mul3A_58 : i32
      %add3A_60 = arith.addi %mul3A_2, %mul3A_59 : i32
      %add3A_61 = arith.constant 0 : i32
      %add3A_62 = arith.addi %add3A_60, %add3A_61 : i32
      %dma_start3A_63 = tpu.memref_slice %arg4[%add3A_62] : memref<78080xi32, #tpu.memory_space<hbm>> -> memref<128xi32, #tpu.memory_space<hbm>>
      %dma_start3A_64 = tpu.memref_slice %arg4[%add3A_62] : memref<78080xi32, #tpu.memory_space<hbm>> -> memref<128xi32, #tpu.memory_space<hbm>>
      tpu.enqueue_dma source(%dma_start3A_64 : memref<128xi32, #tpu.memory_space<hbm>>) target(%arg8 : memref<128xi32, #tpu.memory_space<vmem>>) target_semaphore(%arg16 : memref<!tpu.dma_semaphore, #tpu.memory_space<semaphore_mem>>)
      %add3A_65 = arith.constant 0 : i32
      %add3A_66 = arith.addi %add3A_60, %add3A_65 : i32
      %dma_start3A_67 = arith.constant 0 : i32
      %dma_start3A_68 = tpu.memref_slice %arg2[%arg0, %add3A_66, %dma_start3A_67] : memref<2x78080x128xf32, #tpu.memory_space<hbm>> -> memref<1x128x128xf32, #tpu.memory_space<hbm>>
      %dma_start3A_69 = tpu.memref_squeeze %dma_start3A_68 : memref<1x128x128xf32, #tpu.memory_space<hbm>> -> memref<128x128xf32, #tpu.memory_space<hbm>>
      %dma_start3A_70 = arith.constant 0 : i32
      %dma_start3A_71 = tpu.memref_slice %arg2[%arg0, %add3A_66, %dma_start3A_70] : memref<2x78080x128xf32, #tpu.memory_space<hbm>> -> memref<1x128x128xf32, #tpu.memory_space<hbm>>
      %dma_start3A_72 = tpu.memref_squeeze %dma_start3A_71 : memref<1x128x128xf32, #tpu.memory_space<hbm>> -> memref<128x128xf32, #tpu.memory_space<hbm>>
      tpu.enqueue_dma source(%dma_start3A_72 : memref<128x128xf32, #tpu.memory_space<hbm>>) target(%arg10 : memref<128x128xf32, #tpu.memory_space<vmem>>) target_semaphore(%arg16 : memref<!tpu.dma_semaphore, #tpu.memory_space<semaphore_mem>>)
      %add3A_73 = arith.constant 128 : i32
      %add3A_74 = arith.addi %add3A_60, %add3A_73 : i32
      %dma_start3A_75 = tpu.memref_slice %arg4[%add3A_74] : memref<78080xi32, #tpu.memory_space<hbm>> -> memref<128xi32, #tpu.memory_space<hbm>>
      %dma_start3A_76 = tpu.memref_slice %arg4[%add3A_74] : memref<78080xi32, #tpu.memory_space<hbm>> -> memref<128xi32, #tpu.memory_space<hbm>>
      tpu.enqueue_dma source(%dma_start3A_76 : memref<128xi32, #tpu.memory_space<hbm>>) target(%arg9 : memref<128xi32, #tpu.memory_space<vmem>>) target_semaphore(%arg16 : memref<!tpu.dma_semaphore, #tpu.memory_space<semaphore_mem>>)
      %add3A_77 = arith.constant 128 : i32
      %add3A_78 = arith.addi %add3A_60, %add3A_77 : i32
      %dma_start3A_79 = arith.constant 0 : i32
      %dma_start3A_80 = tpu.memref_slice %arg2[%arg0, %add3A_78, %dma_start3A_79] : memref<2x78080x128xf32, #tpu.memory_space<hbm>> -> memref<1x128x128xf32, #tpu.memory_space<hbm>>
      %dma_start3A_81 = tpu.memref_squeeze %dma_start3A_80 : memref<1x128x128xf32, #tpu.memory_space<hbm>> -> memref<128x128xf32, #tpu.memory_space<hbm>>
      %dma_start3A_82 = arith.constant 0 : i32
      %dma_start3A_83 = tpu.memref_slice %arg2[%arg0, %add3A_78, %dma_start3A_82] : memref<2x78080x128xf32, #tpu.memory_space<hbm>> -> memref<1x128x128xf32, #tpu.memory_space<hbm>>
      %dma_start3A_84 = tpu.memref_squeeze %dma_start3A_83 : memref<1x128x128xf32, #tpu.memory_space<hbm>> -> memref<128x128xf32, #tpu.memory_space<hbm>>
      tpu.enqueue_dma source(%dma_start3A_84 : memref<128x128xf32, #tpu.memory_space<hbm>>) target(%arg11 : memref<128x128xf32, #tpu.memory_space<vmem>>) target_semaphore(%arg16 : memref<!tpu.dma_semaphore, #tpu.memory_space<semaphore_mem>>)
      %dma_wait3A_85 = tpu.memref_slice %arg4[%add3A_62] : memref<78080xi32, #tpu.memory_space<hbm>> -> memref<128xi32, #tpu.memory_space<hbm>>
      %dma_wait3A_86 = tpu.memref_slice %arg4[%add3A_62] : memref<78080xi32, #tpu.memory_space<hbm>> -> memref<128xi32, #tpu.memory_space<hbm>>
      tpu.wait_dma2 semaphore(%arg16 : memref<!tpu.dma_semaphore, #tpu.memory_space<semaphore_mem>>) src(%dma_wait3A_86 : memref<128xi32, #tpu.memory_space<hbm>>) dst(%arg8 : memref<128xi32, #tpu.memory_space<vmem>>)
      %dma_wait3A_87 = arith.constant 0 : i32
      %dma_wait3A_88 = tpu.memref_slice %arg2[%arg0, %add3A_66, %dma_wait3A_87] : memref<2x78080x128xf32, #tpu.memory_space<hbm>> -> memref<1x128x128xf32, #tpu.memory_space<hbm>>
      %dma_wait3A_89 = tpu.memref_squeeze %dma_wait3A_88 : memref<1x128x128xf32, #tpu.memory_space<hbm>> -> memref<128x128xf32, #tpu.memory_space<hbm>>
      %dma_wait3A_90 = arith.constant 0 : i32
      %dma_wait3A_91 = tpu.memref_slice %arg2[%arg0, %add3A_66, %dma_wait3A_90] : memref<2x78080x128xf32, #tpu.memory_space<hbm>> -> memref<1x128x128xf32, #tpu.memory_space<hbm>>
      %dma_wait3A_92 = tpu.memref_squeeze %dma_wait3A_91 : memref<1x128x128xf32, #tpu.memory_space<hbm>> -> memref<128x128xf32, #tpu.memory_space<hbm>>
      tpu.wait_dma2 semaphore(%arg16 : memref<!tpu.dma_semaphore, #tpu.memory_space<semaphore_mem>>) src(%dma_wait3A_92 : memref<128x128xf32, #tpu.memory_space<hbm>>) dst(%arg10 : memref<128x128xf32, #tpu.memory_space<vmem>>)
      %dma_wait3A_93 = tpu.memref_slice %arg4[%add3A_74] : memref<78080xi32, #tpu.memory_space<hbm>> -> memref<128xi32, #tpu.memory_space<hbm>>
      %dma_wait3A_94 = tpu.memref_slice %arg4[%add3A_74] : memref<78080xi32, #tpu.memory_space<hbm>> -> memref<128xi32, #tpu.memory_space<hbm>>
      tpu.wait_dma2 semaphore(%arg16 : memref<!tpu.dma_semaphore, #tpu.memory_space<semaphore_mem>>) src(%dma_wait3A_94 : memref<128xi32, #tpu.memory_space<hbm>>) dst(%arg9 : memref<128xi32, #tpu.memory_space<vmem>>)
      %dma_wait3A_95 = arith.constant 0 : i32
      %dma_wait3A_96 = tpu.memref_slice %arg2[%arg0, %add3A_78, %dma_wait3A_95] : memref<2x78080x128xf32, #tpu.memory_space<hbm>> -> memref<1x128x128xf32, #tpu.memory_space<hbm>>
      %dma_wait3A_97 = tpu.memref_squeeze %dma_wait3A_96 : memref<1x128x128xf32, #tpu.memory_space<hbm>> -> memref<128x128xf32, #tpu.memory_space<hbm>>
      %dma_wait3A_98 = arith.constant 0 : i32
      %dma_wait3A_99 = tpu.memref_slice %arg2[%arg0, %add3A_78, %dma_wait3A_98] : memref<2x78080x128xf32, #tpu.memory_space<hbm>> -> memref<1x128x128xf32, #tpu.memory_space<hbm>>
      %dma_wait3A_100 = tpu.memref_squeeze %dma_wait3A_99 : memref<1x128x128xf32, #tpu.memory_space<hbm>> -> memref<128x128xf32, #tpu.memory_space<hbm>>
      tpu.wait_dma2 semaphore(%arg16 : memref<!tpu.dma_semaphore, #tpu.memory_space<semaphore_mem>>) src(%dma_wait3A_100 : memref<128x128xf32, #tpu.memory_space<hbm>>) dst(%arg11 : memref<128x128xf32, #tpu.memory_space<vmem>>)
      %dma_start3A_101 = arith.constant 0 : i32
      %dma_start3A_102 = arith.constant 0 : i32
      %dma_start3A_103 = tpu.memref_slice %arg17[%dma_start3A_101, %dma_start3A_102] : memref<10240x128xf32, #tpu.memory_space<vmem_shared>> -> memref<10240x128xf32, #tpu.memory_space<vmem_shared>>
      tpu.enqueue_indirect_dma source(%arg10 : memref<128x128xf32, #tpu.memory_space<vmem>>) target(%dma_start3A_103 : memref<10240x128xf32, #tpu.memory_space<vmem_shared>>) offsets(%arg8 : memref<128xi32, #tpu.memory_space<vmem>>) semaphore(%arg16 : memref<!tpu.dma_semaphore, #tpu.memory_space<semaphore_mem>>) {add = true}
      %dma_start3A_104 = arith.constant 0 : i32
      %dma_start3A_105 = arith.constant 0 : i32
      %dma_start3A_106 = tpu.memref_slice %arg17[%dma_start3A_104, %dma_start3A_105] : memref<10240x128xf32, #tpu.memory_space<vmem_shared>> -> memref<10240x128xf32, #tpu.memory_space<vmem_shared>>
      tpu.enqueue_indirect_dma source(%arg11 : memref<128x128xf32, #tpu.memory_space<vmem>>) target(%dma_start3A_106 : memref<10240x128xf32, #tpu.memory_space<vmem_shared>>) offsets(%arg9 : memref<128xi32, #tpu.memory_space<vmem>>) semaphore(%arg16 : memref<!tpu.dma_semaphore, #tpu.memory_space<semaphore_mem>>) {add = true}
      %dma_wait3A_107 = arith.constant 0 : i32
      %dma_wait3A_108 = arith.constant 0 : i32
      %dma_wait3A_109 = tpu.memref_slice %arg17[%dma_wait3A_107, %dma_wait3A_108] : memref<10240x128xf32, #tpu.memory_space<vmem_shared>> -> memref<10240x128xf32, #tpu.memory_space<vmem_shared>>
      tpu.wait_indirect_dma semaphore(%arg16 : memref<!tpu.dma_semaphore, #tpu.memory_space<semaphore_mem>>) src(%arg10 : memref<128x128xf32, #tpu.memory_space<vmem>>) dst(%dma_wait3A_109 : memref<10240x128xf32, #tpu.memory_space<vmem_shared>>)
      %dma_wait3A_110 = arith.constant 0 : i32
      %dma_wait3A_111 = arith.constant 0 : i32
      %dma_wait3A_112 = tpu.memref_slice %arg17[%dma_wait3A_110, %dma_wait3A_111] : memref<10240x128xf32, #tpu.memory_space<vmem_shared>> -> memref<10240x128xf32, #tpu.memory_space<vmem_shared>>
      tpu.wait_indirect_dma semaphore(%arg16 : memref<!tpu.dma_semaphore, #tpu.memory_space<semaphore_mem>>) src(%arg11 : memref<128x128xf32, #tpu.memory_space<vmem>>) dst(%dma_wait3A_112 : memref<10240x128xf32, #tpu.memory_space<vmem_shared>>)
    }
    %scan3A_7 = arith.constant 19 : i32
    %add3A = arith.constant 4864 : i32
    %add3A_8 = arith.addi %mul3A_2, %add3A : i32
    "tpu.region"() ({
      %run_scoped3A = tpu.sem_alloc : memref<!tpu.dma_semaphore, #tpu.memory_space<semaphore_mem>>
      %dma_start3A_57 = tpu.memref_slice %arg4[%add3A_8] : memref<78080xi32, #tpu.memory_space<hbm>> -> memref<16xi32, #tpu.memory_space<hbm>>
      %dma_start3A_58 = tpu.memref_slice %arg4[%add3A_8] : memref<78080xi32, #tpu.memory_space<hbm>> -> memref<16xi32, #tpu.memory_space<hbm>>
      tpu.enqueue_dma source(%dma_start3A_58 : memref<16xi32, #tpu.memory_space<hbm>>) target(%arg12 : memref<16xi32, #tpu.memory_space<vmem>>) target_semaphore(%run_scoped3A : memref<!tpu.dma_semaphore, #tpu.memory_space<semaphore_mem>>)
      %dma_wait3A_59 = tpu.memref_slice %arg4[%add3A_8] : memref<78080xi32, #tpu.memory_space<hbm>> -> memref<16xi32, #tpu.memory_space<hbm>>
      %dma_wait3A_60 = tpu.memref_slice %arg4[%add3A_8] : memref<78080xi32, #tpu.memory_space<hbm>> -> memref<16xi32, #tpu.memory_space<hbm>>
      tpu.wait_dma2 semaphore(%run_scoped3A : memref<!tpu.dma_semaphore, #tpu.memory_space<semaphore_mem>>) src(%dma_wait3A_60 : memref<16xi32, #tpu.memory_space<hbm>>) dst(%arg12 : memref<16xi32, #tpu.memory_space<vmem>>)
      tpu.yield
    }) : () -> ()
    "tpu.region"() ({
      %run_scoped3A = tpu.sem_alloc : memref<!tpu.dma_semaphore, #tpu.memory_space<semaphore_mem>>
      %dma_start3A_57 = arith.constant 0 : i32
      %dma_start3A_58 = tpu.memref_slice %arg2[%arg0, %add3A_8, %dma_start3A_57] : memref<2x78080x128xf32, #tpu.memory_space<hbm>> -> memref<1x16x128xf32, #tpu.memory_space<hbm>>
      %dma_start3A_59 = tpu.memref_squeeze %dma_start3A_58 : memref<1x16x128xf32, #tpu.memory_space<hbm>> -> memref<16x128xf32, #tpu.memory_space<hbm>>
      %dma_start3A_60 = arith.constant 0 : i32
      %dma_start3A_61 = tpu.memref_slice %arg2[%arg0, %add3A_8, %dma_start3A_60] : memref<2x78080x128xf32, #tpu.memory_space<hbm>> -> memref<1x16x128xf32, #tpu.memory_space<hbm>>
      %dma_start3A_62 = tpu.memref_squeeze %dma_start3A_61 : memref<1x16x128xf32, #tpu.memory_space<hbm>> -> memref<16x128xf32, #tpu.memory_space<hbm>>
      tpu.enqueue_dma source(%dma_start3A_62 : memref<16x128xf32, #tpu.memory_space<hbm>>) target(%arg13 : memref<16x128xf32, #tpu.memory_space<vmem>>) target_semaphore(%run_scoped3A : memref<!tpu.dma_semaphore, #tpu.memory_space<semaphore_mem>>)
      %dma_wait3A_63 = arith.constant 0 : i32
      %dma_wait3A_64 = tpu.memref_slice %arg2[%arg0, %add3A_8, %dma_wait3A_63] : memref<2x78080x128xf32, #tpu.memory_space<hbm>> -> memref<1x16x128xf32, #tpu.memory_space<hbm>>
      %dma_wait3A_65 = tpu.memref_squeeze %dma_wait3A_64 : memref<1x16x128xf32, #tpu.memory_space<hbm>> -> memref<16x128xf32, #tpu.memory_space<hbm>>
      %dma_wait3A_66 = arith.constant 0 : i32
      %dma_wait3A_67 = tpu.memref_slice %arg2[%arg0, %add3A_8, %dma_wait3A_66] : memref<2x78080x128xf32, #tpu.memory_space<hbm>> -> memref<1x16x128xf32, #tpu.memory_space<hbm>>
      %dma_wait3A_68 = tpu.memref_squeeze %dma_wait3A_67 : memref<1x16x128xf32, #tpu.memory_space<hbm>> -> memref<16x128xf32, #tpu.memory_space<hbm>>
      tpu.wait_dma2 semaphore(%run_scoped3A : memref<!tpu.dma_semaphore, #tpu.memory_space<semaphore_mem>>) src(%dma_wait3A_68 : memref<16x128xf32, #tpu.memory_space<hbm>>) dst(%arg13 : memref<16x128xf32, #tpu.memory_space<vmem>>)
      tpu.yield
    }) : () -> ()
    "tpu.region"() ({
      %run_scoped3A = tpu.sem_alloc : memref<!tpu.dma_semaphore, #tpu.memory_space<semaphore_mem>>
      %dma_start3A_57 = arith.constant 0 : i32
      %dma_start3A_58 = arith.constant 0 : i32
      %dma_start3A_59 = tpu.memref_slice %arg17[%dma_start3A_57, %dma_start3A_58] : memref<10240x128xf32, #tpu.memory_space<vmem_shared>> -> memref<10240x128xf32, #tpu.memory_space<vmem_shared>>
      tpu.enqueue_indirect_dma source(%arg13 : memref<16x128xf32, #tpu.memory_space<vmem>>) target(%dma_start3A_59 : memref<10240x128xf32, #tpu.memory_space<vmem_shared>>) offsets(%arg12 : memref<16xi32, #tpu.memory_space<vmem>>) semaphore(%run_scoped3A : memref<!tpu.dma_semaphore, #tpu.memory_space<semaphore_mem>>) {add = true}
      %dma_wait3A_60 = arith.constant 0 : i32
      %dma_wait3A_61 = arith.constant 0 : i32
      %dma_wait3A_62 = tpu.memref_slice %arg17[%dma_wait3A_60, %dma_wait3A_61] : memref<10240x128xf32, #tpu.memory_space<vmem_shared>> -> memref<10240x128xf32, #tpu.memory_space<vmem_shared>>
      tpu.wait_indirect_dma semaphore(%run_scoped3A : memref<!tpu.dma_semaphore, #tpu.memory_space<semaphore_mem>>) src(%arg13 : memref<16x128xf32, #tpu.memory_space<vmem>>) dst(%dma_wait3A_62 : memref<10240x128xf32, #tpu.memory_space<vmem_shared>>)
      tpu.yield
    }) : () -> ()
    %barrier3A_9 = arith.constant 0 : index
    tpu.barrier barrier_id(%barrier3A_9)
    %mul3A_10 = arith.constant 640 : i32
    %mul3A_11 = arith.muli %arg1, %mul3A_10 : i32
    %mul3A_12 = arith.constant 640 : i32
    %mul3A_13 = arith.muli %arg1, %mul3A_12 : i32
    "tpu.region"() ({
      %run_scoped3A = tpu.sem_alloc : memref<!tpu.dma_semaphore, #tpu.memory_space<semaphore_mem>>
      %dma_start3A_57 = arith.constant 0 : i32
      %dma_start3A_58 = tpu.memref_slice %arg6[%arg0, %mul3A_13, %dma_start3A_57] : memref<2x10240x128xf32, #tpu.memory_space<hbm>> -> memref<1x640x128xf32, #tpu.memory_space<hbm>>
      %dma_start3A_59 = tpu.memref_squeeze %dma_start3A_58 : memref<1x640x128xf32, #tpu.memory_space<hbm>> -> memref<640x128xf32, #tpu.memory_space<hbm>>
      %dma_start3A_60 = arith.constant 0 : i32
      %dma_start3A_61 = tpu.memref_slice %arg17[%mul3A_11, %dma_start3A_60] : memref<10240x128xf32, #tpu.memory_space<vmem_shared>> -> memref<640x128xf32, #tpu.memory_space<vmem_shared>>
      tpu.enqueue_dma source(%dma_start3A_61 : memref<640x128xf32, #tpu.memory_space<vmem_shared>>) target(%dma_start3A_59 : memref<640x128xf32, #tpu.memory_space<hbm>>) target_semaphore(%run_scoped3A : memref<!tpu.dma_semaphore, #tpu.memory_space<semaphore_mem>>)
      %dma_wait3A_62 = arith.constant 0 : i32
      %dma_wait3A_63 = tpu.memref_slice %arg6[%arg0, %mul3A_13, %dma_wait3A_62] : memref<2x10240x128xf32, #tpu.memory_space<hbm>> -> memref<1x640x128xf32, #tpu.memory_space<hbm>>
      %dma_wait3A_64 = tpu.memref_squeeze %dma_wait3A_63 : memref<1x640x128xf32, #tpu.memory_space<hbm>> -> memref<640x128xf32, #tpu.memory_space<hbm>>
      %dma_wait3A_65 = arith.constant 0 : i32
      %dma_wait3A_66 = tpu.memref_slice %arg17[%mul3A_11, %dma_wait3A_65] : memref<10240x128xf32, #tpu.memory_space<vmem_shared>> -> memref<640x128xf32, #tpu.memory_space<vmem_shared>>
      tpu.wait_dma2 semaphore(%run_scoped3A : memref<!tpu.dma_semaphore, #tpu.memory_space<semaphore_mem>>) src(%dma_wait3A_66 : memref<640x128xf32, #tpu.memory_space<vmem_shared>>) dst(%dma_wait3A_64 : memref<640x128xf32, #tpu.memory_space<hbm>>)
      tpu.yield
    }) : () -> ()
    %mul3A_14 = arith.constant 640 : i32
    %mul3A_15 = arith.muli %arg1, %mul3A_14 : i32
    "tpu.region"() ({
      %run_scoped3A = tpu.sem_alloc : memref<!tpu.dma_semaphore, #tpu.memory_space<semaphore_mem>>
      %dma_start3A_57 = arith.constant 0 : i32
      %dma_start3A_58 = tpu.memref_slice %arg17[%mul3A_15, %dma_start3A_57] : memref<10240x128xf32, #tpu.memory_space<vmem_shared>> -> memref<640x128xf32, #tpu.memory_space<vmem_shared>>
      tpu.enqueue_dma source(%arg5 : memref<640x128xf32, #tpu.memory_space<hbm>>) target(%dma_start3A_58 : memref<640x128xf32, #tpu.memory_space<vmem_shared>>) target_semaphore(%run_scoped3A : memref<!tpu.dma_semaphore, #tpu.memory_space<semaphore_mem>>)
      %dma_wait3A_59 = arith.constant 0 : i32
      %dma_wait3A_60 = tpu.memref_slice %arg17[%mul3A_15, %dma_wait3A_59] : memref<10240x128xf32, #tpu.memory_space<vmem_shared>> -> memref<640x128xf32, #tpu.memory_space<vmem_shared>>
      tpu.wait_dma2 semaphore(%run_scoped3A : memref<!tpu.dma_semaphore, #tpu.memory_space<semaphore_mem>>) src(%arg5 : memref<640x128xf32, #tpu.memory_space<hbm>>) dst(%dma_wait3A_60 : memref<640x128xf32, #tpu.memory_space<vmem_shared>>)
      tpu.yield
    }) : () -> ()
    %barrier3A_16 = arith.constant 0 : index
    tpu.barrier barrier_id(%barrier3A_16)
    %mul3A_17 = arith.constant 39040 : i32
    %mul3A_18 = arith.muli %arg0, %mul3A_17 : i32
    %mul3A_19 = arith.constant 2440 : i32
    %mul3A_20 = arith.muli %arg1, %mul3A_19 : i32
    %add3A_21 = arith.addi %mul3A_18, %mul3A_20 : i32
    %scan3A_22 = arith.constant 0 : i32
    %scan3A_23 = arith.constant 0 : i32
    %scan3A_24 = arith.constant 9 : i32
    %scan3A_25 = arith.addi %scan3A_23, %scan3A_24 : i32
    %scan3A_26 = arith.constant 1 : i32
    scf.for %scan3A_57 = %scan3A_23 to %scan3A_25 step %scan3A_26  : i32 {
      %mul3A_58 = arith.constant 256 : i32
      %mul3A_59 = arith.muli %scan3A_57, %mul3A_58 : i32
      %add3A_60 = arith.addi %add3A_21, %mul3A_59 : i32
      %add3A_61 = arith.constant 0 : i32
      %add3A_62 = arith.addi %add3A_60, %add3A_61 : i32
      %dma_start3A_63 = tpu.memref_slice %arg4[%add3A_62] : memref<78080xi32, #tpu.memory_space<hbm>> -> memref<128xi32, #tpu.memory_space<hbm>>
      %dma_start3A_64 = tpu.memref_slice %arg4[%add3A_62] : memref<78080xi32, #tpu.memory_space<hbm>> -> memref<128xi32, #tpu.memory_space<hbm>>
      tpu.enqueue_dma source(%dma_start3A_64 : memref<128xi32, #tpu.memory_space<hbm>>) target(%arg8 : memref<128xi32, #tpu.memory_space<vmem>>) target_semaphore(%arg16 : memref<!tpu.dma_semaphore, #tpu.memory_space<semaphore_mem>>)
      %add3A_65 = arith.constant 0 : i32
      %add3A_66 = arith.addi %add3A_60, %add3A_65 : i32
      %dma_start3A_67 = arith.constant 0 : i32
      %dma_start3A_68 = tpu.memref_slice %arg3[%add3A_66, %dma_start3A_67] : memref<78080x128xf32, #tpu.memory_space<hbm>> -> memref<128x128xf32, #tpu.memory_space<hbm>>
      %dma_start3A_69 = arith.constant 0 : i32
      %dma_start3A_70 = tpu.memref_slice %arg3[%add3A_66, %dma_start3A_69] : memref<78080x128xf32, #tpu.memory_space<hbm>> -> memref<128x128xf32, #tpu.memory_space<hbm>>
      tpu.enqueue_dma source(%dma_start3A_70 : memref<128x128xf32, #tpu.memory_space<hbm>>) target(%arg10 : memref<128x128xf32, #tpu.memory_space<vmem>>) target_semaphore(%arg16 : memref<!tpu.dma_semaphore, #tpu.memory_space<semaphore_mem>>)
      %add3A_71 = arith.constant 128 : i32
      %add3A_72 = arith.addi %add3A_60, %add3A_71 : i32
      %dma_start3A_73 = tpu.memref_slice %arg4[%add3A_72] : memref<78080xi32, #tpu.memory_space<hbm>> -> memref<128xi32, #tpu.memory_space<hbm>>
      %dma_start3A_74 = tpu.memref_slice %arg4[%add3A_72] : memref<78080xi32, #tpu.memory_space<hbm>> -> memref<128xi32, #tpu.memory_space<hbm>>
      tpu.enqueue_dma source(%dma_start3A_74 : memref<128xi32, #tpu.memory_space<hbm>>) target(%arg9 : memref<128xi32, #tpu.memory_space<vmem>>) target_semaphore(%arg16 : memref<!tpu.dma_semaphore, #tpu.memory_space<semaphore_mem>>)
      %add3A_75 = arith.constant 128 : i32
      %add3A_76 = arith.addi %add3A_60, %add3A_75 : i32
      %dma_start3A_77 = arith.constant 0 : i32
      %dma_start3A_78 = tpu.memref_slice %arg3[%add3A_76, %dma_start3A_77] : memref<78080x128xf32, #tpu.memory_space<hbm>> -> memref<128x128xf32, #tpu.memory_space<hbm>>
      %dma_start3A_79 = arith.constant 0 : i32
      %dma_start3A_80 = tpu.memref_slice %arg3[%add3A_76, %dma_start3A_79] : memref<78080x128xf32, #tpu.memory_space<hbm>> -> memref<128x128xf32, #tpu.memory_space<hbm>>
      tpu.enqueue_dma source(%dma_start3A_80 : memref<128x128xf32, #tpu.memory_space<hbm>>) target(%arg11 : memref<128x128xf32, #tpu.memory_space<vmem>>) target_semaphore(%arg16 : memref<!tpu.dma_semaphore, #tpu.memory_space<semaphore_mem>>)
      %dma_wait3A_81 = tpu.memref_slice %arg4[%add3A_62] : memref<78080xi32, #tpu.memory_space<hbm>> -> memref<128xi32, #tpu.memory_space<hbm>>
      %dma_wait3A_82 = tpu.memref_slice %arg4[%add3A_62] : memref<78080xi32, #tpu.memory_space<hbm>> -> memref<128xi32, #tpu.memory_space<hbm>>
      tpu.wait_dma2 semaphore(%arg16 : memref<!tpu.dma_semaphore, #tpu.memory_space<semaphore_mem>>) src(%dma_wait3A_82 : memref<128xi32, #tpu.memory_space<hbm>>) dst(%arg8 : memref<128xi32, #tpu.memory_space<vmem>>)
      %dma_wait3A_83 = arith.constant 0 : i32
      %dma_wait3A_84 = tpu.memref_slice %arg3[%add3A_66, %dma_wait3A_83] : memref<78080x128xf32, #tpu.memory_space<hbm>> -> memref<128x128xf32, #tpu.memory_space<hbm>>
      %dma_wait3A_85 = arith.constant 0 : i32
      %dma_wait3A_86 = tpu.memref_slice %arg3[%add3A_66, %dma_wait3A_85] : memref<78080x128xf32, #tpu.memory_space<hbm>> -> memref<128x128xf32, #tpu.memory_space<hbm>>
      tpu.wait_dma2 semaphore(%arg16 : memref<!tpu.dma_semaphore, #tpu.memory_space<semaphore_mem>>) src(%dma_wait3A_86 : memref<128x128xf32, #tpu.memory_space<hbm>>) dst(%arg10 : memref<128x128xf32, #tpu.memory_space<vmem>>)
      %dma_wait3A_87 = tpu.memref_slice %arg4[%add3A_72] : memref<78080xi32, #tpu.memory_space<hbm>> -> memref<128xi32, #tpu.memory_space<hbm>>
      %dma_wait3A_88 = tpu.memref_slice %arg4[%add3A_72] : memref<78080xi32, #tpu.memory_space<hbm>> -> memref<128xi32, #tpu.memory_space<hbm>>
      tpu.wait_dma2 semaphore(%arg16 : memref<!tpu.dma_semaphore, #tpu.memory_space<semaphore_mem>>) src(%dma_wait3A_88 : memref<128xi32, #tpu.memory_space<hbm>>) dst(%arg9 : memref<128xi32, #tpu.memory_space<vmem>>)
      %dma_wait3A_89 = arith.constant 0 : i32
      %dma_wait3A_90 = tpu.memref_slice %arg3[%add3A_76, %dma_wait3A_89] : memref<78080x128xf32, #tpu.memory_space<hbm>> -> memref<128x128xf32, #tpu.memory_space<hbm>>
      %dma_wait3A_91 = arith.constant 0 : i32
      %dma_wait3A_92 = tpu.memref_slice %arg3[%add3A_76, %dma_wait3A_91] : memref<78080x128xf32, #tpu.memory_space<hbm>> -> memref<128x128xf32, #tpu.memory_space<hbm>>
      tpu.wait_dma2 semaphore(%arg16 : memref<!tpu.dma_semaphore, #tpu.memory_space<semaphore_mem>>) src(%dma_wait3A_92 : memref<128x128xf32, #tpu.memory_space<hbm>>) dst(%arg11 : memref<128x128xf32, #tpu.memory_space<vmem>>)
      %dma_start3A_93 = arith.constant 0 : i32
      %dma_start3A_94 = arith.constant 0 : i32
      %dma_start3A_95 = tpu.memref_slice %arg17[%dma_start3A_93, %dma_start3A_94] : memref<10240x128xf32, #tpu.memory_space<vmem_shared>> -> memref<10240x128xf32, #tpu.memory_space<vmem_shared>>
      tpu.enqueue_indirect_dma source(%arg10 : memref<128x128xf32, #tpu.memory_space<vmem>>) target(%dma_start3A_95 : memref<10240x128xf32, #tpu.memory_space<vmem_shared>>) offsets(%arg8 : memref<128xi32, #tpu.memory_space<vmem>>) semaphore(%arg16 : memref<!tpu.dma_semaphore, #tpu.memory_space<semaphore_mem>>) {add = true}
      %dma_start3A_96 = arith.constant 0 : i32
      %dma_start3A_97 = arith.constant 0 : i32
      %dma_start3A_98 = tpu.memref_slice %arg17[%dma_start3A_96, %dma_start3A_97] : memref<10240x128xf32, #tpu.memory_space<vmem_shared>> -> memref<10240x128xf32, #tpu.memory_space<vmem_shared>>
      tpu.enqueue_indirect_dma source(%arg11 : memref<128x128xf32, #tpu.memory_space<vmem>>) target(%dma_start3A_98 : memref<10240x128xf32, #tpu.memory_space<vmem_shared>>) offsets(%arg9 : memref<128xi32, #tpu.memory_space<vmem>>) semaphore(%arg16 : memref<!tpu.dma_semaphore, #tpu.memory_space<semaphore_mem>>) {add = true}
      %dma_wait3A_99 = arith.constant 0 : i32
      %dma_wait3A_100 = arith.constant 0 : i32
      %dma_wait3A_101 = tpu.memref_slice %arg17[%dma_wait3A_99, %dma_wait3A_100] : memref<10240x128xf32, #tpu.memory_space<vmem_shared>> -> memref<10240x128xf32, #tpu.memory_space<vmem_shared>>
      tpu.wait_indirect_dma semaphore(%arg16 : memref<!tpu.dma_semaphore, #tpu.memory_space<semaphore_mem>>) src(%arg10 : memref<128x128xf32, #tpu.memory_space<vmem>>) dst(%dma_wait3A_101 : memref<10240x128xf32, #tpu.memory_space<vmem_shared>>)
      %dma_wait3A_102 = arith.constant 0 : i32
      %dma_wait3A_103 = arith.constant 0 : i32
      %dma_wait3A_104 = tpu.memref_slice %arg17[%dma_wait3A_102, %dma_wait3A_103] : memref<10240x128xf32, #tpu.memory_space<vmem_shared>> -> memref<10240x128xf32, #tpu.memory_space<vmem_shared>>
      tpu.wait_indirect_dma semaphore(%arg16 : memref<!tpu.dma_semaphore, #tpu.memory_space<semaphore_mem>>) src(%arg11 : memref<128x128xf32, #tpu.memory_space<vmem>>) dst(%dma_wait3A_104 : memref<10240x128xf32, #tpu.memory_space<vmem_shared>>)
    }
    %scan3A_27 = arith.constant 9 : i32
    %add3A_28 = arith.constant 2304 : i32
    %add3A_29 = arith.addi %add3A_21, %add3A_28 : i32
    %add3A_30 = arith.constant 0 : i32
    %add3A_31 = arith.addi %add3A_29, %add3A_30 : i32
    %dma_start3A = tpu.memref_slice %arg4[%add3A_31] : memref<78080xi32, #tpu.memory_space<hbm>> -> memref<128xi32, #tpu.memory_space<hbm>>
    %dma_start3A_32 = tpu.memref_slice %arg4[%add3A_31] : memref<78080xi32, #tpu.memory_space<hbm>> -> memref<128xi32, #tpu.memory_space<hbm>>
    tpu.enqueue_dma source(%dma_start3A_32 : memref<128xi32, #tpu.memory_space<hbm>>) target(%arg8 : memref<128xi32, #tpu.memory_space<vmem>>) target_semaphore(%arg16 : memref<!tpu.dma_semaphore, #tpu.memory_space<semaphore_mem>>)
    %add3A_33 = arith.constant 0 : i32
    %add3A_34 = arith.addi %add3A_29, %add3A_33 : i32
    %dma_start3A_35 = arith.constant 0 : i32
    %dma_start3A_36 = tpu.memref_slice %arg3[%add3A_34, %dma_start3A_35] : memref<78080x128xf32, #tpu.memory_space<hbm>> -> memref<128x128xf32, #tpu.memory_space<hbm>>
    %dma_start3A_37 = arith.constant 0 : i32
    %dma_start3A_38 = tpu.memref_slice %arg3[%add3A_34, %dma_start3A_37] : memref<78080x128xf32, #tpu.memory_space<hbm>> -> memref<128x128xf32, #tpu.memory_space<hbm>>
    tpu.enqueue_dma source(%dma_start3A_38 : memref<128x128xf32, #tpu.memory_space<hbm>>) target(%arg10 : memref<128x128xf32, #tpu.memory_space<vmem>>) target_semaphore(%arg16 : memref<!tpu.dma_semaphore, #tpu.memory_space<semaphore_mem>>)
    %dma_wait3A = tpu.memref_slice %arg4[%add3A_31] : memref<78080xi32, #tpu.memory_space<hbm>> -> memref<128xi32, #tpu.memory_space<hbm>>
    %dma_wait3A_39 = tpu.memref_slice %arg4[%add3A_31] : memref<78080xi32, #tpu.memory_space<hbm>> -> memref<128xi32, #tpu.memory_space<hbm>>
    tpu.wait_dma2 semaphore(%arg16 : memref<!tpu.dma_semaphore, #tpu.memory_space<semaphore_mem>>) src(%dma_wait3A_39 : memref<128xi32, #tpu.memory_space<hbm>>) dst(%arg8 : memref<128xi32, #tpu.memory_space<vmem>>)
    %dma_wait3A_40 = arith.constant 0 : i32
    %dma_wait3A_41 = tpu.memref_slice %arg3[%add3A_34, %dma_wait3A_40] : memref<78080x128xf32, #tpu.memory_space<hbm>> -> memref<128x128xf32, #tpu.memory_space<hbm>>
    %dma_wait3A_42 = arith.constant 0 : i32
    %dma_wait3A_43 = tpu.memref_slice %arg3[%add3A_34, %dma_wait3A_42] : memref<78080x128xf32, #tpu.memory_space<hbm>> -> memref<128x128xf32, #tpu.memory_space<hbm>>
    tpu.wait_dma2 semaphore(%arg16 : memref<!tpu.dma_semaphore, #tpu.memory_space<semaphore_mem>>) src(%dma_wait3A_43 : memref<128x128xf32, #tpu.memory_space<hbm>>) dst(%arg10 : memref<128x128xf32, #tpu.memory_space<vmem>>)
    %dma_start3A_44 = arith.constant 0 : i32
    %dma_start3A_45 = arith.constant 0 : i32
    %dma_start3A_46 = tpu.memref_slice %arg17[%dma_start3A_44, %dma_start3A_45] : memref<10240x128xf32, #tpu.memory_space<vmem_shared>> -> memref<10240x128xf32, #tpu.memory_space<vmem_shared>>
    tpu.enqueue_indirect_dma source(%arg10 : memref<128x128xf32, #tpu.memory_space<vmem>>) target(%dma_start3A_46 : memref<10240x128xf32, #tpu.memory_space<vmem_shared>>) offsets(%arg8 : memref<128xi32, #tpu.memory_space<vmem>>) semaphore(%arg16 : memref<!tpu.dma_semaphore, #tpu.memory_space<semaphore_mem>>) {add = true}
    %dma_wait3A_47 = arith.constant 0 : i32
    %dma_wait3A_48 = arith.constant 0 : i32
    %dma_wait3A_49 = tpu.memref_slice %arg17[%dma_wait3A_47, %dma_wait3A_48] : memref<10240x128xf32, #tpu.memory_space<vmem_shared>> -> memref<10240x128xf32, #tpu.memory_space<vmem_shared>>
    tpu.wait_indirect_dma semaphore(%arg16 : memref<!tpu.dma_semaphore, #tpu.memory_space<semaphore_mem>>) src(%arg10 : memref<128x128xf32, #tpu.memory_space<vmem>>) dst(%dma_wait3A_49 : memref<10240x128xf32, #tpu.memory_space<vmem_shared>>)
    %add3A_50 = arith.constant 2432 : i32
    %add3A_51 = arith.addi %add3A_21, %add3A_50 : i32
    "tpu.region"() ({
      %run_scoped3A = tpu.sem_alloc : memref<!tpu.dma_semaphore, #tpu.memory_space<semaphore_mem>>
      %dma_start3A_57 = tpu.memref_slice %arg4[%add3A_51] : memref<78080xi32, #tpu.memory_space<hbm>> -> memref<8xi32, #tpu.memory_space<hbm>>
      %dma_start3A_58 = tpu.memref_slice %arg4[%add3A_51] : memref<78080xi32, #tpu.memory_space<hbm>> -> memref<8xi32, #tpu.memory_space<hbm>>
      tpu.enqueue_dma source(%dma_start3A_58 : memref<8xi32, #tpu.memory_space<hbm>>) target(%arg14 : memref<8xi32, #tpu.memory_space<vmem>>) target_semaphore(%run_scoped3A : memref<!tpu.dma_semaphore, #tpu.memory_space<semaphore_mem>>)
      %dma_wait3A_59 = tpu.memref_slice %arg4[%add3A_51] : memref<78080xi32, #tpu.memory_space<hbm>> -> memref<8xi32, #tpu.memory_space<hbm>>
      %dma_wait3A_60 = tpu.memref_slice %arg4[%add3A_51] : memref<78080xi32, #tpu.memory_space<hbm>> -> memref<8xi32, #tpu.memory_space<hbm>>
      tpu.wait_dma2 semaphore(%run_scoped3A : memref<!tpu.dma_semaphore, #tpu.memory_space<semaphore_mem>>) src(%dma_wait3A_60 : memref<8xi32, #tpu.memory_space<hbm>>) dst(%arg14 : memref<8xi32, #tpu.memory_space<vmem>>)
      tpu.yield
    }) : () -> ()
    "tpu.region"() ({
      %run_scoped3A = tpu.sem_alloc : memref<!tpu.dma_semaphore, #tpu.memory_space<semaphore_mem>>
      %dma_start3A_57 = arith.constant 0 : i32
      %dma_start3A_58 = tpu.memref_slice %arg3[%add3A_51, %dma_start3A_57] : memref<78080x128xf32, #tpu.memory_space<hbm>> -> memref<8x128xf32, #tpu.memory_space<hbm>>
      %dma_start3A_59 = arith.constant 0 : i32
      %dma_start3A_60 = tpu.memref_slice %arg3[%add3A_51, %dma_start3A_59] : memref<78080x128xf32, #tpu.memory_space<hbm>> -> memref<8x128xf32, #tpu.memory_space<hbm>>
      tpu.enqueue_dma source(%dma_start3A_60 : memref<8x128xf32, #tpu.memory_space<hbm>>) target(%arg15 : memref<8x128xf32, #tpu.memory_space<vmem>>) target_semaphore(%run_scoped3A : memref<!tpu.dma_semaphore, #tpu.memory_space<semaphore_mem>>)
      %dma_wait3A_61 = arith.constant 0 : i32
      %dma_wait3A_62 = tpu.memref_slice %arg3[%add3A_51, %dma_wait3A_61] : memref<78080x128xf32, #tpu.memory_space<hbm>> -> memref<8x128xf32, #tpu.memory_space<hbm>>
      %dma_wait3A_63 = arith.constant 0 : i32
      %dma_wait3A_64 = tpu.memref_slice %arg3[%add3A_51, %dma_wait3A_63] : memref<78080x128xf32, #tpu.memory_space<hbm>> -> memref<8x128xf32, #tpu.memory_space<hbm>>
      tpu.wait_dma2 semaphore(%run_scoped3A : memref<!tpu.dma_semaphore, #tpu.memory_space<semaphore_mem>>) src(%dma_wait3A_64 : memref<8x128xf32, #tpu.memory_space<hbm>>) dst(%arg15 : memref<8x128xf32, #tpu.memory_space<vmem>>)
      tpu.yield
    }) : () -> ()
    "tpu.region"() ({
      %run_scoped3A = tpu.sem_alloc : memref<!tpu.dma_semaphore, #tpu.memory_space<semaphore_mem>>
      %dma_start3A_57 = arith.constant 0 : i32
      %dma_start3A_58 = arith.constant 0 : i32
      %dma_start3A_59 = tpu.memref_slice %arg17[%dma_start3A_57, %dma_start3A_58] : memref<10240x128xf32, #tpu.memory_space<vmem_shared>> -> memref<10240x128xf32, #tpu.memory_space<vmem_shared>>
      tpu.enqueue_indirect_dma source(%arg15 : memref<8x128xf32, #tpu.memory_space<vmem>>) target(%dma_start3A_59 : memref<10240x128xf32, #tpu.memory_space<vmem_shared>>) offsets(%arg14 : memref<8xi32, #tpu.memory_space<vmem>>) semaphore(%run_scoped3A : memref<!tpu.dma_semaphore, #tpu.memory_space<semaphore_mem>>) {add = true}
      %dma_wait3A_60 = arith.constant 0 : i32
      %dma_wait3A_61 = arith.constant 0 : i32
      %dma_wait3A_62 = tpu.memref_slice %arg17[%dma_wait3A_60, %dma_wait3A_61] : memref<10240x128xf32, #tpu.memory_space<vmem_shared>> -> memref<10240x128xf32, #tpu.memory_space<vmem_shared>>
      tpu.wait_indirect_dma semaphore(%run_scoped3A : memref<!tpu.dma_semaphore, #tpu.memory_space<semaphore_mem>>) src(%arg15 : memref<8x128xf32, #tpu.memory_space<vmem>>) dst(%dma_wait3A_62 : memref<10240x128xf32, #tpu.memory_space<vmem_shared>>)
      tpu.yield
    }) : () -> ()
    %barrier3A_52 = arith.constant 0 : index
    tpu.barrier barrier_id(%barrier3A_52)
    %mul3A_53 = arith.constant 640 : i32
    %mul3A_54 = arith.muli %arg1, %mul3A_53 : i32
    %mul3A_55 = arith.constant 640 : i32
    %mul3A_56 = arith.muli %arg1, %mul3A_55 : i32
    "tpu.region"() ({
      %run_scoped3A = tpu.sem_alloc : memref<!tpu.dma_semaphore, #tpu.memory_space<semaphore_mem>>
      %dma_start3A_57 = arith.constant 0 : i32
      %dma_start3A_58 = tpu.memref_slice %arg7[%arg0, %mul3A_56, %dma_start3A_57] : memref<2x10240x128xf32, #tpu.memory_space<hbm>> -> memref<1x640x128xf32, #tpu.memory_space<hbm>>
      %dma_start3A_59 = tpu.memref_squeeze %dma_start3A_58 : memref<1x640x128xf32, #tpu.memory_space<hbm>> -> memref<640x128xf32, #tpu.memory_space<hbm>>
      %dma_start3A_60 = arith.constant 0 : i32
      %dma_start3A_61 = tpu.memref_slice %arg17[%mul3A_54, %dma_start3A_60] : memref<10240x128xf32, #tpu.memory_space<vmem_shared>> -> memref<640x128xf32, #tpu.memory_space<vmem_shared>>
      tpu.enqueue_dma source(%dma_start3A_61 : memref<640x128xf32, #tpu.memory_space<vmem_shared>>) target(%dma_start3A_59 : memref<640x128xf32, #tpu.memory_space<hbm>>) target_semaphore(%run_scoped3A : memref<!tpu.dma_semaphore, #tpu.memory_space<semaphore_mem>>)
      %dma_wait3A_62 = arith.constant 0 : i32
      %dma_wait3A_63 = tpu.memref_slice %arg7[%arg0, %mul3A_56, %dma_wait3A_62] : memref<2x10240x128xf32, #tpu.memory_space<hbm>> -> memref<1x640x128xf32, #tpu.memory_space<hbm>>
      %dma_wait3A_64 = tpu.memref_squeeze %dma_wait3A_63 : memref<1x640x128xf32, #tpu.memory_space<hbm>> -> memref<640x128xf32, #tpu.memory_space<hbm>>
      %dma_wait3A_65 = arith.constant 0 : i32
      %dma_wait3A_66 = tpu.memref_slice %arg17[%mul3A_54, %dma_wait3A_65] : memref<10240x128xf32, #tpu.memory_space<vmem_shared>> -> memref<640x128xf32, #tpu.memory_space<vmem_shared>>
      tpu.wait_dma2 semaphore(%run_scoped3A : memref<!tpu.dma_semaphore, #tpu.memory_space<semaphore_mem>>) src(%dma_wait3A_66 : memref<640x128xf32, #tpu.memory_space<vmem_shared>>) dst(%dma_wait3A_64 : memref<640x128xf32, #tpu.memory_space<hbm>>)
      tpu.yield
    }) : () -> ()
    return
  }
}

#map = affine_map<(d0, d1) -> (0, 0)>
#map1 = affine_map<(d0, d1) -> (0)>
module attributes {stable_mosaic.version = 14 : i64} {
  func.func @sc_g1b(%arg0: i32, %arg1: i32, %arg2: memref<10240x256xf32, #tpu.memory_space<hbm>>, %arg3: memref<78080xi32, #tpu.memory_space<hbm>>, %arg4: memref<78080xi32, #tpu.memory_space<hbm>>, %arg5: memref<78080x256xf32, #tpu.memory_space<hbm>>, %arg6: memref<78080x256xf32, #tpu.memory_space<hbm>>, %arg7: memref<2440xi32, #tpu.memory_space<vmem>>, %arg8: memref<128x256xf32, #tpu.memory_space<vmem>>, %arg9: memref<128x256xf32, #tpu.memory_space<vmem>>, %arg10: memref<128x256xf32, #tpu.memory_space<vmem>>, %arg11: memref<8x256xf32, #tpu.memory_space<vmem>>, %arg12: memref<!tpu.dma_semaphore, #tpu.memory_space<semaphore_mem>>) attributes {dimension_semantics = [#tpu.dimension_semantics<core_parallel>, #tpu.dimension_semantics<subcore_parallel>], iteration_bounds = array<i64: 2, 16>, scalar_prefetch = 0 : i64, scratch_operands = 6 : i64, tpu.core_type = #tpu.core_type<sc_vector_subcore>, window_params = [{transform_indices = #map}, {transform_indices = #map1}, {transform_indices = #map1}, {transform_indices = #map}, {transform_indices = #map}]} {
    %mul3A = arith.constant 2 : i32
    %mul3A_0 = arith.muli %arg1, %mul3A : i32
    %add3A = arith.addi %mul3A_0, %arg0 : i32
    %mul3A_1 = arith.constant 2440 : i32
    %mul3A_2 = arith.muli %add3A, %mul3A_1 : i32
    "tpu.region"() ({
      %run_scoped3A = tpu.sem_alloc : memref<!tpu.dma_semaphore, #tpu.memory_space<semaphore_mem>>
      %dma_start3A_60 = tpu.memref_slice %arg3[%mul3A_2] : memref<78080xi32, #tpu.memory_space<hbm>> -> memref<2440xi32, #tpu.memory_space<hbm>>
      %dma_start3A_61 = tpu.memref_slice %arg3[%mul3A_2] : memref<78080xi32, #tpu.memory_space<hbm>> -> memref<2440xi32, #tpu.memory_space<hbm>>
      tpu.enqueue_dma source(%dma_start3A_61 : memref<2440xi32, #tpu.memory_space<hbm>>) target(%arg7 : memref<2440xi32, #tpu.memory_space<vmem>>) target_semaphore(%run_scoped3A : memref<!tpu.dma_semaphore, #tpu.memory_space<semaphore_mem>>)
      %dma_wait3A_62 = tpu.memref_slice %arg3[%mul3A_2] : memref<78080xi32, #tpu.memory_space<hbm>> -> memref<2440xi32, #tpu.memory_space<hbm>>
      %dma_wait3A_63 = tpu.memref_slice %arg3[%mul3A_2] : memref<78080xi32, #tpu.memory_space<hbm>> -> memref<2440xi32, #tpu.memory_space<hbm>>
      tpu.wait_dma2 semaphore(%run_scoped3A : memref<!tpu.dma_semaphore, #tpu.memory_space<semaphore_mem>>) src(%dma_wait3A_63 : memref<2440xi32, #tpu.memory_space<hbm>>) dst(%arg7 : memref<2440xi32, #tpu.memory_space<vmem>>)
      tpu.yield
    }) : () -> ()
    %scan3A = arith.constant 0 : i32
    %scan3A_3 = arith.constant 0 : i32
    %scan3A_4 = arith.constant 6 : i32
    %scan3A_5 = arith.addi %scan3A_3, %scan3A_4 : i32
    %scan3A_6 = arith.constant 1 : i32
    scf.for %scan3A_60 = %scan3A_3 to %scan3A_5 step %scan3A_6  : i32 {
      %mul3A_61 = arith.constant 384 : i32
      %mul3A_62 = arith.muli %scan3A_60, %mul3A_61 : i32
      %add3A_63 = arith.constant 0 : i32
      %add3A_64 = arith.addi %mul3A_62, %add3A_63 : i32
      %dma_start3A_65 = tpu.memref_slice %arg7[%add3A_64] : memref<2440xi32, #tpu.memory_space<vmem>> -> memref<128xi32, #tpu.memory_space<vmem>>
      %dma_start3A_66 = arith.constant 0 : i32
      %dma_start3A_67 = arith.constant 0 : i32
      %dma_start3A_68 = tpu.memref_slice %arg2[%dma_start3A_66, %dma_start3A_67] : memref<10240x256xf32, #tpu.memory_space<hbm>> -> memref<10240x256xf32, #tpu.memory_space<hbm>>
      tpu.enqueue_indirect_dma source(%dma_start3A_68 : memref<10240x256xf32, #tpu.memory_space<hbm>>) target(%arg8 : memref<128x256xf32, #tpu.memory_space<vmem>>) offsets(%dma_start3A_65 : memref<128xi32, #tpu.memory_space<vmem>>) semaphore(%arg12 : memref<!tpu.dma_semaphore, #tpu.memory_space<semaphore_mem>>)
      %add3A_69 = arith.constant 128 : i32
      %add3A_70 = arith.addi %mul3A_62, %add3A_69 : i32
      %dma_start3A_71 = tpu.memref_slice %arg7[%add3A_70] : memref<2440xi32, #tpu.memory_space<vmem>> -> memref<128xi32, #tpu.memory_space<vmem>>
      %dma_start3A_72 = arith.constant 0 : i32
      %dma_start3A_73 = arith.constant 0 : i32
      %dma_start3A_74 = tpu.memref_slice %arg2[%dma_start3A_72, %dma_start3A_73] : memref<10240x256xf32, #tpu.memory_space<hbm>> -> memref<10240x256xf32, #tpu.memory_space<hbm>>
      tpu.enqueue_indirect_dma source(%dma_start3A_74 : memref<10240x256xf32, #tpu.memory_space<hbm>>) target(%arg9 : memref<128x256xf32, #tpu.memory_space<vmem>>) offsets(%dma_start3A_71 : memref<128xi32, #tpu.memory_space<vmem>>) semaphore(%arg12 : memref<!tpu.dma_semaphore, #tpu.memory_space<semaphore_mem>>)
      %add3A_75 = arith.constant 256 : i32
      %add3A_76 = arith.addi %mul3A_62, %add3A_75 : i32
      %dma_start3A_77 = tpu.memref_slice %arg7[%add3A_76] : memref<2440xi32, #tpu.memory_space<vmem>> -> memref<128xi32, #tpu.memory_space<vmem>>
      %dma_start3A_78 = arith.constant 0 : i32
      %dma_start3A_79 = arith.constant 0 : i32
      %dma_start3A_80 = tpu.memref_slice %arg2[%dma_start3A_78, %dma_start3A_79] : memref<10240x256xf32, #tpu.memory_space<hbm>> -> memref<10240x256xf32, #tpu.memory_space<hbm>>
      tpu.enqueue_indirect_dma source(%dma_start3A_80 : memref<10240x256xf32, #tpu.memory_space<hbm>>) target(%arg10 : memref<128x256xf32, #tpu.memory_space<vmem>>) offsets(%dma_start3A_77 : memref<128xi32, #tpu.memory_space<vmem>>) semaphore(%arg12 : memref<!tpu.dma_semaphore, #tpu.memory_space<semaphore_mem>>)
      %dma_wait3A_81 = tpu.memref_slice %arg7[%add3A_64] : memref<2440xi32, #tpu.memory_space<vmem>> -> memref<128xi32, #tpu.memory_space<vmem>>
      %dma_wait3A_82 = arith.constant 0 : i32
      %dma_wait3A_83 = arith.constant 0 : i32
      %dma_wait3A_84 = tpu.memref_slice %arg2[%dma_wait3A_82, %dma_wait3A_83] : memref<10240x256xf32, #tpu.memory_space<hbm>> -> memref<10240x256xf32, #tpu.memory_space<hbm>>
      tpu.wait_indirect_dma semaphore(%arg12 : memref<!tpu.dma_semaphore, #tpu.memory_space<semaphore_mem>>) src(%dma_wait3A_84 : memref<10240x256xf32, #tpu.memory_space<hbm>>) dst(%arg8 : memref<128x256xf32, #tpu.memory_space<vmem>>)
      %dma_wait3A_85 = tpu.memref_slice %arg7[%add3A_70] : memref<2440xi32, #tpu.memory_space<vmem>> -> memref<128xi32, #tpu.memory_space<vmem>>
      %dma_wait3A_86 = arith.constant 0 : i32
      %dma_wait3A_87 = arith.constant 0 : i32
      %dma_wait3A_88 = tpu.memref_slice %arg2[%dma_wait3A_86, %dma_wait3A_87] : memref<10240x256xf32, #tpu.memory_space<hbm>> -> memref<10240x256xf32, #tpu.memory_space<hbm>>
      tpu.wait_indirect_dma semaphore(%arg12 : memref<!tpu.dma_semaphore, #tpu.memory_space<semaphore_mem>>) src(%dma_wait3A_88 : memref<10240x256xf32, #tpu.memory_space<hbm>>) dst(%arg9 : memref<128x256xf32, #tpu.memory_space<vmem>>)
      %dma_wait3A_89 = tpu.memref_slice %arg7[%add3A_76] : memref<2440xi32, #tpu.memory_space<vmem>> -> memref<128xi32, #tpu.memory_space<vmem>>
      %dma_wait3A_90 = arith.constant 0 : i32
      %dma_wait3A_91 = arith.constant 0 : i32
      %dma_wait3A_92 = tpu.memref_slice %arg2[%dma_wait3A_90, %dma_wait3A_91] : memref<10240x256xf32, #tpu.memory_space<hbm>> -> memref<10240x256xf32, #tpu.memory_space<hbm>>
      tpu.wait_indirect_dma semaphore(%arg12 : memref<!tpu.dma_semaphore, #tpu.memory_space<semaphore_mem>>) src(%dma_wait3A_92 : memref<10240x256xf32, #tpu.memory_space<hbm>>) dst(%arg10 : memref<128x256xf32, #tpu.memory_space<vmem>>)
      %add3A_93 = arith.addi %mul3A_2, %mul3A_62 : i32
      %add3A_94 = arith.constant 0 : i32
      %add3A_95 = arith.addi %add3A_93, %add3A_94 : i32
      %dma_start3A_96 = arith.constant 0 : i32
      %dma_start3A_97 = tpu.memref_slice %arg5[%add3A_95, %dma_start3A_96] : memref<78080x256xf32, #tpu.memory_space<hbm>> -> memref<128x256xf32, #tpu.memory_space<hbm>>
      %dma_start3A_98 = arith.constant 0 : i32
      %dma_start3A_99 = tpu.memref_slice %arg5[%add3A_95, %dma_start3A_98] : memref<78080x256xf32, #tpu.memory_space<hbm>> -> memref<128x256xf32, #tpu.memory_space<hbm>>
      tpu.enqueue_dma source(%arg8 : memref<128x256xf32, #tpu.memory_space<vmem>>) target(%dma_start3A_99 : memref<128x256xf32, #tpu.memory_space<hbm>>) target_semaphore(%arg12 : memref<!tpu.dma_semaphore, #tpu.memory_space<semaphore_mem>>)
      %add3A_100 = arith.addi %mul3A_2, %mul3A_62 : i32
      %add3A_101 = arith.constant 128 : i32
      %add3A_102 = arith.addi %add3A_100, %add3A_101 : i32
      %dma_start3A_103 = arith.constant 0 : i32
      %dma_start3A_104 = tpu.memref_slice %arg5[%add3A_102, %dma_start3A_103] : memref<78080x256xf32, #tpu.memory_space<hbm>> -> memref<128x256xf32, #tpu.memory_space<hbm>>
      %dma_start3A_105 = arith.constant 0 : i32
      %dma_start3A_106 = tpu.memref_slice %arg5[%add3A_102, %dma_start3A_105] : memref<78080x256xf32, #tpu.memory_space<hbm>> -> memref<128x256xf32, #tpu.memory_space<hbm>>
      tpu.enqueue_dma source(%arg9 : memref<128x256xf32, #tpu.memory_space<vmem>>) target(%dma_start3A_106 : memref<128x256xf32, #tpu.memory_space<hbm>>) target_semaphore(%arg12 : memref<!tpu.dma_semaphore, #tpu.memory_space<semaphore_mem>>)
      %add3A_107 = arith.addi %mul3A_2, %mul3A_62 : i32
      %add3A_108 = arith.constant 256 : i32
      %add3A_109 = arith.addi %add3A_107, %add3A_108 : i32
      %dma_start3A_110 = arith.constant 0 : i32
      %dma_start3A_111 = tpu.memref_slice %arg5[%add3A_109, %dma_start3A_110] : memref<78080x256xf32, #tpu.memory_space<hbm>> -> memref<128x256xf32, #tpu.memory_space<hbm>>
      %dma_start3A_112 = arith.constant 0 : i32
      %dma_start3A_113 = tpu.memref_slice %arg5[%add3A_109, %dma_start3A_112] : memref<78080x256xf32, #tpu.memory_space<hbm>> -> memref<128x256xf32, #tpu.memory_space<hbm>>
      tpu.enqueue_dma source(%arg10 : memref<128x256xf32, #tpu.memory_space<vmem>>) target(%dma_start3A_113 : memref<128x256xf32, #tpu.memory_space<hbm>>) target_semaphore(%arg12 : memref<!tpu.dma_semaphore, #tpu.memory_space<semaphore_mem>>)
      %dma_wait3A_114 = arith.constant 0 : i32
      %dma_wait3A_115 = tpu.memref_slice %arg5[%add3A_95, %dma_wait3A_114] : memref<78080x256xf32, #tpu.memory_space<hbm>> -> memref<128x256xf32, #tpu.memory_space<hbm>>
      %dma_wait3A_116 = arith.constant 0 : i32
      %dma_wait3A_117 = tpu.memref_slice %arg5[%add3A_95, %dma_wait3A_116] : memref<78080x256xf32, #tpu.memory_space<hbm>> -> memref<128x256xf32, #tpu.memory_space<hbm>>
      tpu.wait_dma2 semaphore(%arg12 : memref<!tpu.dma_semaphore, #tpu.memory_space<semaphore_mem>>) src(%arg8 : memref<128x256xf32, #tpu.memory_space<vmem>>) dst(%dma_wait3A_117 : memref<128x256xf32, #tpu.memory_space<hbm>>)
      %dma_wait3A_118 = arith.constant 0 : i32
      %dma_wait3A_119 = tpu.memref_slice %arg5[%add3A_102, %dma_wait3A_118] : memref<78080x256xf32, #tpu.memory_space<hbm>> -> memref<128x256xf32, #tpu.memory_space<hbm>>
      %dma_wait3A_120 = arith.constant 0 : i32
      %dma_wait3A_121 = tpu.memref_slice %arg5[%add3A_102, %dma_wait3A_120] : memref<78080x256xf32, #tpu.memory_space<hbm>> -> memref<128x256xf32, #tpu.memory_space<hbm>>
      tpu.wait_dma2 semaphore(%arg12 : memref<!tpu.dma_semaphore, #tpu.memory_space<semaphore_mem>>) src(%arg9 : memref<128x256xf32, #tpu.memory_space<vmem>>) dst(%dma_wait3A_121 : memref<128x256xf32, #tpu.memory_space<hbm>>)
      %dma_wait3A_122 = arith.constant 0 : i32
      %dma_wait3A_123 = tpu.memref_slice %arg5[%add3A_109, %dma_wait3A_122] : memref<78080x256xf32, #tpu.memory_space<hbm>> -> memref<128x256xf32, #tpu.memory_space<hbm>>
      %dma_wait3A_124 = arith.constant 0 : i32
      %dma_wait3A_125 = tpu.memref_slice %arg5[%add3A_109, %dma_wait3A_124] : memref<78080x256xf32, #tpu.memory_space<hbm>> -> memref<128x256xf32, #tpu.memory_space<hbm>>
      tpu.wait_dma2 semaphore(%arg12 : memref<!tpu.dma_semaphore, #tpu.memory_space<semaphore_mem>>) src(%arg10 : memref<128x256xf32, #tpu.memory_space<vmem>>) dst(%dma_wait3A_125 : memref<128x256xf32, #tpu.memory_space<hbm>>)
    }
    %scan3A_7 = arith.constant 6 : i32
    %dma_start3A = arith.constant 2304 : i32
    %dma_start3A_8 = tpu.memref_slice %arg7[%dma_start3A] : memref<2440xi32, #tpu.memory_space<vmem>> -> memref<128xi32, #tpu.memory_space<vmem>>
    %dma_start3A_9 = arith.constant 0 : i32
    %dma_start3A_10 = arith.constant 0 : i32
    %dma_start3A_11 = tpu.memref_slice %arg2[%dma_start3A_9, %dma_start3A_10] : memref<10240x256xf32, #tpu.memory_space<hbm>> -> memref<10240x256xf32, #tpu.memory_space<hbm>>
    tpu.enqueue_indirect_dma source(%dma_start3A_11 : memref<10240x256xf32, #tpu.memory_space<hbm>>) target(%arg8 : memref<128x256xf32, #tpu.memory_space<vmem>>) offsets(%dma_start3A_8 : memref<128xi32, #tpu.memory_space<vmem>>) semaphore(%arg12 : memref<!tpu.dma_semaphore, #tpu.memory_space<semaphore_mem>>)
    %dma_wait3A = arith.constant 2304 : i32
    %dma_wait3A_12 = tpu.memref_slice %arg7[%dma_wait3A] : memref<2440xi32, #tpu.memory_space<vmem>> -> memref<128xi32, #tpu.memory_space<vmem>>
    %dma_wait3A_13 = arith.constant 0 : i32
    %dma_wait3A_14 = arith.constant 0 : i32
    %dma_wait3A_15 = tpu.memref_slice %arg2[%dma_wait3A_13, %dma_wait3A_14] : memref<10240x256xf32, #tpu.memory_space<hbm>> -> memref<10240x256xf32, #tpu.memory_space<hbm>>
    tpu.wait_indirect_dma semaphore(%arg12 : memref<!tpu.dma_semaphore, #tpu.memory_space<semaphore_mem>>) src(%dma_wait3A_15 : memref<10240x256xf32, #tpu.memory_space<hbm>>) dst(%arg8 : memref<128x256xf32, #tpu.memory_space<vmem>>)
    %add3A_16 = arith.constant 2304 : i32
    %add3A_17 = arith.addi %mul3A_2, %add3A_16 : i32
    %add3A_18 = arith.constant 0 : i32
    %add3A_19 = arith.addi %add3A_17, %add3A_18 : i32
    %dma_start3A_20 = arith.constant 0 : i32
    %dma_start3A_21 = tpu.memref_slice %arg5[%add3A_19, %dma_start3A_20] : memref<78080x256xf32, #tpu.memory_space<hbm>> -> memref<128x256xf32, #tpu.memory_space<hbm>>
    %dma_start3A_22 = arith.constant 0 : i32
    %dma_start3A_23 = tpu.memref_slice %arg5[%add3A_19, %dma_start3A_22] : memref<78080x256xf32, #tpu.memory_space<hbm>> -> memref<128x256xf32, #tpu.memory_space<hbm>>
    tpu.enqueue_dma source(%arg8 : memref<128x256xf32, #tpu.memory_space<vmem>>) target(%dma_start3A_23 : memref<128x256xf32, #tpu.memory_space<hbm>>) target_semaphore(%arg12 : memref<!tpu.dma_semaphore, #tpu.memory_space<semaphore_mem>>)
    %dma_wait3A_24 = arith.constant 0 : i32
    %dma_wait3A_25 = tpu.memref_slice %arg5[%add3A_19, %dma_wait3A_24] : memref<78080x256xf32, #tpu.memory_space<hbm>> -> memref<128x256xf32, #tpu.memory_space<hbm>>
    %dma_wait3A_26 = arith.constant 0 : i32
    %dma_wait3A_27 = tpu.memref_slice %arg5[%add3A_19, %dma_wait3A_26] : memref<78080x256xf32, #tpu.memory_space<hbm>> -> memref<128x256xf32, #tpu.memory_space<hbm>>
    tpu.wait_dma2 semaphore(%arg12 : memref<!tpu.dma_semaphore, #tpu.memory_space<semaphore_mem>>) src(%arg8 : memref<128x256xf32, #tpu.memory_space<vmem>>) dst(%dma_wait3A_27 : memref<128x256xf32, #tpu.memory_space<hbm>>)
    "tpu.region"() ({
      %run_scoped3A = tpu.sem_alloc : memref<!tpu.dma_semaphore, #tpu.memory_space<semaphore_mem>>
      %dma_start3A_60 = arith.constant 2432 : i32
      %dma_start3A_61 = tpu.memref_slice %arg7[%dma_start3A_60] : memref<2440xi32, #tpu.memory_space<vmem>> -> memref<8xi32, #tpu.memory_space<vmem>>
      %dma_start3A_62 = arith.constant 0 : i32
      %dma_start3A_63 = arith.constant 0 : i32
      %dma_start3A_64 = tpu.memref_slice %arg2[%dma_start3A_62, %dma_start3A_63] : memref<10240x256xf32, #tpu.memory_space<hbm>> -> memref<10240x256xf32, #tpu.memory_space<hbm>>
      tpu.enqueue_indirect_dma source(%dma_start3A_64 : memref<10240x256xf32, #tpu.memory_space<hbm>>) target(%arg11 : memref<8x256xf32, #tpu.memory_space<vmem>>) offsets(%dma_start3A_61 : memref<8xi32, #tpu.memory_space<vmem>>) semaphore(%run_scoped3A : memref<!tpu.dma_semaphore, #tpu.memory_space<semaphore_mem>>)
      %dma_wait3A_65 = arith.constant 2432 : i32
      %dma_wait3A_66 = tpu.memref_slice %arg7[%dma_wait3A_65] : memref<2440xi32, #tpu.memory_space<vmem>> -> memref<8xi32, #tpu.memory_space<vmem>>
      %dma_wait3A_67 = arith.constant 0 : i32
      %dma_wait3A_68 = arith.constant 0 : i32
      %dma_wait3A_69 = tpu.memref_slice %arg2[%dma_wait3A_67, %dma_wait3A_68] : memref<10240x256xf32, #tpu.memory_space<hbm>> -> memref<10240x256xf32, #tpu.memory_space<hbm>>
      tpu.wait_indirect_dma semaphore(%run_scoped3A : memref<!tpu.dma_semaphore, #tpu.memory_space<semaphore_mem>>) src(%dma_wait3A_69 : memref<10240x256xf32, #tpu.memory_space<hbm>>) dst(%arg11 : memref<8x256xf32, #tpu.memory_space<vmem>>)
      tpu.yield
    }) : () -> ()
    %add3A_28 = arith.constant 2432 : i32
    %add3A_29 = arith.addi %mul3A_2, %add3A_28 : i32
    "tpu.region"() ({
      %run_scoped3A = tpu.sem_alloc : memref<!tpu.dma_semaphore, #tpu.memory_space<semaphore_mem>>
      %dma_start3A_60 = arith.constant 0 : i32
      %dma_start3A_61 = tpu.memref_slice %arg5[%add3A_29, %dma_start3A_60] : memref<78080x256xf32, #tpu.memory_space<hbm>> -> memref<8x256xf32, #tpu.memory_space<hbm>>
      %dma_start3A_62 = arith.constant 0 : i32
      %dma_start3A_63 = tpu.memref_slice %arg5[%add3A_29, %dma_start3A_62] : memref<78080x256xf32, #tpu.memory_space<hbm>> -> memref<8x256xf32, #tpu.memory_space<hbm>>
      tpu.enqueue_dma source(%arg11 : memref<8x256xf32, #tpu.memory_space<vmem>>) target(%dma_start3A_63 : memref<8x256xf32, #tpu.memory_space<hbm>>) target_semaphore(%run_scoped3A : memref<!tpu.dma_semaphore, #tpu.memory_space<semaphore_mem>>)
      %dma_wait3A_64 = arith.constant 0 : i32
      %dma_wait3A_65 = tpu.memref_slice %arg5[%add3A_29, %dma_wait3A_64] : memref<78080x256xf32, #tpu.memory_space<hbm>> -> memref<8x256xf32, #tpu.memory_space<hbm>>
      %dma_wait3A_66 = arith.constant 0 : i32
      %dma_wait3A_67 = tpu.memref_slice %arg5[%add3A_29, %dma_wait3A_66] : memref<78080x256xf32, #tpu.memory_space<hbm>> -> memref<8x256xf32, #tpu.memory_space<hbm>>
      tpu.wait_dma2 semaphore(%run_scoped3A : memref<!tpu.dma_semaphore, #tpu.memory_space<semaphore_mem>>) src(%arg11 : memref<8x256xf32, #tpu.memory_space<vmem>>) dst(%dma_wait3A_67 : memref<8x256xf32, #tpu.memory_space<hbm>>)
      tpu.yield
    }) : () -> ()
    "tpu.region"() ({
      %run_scoped3A = tpu.sem_alloc : memref<!tpu.dma_semaphore, #tpu.memory_space<semaphore_mem>>
      %dma_start3A_60 = tpu.memref_slice %arg4[%mul3A_2] : memref<78080xi32, #tpu.memory_space<hbm>> -> memref<2440xi32, #tpu.memory_space<hbm>>
      %dma_start3A_61 = tpu.memref_slice %arg4[%mul3A_2] : memref<78080xi32, #tpu.memory_space<hbm>> -> memref<2440xi32, #tpu.memory_space<hbm>>
      tpu.enqueue_dma source(%dma_start3A_61 : memref<2440xi32, #tpu.memory_space<hbm>>) target(%arg7 : memref<2440xi32, #tpu.memory_space<vmem>>) target_semaphore(%run_scoped3A : memref<!tpu.dma_semaphore, #tpu.memory_space<semaphore_mem>>)
      %dma_wait3A_62 = tpu.memref_slice %arg4[%mul3A_2] : memref<78080xi32, #tpu.memory_space<hbm>> -> memref<2440xi32, #tpu.memory_space<hbm>>
      %dma_wait3A_63 = tpu.memref_slice %arg4[%mul3A_2] : memref<78080xi32, #tpu.memory_space<hbm>> -> memref<2440xi32, #tpu.memory_space<hbm>>
      tpu.wait_dma2 semaphore(%run_scoped3A : memref<!tpu.dma_semaphore, #tpu.memory_space<semaphore_mem>>) src(%dma_wait3A_63 : memref<2440xi32, #tpu.memory_space<hbm>>) dst(%arg7 : memref<2440xi32, #tpu.memory_space<vmem>>)
      tpu.yield
    }) : () -> ()
    %scan3A_30 = arith.constant 0 : i32
    %scan3A_31 = arith.constant 0 : i32
    %scan3A_32 = arith.constant 6 : i32
    %scan3A_33 = arith.addi %scan3A_31, %scan3A_32 : i32
    %scan3A_34 = arith.constant 1 : i32
    scf.for %scan3A_60 = %scan3A_31 to %scan3A_33 step %scan3A_34  : i32 {
      %mul3A_61 = arith.constant 384 : i32
      %mul3A_62 = arith.muli %scan3A_60, %mul3A_61 : i32
      %add3A_63 = arith.constant 0 : i32
      %add3A_64 = arith.addi %mul3A_62, %add3A_63 : i32
      %dma_start3A_65 = tpu.memref_slice %arg7[%add3A_64] : memref<2440xi32, #tpu.memory_space<vmem>> -> memref<128xi32, #tpu.memory_space<vmem>>
      %dma_start3A_66 = arith.constant 0 : i32
      %dma_start3A_67 = arith.constant 0 : i32
      %dma_start3A_68 = tpu.memref_slice %arg2[%dma_start3A_66, %dma_start3A_67] : memref<10240x256xf32, #tpu.memory_space<hbm>> -> memref<10240x256xf32, #tpu.memory_space<hbm>>
      tpu.enqueue_indirect_dma source(%dma_start3A_68 : memref<10240x256xf32, #tpu.memory_space<hbm>>) target(%arg8 : memref<128x256xf32, #tpu.memory_space<vmem>>) offsets(%dma_start3A_65 : memref<128xi32, #tpu.memory_space<vmem>>) semaphore(%arg12 : memref<!tpu.dma_semaphore, #tpu.memory_space<semaphore_mem>>)
      %add3A_69 = arith.constant 128 : i32
      %add3A_70 = arith.addi %mul3A_62, %add3A_69 : i32
      %dma_start3A_71 = tpu.memref_slice %arg7[%add3A_70] : memref<2440xi32, #tpu.memory_space<vmem>> -> memref<128xi32, #tpu.memory_space<vmem>>
      %dma_start3A_72 = arith.constant 0 : i32
      %dma_start3A_73 = arith.constant 0 : i32
      %dma_start3A_74 = tpu.memref_slice %arg2[%dma_start3A_72, %dma_start3A_73] : memref<10240x256xf32, #tpu.memory_space<hbm>> -> memref<10240x256xf32, #tpu.memory_space<hbm>>
      tpu.enqueue_indirect_dma source(%dma_start3A_74 : memref<10240x256xf32, #tpu.memory_space<hbm>>) target(%arg9 : memref<128x256xf32, #tpu.memory_space<vmem>>) offsets(%dma_start3A_71 : memref<128xi32, #tpu.memory_space<vmem>>) semaphore(%arg12 : memref<!tpu.dma_semaphore, #tpu.memory_space<semaphore_mem>>)
      %add3A_75 = arith.constant 256 : i32
      %add3A_76 = arith.addi %mul3A_62, %add3A_75 : i32
      %dma_start3A_77 = tpu.memref_slice %arg7[%add3A_76] : memref<2440xi32, #tpu.memory_space<vmem>> -> memref<128xi32, #tpu.memory_space<vmem>>
      %dma_start3A_78 = arith.constant 0 : i32
      %dma_start3A_79 = arith.constant 0 : i32
      %dma_start3A_80 = tpu.memref_slice %arg2[%dma_start3A_78, %dma_start3A_79] : memref<10240x256xf32, #tpu.memory_space<hbm>> -> memref<10240x256xf32, #tpu.memory_space<hbm>>
      tpu.enqueue_indirect_dma source(%dma_start3A_80 : memref<10240x256xf32, #tpu.memory_space<hbm>>) target(%arg10 : memref<128x256xf32, #tpu.memory_space<vmem>>) offsets(%dma_start3A_77 : memref<128xi32, #tpu.memory_space<vmem>>) semaphore(%arg12 : memref<!tpu.dma_semaphore, #tpu.memory_space<semaphore_mem>>)
      %dma_wait3A_81 = tpu.memref_slice %arg7[%add3A_64] : memref<2440xi32, #tpu.memory_space<vmem>> -> memref<128xi32, #tpu.memory_space<vmem>>
      %dma_wait3A_82 = arith.constant 0 : i32
      %dma_wait3A_83 = arith.constant 0 : i32
      %dma_wait3A_84 = tpu.memref_slice %arg2[%dma_wait3A_82, %dma_wait3A_83] : memref<10240x256xf32, #tpu.memory_space<hbm>> -> memref<10240x256xf32, #tpu.memory_space<hbm>>
      tpu.wait_indirect_dma semaphore(%arg12 : memref<!tpu.dma_semaphore, #tpu.memory_space<semaphore_mem>>) src(%dma_wait3A_84 : memref<10240x256xf32, #tpu.memory_space<hbm>>) dst(%arg8 : memref<128x256xf32, #tpu.memory_space<vmem>>)
      %dma_wait3A_85 = tpu.memref_slice %arg7[%add3A_70] : memref<2440xi32, #tpu.memory_space<vmem>> -> memref<128xi32, #tpu.memory_space<vmem>>
      %dma_wait3A_86 = arith.constant 0 : i32
      %dma_wait3A_87 = arith.constant 0 : i32
      %dma_wait3A_88 = tpu.memref_slice %arg2[%dma_wait3A_86, %dma_wait3A_87] : memref<10240x256xf32, #tpu.memory_space<hbm>> -> memref<10240x256xf32, #tpu.memory_space<hbm>>
      tpu.wait_indirect_dma semaphore(%arg12 : memref<!tpu.dma_semaphore, #tpu.memory_space<semaphore_mem>>) src(%dma_wait3A_88 : memref<10240x256xf32, #tpu.memory_space<hbm>>) dst(%arg9 : memref<128x256xf32, #tpu.memory_space<vmem>>)
      %dma_wait3A_89 = tpu.memref_slice %arg7[%add3A_76] : memref<2440xi32, #tpu.memory_space<vmem>> -> memref<128xi32, #tpu.memory_space<vmem>>
      %dma_wait3A_90 = arith.constant 0 : i32
      %dma_wait3A_91 = arith.constant 0 : i32
      %dma_wait3A_92 = tpu.memref_slice %arg2[%dma_wait3A_90, %dma_wait3A_91] : memref<10240x256xf32, #tpu.memory_space<hbm>> -> memref<10240x256xf32, #tpu.memory_space<hbm>>
      tpu.wait_indirect_dma semaphore(%arg12 : memref<!tpu.dma_semaphore, #tpu.memory_space<semaphore_mem>>) src(%dma_wait3A_92 : memref<10240x256xf32, #tpu.memory_space<hbm>>) dst(%arg10 : memref<128x256xf32, #tpu.memory_space<vmem>>)
      %add3A_93 = arith.addi %mul3A_2, %mul3A_62 : i32
      %add3A_94 = arith.constant 0 : i32
      %add3A_95 = arith.addi %add3A_93, %add3A_94 : i32
      %dma_start3A_96 = arith.constant 0 : i32
      %dma_start3A_97 = tpu.memref_slice %arg6[%add3A_95, %dma_start3A_96] : memref<78080x256xf32, #tpu.memory_space<hbm>> -> memref<128x256xf32, #tpu.memory_space<hbm>>
      %dma_start3A_98 = arith.constant 0 : i32
      %dma_start3A_99 = tpu.memref_slice %arg6[%add3A_95, %dma_start3A_98] : memref<78080x256xf32, #tpu.memory_space<hbm>> -> memref<128x256xf32, #tpu.memory_space<hbm>>
      tpu.enqueue_dma source(%arg8 : memref<128x256xf32, #tpu.memory_space<vmem>>) target(%dma_start3A_99 : memref<128x256xf32, #tpu.memory_space<hbm>>) target_semaphore(%arg12 : memref<!tpu.dma_semaphore, #tpu.memory_space<semaphore_mem>>)
      %add3A_100 = arith.addi %mul3A_2, %mul3A_62 : i32
      %add3A_101 = arith.constant 128 : i32
      %add3A_102 = arith.addi %add3A_100, %add3A_101 : i32
      %dma_start3A_103 = arith.constant 0 : i32
      %dma_start3A_104 = tpu.memref_slice %arg6[%add3A_102, %dma_start3A_103] : memref<78080x256xf32, #tpu.memory_space<hbm>> -> memref<128x256xf32, #tpu.memory_space<hbm>>
      %dma_start3A_105 = arith.constant 0 : i32
      %dma_start3A_106 = tpu.memref_slice %arg6[%add3A_102, %dma_start3A_105] : memref<78080x256xf32, #tpu.memory_space<hbm>> -> memref<128x256xf32, #tpu.memory_space<hbm>>
      tpu.enqueue_dma source(%arg9 : memref<128x256xf32, #tpu.memory_space<vmem>>) target(%dma_start3A_106 : memref<128x256xf32, #tpu.memory_space<hbm>>) target_semaphore(%arg12 : memref<!tpu.dma_semaphore, #tpu.memory_space<semaphore_mem>>)
      %add3A_107 = arith.addi %mul3A_2, %mul3A_62 : i32
      %add3A_108 = arith.constant 256 : i32
      %add3A_109 = arith.addi %add3A_107, %add3A_108 : i32
      %dma_start3A_110 = arith.constant 0 : i32
      %dma_start3A_111 = tpu.memref_slice %arg6[%add3A_109, %dma_start3A_110] : memref<78080x256xf32, #tpu.memory_space<hbm>> -> memref<128x256xf32, #tpu.memory_space<hbm>>
      %dma_start3A_112 = arith.constant 0 : i32
      %dma_start3A_113 = tpu.memref_slice %arg6[%add3A_109, %dma_start3A_112] : memref<78080x256xf32, #tpu.memory_space<hbm>> -> memref<128x256xf32, #tpu.memory_space<hbm>>
      tpu.enqueue_dma source(%arg10 : memref<128x256xf32, #tpu.memory_space<vmem>>) target(%dma_start3A_113 : memref<128x256xf32, #tpu.memory_space<hbm>>) target_semaphore(%arg12 : memref<!tpu.dma_semaphore, #tpu.memory_space<semaphore_mem>>)
      %dma_wait3A_114 = arith.constant 0 : i32
      %dma_wait3A_115 = tpu.memref_slice %arg6[%add3A_95, %dma_wait3A_114] : memref<78080x256xf32, #tpu.memory_space<hbm>> -> memref<128x256xf32, #tpu.memory_space<hbm>>
      %dma_wait3A_116 = arith.constant 0 : i32
      %dma_wait3A_117 = tpu.memref_slice %arg6[%add3A_95, %dma_wait3A_116] : memref<78080x256xf32, #tpu.memory_space<hbm>> -> memref<128x256xf32, #tpu.memory_space<hbm>>
      tpu.wait_dma2 semaphore(%arg12 : memref<!tpu.dma_semaphore, #tpu.memory_space<semaphore_mem>>) src(%arg8 : memref<128x256xf32, #tpu.memory_space<vmem>>) dst(%dma_wait3A_117 : memref<128x256xf32, #tpu.memory_space<hbm>>)
      %dma_wait3A_118 = arith.constant 0 : i32
      %dma_wait3A_119 = tpu.memref_slice %arg6[%add3A_102, %dma_wait3A_118] : memref<78080x256xf32, #tpu.memory_space<hbm>> -> memref<128x256xf32, #tpu.memory_space<hbm>>
      %dma_wait3A_120 = arith.constant 0 : i32
      %dma_wait3A_121 = tpu.memref_slice %arg6[%add3A_102, %dma_wait3A_120] : memref<78080x256xf32, #tpu.memory_space<hbm>> -> memref<128x256xf32, #tpu.memory_space<hbm>>
      tpu.wait_dma2 semaphore(%arg12 : memref<!tpu.dma_semaphore, #tpu.memory_space<semaphore_mem>>) src(%arg9 : memref<128x256xf32, #tpu.memory_space<vmem>>) dst(%dma_wait3A_121 : memref<128x256xf32, #tpu.memory_space<hbm>>)
      %dma_wait3A_122 = arith.constant 0 : i32
      %dma_wait3A_123 = tpu.memref_slice %arg6[%add3A_109, %dma_wait3A_122] : memref<78080x256xf32, #tpu.memory_space<hbm>> -> memref<128x256xf32, #tpu.memory_space<hbm>>
      %dma_wait3A_124 = arith.constant 0 : i32
      %dma_wait3A_125 = tpu.memref_slice %arg6[%add3A_109, %dma_wait3A_124] : memref<78080x256xf32, #tpu.memory_space<hbm>> -> memref<128x256xf32, #tpu.memory_space<hbm>>
      tpu.wait_dma2 semaphore(%arg12 : memref<!tpu.dma_semaphore, #tpu.memory_space<semaphore_mem>>) src(%arg10 : memref<128x256xf32, #tpu.memory_space<vmem>>) dst(%dma_wait3A_125 : memref<128x256xf32, #tpu.memory_space<hbm>>)
    }
    %scan3A_35 = arith.constant 6 : i32
    %dma_start3A_36 = arith.constant 2304 : i32
    %dma_start3A_37 = tpu.memref_slice %arg7[%dma_start3A_36] : memref<2440xi32, #tpu.memory_space<vmem>> -> memref<128xi32, #tpu.memory_space<vmem>>
    %dma_start3A_38 = arith.constant 0 : i32
    %dma_start3A_39 = arith.constant 0 : i32
    %dma_start3A_40 = tpu.memref_slice %arg2[%dma_start3A_38, %dma_start3A_39] : memref<10240x256xf32, #tpu.memory_space<hbm>> -> memref<10240x256xf32, #tpu.memory_space<hbm>>
    tpu.enqueue_indirect_dma source(%dma_start3A_40 : memref<10240x256xf32, #tpu.memory_space<hbm>>) target(%arg8 : memref<128x256xf32, #tpu.memory_space<vmem>>) offsets(%dma_start3A_37 : memref<128xi32, #tpu.memory_space<vmem>>) semaphore(%arg12 : memref<!tpu.dma_semaphore, #tpu.memory_space<semaphore_mem>>)
    %dma_wait3A_41 = arith.constant 2304 : i32
    %dma_wait3A_42 = tpu.memref_slice %arg7[%dma_wait3A_41] : memref<2440xi32, #tpu.memory_space<vmem>> -> memref<128xi32, #tpu.memory_space<vmem>>
    %dma_wait3A_43 = arith.constant 0 : i32
    %dma_wait3A_44 = arith.constant 0 : i32
    %dma_wait3A_45 = tpu.memref_slice %arg2[%dma_wait3A_43, %dma_wait3A_44] : memref<10240x256xf32, #tpu.memory_space<hbm>> -> memref<10240x256xf32, #tpu.memory_space<hbm>>
    tpu.wait_indirect_dma semaphore(%arg12 : memref<!tpu.dma_semaphore, #tpu.memory_space<semaphore_mem>>) src(%dma_wait3A_45 : memref<10240x256xf32, #tpu.memory_space<hbm>>) dst(%arg8 : memref<128x256xf32, #tpu.memory_space<vmem>>)
    %add3A_46 = arith.constant 2304 : i32
    %add3A_47 = arith.addi %mul3A_2, %add3A_46 : i32
    %add3A_48 = arith.constant 0 : i32
    %add3A_49 = arith.addi %add3A_47, %add3A_48 : i32
    %dma_start3A_50 = arith.constant 0 : i32
    %dma_start3A_51 = tpu.memref_slice %arg6[%add3A_49, %dma_start3A_50] : memref<78080x256xf32, #tpu.memory_space<hbm>> -> memref<128x256xf32, #tpu.memory_space<hbm>>
    %dma_start3A_52 = arith.constant 0 : i32
    %dma_start3A_53 = tpu.memref_slice %arg6[%add3A_49, %dma_start3A_52] : memref<78080x256xf32, #tpu.memory_space<hbm>> -> memref<128x256xf32, #tpu.memory_space<hbm>>
    tpu.enqueue_dma source(%arg8 : memref<128x256xf32, #tpu.memory_space<vmem>>) target(%dma_start3A_53 : memref<128x256xf32, #tpu.memory_space<hbm>>) target_semaphore(%arg12 : memref<!tpu.dma_semaphore, #tpu.memory_space<semaphore_mem>>)
    %dma_wait3A_54 = arith.constant 0 : i32
    %dma_wait3A_55 = tpu.memref_slice %arg6[%add3A_49, %dma_wait3A_54] : memref<78080x256xf32, #tpu.memory_space<hbm>> -> memref<128x256xf32, #tpu.memory_space<hbm>>
    %dma_wait3A_56 = arith.constant 0 : i32
    %dma_wait3A_57 = tpu.memref_slice %arg6[%add3A_49, %dma_wait3A_56] : memref<78080x256xf32, #tpu.memory_space<hbm>> -> memref<128x256xf32, #tpu.memory_space<hbm>>
    tpu.wait_dma2 semaphore(%arg12 : memref<!tpu.dma_semaphore, #tpu.memory_space<semaphore_mem>>) src(%arg8 : memref<128x256xf32, #tpu.memory_space<vmem>>) dst(%dma_wait3A_57 : memref<128x256xf32, #tpu.memory_space<hbm>>)
    "tpu.region"() ({
      %run_scoped3A = tpu.sem_alloc : memref<!tpu.dma_semaphore, #tpu.memory_space<semaphore_mem>>
      %dma_start3A_60 = arith.constant 2432 : i32
      %dma_start3A_61 = tpu.memref_slice %arg7[%dma_start3A_60] : memref<2440xi32, #tpu.memory_space<vmem>> -> memref<8xi32, #tpu.memory_space<vmem>>
      %dma_start3A_62 = arith.constant 0 : i32
      %dma_start3A_63 = arith.constant 0 : i32
      %dma_start3A_64 = tpu.memref_slice %arg2[%dma_start3A_62, %dma_start3A_63] : memref<10240x256xf32, #tpu.memory_space<hbm>> -> memref<10240x256xf32, #tpu.memory_space<hbm>>
      tpu.enqueue_indirect_dma source(%dma_start3A_64 : memref<10240x256xf32, #tpu.memory_space<hbm>>) target(%arg11 : memref<8x256xf32, #tpu.memory_space<vmem>>) offsets(%dma_start3A_61 : memref<8xi32, #tpu.memory_space<vmem>>) semaphore(%run_scoped3A : memref<!tpu.dma_semaphore, #tpu.memory_space<semaphore_mem>>)
      %dma_wait3A_65 = arith.constant 2432 : i32
      %dma_wait3A_66 = tpu.memref_slice %arg7[%dma_wait3A_65] : memref<2440xi32, #tpu.memory_space<vmem>> -> memref<8xi32, #tpu.memory_space<vmem>>
      %dma_wait3A_67 = arith.constant 0 : i32
      %dma_wait3A_68 = arith.constant 0 : i32
      %dma_wait3A_69 = tpu.memref_slice %arg2[%dma_wait3A_67, %dma_wait3A_68] : memref<10240x256xf32, #tpu.memory_space<hbm>> -> memref<10240x256xf32, #tpu.memory_space<hbm>>
      tpu.wait_indirect_dma semaphore(%run_scoped3A : memref<!tpu.dma_semaphore, #tpu.memory_space<semaphore_mem>>) src(%dma_wait3A_69 : memref<10240x256xf32, #tpu.memory_space<hbm>>) dst(%arg11 : memref<8x256xf32, #tpu.memory_space<vmem>>)
      tpu.yield
    }) : () -> ()
    %add3A_58 = arith.constant 2432 : i32
    %add3A_59 = arith.addi %mul3A_2, %add3A_58 : i32
    "tpu.region"() ({
      %run_scoped3A = tpu.sem_alloc : memref<!tpu.dma_semaphore, #tpu.memory_space<semaphore_mem>>
      %dma_start3A_60 = arith.constant 0 : i32
      %dma_start3A_61 = tpu.memref_slice %arg6[%add3A_59, %dma_start3A_60] : memref<78080x256xf32, #tpu.memory_space<hbm>> -> memref<8x256xf32, #tpu.memory_space<hbm>>
      %dma_start3A_62 = arith.constant 0 : i32
      %dma_start3A_63 = tpu.memref_slice %arg6[%add3A_59, %dma_start3A_62] : memref<78080x256xf32, #tpu.memory_space<hbm>> -> memref<8x256xf32, #tpu.memory_space<hbm>>
      tpu.enqueue_dma source(%arg11 : memref<8x256xf32, #tpu.memory_space<vmem>>) target(%dma_start3A_63 : memref<8x256xf32, #tpu.memory_space<hbm>>) target_semaphore(%run_scoped3A : memref<!tpu.dma_semaphore, #tpu.memory_space<semaphore_mem>>)
      %dma_wait3A_64 = arith.constant 0 : i32
      %dma_wait3A_65 = tpu.memref_slice %arg6[%add3A_59, %dma_wait3A_64] : memref<78080x256xf32, #tpu.memory_space<hbm>> -> memref<8x256xf32, #tpu.memory_space<hbm>>
      %dma_wait3A_66 = arith.constant 0 : i32
      %dma_wait3A_67 = tpu.memref_slice %arg6[%add3A_59, %dma_wait3A_66] : memref<78080x256xf32, #tpu.memory_space<hbm>> -> memref<8x256xf32, #tpu.memory_space<hbm>>
      tpu.wait_dma2 semaphore(%run_scoped3A : memref<!tpu.dma_semaphore, #tpu.memory_space<semaphore_mem>>) src(%arg11 : memref<8x256xf32, #tpu.memory_space<vmem>>) dst(%dma_wait3A_67 : memref<8x256xf32, #tpu.memory_space<hbm>>)
      tpu.yield
    }) : () -> ()
    return
  }
}

#map = affine_map<(d0, d1) -> (0, 0, 0)>
#map1 = affine_map<(d0, d1) -> (0, 0)>
#map2 = affine_map<(d0, d1) -> (0)>
module attributes {stable_mosaic.version = 14 : i64} {
  func.func @sc_scat_a(%arg0: i32, %arg1: i32, %arg2: memref<2x81920x128xf32, #tpu.memory_space<hbm>>, %arg3: memref<81920x128xf32, #tpu.memory_space<hbm>>, %arg4: memref<81920xi32, #tpu.memory_space<hbm>>, %arg5: memref<640x128xf32, #tpu.memory_space<hbm>>, %arg6: memref<2x10240x128xf32, #tpu.memory_space<hbm>>, %arg7: memref<2x10240x128xf32, #tpu.memory_space<hbm>>, %arg8: memref<128xi32, #tpu.memory_space<vmem>>, %arg9: memref<128xi32, #tpu.memory_space<vmem>>, %arg10: memref<128x128xf32, #tpu.memory_space<vmem>>, %arg11: memref<128x128xf32, #tpu.memory_space<vmem>>, %arg12: memref<!tpu.dma_semaphore, #tpu.memory_space<semaphore_mem>>, %arg13: memref<10240x128xf32, #tpu.memory_space<vmem_shared>>) attributes {dimension_semantics = [#tpu.dimension_semantics<core_parallel>, #tpu.dimension_semantics<subcore_parallel>], iteration_bounds = array<i64: 2, 16>, scalar_prefetch = 0 : i64, scratch_operands = 6 : i64, tpu.core_type = #tpu.core_type<sc_vector_subcore>, window_params = [{transform_indices = #map}, {transform_indices = #map1}, {transform_indices = #map2}, {transform_indices = #map1}, {transform_indices = #map}, {transform_indices = #map}]} {
    %mul3A = arith.constant 640 : i32
    %mul3A_0 = arith.muli %arg1, %mul3A : i32
    "tpu.region"() ({
      %run_scoped3A = tpu.sem_alloc : memref<!tpu.dma_semaphore, #tpu.memory_space<semaphore_mem>>
      %dma_start3A = arith.constant 0 : i32
      %dma_start3A_31 = tpu.memref_slice %arg13[%mul3A_0, %dma_start3A] : memref<10240x128xf32, #tpu.memory_space<vmem_shared>> -> memref<640x128xf32, #tpu.memory_space<vmem_shared>>
      tpu.enqueue_dma source(%arg5 : memref<640x128xf32, #tpu.memory_space<hbm>>) target(%dma_start3A_31 : memref<640x128xf32, #tpu.memory_space<vmem_shared>>) target_semaphore(%run_scoped3A : memref<!tpu.dma_semaphore, #tpu.memory_space<semaphore_mem>>)
      %dma_wait3A = arith.constant 0 : i32
      %dma_wait3A_32 = tpu.memref_slice %arg13[%mul3A_0, %dma_wait3A] : memref<10240x128xf32, #tpu.memory_space<vmem_shared>> -> memref<640x128xf32, #tpu.memory_space<vmem_shared>>
      tpu.wait_dma2 semaphore(%run_scoped3A : memref<!tpu.dma_semaphore, #tpu.memory_space<semaphore_mem>>) src(%arg5 : memref<640x128xf32, #tpu.memory_space<hbm>>) dst(%dma_wait3A_32 : memref<640x128xf32, #tpu.memory_space<vmem_shared>>)
      tpu.yield
    }) : () -> ()
    %barrier3A = arith.constant 0 : index
    tpu.barrier barrier_id(%barrier3A)
    %mul3A_1 = arith.constant 5120 : i32
    %mul3A_2 = arith.muli %arg1, %mul3A_1 : i32
    %scan3A = arith.constant 0 : i32
    %scan3A_3 = arith.constant 0 : i32
    %scan3A_4 = arith.constant 20 : i32
    %scan3A_5 = arith.addi %scan3A_3, %scan3A_4 : i32
    %scan3A_6 = arith.constant 1 : i32
    scf.for %scan3A_31 = %scan3A_3 to %scan3A_5 step %scan3A_6  : i32 {
      %mul3A_32 = arith.constant 256 : i32
      %mul3A_33 = arith.muli %scan3A_31, %mul3A_32 : i32
      %add3A_34 = arith.addi %mul3A_2, %mul3A_33 : i32
      %add3A_35 = arith.constant 0 : i32
      %add3A_36 = arith.addi %add3A_34, %add3A_35 : i32
      %dma_start3A = tpu.memref_slice %arg4[%add3A_36] : memref<81920xi32, #tpu.memory_space<hbm>> -> memref<128xi32, #tpu.memory_space<hbm>>
      %dma_start3A_37 = tpu.memref_slice %arg4[%add3A_36] : memref<81920xi32, #tpu.memory_space<hbm>> -> memref<128xi32, #tpu.memory_space<hbm>>
      tpu.enqueue_dma source(%dma_start3A_37 : memref<128xi32, #tpu.memory_space<hbm>>) target(%arg8 : memref<128xi32, #tpu.memory_space<vmem>>) target_semaphore(%arg12 : memref<!tpu.dma_semaphore, #tpu.memory_space<semaphore_mem>>)
      %add3A_38 = arith.constant 0 : i32
      %add3A_39 = arith.addi %add3A_34, %add3A_38 : i32
      %dma_start3A_40 = arith.constant 0 : i32
      %dma_start3A_41 = tpu.memref_slice %arg2[%arg0, %add3A_39, %dma_start3A_40] : memref<2x81920x128xf32, #tpu.memory_space<hbm>> -> memref<1x128x128xf32, #tpu.memory_space<hbm>>
      %dma_start3A_42 = tpu.memref_squeeze %dma_start3A_41 : memref<1x128x128xf32, #tpu.memory_space<hbm>> -> memref<128x128xf32, #tpu.memory_space<hbm>>
      %dma_start3A_43 = arith.constant 0 : i32
      %dma_start3A_44 = tpu.memref_slice %arg2[%arg0, %add3A_39, %dma_start3A_43] : memref<2x81920x128xf32, #tpu.memory_space<hbm>> -> memref<1x128x128xf32, #tpu.memory_space<hbm>>
      %dma_start3A_45 = tpu.memref_squeeze %dma_start3A_44 : memref<1x128x128xf32, #tpu.memory_space<hbm>> -> memref<128x128xf32, #tpu.memory_space<hbm>>
      tpu.enqueue_dma source(%dma_start3A_45 : memref<128x128xf32, #tpu.memory_space<hbm>>) target(%arg10 : memref<128x128xf32, #tpu.memory_space<vmem>>) target_semaphore(%arg12 : memref<!tpu.dma_semaphore, #tpu.memory_space<semaphore_mem>>)
      %add3A_46 = arith.constant 128 : i32
      %add3A_47 = arith.addi %add3A_34, %add3A_46 : i32
      %dma_start3A_48 = tpu.memref_slice %arg4[%add3A_47] : memref<81920xi32, #tpu.memory_space<hbm>> -> memref<128xi32, #tpu.memory_space<hbm>>
      %dma_start3A_49 = tpu.memref_slice %arg4[%add3A_47] : memref<81920xi32, #tpu.memory_space<hbm>> -> memref<128xi32, #tpu.memory_space<hbm>>
      tpu.enqueue_dma source(%dma_start3A_49 : memref<128xi32, #tpu.memory_space<hbm>>) target(%arg9 : memref<128xi32, #tpu.memory_space<vmem>>) target_semaphore(%arg12 : memref<!tpu.dma_semaphore, #tpu.memory_space<semaphore_mem>>)
      %add3A_50 = arith.constant 128 : i32
      %add3A_51 = arith.addi %add3A_34, %add3A_50 : i32
      %dma_start3A_52 = arith.constant 0 : i32
      %dma_start3A_53 = tpu.memref_slice %arg2[%arg0, %add3A_51, %dma_start3A_52] : memref<2x81920x128xf32, #tpu.memory_space<hbm>> -> memref<1x128x128xf32, #tpu.memory_space<hbm>>
      %dma_start3A_54 = tpu.memref_squeeze %dma_start3A_53 : memref<1x128x128xf32, #tpu.memory_space<hbm>> -> memref<128x128xf32, #tpu.memory_space<hbm>>
      %dma_start3A_55 = arith.constant 0 : i32
      %dma_start3A_56 = tpu.memref_slice %arg2[%arg0, %add3A_51, %dma_start3A_55] : memref<2x81920x128xf32, #tpu.memory_space<hbm>> -> memref<1x128x128xf32, #tpu.memory_space<hbm>>
      %dma_start3A_57 = tpu.memref_squeeze %dma_start3A_56 : memref<1x128x128xf32, #tpu.memory_space<hbm>> -> memref<128x128xf32, #tpu.memory_space<hbm>>
      tpu.enqueue_dma source(%dma_start3A_57 : memref<128x128xf32, #tpu.memory_space<hbm>>) target(%arg11 : memref<128x128xf32, #tpu.memory_space<vmem>>) target_semaphore(%arg12 : memref<!tpu.dma_semaphore, #tpu.memory_space<semaphore_mem>>)
      %dma_wait3A = tpu.memref_slice %arg4[%add3A_36] : memref<81920xi32, #tpu.memory_space<hbm>> -> memref<128xi32, #tpu.memory_space<hbm>>
      %dma_wait3A_58 = tpu.memref_slice %arg4[%add3A_36] : memref<81920xi32, #tpu.memory_space<hbm>> -> memref<128xi32, #tpu.memory_space<hbm>>
      tpu.wait_dma2 semaphore(%arg12 : memref<!tpu.dma_semaphore, #tpu.memory_space<semaphore_mem>>) src(%dma_wait3A_58 : memref<128xi32, #tpu.memory_space<hbm>>) dst(%arg8 : memref<128xi32, #tpu.memory_space<vmem>>)
      %dma_wait3A_59 = arith.constant 0 : i32
      %dma_wait3A_60 = tpu.memref_slice %arg2[%arg0, %add3A_39, %dma_wait3A_59] : memref<2x81920x128xf32, #tpu.memory_space<hbm>> -> memref<1x128x128xf32, #tpu.memory_space<hbm>>
      %dma_wait3A_61 = tpu.memref_squeeze %dma_wait3A_60 : memref<1x128x128xf32, #tpu.memory_space<hbm>> -> memref<128x128xf32, #tpu.memory_space<hbm>>
      %dma_wait3A_62 = arith.constant 0 : i32
      %dma_wait3A_63 = tpu.memref_slice %arg2[%arg0, %add3A_39, %dma_wait3A_62] : memref<2x81920x128xf32, #tpu.memory_space<hbm>> -> memref<1x128x128xf32, #tpu.memory_space<hbm>>
      %dma_wait3A_64 = tpu.memref_squeeze %dma_wait3A_63 : memref<1x128x128xf32, #tpu.memory_space<hbm>> -> memref<128x128xf32, #tpu.memory_space<hbm>>
      tpu.wait_dma2 semaphore(%arg12 : memref<!tpu.dma_semaphore, #tpu.memory_space<semaphore_mem>>) src(%dma_wait3A_64 : memref<128x128xf32, #tpu.memory_space<hbm>>) dst(%arg10 : memref<128x128xf32, #tpu.memory_space<vmem>>)
      %dma_wait3A_65 = tpu.memref_slice %arg4[%add3A_47] : memref<81920xi32, #tpu.memory_space<hbm>> -> memref<128xi32, #tpu.memory_space<hbm>>
      %dma_wait3A_66 = tpu.memref_slice %arg4[%add3A_47] : memref<81920xi32, #tpu.memory_space<hbm>> -> memref<128xi32, #tpu.memory_space<hbm>>
      tpu.wait_dma2 semaphore(%arg12 : memref<!tpu.dma_semaphore, #tpu.memory_space<semaphore_mem>>) src(%dma_wait3A_66 : memref<128xi32, #tpu.memory_space<hbm>>) dst(%arg9 : memref<128xi32, #tpu.memory_space<vmem>>)
      %dma_wait3A_67 = arith.constant 0 : i32
      %dma_wait3A_68 = tpu.memref_slice %arg2[%arg0, %add3A_51, %dma_wait3A_67] : memref<2x81920x128xf32, #tpu.memory_space<hbm>> -> memref<1x128x128xf32, #tpu.memory_space<hbm>>
      %dma_wait3A_69 = tpu.memref_squeeze %dma_wait3A_68 : memref<1x128x128xf32, #tpu.memory_space<hbm>> -> memref<128x128xf32, #tpu.memory_space<hbm>>
      %dma_wait3A_70 = arith.constant 0 : i32
      %dma_wait3A_71 = tpu.memref_slice %arg2[%arg0, %add3A_51, %dma_wait3A_70] : memref<2x81920x128xf32, #tpu.memory_space<hbm>> -> memref<1x128x128xf32, #tpu.memory_space<hbm>>
      %dma_wait3A_72 = tpu.memref_squeeze %dma_wait3A_71 : memref<1x128x128xf32, #tpu.memory_space<hbm>> -> memref<128x128xf32, #tpu.memory_space<hbm>>
      tpu.wait_dma2 semaphore(%arg12 : memref<!tpu.dma_semaphore, #tpu.memory_space<semaphore_mem>>) src(%dma_wait3A_72 : memref<128x128xf32, #tpu.memory_space<hbm>>) dst(%arg11 : memref<128x128xf32, #tpu.memory_space<vmem>>)
      %dma_start3A_73 = arith.constant 0 : i32
      %dma_start3A_74 = arith.constant 0 : i32
      %dma_start3A_75 = tpu.memref_slice %arg13[%dma_start3A_73, %dma_start3A_74] : memref<10240x128xf32, #tpu.memory_space<vmem_shared>> -> memref<10240x128xf32, #tpu.memory_space<vmem_shared>>
      tpu.enqueue_indirect_dma source(%arg10 : memref<128x128xf32, #tpu.memory_space<vmem>>) target(%dma_start3A_75 : memref<10240x128xf32, #tpu.memory_space<vmem_shared>>) offsets(%arg8 : memref<128xi32, #tpu.memory_space<vmem>>) semaphore(%arg12 : memref<!tpu.dma_semaphore, #tpu.memory_space<semaphore_mem>>) {add = true}
      %dma_start3A_76 = arith.constant 0 : i32
      %dma_start3A_77 = arith.constant 0 : i32
      %dma_start3A_78 = tpu.memref_slice %arg13[%dma_start3A_76, %dma_start3A_77] : memref<10240x128xf32, #tpu.memory_space<vmem_shared>> -> memref<10240x128xf32, #tpu.memory_space<vmem_shared>>
      tpu.enqueue_indirect_dma source(%arg11 : memref<128x128xf32, #tpu.memory_space<vmem>>) target(%dma_start3A_78 : memref<10240x128xf32, #tpu.memory_space<vmem_shared>>) offsets(%arg9 : memref<128xi32, #tpu.memory_space<vmem>>) semaphore(%arg12 : memref<!tpu.dma_semaphore, #tpu.memory_space<semaphore_mem>>) {add = true}
      %dma_wait3A_79 = arith.constant 0 : i32
      %dma_wait3A_80 = arith.constant 0 : i32
      %dma_wait3A_81 = tpu.memref_slice %arg13[%dma_wait3A_79, %dma_wait3A_80] : memref<10240x128xf32, #tpu.memory_space<vmem_shared>> -> memref<10240x128xf32, #tpu.memory_space<vmem_shared>>
      tpu.wait_indirect_dma semaphore(%arg12 : memref<!tpu.dma_semaphore, #tpu.memory_space<semaphore_mem>>) src(%arg10 : memref<128x128xf32, #tpu.memory_space<vmem>>) dst(%dma_wait3A_81 : memref<10240x128xf32, #tpu.memory_space<vmem_shared>>)
      %dma_wait3A_82 = arith.constant 0 : i32
      %dma_wait3A_83 = arith.constant 0 : i32
      %dma_wait3A_84 = tpu.memref_slice %arg13[%dma_wait3A_82, %dma_wait3A_83] : memref<10240x128xf32, #tpu.memory_space<vmem_shared>> -> memref<10240x128xf32, #tpu.memory_space<vmem_shared>>
      tpu.wait_indirect_dma semaphore(%arg12 : memref<!tpu.dma_semaphore, #tpu.memory_space<semaphore_mem>>) src(%arg11 : memref<128x128xf32, #tpu.memory_space<vmem>>) dst(%dma_wait3A_84 : memref<10240x128xf32, #tpu.memory_space<vmem_shared>>)
    }
    %scan3A_7 = arith.constant 20 : i32
    %barrier3A_8 = arith.constant 0 : index
    tpu.barrier barrier_id(%barrier3A_8)
    %mul3A_9 = arith.constant 640 : i32
    %mul3A_10 = arith.muli %arg1, %mul3A_9 : i32
    %mul3A_11 = arith.constant 640 : i32
    %mul3A_12 = arith.muli %arg1, %mul3A_11 : i32
    "tpu.region"() ({
      %run_scoped3A = tpu.sem_alloc : memref<!tpu.dma_semaphore, #tpu.memory_space<semaphore_mem>>
      %dma_start3A = arith.constant 0 : i32
      %dma_start3A_31 = tpu.memref_slice %arg6[%arg0, %mul3A_12, %dma_start3A] : memref<2x10240x128xf32, #tpu.memory_space<hbm>> -> memref<1x640x128xf32, #tpu.memory_space<hbm>>
      %dma_start3A_32 = tpu.memref_squeeze %dma_start3A_31 : memref<1x640x128xf32, #tpu.memory_space<hbm>> -> memref<640x128xf32, #tpu.memory_space<hbm>>
      %dma_start3A_33 = arith.constant 0 : i32
      %dma_start3A_34 = tpu.memref_slice %arg13[%mul3A_10, %dma_start3A_33] : memref<10240x128xf32, #tpu.memory_space<vmem_shared>> -> memref<640x128xf32, #tpu.memory_space<vmem_shared>>
      tpu.enqueue_dma source(%dma_start3A_34 : memref<640x128xf32, #tpu.memory_space<vmem_shared>>) target(%dma_start3A_32 : memref<640x128xf32, #tpu.memory_space<hbm>>) target_semaphore(%run_scoped3A : memref<!tpu.dma_semaphore, #tpu.memory_space<semaphore_mem>>)
      %dma_wait3A = arith.constant 0 : i32
      %dma_wait3A_35 = tpu.memref_slice %arg6[%arg0, %mul3A_12, %dma_wait3A] : memref<2x10240x128xf32, #tpu.memory_space<hbm>> -> memref<1x640x128xf32, #tpu.memory_space<hbm>>
      %dma_wait3A_36 = tpu.memref_squeeze %dma_wait3A_35 : memref<1x640x128xf32, #tpu.memory_space<hbm>> -> memref<640x128xf32, #tpu.memory_space<hbm>>
      %dma_wait3A_37 = arith.constant 0 : i32
      %dma_wait3A_38 = tpu.memref_slice %arg13[%mul3A_10, %dma_wait3A_37] : memref<10240x128xf32, #tpu.memory_space<vmem_shared>> -> memref<640x128xf32, #tpu.memory_space<vmem_shared>>
      tpu.wait_dma2 semaphore(%run_scoped3A : memref<!tpu.dma_semaphore, #tpu.memory_space<semaphore_mem>>) src(%dma_wait3A_38 : memref<640x128xf32, #tpu.memory_space<vmem_shared>>) dst(%dma_wait3A_36 : memref<640x128xf32, #tpu.memory_space<hbm>>)
      tpu.yield
    }) : () -> ()
    %mul3A_13 = arith.constant 640 : i32
    %mul3A_14 = arith.muli %arg1, %mul3A_13 : i32
    "tpu.region"() ({
      %run_scoped3A = tpu.sem_alloc : memref<!tpu.dma_semaphore, #tpu.memory_space<semaphore_mem>>
      %dma_start3A = arith.constant 0 : i32
      %dma_start3A_31 = tpu.memref_slice %arg13[%mul3A_14, %dma_start3A] : memref<10240x128xf32, #tpu.memory_space<vmem_shared>> -> memref<640x128xf32, #tpu.memory_space<vmem_shared>>
      tpu.enqueue_dma source(%arg5 : memref<640x128xf32, #tpu.memory_space<hbm>>) target(%dma_start3A_31 : memref<640x128xf32, #tpu.memory_space<vmem_shared>>) target_semaphore(%run_scoped3A : memref<!tpu.dma_semaphore, #tpu.memory_space<semaphore_mem>>)
      %dma_wait3A = arith.constant 0 : i32
      %dma_wait3A_32 = tpu.memref_slice %arg13[%mul3A_14, %dma_wait3A] : memref<10240x128xf32, #tpu.memory_space<vmem_shared>> -> memref<640x128xf32, #tpu.memory_space<vmem_shared>>
      tpu.wait_dma2 semaphore(%run_scoped3A : memref<!tpu.dma_semaphore, #tpu.memory_space<semaphore_mem>>) src(%arg5 : memref<640x128xf32, #tpu.memory_space<hbm>>) dst(%dma_wait3A_32 : memref<640x128xf32, #tpu.memory_space<vmem_shared>>)
      tpu.yield
    }) : () -> ()
    %barrier3A_15 = arith.constant 0 : index
    tpu.barrier barrier_id(%barrier3A_15)
    %mul3A_16 = arith.constant 40960 : i32
    %mul3A_17 = arith.muli %arg0, %mul3A_16 : i32
    %mul3A_18 = arith.constant 2560 : i32
    %mul3A_19 = arith.muli %arg1, %mul3A_18 : i32
    %add3A = arith.addi %mul3A_17, %mul3A_19 : i32
    %scan3A_20 = arith.constant 0 : i32
    %scan3A_21 = arith.constant 0 : i32
    %scan3A_22 = arith.constant 10 : i32
    %scan3A_23 = arith.addi %scan3A_21, %scan3A_22 : i32
    %scan3A_24 = arith.constant 1 : i32
    scf.for %scan3A_31 = %scan3A_21 to %scan3A_23 step %scan3A_24  : i32 {
      %mul3A_32 = arith.constant 256 : i32
      %mul3A_33 = arith.muli %scan3A_31, %mul3A_32 : i32
      %add3A_34 = arith.addi %add3A, %mul3A_33 : i32
      %add3A_35 = arith.constant 0 : i32
      %add3A_36 = arith.addi %add3A_34, %add3A_35 : i32
      %dma_start3A = tpu.memref_slice %arg4[%add3A_36] : memref<81920xi32, #tpu.memory_space<hbm>> -> memref<128xi32, #tpu.memory_space<hbm>>
      %dma_start3A_37 = tpu.memref_slice %arg4[%add3A_36] : memref<81920xi32, #tpu.memory_space<hbm>> -> memref<128xi32, #tpu.memory_space<hbm>>
      tpu.enqueue_dma source(%dma_start3A_37 : memref<128xi32, #tpu.memory_space<hbm>>) target(%arg8 : memref<128xi32, #tpu.memory_space<vmem>>) target_semaphore(%arg12 : memref<!tpu.dma_semaphore, #tpu.memory_space<semaphore_mem>>)
      %add3A_38 = arith.constant 0 : i32
      %add3A_39 = arith.addi %add3A_34, %add3A_38 : i32
      %dma_start3A_40 = arith.constant 0 : i32
      %dma_start3A_41 = tpu.memref_slice %arg3[%add3A_39, %dma_start3A_40] : memref<81920x128xf32, #tpu.memory_space<hbm>> -> memref<128x128xf32, #tpu.memory_space<hbm>>
      %dma_start3A_42 = arith.constant 0 : i32
      %dma_start3A_43 = tpu.memref_slice %arg3[%add3A_39, %dma_start3A_42] : memref<81920x128xf32, #tpu.memory_space<hbm>> -> memref<128x128xf32, #tpu.memory_space<hbm>>
      tpu.enqueue_dma source(%dma_start3A_43 : memref<128x128xf32, #tpu.memory_space<hbm>>) target(%arg10 : memref<128x128xf32, #tpu.memory_space<vmem>>) target_semaphore(%arg12 : memref<!tpu.dma_semaphore, #tpu.memory_space<semaphore_mem>>)
      %add3A_44 = arith.constant 128 : i32
      %add3A_45 = arith.addi %add3A_34, %add3A_44 : i32
      %dma_start3A_46 = tpu.memref_slice %arg4[%add3A_45] : memref<81920xi32, #tpu.memory_space<hbm>> -> memref<128xi32, #tpu.memory_space<hbm>>
      %dma_start3A_47 = tpu.memref_slice %arg4[%add3A_45] : memref<81920xi32, #tpu.memory_space<hbm>> -> memref<128xi32, #tpu.memory_space<hbm>>
      tpu.enqueue_dma source(%dma_start3A_47 : memref<128xi32, #tpu.memory_space<hbm>>) target(%arg9 : memref<128xi32, #tpu.memory_space<vmem>>) target_semaphore(%arg12 : memref<!tpu.dma_semaphore, #tpu.memory_space<semaphore_mem>>)
      %add3A_48 = arith.constant 128 : i32
      %add3A_49 = arith.addi %add3A_34, %add3A_48 : i32
      %dma_start3A_50 = arith.constant 0 : i32
      %dma_start3A_51 = tpu.memref_slice %arg3[%add3A_49, %dma_start3A_50] : memref<81920x128xf32, #tpu.memory_space<hbm>> -> memref<128x128xf32, #tpu.memory_space<hbm>>
      %dma_start3A_52 = arith.constant 0 : i32
      %dma_start3A_53 = tpu.memref_slice %arg3[%add3A_49, %dma_start3A_52] : memref<81920x128xf32, #tpu.memory_space<hbm>> -> memref<128x128xf32, #tpu.memory_space<hbm>>
      tpu.enqueue_dma source(%dma_start3A_53 : memref<128x128xf32, #tpu.memory_space<hbm>>) target(%arg11 : memref<128x128xf32, #tpu.memory_space<vmem>>) target_semaphore(%arg12 : memref<!tpu.dma_semaphore, #tpu.memory_space<semaphore_mem>>)
      %dma_wait3A = tpu.memref_slice %arg4[%add3A_36] : memref<81920xi32, #tpu.memory_space<hbm>> -> memref<128xi32, #tpu.memory_space<hbm>>
      %dma_wait3A_54 = tpu.memref_slice %arg4[%add3A_36] : memref<81920xi32, #tpu.memory_space<hbm>> -> memref<128xi32, #tpu.memory_space<hbm>>
      tpu.wait_dma2 semaphore(%arg12 : memref<!tpu.dma_semaphore, #tpu.memory_space<semaphore_mem>>) src(%dma_wait3A_54 : memref<128xi32, #tpu.memory_space<hbm>>) dst(%arg8 : memref<128xi32, #tpu.memory_space<vmem>>)
      %dma_wait3A_55 = arith.constant 0 : i32
      %dma_wait3A_56 = tpu.memref_slice %arg3[%add3A_39, %dma_wait3A_55] : memref<81920x128xf32, #tpu.memory_space<hbm>> -> memref<128x128xf32, #tpu.memory_space<hbm>>
      %dma_wait3A_57 = arith.constant 0 : i32
      %dma_wait3A_58 = tpu.memref_slice %arg3[%add3A_39, %dma_wait3A_57] : memref<81920x128xf32, #tpu.memory_space<hbm>> -> memref<128x128xf32, #tpu.memory_space<hbm>>
      tpu.wait_dma2 semaphore(%arg12 : memref<!tpu.dma_semaphore, #tpu.memory_space<semaphore_mem>>) src(%dma_wait3A_58 : memref<128x128xf32, #tpu.memory_space<hbm>>) dst(%arg10 : memref<128x128xf32, #tpu.memory_space<vmem>>)
      %dma_wait3A_59 = tpu.memref_slice %arg4[%add3A_45] : memref<81920xi32, #tpu.memory_space<hbm>> -> memref<128xi32, #tpu.memory_space<hbm>>
      %dma_wait3A_60 = tpu.memref_slice %arg4[%add3A_45] : memref<81920xi32, #tpu.memory_space<hbm>> -> memref<128xi32, #tpu.memory_space<hbm>>
      tpu.wait_dma2 semaphore(%arg12 : memref<!tpu.dma_semaphore, #tpu.memory_space<semaphore_mem>>) src(%dma_wait3A_60 : memref<128xi32, #tpu.memory_space<hbm>>) dst(%arg9 : memref<128xi32, #tpu.memory_space<vmem>>)
      %dma_wait3A_61 = arith.constant 0 : i32
      %dma_wait3A_62 = tpu.memref_slice %arg3[%add3A_49, %dma_wait3A_61] : memref<81920x128xf32, #tpu.memory_space<hbm>> -> memref<128x128xf32, #tpu.memory_space<hbm>>
      %dma_wait3A_63 = arith.constant 0 : i32
      %dma_wait3A_64 = tpu.memref_slice %arg3[%add3A_49, %dma_wait3A_63] : memref<81920x128xf32, #tpu.memory_space<hbm>> -> memref<128x128xf32, #tpu.memory_space<hbm>>
      tpu.wait_dma2 semaphore(%arg12 : memref<!tpu.dma_semaphore, #tpu.memory_space<semaphore_mem>>) src(%dma_wait3A_64 : memref<128x128xf32, #tpu.memory_space<hbm>>) dst(%arg11 : memref<128x128xf32, #tpu.memory_space<vmem>>)
      %dma_start3A_65 = arith.constant 0 : i32
      %dma_start3A_66 = arith.constant 0 : i32
      %dma_start3A_67 = tpu.memref_slice %arg13[%dma_start3A_65, %dma_start3A_66] : memref<10240x128xf32, #tpu.memory_space<vmem_shared>> -> memref<10240x128xf32, #tpu.memory_space<vmem_shared>>
      tpu.enqueue_indirect_dma source(%arg10 : memref<128x128xf32, #tpu.memory_space<vmem>>) target(%dma_start3A_67 : memref<10240x128xf32, #tpu.memory_space<vmem_shared>>) offsets(%arg8 : memref<128xi32, #tpu.memory_space<vmem>>) semaphore(%arg12 : memref<!tpu.dma_semaphore, #tpu.memory_space<semaphore_mem>>) {add = true}
      %dma_start3A_68 = arith.constant 0 : i32
      %dma_start3A_69 = arith.constant 0 : i32
      %dma_start3A_70 = tpu.memref_slice %arg13[%dma_start3A_68, %dma_start3A_69] : memref<10240x128xf32, #tpu.memory_space<vmem_shared>> -> memref<10240x128xf32, #tpu.memory_space<vmem_shared>>
      tpu.enqueue_indirect_dma source(%arg11 : memref<128x128xf32, #tpu.memory_space<vmem>>) target(%dma_start3A_70 : memref<10240x128xf32, #tpu.memory_space<vmem_shared>>) offsets(%arg9 : memref<128xi32, #tpu.memory_space<vmem>>) semaphore(%arg12 : memref<!tpu.dma_semaphore, #tpu.memory_space<semaphore_mem>>) {add = true}
      %dma_wait3A_71 = arith.constant 0 : i32
      %dma_wait3A_72 = arith.constant 0 : i32
      %dma_wait3A_73 = tpu.memref_slice %arg13[%dma_wait3A_71, %dma_wait3A_72] : memref<10240x128xf32, #tpu.memory_space<vmem_shared>> -> memref<10240x128xf32, #tpu.memory_space<vmem_shared>>
      tpu.wait_indirect_dma semaphore(%arg12 : memref<!tpu.dma_semaphore, #tpu.memory_space<semaphore_mem>>) src(%arg10 : memref<128x128xf32, #tpu.memory_space<vmem>>) dst(%dma_wait3A_73 : memref<10240x128xf32, #tpu.memory_space<vmem_shared>>)
      %dma_wait3A_74 = arith.constant 0 : i32
      %dma_wait3A_75 = arith.constant 0 : i32
      %dma_wait3A_76 = tpu.memref_slice %arg13[%dma_wait3A_74, %dma_wait3A_75] : memref<10240x128xf32, #tpu.memory_space<vmem_shared>> -> memref<10240x128xf32, #tpu.memory_space<vmem_shared>>
      tpu.wait_indirect_dma semaphore(%arg12 : memref<!tpu.dma_semaphore, #tpu.memory_space<semaphore_mem>>) src(%arg11 : memref<128x128xf32, #tpu.memory_space<vmem>>) dst(%dma_wait3A_76 : memref<10240x128xf32, #tpu.memory_space<vmem_shared>>)
    }
    %scan3A_25 = arith.constant 10 : i32
    %barrier3A_26 = arith.constant 0 : index
    tpu.barrier barrier_id(%barrier3A_26)
    %mul3A_27 = arith.constant 640 : i32
    %mul3A_28 = arith.muli %arg1, %mul3A_27 : i32
    %mul3A_29 = arith.constant 640 : i32
    %mul3A_30 = arith.muli %arg1, %mul3A_29 : i32
    "tpu.region"() ({
      %run_scoped3A = tpu.sem_alloc : memref<!tpu.dma_semaphore, #tpu.memory_space<semaphore_mem>>
      %dma_start3A = arith.constant 0 : i32
      %dma_start3A_31 = tpu.memref_slice %arg7[%arg0, %mul3A_30, %dma_start3A] : memref<2x10240x128xf32, #tpu.memory_space<hbm>> -> memref<1x640x128xf32, #tpu.memory_space<hbm>>
      %dma_start3A_32 = tpu.memref_squeeze %dma_start3A_31 : memref<1x640x128xf32, #tpu.memory_space<hbm>> -> memref<640x128xf32, #tpu.memory_space<hbm>>
      %dma_start3A_33 = arith.constant 0 : i32
      %dma_start3A_34 = tpu.memref_slice %arg13[%mul3A_28, %dma_start3A_33] : memref<10240x128xf32, #tpu.memory_space<vmem_shared>> -> memref<640x128xf32, #tpu.memory_space<vmem_shared>>
      tpu.enqueue_dma source(%dma_start3A_34 : memref<640x128xf32, #tpu.memory_space<vmem_shared>>) target(%dma_start3A_32 : memref<640x128xf32, #tpu.memory_space<hbm>>) target_semaphore(%run_scoped3A : memref<!tpu.dma_semaphore, #tpu.memory_space<semaphore_mem>>)
      %dma_wait3A = arith.constant 0 : i32
      %dma_wait3A_35 = tpu.memref_slice %arg7[%arg0, %mul3A_30, %dma_wait3A] : memref<2x10240x128xf32, #tpu.memory_space<hbm>> -> memref<1x640x128xf32, #tpu.memory_space<hbm>>
      %dma_wait3A_36 = tpu.memref_squeeze %dma_wait3A_35 : memref<1x640x128xf32, #tpu.memory_space<hbm>> -> memref<640x128xf32, #tpu.memory_space<hbm>>
      %dma_wait3A_37 = arith.constant 0 : i32
      %dma_wait3A_38 = tpu.memref_slice %arg13[%mul3A_28, %dma_wait3A_37] : memref<10240x128xf32, #tpu.memory_space<vmem_shared>> -> memref<640x128xf32, #tpu.memory_space<vmem_shared>>
      tpu.wait_dma2 semaphore(%run_scoped3A : memref<!tpu.dma_semaphore, #tpu.memory_space<semaphore_mem>>) src(%dma_wait3A_38 : memref<640x128xf32, #tpu.memory_space<vmem_shared>>) dst(%dma_wait3A_36 : memref<640x128xf32, #tpu.memory_space<hbm>>)
      tpu.yield
    }) : () -> ()
    return
  }
}

#map = affine_map<(d0, d1) -> (0, 0)>
#map1 = affine_map<(d0, d1) -> (0)>
module attributes {stable_mosaic.version = 14 : i64} {
  func.func @sc_g2(%arg0: i32, %arg1: i32, %arg2: memref<10240x128xf32, #tpu.memory_space<hbm>>, %arg3: memref<160000xi32, #tpu.memory_space<hbm>>, %arg4: memref<160000xi32, #tpu.memory_space<hbm>>, %arg5: memref<160000x16xf32, #tpu.memory_space<hbm>>, %arg6: memref<160000x16xf32, #tpu.memory_space<hbm>>, %arg7: memref<5000xi32, #tpu.memory_space<vmem>>, %arg8: memref<5000xi32, #tpu.memory_space<vmem>>, %arg9: memref<128x128xf32, #tpu.memory_space<vmem>>, %arg10: memref<128x128xf32, #tpu.memory_space<vmem>>, %arg11: memref<128x128xf32, #tpu.memory_space<vmem>>, %arg12: memref<128x128xf32, #tpu.memory_space<vmem>>, %arg13: memref<128x16xf32, #tpu.memory_space<vmem>>, %arg14: memref<128x16xf32, #tpu.memory_space<vmem>>, %arg15: memref<8x128xf32, #tpu.memory_space<vmem>>, %arg16: memref<8x128xf32, #tpu.memory_space<vmem>>, %arg17: memref<8x16xf32, #tpu.memory_space<vmem>>, %arg18: memref<!tpu.dma_semaphore, #tpu.memory_space<semaphore_mem>>) attributes {dimension_semantics = [#tpu.dimension_semantics<core_parallel>, #tpu.dimension_semantics<subcore_parallel>], iteration_bounds = array<i64: 2, 16>, scalar_prefetch = 0 : i64, scratch_operands = 12 : i64, tpu.core_type = #tpu.core_type<sc_vector_subcore>, window_params = [{transform_indices = #map}, {transform_indices = #map1}, {transform_indices = #map1}, {transform_indices = #map}, {transform_indices = #map}]} {
    %mul3A = arith.constant 2 : i32
    %mul3A_0 = arith.muli %arg1, %mul3A : i32
    %add3A = arith.addi %mul3A_0, %arg0 : i32
    %mul3A_1 = arith.constant 5000 : i32
    %mul3A_2 = arith.muli %add3A, %mul3A_1 : i32
    "tpu.region"() ({
      %run_scoped3A = tpu.sem_alloc : memref<!tpu.dma_semaphore, #tpu.memory_space<semaphore_mem>>
      %dma_start3A_64 = tpu.memref_slice %arg3[%mul3A_2] : memref<160000xi32, #tpu.memory_space<hbm>> -> memref<5000xi32, #tpu.memory_space<hbm>>
      %dma_start3A_65 = tpu.memref_slice %arg3[%mul3A_2] : memref<160000xi32, #tpu.memory_space<hbm>> -> memref<5000xi32, #tpu.memory_space<hbm>>
      tpu.enqueue_dma source(%dma_start3A_65 : memref<5000xi32, #tpu.memory_space<hbm>>) target(%arg7 : memref<5000xi32, #tpu.memory_space<vmem>>) target_semaphore(%run_scoped3A : memref<!tpu.dma_semaphore, #tpu.memory_space<semaphore_mem>>)
      %dma_wait3A_66 = tpu.memref_slice %arg3[%mul3A_2] : memref<160000xi32, #tpu.memory_space<hbm>> -> memref<5000xi32, #tpu.memory_space<hbm>>
      %dma_wait3A_67 = tpu.memref_slice %arg3[%mul3A_2] : memref<160000xi32, #tpu.memory_space<hbm>> -> memref<5000xi32, #tpu.memory_space<hbm>>
      tpu.wait_dma2 semaphore(%run_scoped3A : memref<!tpu.dma_semaphore, #tpu.memory_space<semaphore_mem>>) src(%dma_wait3A_67 : memref<5000xi32, #tpu.memory_space<hbm>>) dst(%arg7 : memref<5000xi32, #tpu.memory_space<vmem>>)
      tpu.yield
    }) : () -> ()
    "tpu.region"() ({
      %run_scoped3A = tpu.sem_alloc : memref<!tpu.dma_semaphore, #tpu.memory_space<semaphore_mem>>
      %dma_start3A_64 = tpu.memref_slice %arg4[%mul3A_2] : memref<160000xi32, #tpu.memory_space<hbm>> -> memref<5000xi32, #tpu.memory_space<hbm>>
      %dma_start3A_65 = tpu.memref_slice %arg4[%mul3A_2] : memref<160000xi32, #tpu.memory_space<hbm>> -> memref<5000xi32, #tpu.memory_space<hbm>>
      tpu.enqueue_dma source(%dma_start3A_65 : memref<5000xi32, #tpu.memory_space<hbm>>) target(%arg8 : memref<5000xi32, #tpu.memory_space<vmem>>) target_semaphore(%run_scoped3A : memref<!tpu.dma_semaphore, #tpu.memory_space<semaphore_mem>>)
      %dma_wait3A_66 = tpu.memref_slice %arg4[%mul3A_2] : memref<160000xi32, #tpu.memory_space<hbm>> -> memref<5000xi32, #tpu.memory_space<hbm>>
      %dma_wait3A_67 = tpu.memref_slice %arg4[%mul3A_2] : memref<160000xi32, #tpu.memory_space<hbm>> -> memref<5000xi32, #tpu.memory_space<hbm>>
      tpu.wait_dma2 semaphore(%run_scoped3A : memref<!tpu.dma_semaphore, #tpu.memory_space<semaphore_mem>>) src(%dma_wait3A_67 : memref<5000xi32, #tpu.memory_space<hbm>>) dst(%arg8 : memref<5000xi32, #tpu.memory_space<vmem>>)
      tpu.yield
    }) : () -> ()
    %scan3A = arith.constant 0 : i32
    %scan3A_3 = arith.constant 0 : i32
    %scan3A_4 = arith.constant 19 : i32
    %scan3A_5 = arith.addi %scan3A_3, %scan3A_4 : i32
    %scan3A_6 = arith.constant 1 : i32
    scf.for %scan3A_64 = %scan3A_3 to %scan3A_5 step %scan3A_6  : i32 {
      %mul3A_65 = arith.constant 256 : i32
      %mul3A_66 = arith.muli %scan3A_64, %mul3A_65 : i32
      %add3A_67 = arith.constant 0 : i32
      %add3A_68 = arith.addi %mul3A_66, %add3A_67 : i32
      %add3A_69 = arith.addi %mul3A_2, %add3A_68 : i32
      %dma_start3A_70 = tpu.memref_slice %arg7[%add3A_68] : memref<5000xi32, #tpu.memory_space<vmem>> -> memref<128xi32, #tpu.memory_space<vmem>>
      %dma_start3A_71 = arith.constant 0 : i32
      %dma_start3A_72 = arith.constant 0 : i32
      %dma_start3A_73 = tpu.memref_slice %arg2[%dma_start3A_71, %dma_start3A_72] : memref<10240x128xf32, #tpu.memory_space<hbm>> -> memref<10240x128xf32, #tpu.memory_space<hbm>>
      tpu.enqueue_indirect_dma source(%dma_start3A_73 : memref<10240x128xf32, #tpu.memory_space<hbm>>) target(%arg9 : memref<128x128xf32, #tpu.memory_space<vmem>>) offsets(%dma_start3A_70 : memref<128xi32, #tpu.memory_space<vmem>>) semaphore(%arg18 : memref<!tpu.dma_semaphore, #tpu.memory_space<semaphore_mem>>)
      %dma_start3A_74 = tpu.memref_slice %arg8[%add3A_68] : memref<5000xi32, #tpu.memory_space<vmem>> -> memref<128xi32, #tpu.memory_space<vmem>>
      %dma_start3A_75 = arith.constant 0 : i32
      %dma_start3A_76 = arith.constant 0 : i32
      %dma_start3A_77 = tpu.memref_slice %arg2[%dma_start3A_75, %dma_start3A_76] : memref<10240x128xf32, #tpu.memory_space<hbm>> -> memref<10240x128xf32, #tpu.memory_space<hbm>>
      tpu.enqueue_indirect_dma source(%dma_start3A_77 : memref<10240x128xf32, #tpu.memory_space<hbm>>) target(%arg11 : memref<128x128xf32, #tpu.memory_space<vmem>>) offsets(%dma_start3A_74 : memref<128xi32, #tpu.memory_space<vmem>>) semaphore(%arg18 : memref<!tpu.dma_semaphore, #tpu.memory_space<semaphore_mem>>)
      %dma_start3A_78 = arith.constant 0 : i32
      %dma_start3A_79 = tpu.memref_slice %arg5[%add3A_69, %dma_start3A_78] : memref<160000x16xf32, #tpu.memory_space<hbm>> -> memref<128x16xf32, #tpu.memory_space<hbm>>
      %dma_start3A_80 = arith.constant 0 : i32
      %dma_start3A_81 = tpu.memref_slice %arg5[%add3A_69, %dma_start3A_80] : memref<160000x16xf32, #tpu.memory_space<hbm>> -> memref<128x16xf32, #tpu.memory_space<hbm>>
      tpu.enqueue_dma source(%dma_start3A_81 : memref<128x16xf32, #tpu.memory_space<hbm>>) target(%arg13 : memref<128x16xf32, #tpu.memory_space<vmem>>) target_semaphore(%arg18 : memref<!tpu.dma_semaphore, #tpu.memory_space<semaphore_mem>>)
      %add3A_82 = arith.constant 128 : i32
      %add3A_83 = arith.addi %mul3A_66, %add3A_82 : i32
      %add3A_84 = arith.addi %mul3A_2, %add3A_83 : i32
      %dma_start3A_85 = tpu.memref_slice %arg7[%add3A_83] : memref<5000xi32, #tpu.memory_space<vmem>> -> memref<128xi32, #tpu.memory_space<vmem>>
      %dma_start3A_86 = arith.constant 0 : i32
      %dma_start3A_87 = arith.constant 0 : i32
      %dma_start3A_88 = tpu.memref_slice %arg2[%dma_start3A_86, %dma_start3A_87] : memref<10240x128xf32, #tpu.memory_space<hbm>> -> memref<10240x128xf32, #tpu.memory_space<hbm>>
      tpu.enqueue_indirect_dma source(%dma_start3A_88 : memref<10240x128xf32, #tpu.memory_space<hbm>>) target(%arg10 : memref<128x128xf32, #tpu.memory_space<vmem>>) offsets(%dma_start3A_85 : memref<128xi32, #tpu.memory_space<vmem>>) semaphore(%arg18 : memref<!tpu.dma_semaphore, #tpu.memory_space<semaphore_mem>>)
      %dma_start3A_89 = tpu.memref_slice %arg8[%add3A_83] : memref<5000xi32, #tpu.memory_space<vmem>> -> memref<128xi32, #tpu.memory_space<vmem>>
      %dma_start3A_90 = arith.constant 0 : i32
      %dma_start3A_91 = arith.constant 0 : i32
      %dma_start3A_92 = tpu.memref_slice %arg2[%dma_start3A_90, %dma_start3A_91] : memref<10240x128xf32, #tpu.memory_space<hbm>> -> memref<10240x128xf32, #tpu.memory_space<hbm>>
      tpu.enqueue_indirect_dma source(%dma_start3A_92 : memref<10240x128xf32, #tpu.memory_space<hbm>>) target(%arg12 : memref<128x128xf32, #tpu.memory_space<vmem>>) offsets(%dma_start3A_89 : memref<128xi32, #tpu.memory_space<vmem>>) semaphore(%arg18 : memref<!tpu.dma_semaphore, #tpu.memory_space<semaphore_mem>>)
      %dma_start3A_93 = arith.constant 0 : i32
      %dma_start3A_94 = tpu.memref_slice %arg5[%add3A_84, %dma_start3A_93] : memref<160000x16xf32, #tpu.memory_space<hbm>> -> memref<128x16xf32, #tpu.memory_space<hbm>>
      %dma_start3A_95 = arith.constant 0 : i32
      %dma_start3A_96 = tpu.memref_slice %arg5[%add3A_84, %dma_start3A_95] : memref<160000x16xf32, #tpu.memory_space<hbm>> -> memref<128x16xf32, #tpu.memory_space<hbm>>
      tpu.enqueue_dma source(%dma_start3A_96 : memref<128x16xf32, #tpu.memory_space<hbm>>) target(%arg14 : memref<128x16xf32, #tpu.memory_space<vmem>>) target_semaphore(%arg18 : memref<!tpu.dma_semaphore, #tpu.memory_space<semaphore_mem>>)
      %dma_wait3A_97 = tpu.memref_slice %arg7[%add3A_68] : memref<5000xi32, #tpu.memory_space<vmem>> -> memref<128xi32, #tpu.memory_space<vmem>>
      %dma_wait3A_98 = arith.constant 0 : i32
      %dma_wait3A_99 = arith.constant 0 : i32
      %dma_wait3A_100 = tpu.memref_slice %arg2[%dma_wait3A_98, %dma_wait3A_99] : memref<10240x128xf32, #tpu.memory_space<hbm>> -> memref<10240x128xf32, #tpu.memory_space<hbm>>
      tpu.wait_indirect_dma semaphore(%arg18 : memref<!tpu.dma_semaphore, #tpu.memory_space<semaphore_mem>>) src(%dma_wait3A_100 : memref<10240x128xf32, #tpu.memory_space<hbm>>) dst(%arg9 : memref<128x128xf32, #tpu.memory_space<vmem>>)
      %dma_wait3A_101 = tpu.memref_slice %arg8[%add3A_68] : memref<5000xi32, #tpu.memory_space<vmem>> -> memref<128xi32, #tpu.memory_space<vmem>>
      %dma_wait3A_102 = arith.constant 0 : i32
      %dma_wait3A_103 = arith.constant 0 : i32
      %dma_wait3A_104 = tpu.memref_slice %arg2[%dma_wait3A_102, %dma_wait3A_103] : memref<10240x128xf32, #tpu.memory_space<hbm>> -> memref<10240x128xf32, #tpu.memory_space<hbm>>
      tpu.wait_indirect_dma semaphore(%arg18 : memref<!tpu.dma_semaphore, #tpu.memory_space<semaphore_mem>>) src(%dma_wait3A_104 : memref<10240x128xf32, #tpu.memory_space<hbm>>) dst(%arg11 : memref<128x128xf32, #tpu.memory_space<vmem>>)
      %dma_wait3A_105 = arith.constant 0 : i32
      %dma_wait3A_106 = tpu.memref_slice %arg5[%add3A_69, %dma_wait3A_105] : memref<160000x16xf32, #tpu.memory_space<hbm>> -> memref<128x16xf32, #tpu.memory_space<hbm>>
      %dma_wait3A_107 = arith.constant 0 : i32
      %dma_wait3A_108 = tpu.memref_slice %arg5[%add3A_69, %dma_wait3A_107] : memref<160000x16xf32, #tpu.memory_space<hbm>> -> memref<128x16xf32, #tpu.memory_space<hbm>>
      tpu.wait_dma2 semaphore(%arg18 : memref<!tpu.dma_semaphore, #tpu.memory_space<semaphore_mem>>) src(%dma_wait3A_108 : memref<128x16xf32, #tpu.memory_space<hbm>>) dst(%arg13 : memref<128x16xf32, #tpu.memory_space<vmem>>)
      %dma_wait3A_109 = tpu.memref_slice %arg7[%add3A_83] : memref<5000xi32, #tpu.memory_space<vmem>> -> memref<128xi32, #tpu.memory_space<vmem>>
      %dma_wait3A_110 = arith.constant 0 : i32
      %dma_wait3A_111 = arith.constant 0 : i32
      %dma_wait3A_112 = tpu.memref_slice %arg2[%dma_wait3A_110, %dma_wait3A_111] : memref<10240x128xf32, #tpu.memory_space<hbm>> -> memref<10240x128xf32, #tpu.memory_space<hbm>>
      tpu.wait_indirect_dma semaphore(%arg18 : memref<!tpu.dma_semaphore, #tpu.memory_space<semaphore_mem>>) src(%dma_wait3A_112 : memref<10240x128xf32, #tpu.memory_space<hbm>>) dst(%arg10 : memref<128x128xf32, #tpu.memory_space<vmem>>)
      %dma_wait3A_113 = tpu.memref_slice %arg8[%add3A_83] : memref<5000xi32, #tpu.memory_space<vmem>> -> memref<128xi32, #tpu.memory_space<vmem>>
      %dma_wait3A_114 = arith.constant 0 : i32
      %dma_wait3A_115 = arith.constant 0 : i32
      %dma_wait3A_116 = tpu.memref_slice %arg2[%dma_wait3A_114, %dma_wait3A_115] : memref<10240x128xf32, #tpu.memory_space<hbm>> -> memref<10240x128xf32, #tpu.memory_space<hbm>>
      tpu.wait_indirect_dma semaphore(%arg18 : memref<!tpu.dma_semaphore, #tpu.memory_space<semaphore_mem>>) src(%dma_wait3A_116 : memref<10240x128xf32, #tpu.memory_space<hbm>>) dst(%arg12 : memref<128x128xf32, #tpu.memory_space<vmem>>)
      %dma_wait3A_117 = arith.constant 0 : i32
      %dma_wait3A_118 = tpu.memref_slice %arg5[%add3A_84, %dma_wait3A_117] : memref<160000x16xf32, #tpu.memory_space<hbm>> -> memref<128x16xf32, #tpu.memory_space<hbm>>
      %dma_wait3A_119 = arith.constant 0 : i32
      %dma_wait3A_120 = tpu.memref_slice %arg5[%add3A_84, %dma_wait3A_119] : memref<160000x16xf32, #tpu.memory_space<hbm>> -> memref<128x16xf32, #tpu.memory_space<hbm>>
      tpu.wait_dma2 semaphore(%arg18 : memref<!tpu.dma_semaphore, #tpu.memory_space<semaphore_mem>>) src(%dma_wait3A_120 : memref<128x16xf32, #tpu.memory_space<hbm>>) dst(%arg14 : memref<128x16xf32, #tpu.memory_space<vmem>>)
      %scan3A_121 = arith.constant 0 : i32
      %scan3A_122 = arith.constant 0 : i32
      %scan3A_123 = arith.constant 128 : i32
      %scan3A_124 = arith.addi %scan3A_122, %scan3A_123 : i32
      %scan3A_125 = arith.constant 1 : i32
      scf.for %scan3A_155 = %scan3A_122 to %scan3A_124 step %scan3A_125  : i32 {
        %get3A = arith.index_cast %scan3A_155 : i32 to index
        %get3A_156 = arith.constant 0 : index
        %get3A_157 = tpu.vector_load %arg9[%get3A, %get3A_156] {strides = array<i32>} : memref<128x128xf32, #tpu.memory_space<vmem>>, vector<1x16xf32>,
        %get3A_158 = vector.shape_cast %get3A_157 : vector<1x16xf32> to vector<16xf32>
        %get3A_159 = arith.index_cast %scan3A_155 : i32 to index
        %get3A_160 = arith.constant 16 : index
        %get3A_161 = tpu.vector_load %arg11[%get3A_159, %get3A_160] {strides = array<i32>} : memref<128x128xf32, #tpu.memory_space<vmem>>, vector<1x16xf32>,
        %get3A_162 = vector.shape_cast %get3A_161 : vector<1x16xf32> to vector<16xf32>
        %add3A_163 = arith.addf %get3A_158, %get3A_162 : vector<16xf32>
        %get3A_164 = arith.index_cast %scan3A_155 : i32 to index
        %get3A_165 = arith.constant 0 : index
        %get3A_166 = tpu.vector_load %arg13[%get3A_164, %get3A_165] {strides = array<i32>} : memref<128x16xf32, #tpu.memory_space<vmem>>, vector<1x16xf32>,
        %get3A_167 = vector.shape_cast %get3A_166 : vector<1x16xf32> to vector<16xf32>
        %add3A_168 = arith.addf %add3A_163, %get3A_167 : vector<16xf32>
        %swap3A = arith.index_cast %scan3A_155 : i32 to index
        %swap3A_169 = arith.constant 0 : index
        %swap3A_170 = tpu.vector_load %arg13[%swap3A, %swap3A_169] {strides = array<i32>} : memref<128x16xf32, #tpu.memory_space<vmem>>, vector<1x16xf32>,
        %swap3A_171 = vector.shape_cast %swap3A_170 : vector<1x16xf32> to vector<16xf32>
        %swap3A_172 = vector.shape_cast %add3A_168 : vector<16xf32> to vector<1x16xf32>
        tpu.vector_store %arg13[%swap3A, %swap3A_169], %swap3A_172 {strides = array<i32>} : memref<128x16xf32, #tpu.memory_space<vmem>>, vector<1x16xf32>,
      }
      %scan3A_126 = arith.constant 128 : i32
      %scan3A_127 = arith.constant 0 : i32
      %scan3A_128 = arith.constant 0 : i32
      %scan3A_129 = arith.constant 128 : i32
      %scan3A_130 = arith.addi %scan3A_128, %scan3A_129 : i32
      %scan3A_131 = arith.constant 1 : i32
      scf.for %scan3A_155 = %scan3A_128 to %scan3A_130 step %scan3A_131  : i32 {
        %get3A = arith.index_cast %scan3A_155 : i32 to index
        %get3A_156 = arith.constant 0 : index
        %get3A_157 = tpu.vector_load %arg10[%get3A, %get3A_156] {strides = array<i32>} : memref<128x128xf32, #tpu.memory_space<vmem>>, vector<1x16xf32>,
        %get3A_158 = vector.shape_cast %get3A_157 : vector<1x16xf32> to vector<16xf32>
        %get3A_159 = arith.index_cast %scan3A_155 : i32 to index
        %get3A_160 = arith.constant 16 : index
        %get3A_161 = tpu.vector_load %arg12[%get3A_159, %get3A_160] {strides = array<i32>} : memref<128x128xf32, #tpu.memory_space<vmem>>, vector<1x16xf32>,
        %get3A_162 = vector.shape_cast %get3A_161 : vector<1x16xf32> to vector<16xf32>
        %add3A_163 = arith.addf %get3A_158, %get3A_162 : vector<16xf32>
        %get3A_164 = arith.index_cast %scan3A_155 : i32 to index
        %get3A_165 = arith.constant 0 : index
        %get3A_166 = tpu.vector_load %arg14[%get3A_164, %get3A_165] {strides = array<i32>} : memref<128x16xf32, #tpu.memory_space<vmem>>, vector<1x16xf32>,
        %get3A_167 = vector.shape_cast %get3A_166 : vector<1x16xf32> to vector<16xf32>
        %add3A_168 = arith.addf %add3A_163, %get3A_167 : vector<16xf32>
        %swap3A = arith.index_cast %scan3A_155 : i32 to index
        %swap3A_169 = arith.constant 0 : index
        %swap3A_170 = tpu.vector_load %arg14[%swap3A, %swap3A_169] {strides = array<i32>} : memref<128x16xf32, #tpu.memory_space<vmem>>, vector<1x16xf32>,
        %swap3A_171 = vector.shape_cast %swap3A_170 : vector<1x16xf32> to vector<16xf32>
        %swap3A_172 = vector.shape_cast %add3A_168 : vector<16xf32> to vector<1x16xf32>
        tpu.vector_store %arg14[%swap3A, %swap3A_169], %swap3A_172 {strides = array<i32>} : memref<128x16xf32, #tpu.memory_space<vmem>>, vector<1x16xf32>,
      }
      %scan3A_132 = arith.constant 128 : i32
      %add3A_133 = arith.addi %mul3A_2, %mul3A_66 : i32
      %add3A_134 = arith.constant 0 : i32
      %add3A_135 = arith.addi %add3A_133, %add3A_134 : i32
      %dma_start3A_136 = arith.constant 0 : i32
      %dma_start3A_137 = tpu.memref_slice %arg6[%add3A_135, %dma_start3A_136] : memref<160000x16xf32, #tpu.memory_space<hbm>> -> memref<128x16xf32, #tpu.memory_space<hbm>>
      %dma_start3A_138 = arith.constant 0 : i32
      %dma_start3A_139 = tpu.memref_slice %arg6[%add3A_135, %dma_start3A_138] : memref<160000x16xf32, #tpu.memory_space<hbm>> -> memref<128x16xf32, #tpu.memory_space<hbm>>
      tpu.enqueue_dma source(%arg13 : memref<128x16xf32, #tpu.memory_space<vmem>>) target(%dma_start3A_139 : memref<128x16xf32, #tpu.memory_space<hbm>>) target_semaphore(%arg18 : memref<!tpu.dma_semaphore, #tpu.memory_space<semaphore_mem>>)
      %add3A_140 = arith.addi %mul3A_2, %mul3A_66 : i32
      %add3A_141 = arith.constant 128 : i32
      %add3A_142 = arith.addi %add3A_140, %add3A_141 : i32
      %dma_start3A_143 = arith.constant 0 : i32
      %dma_start3A_144 = tpu.memref_slice %arg6[%add3A_142, %dma_start3A_143] : memref<160000x16xf32, #tpu.memory_space<hbm>> -> memref<128x16xf32, #tpu.memory_space<hbm>>
      %dma_start3A_145 = arith.constant 0 : i32
      %dma_start3A_146 = tpu.memref_slice %arg6[%add3A_142, %dma_start3A_145] : memref<160000x16xf32, #tpu.memory_space<hbm>> -> memref<128x16xf32, #tpu.memory_space<hbm>>
      tpu.enqueue_dma source(%arg14 : memref<128x16xf32, #tpu.memory_space<vmem>>) target(%dma_start3A_146 : memref<128x16xf32, #tpu.memory_space<hbm>>) target_semaphore(%arg18 : memref<!tpu.dma_semaphore, #tpu.memory_space<semaphore_mem>>)
      %dma_wait3A_147 = arith.constant 0 : i32
      %dma_wait3A_148 = tpu.memref_slice %arg6[%add3A_135, %dma_wait3A_147] : memref<160000x16xf32, #tpu.memory_space<hbm>> -> memref<128x16xf32, #tpu.memory_space<hbm>>
      %dma_wait3A_149 = arith.constant 0 : i32
      %dma_wait3A_150 = tpu.memref_slice %arg6[%add3A_135, %dma_wait3A_149] : memref<160000x16xf32, #tpu.memory_space<hbm>> -> memref<128x16xf32, #tpu.memory_space<hbm>>
      tpu.wait_dma2 semaphore(%arg18 : memref<!tpu.dma_semaphore, #tpu.memory_space<semaphore_mem>>) src(%arg13 : memref<128x16xf32, #tpu.memory_space<vmem>>) dst(%dma_wait3A_150 : memref<128x16xf32, #tpu.memory_space<hbm>>)
      %dma_wait3A_151 = arith.constant 0 : i32
      %dma_wait3A_152 = tpu.memref_slice %arg6[%add3A_142, %dma_wait3A_151] : memref<160000x16xf32, #tpu.memory_space<hbm>> -> memref<128x16xf32, #tpu.memory_space<hbm>>
      %dma_wait3A_153 = arith.constant 0 : i32
      %dma_wait3A_154 = tpu.memref_slice %arg6[%add3A_142, %dma_wait3A_153] : memref<160000x16xf32, #tpu.memory_space<hbm>> -> memref<128x16xf32, #tpu.memory_space<hbm>>
      tpu.wait_dma2 semaphore(%arg18 : memref<!tpu.dma_semaphore, #tpu.memory_space<semaphore_mem>>) src(%arg14 : memref<128x16xf32, #tpu.memory_space<vmem>>) dst(%dma_wait3A_154 : memref<128x16xf32, #tpu.memory_space<hbm>>)
    }
    %scan3A_7 = arith.constant 19 : i32
    %add3A_8 = arith.constant 4864 : i32
    %add3A_9 = arith.addi %mul3A_2, %add3A_8 : i32
    %dma_start3A = arith.constant 4864 : i32
    %dma_start3A_10 = tpu.memref_slice %arg7[%dma_start3A] : memref<5000xi32, #tpu.memory_space<vmem>> -> memref<128xi32, #tpu.memory_space<vmem>>
    %dma_start3A_11 = arith.constant 0 : i32
    %dma_start3A_12 = arith.constant 0 : i32
    %dma_start3A_13 = tpu.memref_slice %arg2[%dma_start3A_11, %dma_start3A_12] : memref<10240x128xf32, #tpu.memory_space<hbm>> -> memref<10240x128xf32, #tpu.memory_space<hbm>>
    tpu.enqueue_indirect_dma source(%dma_start3A_13 : memref<10240x128xf32, #tpu.memory_space<hbm>>) target(%arg9 : memref<128x128xf32, #tpu.memory_space<vmem>>) offsets(%dma_start3A_10 : memref<128xi32, #tpu.memory_space<vmem>>) semaphore(%arg18 : memref<!tpu.dma_semaphore, #tpu.memory_space<semaphore_mem>>)
    %dma_start3A_14 = arith.constant 4864 : i32
    %dma_start3A_15 = tpu.memref_slice %arg8[%dma_start3A_14] : memref<5000xi32, #tpu.memory_space<vmem>> -> memref<128xi32, #tpu.memory_space<vmem>>
    %dma_start3A_16 = arith.constant 0 : i32
    %dma_start3A_17 = arith.constant 0 : i32
    %dma_start3A_18 = tpu.memref_slice %arg2[%dma_start3A_16, %dma_start3A_17] : memref<10240x128xf32, #tpu.memory_space<hbm>> -> memref<10240x128xf32, #tpu.memory_space<hbm>>
    tpu.enqueue_indirect_dma source(%dma_start3A_18 : memref<10240x128xf32, #tpu.memory_space<hbm>>) target(%arg11 : memref<128x128xf32, #tpu.memory_space<vmem>>) offsets(%dma_start3A_15 : memref<128xi32, #tpu.memory_space<vmem>>) semaphore(%arg18 : memref<!tpu.dma_semaphore, #tpu.memory_space<semaphore_mem>>)
    %dma_start3A_19 = arith.constant 0 : i32
    %dma_start3A_20 = tpu.memref_slice %arg5[%add3A_9, %dma_start3A_19] : memref<160000x16xf32, #tpu.memory_space<hbm>> -> memref<128x16xf32, #tpu.memory_space<hbm>>
    %dma_start3A_21 = arith.constant 0 : i32
    %dma_start3A_22 = tpu.memref_slice %arg5[%add3A_9, %dma_start3A_21] : memref<160000x16xf32, #tpu.memory_space<hbm>> -> memref<128x16xf32, #tpu.memory_space<hbm>>
    tpu.enqueue_dma source(%dma_start3A_22 : memref<128x16xf32, #tpu.memory_space<hbm>>) target(%arg13 : memref<128x16xf32, #tpu.memory_space<vmem>>) target_semaphore(%arg18 : memref<!tpu.dma_semaphore, #tpu.memory_space<semaphore_mem>>)
    %dma_wait3A = arith.constant 4864 : i32
    %dma_wait3A_23 = tpu.memref_slice %arg7[%dma_wait3A] : memref<5000xi32, #tpu.memory_space<vmem>> -> memref<128xi32, #tpu.memory_space<vmem>>
    %dma_wait3A_24 = arith.constant 0 : i32
    %dma_wait3A_25 = arith.constant 0 : i32
    %dma_wait3A_26 = tpu.memref_slice %arg2[%dma_wait3A_24, %dma_wait3A_25] : memref<10240x128xf32, #tpu.memory_space<hbm>> -> memref<10240x128xf32, #tpu.memory_space<hbm>>
    tpu.wait_indirect_dma semaphore(%arg18 : memref<!tpu.dma_semaphore, #tpu.memory_space<semaphore_mem>>) src(%dma_wait3A_26 : memref<10240x128xf32, #tpu.memory_space<hbm>>) dst(%arg9 : memref<128x128xf32, #tpu.memory_space<vmem>>)
    %dma_wait3A_27 = arith.constant 4864 : i32
    %dma_wait3A_28 = tpu.memref_slice %arg8[%dma_wait3A_27] : memref<5000xi32, #tpu.memory_space<vmem>> -> memref<128xi32, #tpu.memory_space<vmem>>
    %dma_wait3A_29 = arith.constant 0 : i32
    %dma_wait3A_30 = arith.constant 0 : i32
    %dma_wait3A_31 = tpu.memref_slice %arg2[%dma_wait3A_29, %dma_wait3A_30] : memref<10240x128xf32, #tpu.memory_space<hbm>> -> memref<10240x128xf32, #tpu.memory_space<hbm>>
    tpu.wait_indirect_dma semaphore(%arg18 : memref<!tpu.dma_semaphore, #tpu.memory_space<semaphore_mem>>) src(%dma_wait3A_31 : memref<10240x128xf32, #tpu.memory_space<hbm>>) dst(%arg11 : memref<128x128xf32, #tpu.memory_space<vmem>>)
    %dma_wait3A_32 = arith.constant 0 : i32
    %dma_wait3A_33 = tpu.memref_slice %arg5[%add3A_9, %dma_wait3A_32] : memref<160000x16xf32, #tpu.memory_space<hbm>> -> memref<128x16xf32, #tpu.memory_space<hbm>>
    %dma_wait3A_34 = arith.constant 0 : i32
    %dma_wait3A_35 = tpu.memref_slice %arg5[%add3A_9, %dma_wait3A_34] : memref<160000x16xf32, #tpu.memory_space<hbm>> -> memref<128x16xf32, #tpu.memory_space<hbm>>
    tpu.wait_dma2 semaphore(%arg18 : memref<!tpu.dma_semaphore, #tpu.memory_space<semaphore_mem>>) src(%dma_wait3A_35 : memref<128x16xf32, #tpu.memory_space<hbm>>) dst(%arg13 : memref<128x16xf32, #tpu.memory_space<vmem>>)
    %scan3A_36 = arith.constant 0 : i32
    %scan3A_37 = arith.constant 0 : i32
    %scan3A_38 = arith.constant 128 : i32
    %scan3A_39 = arith.addi %scan3A_37, %scan3A_38 : i32
    %scan3A_40 = arith.constant 1 : i32
    scf.for %scan3A_64 = %scan3A_37 to %scan3A_39 step %scan3A_40  : i32 {
      %get3A = arith.index_cast %scan3A_64 : i32 to index
      %get3A_65 = arith.constant 0 : index
      %get3A_66 = tpu.vector_load %arg9[%get3A, %get3A_65] {strides = array<i32>} : memref<128x128xf32, #tpu.memory_space<vmem>>, vector<1x16xf32>,
      %get3A_67 = vector.shape_cast %get3A_66 : vector<1x16xf32> to vector<16xf32>
      %get3A_68 = arith.index_cast %scan3A_64 : i32 to index
      %get3A_69 = arith.constant 16 : index
      %get3A_70 = tpu.vector_load %arg11[%get3A_68, %get3A_69] {strides = array<i32>} : memref<128x128xf32, #tpu.memory_space<vmem>>, vector<1x16xf32>,
      %get3A_71 = vector.shape_cast %get3A_70 : vector<1x16xf32> to vector<16xf32>
      %add3A_72 = arith.addf %get3A_67, %get3A_71 : vector<16xf32>
      %get3A_73 = arith.index_cast %scan3A_64 : i32 to index
      %get3A_74 = arith.constant 0 : index
      %get3A_75 = tpu.vector_load %arg13[%get3A_73, %get3A_74] {strides = array<i32>} : memref<128x16xf32, #tpu.memory_space<vmem>>, vector<1x16xf32>,
      %get3A_76 = vector.shape_cast %get3A_75 : vector<1x16xf32> to vector<16xf32>
      %add3A_77 = arith.addf %add3A_72, %get3A_76 : vector<16xf32>
      %swap3A = arith.index_cast %scan3A_64 : i32 to index
      %swap3A_78 = arith.constant 0 : index
      %swap3A_79 = tpu.vector_load %arg13[%swap3A, %swap3A_78] {strides = array<i32>} : memref<128x16xf32, #tpu.memory_space<vmem>>, vector<1x16xf32>,
      %swap3A_80 = vector.shape_cast %swap3A_79 : vector<1x16xf32> to vector<16xf32>
      %swap3A_81 = vector.shape_cast %add3A_77 : vector<16xf32> to vector<1x16xf32>
      tpu.vector_store %arg13[%swap3A, %swap3A_78], %swap3A_81 {strides = array<i32>} : memref<128x16xf32, #tpu.memory_space<vmem>>, vector<1x16xf32>,
    }
    %scan3A_41 = arith.constant 128 : i32
    %add3A_42 = arith.constant 4864 : i32
    %add3A_43 = arith.addi %mul3A_2, %add3A_42 : i32
    %add3A_44 = arith.constant 0 : i32
    %add3A_45 = arith.addi %add3A_43, %add3A_44 : i32
    %dma_start3A_46 = arith.constant 0 : i32
    %dma_start3A_47 = tpu.memref_slice %arg6[%add3A_45, %dma_start3A_46] : memref<160000x16xf32, #tpu.memory_space<hbm>> -> memref<128x16xf32, #tpu.memory_space<hbm>>
    %dma_start3A_48 = arith.constant 0 : i32
    %dma_start3A_49 = tpu.memref_slice %arg6[%add3A_45, %dma_start3A_48] : memref<160000x16xf32, #tpu.memory_space<hbm>> -> memref<128x16xf32, #tpu.memory_space<hbm>>
    tpu.enqueue_dma source(%arg13 : memref<128x16xf32, #tpu.memory_space<vmem>>) target(%dma_start3A_49 : memref<128x16xf32, #tpu.memory_space<hbm>>) target_semaphore(%arg18 : memref<!tpu.dma_semaphore, #tpu.memory_space<semaphore_mem>>)
    %dma_wait3A_50 = arith.constant 0 : i32
    %dma_wait3A_51 = tpu.memref_slice %arg6[%add3A_45, %dma_wait3A_50] : memref<160000x16xf32, #tpu.memory_space<hbm>> -> memref<128x16xf32, #tpu.memory_space<hbm>>
    %dma_wait3A_52 = arith.constant 0 : i32
    %dma_wait3A_53 = tpu.memref_slice %arg6[%add3A_45, %dma_wait3A_52] : memref<160000x16xf32, #tpu.memory_space<hbm>> -> memref<128x16xf32, #tpu.memory_space<hbm>>
    tpu.wait_dma2 semaphore(%arg18 : memref<!tpu.dma_semaphore, #tpu.memory_space<semaphore_mem>>) src(%arg13 : memref<128x16xf32, #tpu.memory_space<vmem>>) dst(%dma_wait3A_53 : memref<128x16xf32, #tpu.memory_space<hbm>>)
    "tpu.region"() ({
      %run_scoped3A = tpu.sem_alloc : memref<!tpu.dma_semaphore, #tpu.memory_space<semaphore_mem>>
      %dma_start3A_64 = arith.constant 4992 : i32
      %dma_start3A_65 = tpu.memref_slice %arg7[%dma_start3A_64] : memref<5000xi32, #tpu.memory_space<vmem>> -> memref<8xi32, #tpu.memory_space<vmem>>
      %dma_start3A_66 = arith.constant 0 : i32
      %dma_start3A_67 = arith.constant 0 : i32
      %dma_start3A_68 = tpu.memref_slice %arg2[%dma_start3A_66, %dma_start3A_67] : memref<10240x128xf32, #tpu.memory_space<hbm>> -> memref<10240x128xf32, #tpu.memory_space<hbm>>
      tpu.enqueue_indirect_dma source(%dma_start3A_68 : memref<10240x128xf32, #tpu.memory_space<hbm>>) target(%arg15 : memref<8x128xf32, #tpu.memory_space<vmem>>) offsets(%dma_start3A_65 : memref<8xi32, #tpu.memory_space<vmem>>) semaphore(%run_scoped3A : memref<!tpu.dma_semaphore, #tpu.memory_space<semaphore_mem>>)
      %dma_wait3A_69 = arith.constant 4992 : i32
      %dma_wait3A_70 = tpu.memref_slice %arg7[%dma_wait3A_69] : memref<5000xi32, #tpu.memory_space<vmem>> -> memref<8xi32, #tpu.memory_space<vmem>>
      %dma_wait3A_71 = arith.constant 0 : i32
      %dma_wait3A_72 = arith.constant 0 : i32
      %dma_wait3A_73 = tpu.memref_slice %arg2[%dma_wait3A_71, %dma_wait3A_72] : memref<10240x128xf32, #tpu.memory_space<hbm>> -> memref<10240x128xf32, #tpu.memory_space<hbm>>
      tpu.wait_indirect_dma semaphore(%run_scoped3A : memref<!tpu.dma_semaphore, #tpu.memory_space<semaphore_mem>>) src(%dma_wait3A_73 : memref<10240x128xf32, #tpu.memory_space<hbm>>) dst(%arg15 : memref<8x128xf32, #tpu.memory_space<vmem>>)
      tpu.yield
    }) : () -> ()
    "tpu.region"() ({
      %run_scoped3A = tpu.sem_alloc : memref<!tpu.dma_semaphore, #tpu.memory_space<semaphore_mem>>
      %dma_start3A_64 = arith.constant 4992 : i32
      %dma_start3A_65 = tpu.memref_slice %arg8[%dma_start3A_64] : memref<5000xi32, #tpu.memory_space<vmem>> -> memref<8xi32, #tpu.memory_space<vmem>>
      %dma_start3A_66 = arith.constant 0 : i32
      %dma_start3A_67 = arith.constant 0 : i32
      %dma_start3A_68 = tpu.memref_slice %arg2[%dma_start3A_66, %dma_start3A_67] : memref<10240x128xf32, #tpu.memory_space<hbm>> -> memref<10240x128xf32, #tpu.memory_space<hbm>>
      tpu.enqueue_indirect_dma source(%dma_start3A_68 : memref<10240x128xf32, #tpu.memory_space<hbm>>) target(%arg16 : memref<8x128xf32, #tpu.memory_space<vmem>>) offsets(%dma_start3A_65 : memref<8xi32, #tpu.memory_space<vmem>>) semaphore(%run_scoped3A : memref<!tpu.dma_semaphore, #tpu.memory_space<semaphore_mem>>)
      %dma_wait3A_69 = arith.constant 4992 : i32
      %dma_wait3A_70 = tpu.memref_slice %arg8[%dma_wait3A_69] : memref<5000xi32, #tpu.memory_space<vmem>> -> memref<8xi32, #tpu.memory_space<vmem>>
      %dma_wait3A_71 = arith.constant 0 : i32
      %dma_wait3A_72 = arith.constant 0 : i32
      %dma_wait3A_73 = tpu.memref_slice %arg2[%dma_wait3A_71, %dma_wait3A_72] : memref<10240x128xf32, #tpu.memory_space<hbm>> -> memref<10240x128xf32, #tpu.memory_space<hbm>>
      tpu.wait_indirect_dma semaphore(%run_scoped3A : memref<!tpu.dma_semaphore, #tpu.memory_space<semaphore_mem>>) src(%dma_wait3A_73 : memref<10240x128xf32, #tpu.memory_space<hbm>>) dst(%arg16 : memref<8x128xf32, #tpu.memory_space<vmem>>)
      tpu.yield
    }) : () -> ()
    %add3A_54 = arith.constant 4992 : i32
    %add3A_55 = arith.addi %mul3A_2, %add3A_54 : i32
    "tpu.region"() ({
      %run_scoped3A = tpu.sem_alloc : memref<!tpu.dma_semaphore, #tpu.memory_space<semaphore_mem>>
      %dma_start3A_64 = arith.constant 0 : i32
      %dma_start3A_65 = tpu.memref_slice %arg5[%add3A_55, %dma_start3A_64] : memref<160000x16xf32, #tpu.memory_space<hbm>> -> memref<8x16xf32, #tpu.memory_space<hbm>>
      %dma_start3A_66 = arith.constant 0 : i32
      %dma_start3A_67 = tpu.memref_slice %arg5[%add3A_55, %dma_start3A_66] : memref<160000x16xf32, #tpu.memory_space<hbm>> -> memref<8x16xf32, #tpu.memory_space<hbm>>
      tpu.enqueue_dma source(%dma_start3A_67 : memref<8x16xf32, #tpu.memory_space<hbm>>) target(%arg17 : memref<8x16xf32, #tpu.memory_space<vmem>>) target_semaphore(%run_scoped3A : memref<!tpu.dma_semaphore, #tpu.memory_space<semaphore_mem>>)
      %dma_wait3A_68 = arith.constant 0 : i32
      %dma_wait3A_69 = tpu.memref_slice %arg5[%add3A_55, %dma_wait3A_68] : memref<160000x16xf32, #tpu.memory_space<hbm>> -> memref<8x16xf32, #tpu.memory_space<hbm>>
      %dma_wait3A_70 = arith.constant 0 : i32
      %dma_wait3A_71 = tpu.memref_slice %arg5[%add3A_55, %dma_wait3A_70] : memref<160000x16xf32, #tpu.memory_space<hbm>> -> memref<8x16xf32, #tpu.memory_space<hbm>>
      tpu.wait_dma2 semaphore(%run_scoped3A : memref<!tpu.dma_semaphore, #tpu.memory_space<semaphore_mem>>) src(%dma_wait3A_71 : memref<8x16xf32, #tpu.memory_space<hbm>>) dst(%arg17 : memref<8x16xf32, #tpu.memory_space<vmem>>)
      tpu.yield
    }) : () -> ()
    %scan3A_56 = arith.constant 0 : i32
    %scan3A_57 = arith.constant 0 : i32
    %scan3A_58 = arith.constant 8 : i32
    %scan3A_59 = arith.addi %scan3A_57, %scan3A_58 : i32
    %scan3A_60 = arith.constant 1 : i32
    scf.for %scan3A_64 = %scan3A_57 to %scan3A_59 step %scan3A_60  : i32 {
      %get3A = arith.index_cast %scan3A_64 : i32 to index
      %get3A_65 = arith.constant 0 : index
      %get3A_66 = tpu.vector_load %arg15[%get3A, %get3A_65] {strides = array<i32>} : memref<8x128xf32, #tpu.memory_space<vmem>>, vector<1x16xf32>,
      %get3A_67 = vector.shape_cast %get3A_66 : vector<1x16xf32> to vector<16xf32>
      %get3A_68 = arith.index_cast %scan3A_64 : i32 to index
      %get3A_69 = arith.constant 16 : index
      %get3A_70 = tpu.vector_load %arg16[%get3A_68, %get3A_69] {strides = array<i32>} : memref<8x128xf32, #tpu.memory_space<vmem>>, vector<1x16xf32>,
      %get3A_71 = vector.shape_cast %get3A_70 : vector<1x16xf32> to vector<16xf32>
      %add3A_72 = arith.addf %get3A_67, %get3A_71 : vector<16xf32>
      %get3A_73 = arith.index_cast %scan3A_64 : i32 to index
      %get3A_74 = arith.constant 0 : index
      %get3A_75 = tpu.vector_load %arg17[%get3A_73, %get3A_74] {strides = array<i32>} : memref<8x16xf32, #tpu.memory_space<vmem>>, vector<1x16xf32>,
      %get3A_76 = vector.shape_cast %get3A_75 : vector<1x16xf32> to vector<16xf32>
      %add3A_77 = arith.addf %add3A_72, %get3A_76 : vector<16xf32>
      %swap3A = arith.index_cast %scan3A_64 : i32 to index
      %swap3A_78 = arith.constant 0 : index
      %swap3A_79 = tpu.vector_load %arg17[%swap3A, %swap3A_78] {strides = array<i32>} : memref<8x16xf32, #tpu.memory_space<vmem>>, vector<1x16xf32>,
      %swap3A_80 = vector.shape_cast %swap3A_79 : vector<1x16xf32> to vector<16xf32>
      %swap3A_81 = vector.shape_cast %add3A_77 : vector<16xf32> to vector<1x16xf32>
      tpu.vector_store %arg17[%swap3A, %swap3A_78], %swap3A_81 {strides = array<i32>} : memref<8x16xf32, #tpu.memory_space<vmem>>, vector<1x16xf32>,
    }
    %scan3A_61 = arith.constant 8 : i32
    %add3A_62 = arith.constant 4992 : i32
    %add3A_63 = arith.addi %mul3A_2, %add3A_62 : i32
    "tpu.region"() ({
      %run_scoped3A = tpu.sem_alloc : memref<!tpu.dma_semaphore, #tpu.memory_space<semaphore_mem>>
      %dma_start3A_64 = arith.constant 0 : i32
      %dma_start3A_65 = tpu.memref_slice %arg6[%add3A_63, %dma_start3A_64] : memref<160000x16xf32, #tpu.memory_space<hbm>> -> memref<8x16xf32, #tpu.memory_space<hbm>>
      %dma_start3A_66 = arith.constant 0 : i32
      %dma_start3A_67 = tpu.memref_slice %arg6[%add3A_63, %dma_start3A_66] : memref<160000x16xf32, #tpu.memory_space<hbm>> -> memref<8x16xf32, #tpu.memory_space<hbm>>
      tpu.enqueue_dma source(%arg17 : memref<8x16xf32, #tpu.memory_space<vmem>>) target(%dma_start3A_67 : memref<8x16xf32, #tpu.memory_space<hbm>>) target_semaphore(%run_scoped3A : memref<!tpu.dma_semaphore, #tpu.memory_space<semaphore_mem>>)
      %dma_wait3A_68 = arith.constant 0 : i32
      %dma_wait3A_69 = tpu.memref_slice %arg6[%add3A_63, %dma_wait3A_68] : memref<160000x16xf32, #tpu.memory_space<hbm>> -> memref<8x16xf32, #tpu.memory_space<hbm>>
      %dma_wait3A_70 = arith.constant 0 : i32
      %dma_wait3A_71 = tpu.memref_slice %arg6[%add3A_63, %dma_wait3A_70] : memref<160000x16xf32, #tpu.memory_space<hbm>> -> memref<8x16xf32, #tpu.memory_space<hbm>>
      tpu.wait_dma2 semaphore(%run_scoped3A : memref<!tpu.dma_semaphore, #tpu.memory_space<semaphore_mem>>) src(%arg17 : memref<8x16xf32, #tpu.memory_space<vmem>>) dst(%dma_wait3A_71 : memref<8x16xf32, #tpu.memory_space<hbm>>)
      tpu.yield
    }) : () -> ()
    return
  }
}

module attributes {stable_mosaic.version = 14 : i64} {
  func.func @_node_embed_body(%arg0: i32, %arg1: memref<512x256xf32, #tpu.memory_space<vmem>>, %arg2: memref<256x256xf32, #tpu.memory_space<vmem>>, %arg3: memref<512x256xf32, #tpu.memory_space<vmem>>) attributes {dimension_semantics = [#tpu.dimension_semantics<arbitrary>], iteration_bounds = array<i64: 20>, scalar_prefetch = 0 : i64, scratch_operands = 0 : i64, tpu.core_type = #tpu.core_type<tc>, window_params = [{transform_indices = @transform_0, window_bounds = array<i64: 512, 256>}, {pipeline_mode = #tpu.pipeline_mode<synchronous>, transform_indices = @transform_1, window_bounds = array<i64: 256, 256>}, {transform_indices = @transform_2, window_bounds = array<i64: 512, 256>}]} {
    %get3A = arith.constant 0 : index
    %get3A_0 = arith.constant 0 : index
    %get3A_1 = vector.load %arg1[%get3A, %get3A_0] : memref<512x256xf32, #tpu.memory_space<vmem>>, vector<512x256xf32>
    %get3A_2 = arith.constant 0 : index
    %get3A_3 = arith.constant 0 : index
    %get3A_4 = vector.load %arg2[%get3A_2, %get3A_3] : memref<256x256xf32, #tpu.memory_space<vmem>>, vector<256x256xf32>
    %dot_general3A = arith.constant dense<0.000000e+00> : vector<512x256xf32>
    %dot_general3A_5 = tpu.matmul %get3A_1, %get3A_4, %dot_general3A {dimension_numbers = #tpu.dot_dimension_numbers<[1], [0], [0], [1], [0, 0, 1, 1], [], []>, transpose_lhs_hint = false} : vector<512x256xf32>, vector<256x256xf32>, vector<512x256xf32> -> vector<512x256xf32>
    %swap3A = arith.constant 0 : index
    %swap3A_6 = arith.constant 0 : index
    %swap3A_7 = vector.load %arg3[%swap3A, %swap3A_6] : memref<512x256xf32, #tpu.memory_space<vmem>>, vector<512x256xf32>
    tpu.vector_store %arg3[%swap3A, %swap3A_6], %dot_general3A_5 {strides = array<i32>} : memref<512x256xf32, #tpu.memory_space<vmem>>, vector<512x256xf32>,
    return
  }
  func.func @transform_0(%arg0: i32) -> (i32, i32) {
    %c0_i32 = arith.constant 0 : i32
    %c0_i32_0 = arith.constant 0 : i32
    return %arg0, %c0_i32 : i32, i32
  }
  func.func @transform_1(%arg0: i32) -> (i32, i32) {
    %c0_i32 = arith.constant 0 : i32
    %c0_i32_0 = arith.constant 0 : i32
    %c0_i32_1 = arith.constant 0 : i32
    return %c0_i32, %c0_i32_0 : i32, i32
  }
  func.func @transform_2(%arg0: i32) -> (i32, i32) {
    %c0_i32 = arith.constant 0 : i32
    %c0_i32_0 = arith.constant 0 : i32
    return %arg0, %c0_i32 : i32, i32
  }
}

module attributes {stable_mosaic.version = 14 : i64} {
  func.func @body(%arg0: i32, %arg1: memref<1280x256xf32, #tpu.memory_space<vmem>>, %arg2: memref<1280x256xf32, #tpu.memory_space<vmem>>, %arg3: memref<1280x16xf32, #tpu.memory_space<vmem>>, %arg4: memref<528x256xf32, #tpu.memory_space<vmem>>, %arg5: memref<1x256xf32, #tpu.memory_space<vmem>>, %arg6: memref<16x16xf32, #tpu.memory_space<vmem>>, %arg7: memref<16x1xf32, #tpu.memory_space<vmem>>, %arg8: memref<256x1xf32, #tpu.memory_space<vmem>>, %arg9: memref<16x16xf32, #tpu.memory_space<vmem>>, %arg10: memref<16x16xf32, #tpu.memory_space<vmem>>, %arg11: memref<528x1280xf32, #tpu.memory_space<vmem>>, %arg12: memref<2x1280x128xf32, #tpu.memory_space<vmem>>, %arg13: memref<1280x128xf32, #tpu.memory_space<vmem>>, %arg14: memref<1280x16xf32, #tpu.memory_space<vmem>>) attributes {dimension_semantics = [#tpu.dimension_semantics<arbitrary>], iteration_bounds = array<i64: 64>, scalar_prefetch = 0 : i64, scratch_operands = 0 : i64, tpu.core_type = #tpu.core_type<tc>, window_params = [{transform_indices = @transform_0, window_bounds = array<i64: 1280, 256>}, {transform_indices = @transform_1, window_bounds = array<i64: 1280, 256>}, {transform_indices = @transform_2, window_bounds = array<i64: 1280, 16>}, {pipeline_mode = #tpu.pipeline_mode<synchronous>, transform_indices = @transform_3, window_bounds = array<i64: 528, 256>}, {pipeline_mode = #tpu.pipeline_mode<synchronous>, transform_indices = @transform_4, window_bounds = array<i64: 1, 256>}, {pipeline_mode = #tpu.pipeline_mode<synchronous>, transform_indices = @transform_5, window_bounds = array<i64: 16, 16>}, {pipeline_mode = #tpu.pipeline_mode<synchronous>, transform_indices = @transform_6, window_bounds = array<i64: 16, 1>}, {pipeline_mode = #tpu.pipeline_mode<synchronous>, transform_indices = @transform_7, window_bounds = array<i64: 256, 1>}, {pipeline_mode = #tpu.pipeline_mode<synchronous>, transform_indices = @transform_8, window_bounds = array<i64: 16, 16>}, {pipeline_mode = #tpu.pipeline_mode<synchronous>, transform_indices = @transform_9, window_bounds = array<i64: 16, 16>}, {transform_indices = @transform_10, window_bounds = array<i64: 528, 1280>}, {transform_indices = @transform_11, window_bounds = array<i64: 2, 1280, 128>}, {transform_indices = @transform_12, window_bounds = array<i64: 1280, 128>}, {transform_indices = @transform_13, window_bounds = array<i64: 1280, 16>}]} {
    %get3A = arith.constant 0 : index
    %get3A_0 = arith.constant 0 : index
    %get3A_1 = vector.load %arg1[%get3A, %get3A_0] : memref<1280x256xf32, #tpu.memory_space<vmem>>, vector<1280x256xf32>
    %get3A_2 = arith.constant 0 : index
    %get3A_3 = arith.constant 0 : index
    %get3A_4 = vector.load %arg2[%get3A_2, %get3A_3] : memref<1280x256xf32, #tpu.memory_space<vmem>>, vector<1280x256xf32>
    %get3A_5 = arith.constant 0 : index
    %get3A_6 = arith.constant 0 : index
    %get3A_7 = vector.load %arg3[%get3A_5, %get3A_6] : memref<1280x16xf32, #tpu.memory_space<vmem>>, vector<1280x16xf32>
    %get3A_8 = arith.constant 0 : index
    %get3A_9 = arith.constant 0 : index
    %get3A_10 = vector.load %arg6[%get3A_8, %get3A_9] : memref<16x16xf32, #tpu.memory_space<vmem>>, vector<16x16xf32>
    %dot_general3A = arith.constant dense<0.000000e+00> : vector<1280x16xf32>
    %dot_general3A_11 = tpu.matmul %get3A_7, %get3A_10, %dot_general3A {dimension_numbers = #tpu.dot_dimension_numbers<[1], [0], [0], [1], [0, 0, 1, 1], [], []>, transpose_lhs_hint = false} : vector<1280x16xf32>, vector<16x16xf32>, vector<1280x16xf32> -> vector<1280x16xf32>
    %gt3A = arith.constant 0.000000e+00 : f32
    %gt3A_12 = vector.broadcast %gt3A : f32 to vector<1280x16xf32>
    %gt3A_13 = arith.cmpf ogt, %dot_general3A_11, %gt3A_12 : vector<1280x16xf32>
    %mul3A = arith.constant 1.000000e-01 : f32
    %mul3A_14 = vector.broadcast %mul3A : f32 to vector<1280x16xf32>
    %mul3A_15 = arith.mulf %mul3A_14, %dot_general3A_11 : vector<1280x16xf32>
    %select_n3A = arith.select %gt3A_13, %dot_general3A_11, %mul3A_15 : vector<1280x16xi1>, vector<1280x16xf32>
    %get3A_16 = arith.constant 0 : index
    %get3A_17 = arith.constant 0 : index
    %get3A_18 = vector.load %arg7[%get3A_16, %get3A_17] : memref<16x1xf32, #tpu.memory_space<vmem>>, vector<16x1xf32>
    %dot_general3A_19 = arith.constant dense<0.000000e+00> : vector<1280x1xf32>
    %dot_general3A_20 = tpu.matmul %select_n3A, %get3A_18, %dot_general3A_19 {dimension_numbers = #tpu.dot_dimension_numbers<[1], [0], [0], [1], [0, 0, 1, 1], [], []>, transpose_lhs_hint = false} : vector<1280x16xf32>, vector<16x1xf32>, vector<1280x1xf32> -> vector<1280x1xf32>
    %mul3A_21 = vector.broadcast %dot_general3A_20 : vector<1280x1xf32> to vector<1280x16xf32>
    %mul3A_22 = arith.mulf %mul3A_21, %dot_general3A_11 : vector<1280x16xf32>
    %transpose3A = tpu.transpose %get3A_1, [1, 0] : vector<1280x256xf32> -> vector<256x1280xf32>
    %swap3A = arith.constant 0 : index
    %swap3A_23 = arith.constant 0 : index
    %swap3A_24 = vector.load %arg11[%swap3A, %swap3A_23] : memref<528x1280xf32, #tpu.memory_space<vmem>>, vector<256x1280xf32>
    tpu.vector_store %arg11[%swap3A, %swap3A_23], %transpose3A {strides = array<i32>} : memref<528x1280xf32, #tpu.memory_space<vmem>>, vector<256x1280xf32>,
    %transpose3A_25 = tpu.transpose %get3A_4, [1, 0] : vector<1280x256xf32> -> vector<256x1280xf32>
    %swap3A_26 = arith.constant 256 : index
    %swap3A_27 = arith.constant 0 : index
    %swap3A_28 = vector.load %arg11[%swap3A_26, %swap3A_27] : memref<528x1280xf32, #tpu.memory_space<vmem>>, vector<256x1280xf32>
    tpu.vector_store %arg11[%swap3A_26, %swap3A_27], %transpose3A_25 {strides = array<i32>} : memref<528x1280xf32, #tpu.memory_space<vmem>>, vector<256x1280xf32>,
    %transpose3A_29 = tpu.transpose %mul3A_22, [1, 0] : vector<1280x16xf32> -> vector<16x1280xf32>
    %swap3A_30 = arith.constant 512 : index
    %swap3A_31 = arith.constant 0 : index
    %swap3A_32 = vector.load %arg11[%swap3A_30, %swap3A_31] : memref<528x1280xf32, #tpu.memory_space<vmem>>, vector<16x1280xf32>
    tpu.vector_store %arg11[%swap3A_30, %swap3A_31], %transpose3A_29 {strides = array<i32>} : memref<528x1280xf32, #tpu.memory_space<vmem>>, vector<16x1280xf32>,
    %get3A_33 = arith.constant 0 : index
    %get3A_34 = arith.constant 0 : index
    %get3A_35 = vector.load %arg4[%get3A_33, %get3A_34] : memref<528x256xf32, #tpu.memory_space<vmem>>, vector<528x256xf32>
    %convert_element_type3A = arith.truncf %get3A_35 : vector<528x256xf32> to vector<528x256xbf16>
    %convert_element_type3A_36 = arith.truncf %get3A_1 : vector<1280x256xf32> to vector<1280x256xbf16>
    %slice3A = vector.extract_strided_slice %convert_element_type3A {offsets = [0, 0], sizes = [256, 256], strides = [1, 1]} : vector<528x256xbf16> to vector<256x256xbf16>
    %dot_general3A_37 = arith.constant dense<0.000000e+00> : vector<1280x256xf32>
    %dot_general3A_38 = tpu.matmul %convert_element_type3A_36, %slice3A, %dot_general3A_37 {dimension_numbers = #tpu.dot_dimension_numbers<[1], [0], [0], [1], [0, 0, 1, 1], [], []>, transpose_lhs_hint = false} : vector<1280x256xbf16>, vector<256x256xbf16>, vector<1280x256xf32> -> vector<1280x256xf32>
    %convert_element_type3A_39 = arith.truncf %get3A_4 : vector<1280x256xf32> to vector<1280x256xbf16>
    %slice3A_40 = vector.extract_strided_slice %convert_element_type3A {offsets = [256, 0], sizes = [256, 256], strides = [1, 1]} : vector<528x256xbf16> to vector<256x256xbf16>
    %dot_general3A_41 = arith.constant dense<0.000000e+00> : vector<1280x256xf32>
    %dot_general3A_42 = tpu.matmul %convert_element_type3A_39, %slice3A_40, %dot_general3A_41 {dimension_numbers = #tpu.dot_dimension_numbers<[1], [0], [0], [1], [0, 0, 1, 1], [], []>, transpose_lhs_hint = false} : vector<1280x256xbf16>, vector<256x256xbf16>, vector<1280x256xf32> -> vector<1280x256xf32>
    %add3A = arith.addf %dot_general3A_38, %dot_general3A_42 : vector<1280x256xf32>
    %convert_element_type3A_43 = arith.truncf %mul3A_22 : vector<1280x16xf32> to vector<1280x16xbf16>
    %slice3A_44 = vector.extract_strided_slice %convert_element_type3A {offsets = [512, 0], sizes = [16, 256], strides = [1, 1]} : vector<528x256xbf16> to vector<16x256xbf16>
    %dot_general3A_45 = arith.constant dense<0.000000e+00> : vector<1280x256xf32>
    %dot_general3A_46 = tpu.matmul %convert_element_type3A_43, %slice3A_44, %dot_general3A_45 {dimension_numbers = #tpu.dot_dimension_numbers<[1], [0], [0], [1], [0, 0, 1, 1], [], []>, transpose_lhs_hint = false} : vector<1280x16xbf16>, vector<16x256xbf16>, vector<1280x256xf32> -> vector<1280x256xf32>
    %add3A_47 = arith.addf %add3A, %dot_general3A_46 : vector<1280x256xf32>
    %get3A_48 = arith.constant 0 : index
    %get3A_49 = arith.constant 0 : index
    %get3A_50 = vector.load %arg5[%get3A_48, %get3A_49] : memref<1x256xf32, #tpu.memory_space<vmem>>, vector<1x256xf32>
    %add3A_51 = vector.broadcast %get3A_50 : vector<1x256xf32> to vector<1280x256xf32>
    %add3A_52 = arith.addf %add3A_47, %add3A_51 : vector<1280x256xf32>
    %gt3A_53 = arith.constant 0.000000e+00 : f32
    %gt3A_54 = vector.broadcast %gt3A_53 : f32 to vector<1280x256xf32>
    %gt3A_55 = arith.cmpf ogt, %add3A_52, %gt3A_54 : vector<1280x256xf32>
    %mul3A_56 = arith.constant 1.000000e-01 : f32
    %mul3A_57 = vector.broadcast %mul3A_56 : f32 to vector<1280x256xf32>
    %mul3A_58 = arith.mulf %mul3A_57, %add3A_52 : vector<1280x256xf32>
    %select_n3A_59 = arith.select %gt3A_55, %add3A_52, %mul3A_58 : vector<1280x256xi1>, vector<1280x256xf32>
    %get3A_60 = arith.constant 0 : index
    %get3A_61 = arith.constant 0 : index
    %get3A_62 = vector.load %arg8[%get3A_60, %get3A_61] : memref<256x1xf32, #tpu.memory_space<vmem>>, vector<256x1xf32>
    %dot_general3A_63 = arith.constant dense<0.000000e+00> : vector<1280x1xf32>
    %dot_general3A_64 = tpu.matmul %select_n3A_59, %get3A_62, %dot_general3A_63 {dimension_numbers = #tpu.dot_dimension_numbers<[1], [0], [0], [1], [0, 0, 1, 1], [], []>, transpose_lhs_hint = false} : vector<1280x256xf32>, vector<256x1xf32>, vector<1280x1xf32> -> vector<1280x1xf32>
    %exp3A = math.exp %dot_general3A_64 : vector<1280x1xf32>
    %mul3A_65 = vector.broadcast %dot_general3A_64 : vector<1280x1xf32> to vector<1280x16xf32>
    %mul3A_66 = arith.mulf %mul3A_65, %mul3A_22 : vector<1280x16xf32>
    %mul3A_67 = vector.broadcast %exp3A : vector<1280x1xf32> to vector<1280x256xf32>
    %mul3A_68 = arith.mulf %mul3A_67, %get3A_1 : vector<1280x256xf32>
    %slice3A_69 = vector.extract_strided_slice %mul3A_68 {offsets = [0, 0], sizes = [1280, 128], strides = [1, 1]} : vector<1280x256xf32> to vector<1280x128xf32>
    %swap3A_70 = arith.constant 0 : index
    %swap3A_71 = arith.constant 0 : index
    %swap3A_72 = arith.constant 0 : index
    %swap3A_73 = vector.load %arg12[%swap3A_70, %swap3A_71, %swap3A_72] : memref<2x1280x128xf32, #tpu.memory_space<vmem>>, vector<1x1280x128xf32>
    %swap3A_74 = vector.shape_cast %swap3A_73 : vector<1x1280x128xf32> to vector<1280x128xf32>
    %swap3A_75 = vector.shape_cast %slice3A_69 : vector<1280x128xf32> to vector<1x1280x128xf32>
    tpu.vector_store %arg12[%swap3A_70, %swap3A_71, %swap3A_72], %swap3A_75 {strides = array<i32>} : memref<2x1280x128xf32, #tpu.memory_space<vmem>>, vector<1x1280x128xf32>,
    %slice3A_76 = vector.extract_strided_slice %mul3A_68 {offsets = [0, 128], sizes = [1280, 128], strides = [1, 1]} : vector<1280x256xf32> to vector<1280x128xf32>
    %swap3A_77 = arith.constant 1 : index
    %swap3A_78 = arith.constant 0 : index
    %swap3A_79 = arith.constant 0 : index
    %swap3A_80 = vector.load %arg12[%swap3A_77, %swap3A_78, %swap3A_79] : memref<2x1280x128xf32, #tpu.memory_space<vmem>>, vector<1x1280x128xf32>
    %swap3A_81 = vector.shape_cast %swap3A_80 : vector<1x1280x128xf32> to vector<1280x128xf32>
    %swap3A_82 = vector.shape_cast %slice3A_76 : vector<1280x128xf32> to vector<1x1280x128xf32>
    tpu.vector_store %arg12[%swap3A_77, %swap3A_78, %swap3A_79], %swap3A_82 {strides = array<i32>} : memref<2x1280x128xf32, #tpu.memory_space<vmem>>, vector<1x1280x128xf32>,
    %mul3A_83 = vector.broadcast %exp3A : vector<1280x1xf32> to vector<1280x16xf32>
    %mul3A_84 = arith.mulf %mul3A_83, %mul3A_66 : vector<1280x16xf32>
    %swap3A_85 = arith.constant 0 : index
    %swap3A_86 = arith.constant 0 : index
    %swap3A_87 = vector.load %arg13[%swap3A_85, %swap3A_86] : memref<1280x128xf32, #tpu.memory_space<vmem>>, vector<1280x16xf32>
    tpu.vector_store %arg13[%swap3A_85, %swap3A_86], %mul3A_84 {strides = array<i32>} : memref<1280x128xf32, #tpu.memory_space<vmem>>, vector<1280x16xf32>,
    %swap3A_88 = arith.constant 0 : index
    %swap3A_89 = arith.constant 16 : index
    %swap3A_90 = vector.load %arg13[%swap3A_88, %swap3A_89] : memref<1280x128xf32, #tpu.memory_space<vmem>>, vector<1280x1xf32>
    tpu.vector_store %arg13[%swap3A_88, %swap3A_89], %exp3A {strides = array<i32>} : memref<1280x128xf32, #tpu.memory_space<vmem>>, vector<1280x1xf32>,
    %broadcast_in_dim3A = arith.constant 0.000000e+00 : f32
    %broadcast_in_dim3A_91 = vector.broadcast %broadcast_in_dim3A : f32 to vector<1280x1xf32>
    %broadcast_in_dim3A_92 = arith.constant 0.000000e+00 : f32
    %broadcast_in_dim3A_93 = vector.broadcast %broadcast_in_dim3A_92 : f32 to vector<1x111xf32>
    %mul3A_94 = vector.broadcast %broadcast_in_dim3A_91 : vector<1280x1xf32> to vector<1280x111xf32>
    %mul3A_95 = vector.broadcast %broadcast_in_dim3A_93 : vector<1x111xf32> to vector<1280x111xf32>
    %mul3A_96 = arith.mulf %mul3A_94, %mul3A_95 : vector<1280x111xf32>
    %swap3A_97 = arith.constant 0 : index
    %swap3A_98 = arith.constant 17 : index
    %swap3A_99 = vector.load %arg13[%swap3A_97, %swap3A_98] : memref<1280x128xf32, #tpu.memory_space<vmem>>, vector<1280x111xf32>
    tpu.vector_store %arg13[%swap3A_97, %swap3A_98], %mul3A_96 {strides = array<i32>} : memref<1280x128xf32, #tpu.memory_space<vmem>>, vector<1280x111xf32>,
    %mul3A_100 = arith.constant 0.999994993 : f32
    %mul3A_101 = vector.broadcast %mul3A_100 : f32 to vector<1280x16xf32>
    %mul3A_102 = arith.mulf %mul3A_66, %mul3A_101 : vector<1280x16xf32>
    %get3A_103 = arith.constant 0 : index
    %get3A_104 = arith.constant 0 : index
    %get3A_105 = vector.load %arg9[%get3A_103, %get3A_104] : memref<16x16xf32, #tpu.memory_space<vmem>>, vector<16x16xf32>
    %dot_general3A_106 = arith.constant dense<0.000000e+00> : vector<1280x16xf32>
    %dot_general3A_107 = tpu.matmul %mul3A_102, %get3A_105, %dot_general3A_106 {dimension_numbers = #tpu.dot_dimension_numbers<[1], [0], [0], [1], [0, 0, 1, 1], [], []>, transpose_lhs_hint = false} : vector<1280x16xf32>, vector<16x16xf32>, vector<1280x16xf32> -> vector<1280x16xf32>
    %get3A_108 = arith.constant 0 : index
    %get3A_109 = arith.constant 0 : index
    %get3A_110 = vector.load %arg10[%get3A_108, %get3A_109] : memref<16x16xf32, #tpu.memory_space<vmem>>, vector<16x16xf32>
    %dot_general3A_111 = arith.constant dense<0.000000e+00> : vector<1280x16xf32>
    %dot_general3A_112 = tpu.matmul %get3A_7, %get3A_110, %dot_general3A_111 {dimension_numbers = #tpu.dot_dimension_numbers<[1], [0], [0], [1], [0, 0, 1, 1], [], []>, transpose_lhs_hint = false} : vector<1280x16xf32>, vector<16x16xf32>, vector<1280x16xf32> -> vector<1280x16xf32>
    %add3A_113 = arith.addf %dot_general3A_107, %dot_general3A_112 : vector<1280x16xf32>
    %swap3A_114 = arith.constant 0 : index
    %swap3A_115 = arith.constant 0 : index
    %swap3A_116 = vector.load %arg14[%swap3A_114, %swap3A_115] : memref<1280x16xf32, #tpu.memory_space<vmem>>, vector<1280x16xf32>
    tpu.vector_store %arg14[%swap3A_114, %swap3A_115], %add3A_113 {strides = array<i32>} : memref<1280x16xf32, #tpu.memory_space<vmem>>, vector<1280x16xf32>,
    return
  }
  func.func @transform_0(%arg0: i32) -> (i32, i32) {
    %c0_i32 = arith.constant 0 : i32
    %c0_i32_0 = arith.constant 0 : i32
    return %arg0, %c0_i32 : i32, i32
  }
  func.func @transform_1(%arg0: i32) -> (i32, i32) {
    %c0_i32 = arith.constant 0 : i32
    %c0_i32_0 = arith.constant 0 : i32
    return %arg0, %c0_i32 : i32, i32
  }
  func.func @transform_2(%arg0: i32) -> (i32, i32) {
    %c0_i32 = arith.constant 0 : i32
    %c0_i32_0 = arith.constant 0 : i32
    return %arg0, %c0_i32 : i32, i32
  }
  func.func @transform_3(%arg0: i32) -> (i32, i32) {
    %c0_i32 = arith.constant 0 : i32
    %c0_i32_0 = arith.constant 0 : i32
    %c0_i32_1 = arith.constant 0 : i32
    return %c0_i32, %c0_i32_0 : i32, i32
  }
  func.func @transform_4(%arg0: i32) -> (i32, i32) {
    %c0_i32 = arith.constant 0 : i32
    %c0_i32_0 = arith.constant 0 : i32
    %c0_i32_1 = arith.constant 0 : i32
    return %c0_i32, %c0_i32_0 : i32, i32
  }
  func.func @transform_5(%arg0: i32) -> (i32, i32) {
    %c0_i32 = arith.constant 0 : i32
    %c0_i32_0 = arith.constant 0 : i32
    %c0_i32_1 = arith.constant 0 : i32
    return %c0_i32, %c0_i32_0 : i32, i32
  }
  func.func @transform_6(%arg0: i32) -> (i32, i32) {
    %c0_i32 = arith.constant 0 : i32
    %c0_i32_0 = arith.constant 0 : i32
    %c0_i32_1 = arith.constant 0 : i32
    return %c0_i32, %c0_i32_0 : i32, i32
  }
  func.func @transform_7(%arg0: i32) -> (i32, i32) {
    %c0_i32 = arith.constant 0 : i32
    %c0_i32_0 = arith.constant 0 : i32
    %c0_i32_1 = arith.constant 0 : i32
    return %c0_i32, %c0_i32_0 : i32, i32
  }
  func.func @transform_8(%arg0: i32) -> (i32, i32) {
    %c0_i32 = arith.constant 0 : i32
    %c0_i32_0 = arith.constant 0 : i32
    %c0_i32_1 = arith.constant 0 : i32
    return %c0_i32, %c0_i32_0 : i32, i32
  }
  func.func @transform_9(%arg0: i32) -> (i32, i32) {
    %c0_i32 = arith.constant 0 : i32
    %c0_i32_0 = arith.constant 0 : i32
    %c0_i32_1 = arith.constant 0 : i32
    return %c0_i32, %c0_i32_0 : i32, i32
  }
  func.func @transform_10(%arg0: i32) -> (i32, i32) {
    %add3A = arith.constant 0 : i32
    %add3A_0 = arith.addi %arg0, %add3A : i32
    %c0_i32 = arith.constant 0 : i32
    %c0_i32_1 = arith.constant 0 : i32
    return %c0_i32, %add3A_0 : i32, i32
  }
  func.func @transform_11(%arg0: i32) -> (i32, i32, i32) {
    %c0_i32 = arith.constant 0 : i32
    %c0_i32_0 = arith.constant 0 : i32
    %c0_i32_1 = arith.constant 0 : i32
    return %c0_i32, %arg0, %c0_i32_0 : i32, i32, i32
  }
  func.func @transform_12(%arg0: i32) -> (i32, i32) {
    %c0_i32 = arith.constant 0 : i32
    %c0_i32_0 = arith.constant 0 : i32
    return %arg0, %c0_i32 : i32, i32
  }
  func.func @transform_13(%arg0: i32) -> (i32, i32) {
    %add3A = arith.constant 0 : i32
    %add3A_0 = arith.addi %arg0, %add3A : i32
    %c0_i32 = arith.constant 0 : i32
    %c0_i32_1 = arith.constant 0 : i32
    return %add3A_0, %c0_i32 : i32, i32
  }
}

module attributes {stable_mosaic.version = 14 : i64} {
  func.func @body(%arg0: i32, %arg1: memref<1280x256xf32, #tpu.memory_space<vmem>>, %arg2: memref<1280x256xf32, #tpu.memory_space<vmem>>, %arg3: memref<1280x16xf32, #tpu.memory_space<vmem>>, %arg4: memref<528x256xf32, #tpu.memory_space<vmem>>, %arg5: memref<1x256xf32, #tpu.memory_space<vmem>>, %arg6: memref<16x16xf32, #tpu.memory_space<vmem>>, %arg7: memref<16x1xf32, #tpu.memory_space<vmem>>, %arg8: memref<256x1xf32, #tpu.memory_space<vmem>>, %arg9: memref<16x16xf32, #tpu.memory_space<vmem>>, %arg10: memref<16x16xf32, #tpu.memory_space<vmem>>, %arg11: memref<528x160000xf32, #tpu.memory_space<any>>, %arg12: memref<160000x16xf32, #tpu.memory_space<any>>, %arg13: memref<528x1280xf32, #tpu.memory_space<vmem>>, %arg14: memref<2x1280x128xf32, #tpu.memory_space<vmem>>, %arg15: memref<1280x128xf32, #tpu.memory_space<vmem>>, %arg16: memref<1280x16xf32, #tpu.memory_space<vmem>>) attributes {dimension_semantics = [#tpu.dimension_semantics<arbitrary>], iteration_bounds = array<i64: 61>, scalar_prefetch = 0 : i64, scratch_operands = 0 : i64, tpu.core_type = #tpu.core_type<tc>, window_params = [{transform_indices = @transform_0, window_bounds = array<i64: 1280, 256>}, {transform_indices = @transform_1, window_bounds = array<i64: 1280, 256>}, {transform_indices = @transform_2, window_bounds = array<i64: 1280, 16>}, {pipeline_mode = #tpu.pipeline_mode<synchronous>, transform_indices = @transform_3, window_bounds = array<i64: 528, 256>}, {pipeline_mode = #tpu.pipeline_mode<synchronous>, transform_indices = @transform_4, window_bounds = array<i64: 1, 256>}, {pipeline_mode = #tpu.pipeline_mode<synchronous>, transform_indices = @transform_5, window_bounds = array<i64: 16, 16>}, {pipeline_mode = #tpu.pipeline_mode<synchronous>, transform_indices = @transform_6, window_bounds = array<i64: 16, 1>}, {pipeline_mode = #tpu.pipeline_mode<synchronous>, transform_indices = @transform_7, window_bounds = array<i64: 256, 1>}, {pipeline_mode = #tpu.pipeline_mode<synchronous>, transform_indices = @transform_8, window_bounds = array<i64: 16, 16>}, {pipeline_mode = #tpu.pipeline_mode<synchronous>, transform_indices = @transform_9, window_bounds = array<i64: 16, 16>}, {}, {}, {transform_indices = @transform_12, window_bounds = array<i64: 528, 1280>}, {transform_indices = @transform_13, window_bounds = array<i64: 2, 1280, 128>}, {transform_indices = @transform_14, window_bounds = array<i64: 1280, 128>}, {transform_indices = @transform_15, window_bounds = array<i64: 1280, 16>}]} {
    %get3A = arith.constant 0 : index
    %get3A_0 = arith.constant 0 : index
    %get3A_1 = vector.load %arg1[%get3A, %get3A_0] : memref<1280x256xf32, #tpu.memory_space<vmem>>, vector<1280x256xf32>
    %get3A_2 = arith.constant 0 : index
    %get3A_3 = arith.constant 0 : index
    %get3A_4 = vector.load %arg2[%get3A_2, %get3A_3] : memref<1280x256xf32, #tpu.memory_space<vmem>>, vector<1280x256xf32>
    %get3A_5 = arith.constant 0 : index
    %get3A_6 = arith.constant 0 : index
    %get3A_7 = vector.load %arg3[%get3A_5, %get3A_6] : memref<1280x16xf32, #tpu.memory_space<vmem>>, vector<1280x16xf32>
    %get3A_8 = arith.constant 0 : index
    %get3A_9 = arith.constant 0 : index
    %get3A_10 = vector.load %arg6[%get3A_8, %get3A_9] : memref<16x16xf32, #tpu.memory_space<vmem>>, vector<16x16xf32>
    %dot_general3A = arith.constant dense<0.000000e+00> : vector<1280x16xf32>
    %dot_general3A_11 = tpu.matmul %get3A_7, %get3A_10, %dot_general3A {dimension_numbers = #tpu.dot_dimension_numbers<[1], [0], [0], [1], [0, 0, 1, 1], [], []>, transpose_lhs_hint = false} : vector<1280x16xf32>, vector<16x16xf32>, vector<1280x16xf32> -> vector<1280x16xf32>
    %gt3A = arith.constant 0.000000e+00 : f32
    %gt3A_12 = vector.broadcast %gt3A : f32 to vector<1280x16xf32>
    %gt3A_13 = arith.cmpf ogt, %dot_general3A_11, %gt3A_12 : vector<1280x16xf32>
    %mul3A = arith.constant 1.000000e-01 : f32
    %mul3A_14 = vector.broadcast %mul3A : f32 to vector<1280x16xf32>
    %mul3A_15 = arith.mulf %mul3A_14, %dot_general3A_11 : vector<1280x16xf32>
    %select_n3A = arith.select %gt3A_13, %dot_general3A_11, %mul3A_15 : vector<1280x16xi1>, vector<1280x16xf32>
    %get3A_16 = arith.constant 0 : index
    %get3A_17 = arith.constant 0 : index
    %get3A_18 = vector.load %arg7[%get3A_16, %get3A_17] : memref<16x1xf32, #tpu.memory_space<vmem>>, vector<16x1xf32>
    %dot_general3A_19 = arith.constant dense<0.000000e+00> : vector<1280x1xf32>
    %dot_general3A_20 = tpu.matmul %select_n3A, %get3A_18, %dot_general3A_19 {dimension_numbers = #tpu.dot_dimension_numbers<[1], [0], [0], [1], [0, 0, 1, 1], [], []>, transpose_lhs_hint = false} : vector<1280x16xf32>, vector<16x1xf32>, vector<1280x1xf32> -> vector<1280x1xf32>
    %mul3A_21 = vector.broadcast %dot_general3A_20 : vector<1280x1xf32> to vector<1280x16xf32>
    %mul3A_22 = arith.mulf %mul3A_21, %dot_general3A_11 : vector<1280x16xf32>
    %transpose3A = tpu.transpose %get3A_1, [1, 0] : vector<1280x256xf32> -> vector<256x1280xf32>
    %swap3A = arith.constant 0 : index
    %swap3A_23 = arith.constant 0 : index
    %swap3A_24 = vector.load %arg13[%swap3A, %swap3A_23] : memref<528x1280xf32, #tpu.memory_space<vmem>>, vector<256x1280xf32>
    tpu.vector_store %arg13[%swap3A, %swap3A_23], %transpose3A {strides = array<i32>} : memref<528x1280xf32, #tpu.memory_space<vmem>>, vector<256x1280xf32>,
    %transpose3A_25 = tpu.transpose %get3A_4, [1, 0] : vector<1280x256xf32> -> vector<256x1280xf32>
    %swap3A_26 = arith.constant 256 : index
    %swap3A_27 = arith.constant 0 : index
    %swap3A_28 = vector.load %arg13[%swap3A_26, %swap3A_27] : memref<528x1280xf32, #tpu.memory_space<vmem>>, vector<256x1280xf32>
    tpu.vector_store %arg13[%swap3A_26, %swap3A_27], %transpose3A_25 {strides = array<i32>} : memref<528x1280xf32, #tpu.memory_space<vmem>>, vector<256x1280xf32>,
    %transpose3A_29 = tpu.transpose %mul3A_22, [1, 0] : vector<1280x16xf32> -> vector<16x1280xf32>
    %swap3A_30 = arith.constant 512 : index
    %swap3A_31 = arith.constant 0 : index
    %swap3A_32 = vector.load %arg13[%swap3A_30, %swap3A_31] : memref<528x1280xf32, #tpu.memory_space<vmem>>, vector<16x1280xf32>
    tpu.vector_store %arg13[%swap3A_30, %swap3A_31], %transpose3A_29 {strides = array<i32>} : memref<528x1280xf32, #tpu.memory_space<vmem>>, vector<16x1280xf32>,
    %get3A_33 = arith.constant 0 : index
    %get3A_34 = arith.constant 0 : index
    %get3A_35 = vector.load %arg4[%get3A_33, %get3A_34] : memref<528x256xf32, #tpu.memory_space<vmem>>, vector<528x256xf32>
    %convert_element_type3A = arith.truncf %get3A_35 : vector<528x256xf32> to vector<528x256xbf16>
    %convert_element_type3A_36 = arith.truncf %get3A_1 : vector<1280x256xf32> to vector<1280x256xbf16>
    %slice3A = vector.extract_strided_slice %convert_element_type3A {offsets = [0, 0], sizes = [256, 256], strides = [1, 1]} : vector<528x256xbf16> to vector<256x256xbf16>
    %dot_general3A_37 = arith.constant dense<0.000000e+00> : vector<1280x256xf32>
    %dot_general3A_38 = tpu.matmul %convert_element_type3A_36, %slice3A, %dot_general3A_37 {dimension_numbers = #tpu.dot_dimension_numbers<[1], [0], [0], [1], [0, 0, 1, 1], [], []>, transpose_lhs_hint = false} : vector<1280x256xbf16>, vector<256x256xbf16>, vector<1280x256xf32> -> vector<1280x256xf32>
    %convert_element_type3A_39 = arith.truncf %get3A_4 : vector<1280x256xf32> to vector<1280x256xbf16>
    %slice3A_40 = vector.extract_strided_slice %convert_element_type3A {offsets = [256, 0], sizes = [256, 256], strides = [1, 1]} : vector<528x256xbf16> to vector<256x256xbf16>
    %dot_general3A_41 = arith.constant dense<0.000000e+00> : vector<1280x256xf32>
    %dot_general3A_42 = tpu.matmul %convert_element_type3A_39, %slice3A_40, %dot_general3A_41 {dimension_numbers = #tpu.dot_dimension_numbers<[1], [0], [0], [1], [0, 0, 1, 1], [], []>, transpose_lhs_hint = false} : vector<1280x256xbf16>, vector<256x256xbf16>, vector<1280x256xf32> -> vector<1280x256xf32>
    %add3A = arith.addf %dot_general3A_38, %dot_general3A_42 : vector<1280x256xf32>
    %convert_element_type3A_43 = arith.truncf %mul3A_22 : vector<1280x16xf32> to vector<1280x16xbf16>
    %slice3A_44 = vector.extract_strided_slice %convert_element_type3A {offsets = [512, 0], sizes = [16, 256], strides = [1, 1]} : vector<528x256xbf16> to vector<16x256xbf16>
    %dot_general3A_45 = arith.constant dense<0.000000e+00> : vector<1280x256xf32>
    %dot_general3A_46 = tpu.matmul %convert_element_type3A_43, %slice3A_44, %dot_general3A_45 {dimension_numbers = #tpu.dot_dimension_numbers<[1], [0], [0], [1], [0, 0, 1, 1], [], []>, transpose_lhs_hint = false} : vector<1280x16xbf16>, vector<16x256xbf16>, vector<1280x256xf32> -> vector<1280x256xf32>
    %add3A_47 = arith.addf %add3A, %dot_general3A_46 : vector<1280x256xf32>
    %get3A_48 = arith.constant 0 : index
    %get3A_49 = arith.constant 0 : index
    %get3A_50 = vector.load %arg5[%get3A_48, %get3A_49] : memref<1x256xf32, #tpu.memory_space<vmem>>, vector<1x256xf32>
    %add3A_51 = vector.broadcast %get3A_50 : vector<1x256xf32> to vector<1280x256xf32>
    %add3A_52 = arith.addf %add3A_47, %add3A_51 : vector<1280x256xf32>
    %gt3A_53 = arith.constant 0.000000e+00 : f32
    %gt3A_54 = vector.broadcast %gt3A_53 : f32 to vector<1280x256xf32>
    %gt3A_55 = arith.cmpf ogt, %add3A_52, %gt3A_54 : vector<1280x256xf32>
    %mul3A_56 = arith.constant 1.000000e-01 : f32
    %mul3A_57 = vector.broadcast %mul3A_56 : f32 to vector<1280x256xf32>
    %mul3A_58 = arith.mulf %mul3A_57, %add3A_52 : vector<1280x256xf32>
    %select_n3A_59 = arith.select %gt3A_55, %add3A_52, %mul3A_58 : vector<1280x256xi1>, vector<1280x256xf32>
    %get3A_60 = arith.constant 0 : index
    %get3A_61 = arith.constant 0 : index
    %get3A_62 = vector.load %arg8[%get3A_60, %get3A_61] : memref<256x1xf32, #tpu.memory_space<vmem>>, vector<256x1xf32>
    %dot_general3A_63 = arith.constant dense<0.000000e+00> : vector<1280x1xf32>
    %dot_general3A_64 = tpu.matmul %select_n3A_59, %get3A_62, %dot_general3A_63 {dimension_numbers = #tpu.dot_dimension_numbers<[1], [0], [0], [1], [0, 0, 1, 1], [], []>, transpose_lhs_hint = false} : vector<1280x256xf32>, vector<256x1xf32>, vector<1280x1xf32> -> vector<1280x1xf32>
    %exp3A = math.exp %dot_general3A_64 : vector<1280x1xf32>
    %mul3A_65 = vector.broadcast %dot_general3A_64 : vector<1280x1xf32> to vector<1280x16xf32>
    %mul3A_66 = arith.mulf %mul3A_65, %mul3A_22 : vector<1280x16xf32>
    %mul3A_67 = vector.broadcast %exp3A : vector<1280x1xf32> to vector<1280x256xf32>
    %mul3A_68 = arith.mulf %mul3A_67, %get3A_1 : vector<1280x256xf32>
    %slice3A_69 = vector.extract_strided_slice %mul3A_68 {offsets = [0, 0], sizes = [1280, 128], strides = [1, 1]} : vector<1280x256xf32> to vector<1280x128xf32>
    %swap3A_70 = arith.constant 0 : index
    %swap3A_71 = arith.constant 0 : index
    %swap3A_72 = arith.constant 0 : index
    %swap3A_73 = vector.load %arg14[%swap3A_70, %swap3A_71, %swap3A_72] : memref<2x1280x128xf32, #tpu.memory_space<vmem>>, vector<1x1280x128xf32>
    %swap3A_74 = vector.shape_cast %swap3A_73 : vector<1x1280x128xf32> to vector<1280x128xf32>
    %swap3A_75 = vector.shape_cast %slice3A_69 : vector<1280x128xf32> to vector<1x1280x128xf32>
    tpu.vector_store %arg14[%swap3A_70, %swap3A_71, %swap3A_72], %swap3A_75 {strides = array<i32>} : memref<2x1280x128xf32, #tpu.memory_space<vmem>>, vector<1x1280x128xf32>,
    %slice3A_76 = vector.extract_strided_slice %mul3A_68 {offsets = [0, 128], sizes = [1280, 128], strides = [1, 1]} : vector<1280x256xf32> to vector<1280x128xf32>
    %swap3A_77 = arith.constant 1 : index
    %swap3A_78 = arith.constant 0 : index
    %swap3A_79 = arith.constant 0 : index
    %swap3A_80 = vector.load %arg14[%swap3A_77, %swap3A_78, %swap3A_79] : memref<2x1280x128xf32, #tpu.memory_space<vmem>>, vector<1x1280x128xf32>
    %swap3A_81 = vector.shape_cast %swap3A_80 : vector<1x1280x128xf32> to vector<1280x128xf32>
    %swap3A_82 = vector.shape_cast %slice3A_76 : vector<1280x128xf32> to vector<1x1280x128xf32>
    tpu.vector_store %arg14[%swap3A_77, %swap3A_78, %swap3A_79], %swap3A_82 {strides = array<i32>} : memref<2x1280x128xf32, #tpu.memory_space<vmem>>, vector<1x1280x128xf32>,
    %mul3A_83 = vector.broadcast %exp3A : vector<1280x1xf32> to vector<1280x16xf32>
    %mul3A_84 = arith.mulf %mul3A_83, %mul3A_66 : vector<1280x16xf32>
    %swap3A_85 = arith.constant 0 : index
    %swap3A_86 = arith.constant 0 : index
    %swap3A_87 = vector.load %arg15[%swap3A_85, %swap3A_86] : memref<1280x128xf32, #tpu.memory_space<vmem>>, vector<1280x16xf32>
    tpu.vector_store %arg15[%swap3A_85, %swap3A_86], %mul3A_84 {strides = array<i32>} : memref<1280x128xf32, #tpu.memory_space<vmem>>, vector<1280x16xf32>,
    %swap3A_88 = arith.constant 0 : index
    %swap3A_89 = arith.constant 16 : index
    %swap3A_90 = vector.load %arg15[%swap3A_88, %swap3A_89] : memref<1280x128xf32, #tpu.memory_space<vmem>>, vector<1280x1xf32>
    tpu.vector_store %arg15[%swap3A_88, %swap3A_89], %exp3A {strides = array<i32>} : memref<1280x128xf32, #tpu.memory_space<vmem>>, vector<1280x1xf32>,
    %broadcast_in_dim3A = arith.constant 0.000000e+00 : f32
    %broadcast_in_dim3A_91 = vector.broadcast %broadcast_in_dim3A : f32 to vector<1280x1xf32>
    %broadcast_in_dim3A_92 = arith.constant 0.000000e+00 : f32
    %broadcast_in_dim3A_93 = vector.broadcast %broadcast_in_dim3A_92 : f32 to vector<1x111xf32>
    %mul3A_94 = vector.broadcast %broadcast_in_dim3A_91 : vector<1280x1xf32> to vector<1280x111xf32>
    %mul3A_95 = vector.broadcast %broadcast_in_dim3A_93 : vector<1x111xf32> to vector<1280x111xf32>
    %mul3A_96 = arith.mulf %mul3A_94, %mul3A_95 : vector<1280x111xf32>
    %swap3A_97 = arith.constant 0 : index
    %swap3A_98 = arith.constant 17 : index
    %swap3A_99 = vector.load %arg15[%swap3A_97, %swap3A_98] : memref<1280x128xf32, #tpu.memory_space<vmem>>, vector<1280x111xf32>
    tpu.vector_store %arg15[%swap3A_97, %swap3A_98], %mul3A_96 {strides = array<i32>} : memref<1280x128xf32, #tpu.memory_space<vmem>>, vector<1280x111xf32>,
    %mul3A_100 = arith.constant 0.999994993 : f32
    %mul3A_101 = vector.broadcast %mul3A_100 : f32 to vector<1280x16xf32>
    %mul3A_102 = arith.mulf %mul3A_66, %mul3A_101 : vector<1280x16xf32>
    %get3A_103 = arith.constant 0 : index
    %get3A_104 = arith.constant 0 : index
    %get3A_105 = vector.load %arg9[%get3A_103, %get3A_104] : memref<16x16xf32, #tpu.memory_space<vmem>>, vector<16x16xf32>
    %dot_general3A_106 = arith.constant dense<0.000000e+00> : vector<1280x16xf32>
    %dot_general3A_107 = tpu.matmul %mul3A_102, %get3A_105, %dot_general3A_106 {dimension_numbers = #tpu.dot_dimension_numbers<[1], [0], [0], [1], [0, 0, 1, 1], [], []>, transpose_lhs_hint = false} : vector<1280x16xf32>, vector<16x16xf32>, vector<1280x16xf32> -> vector<1280x16xf32>
    %get3A_108 = arith.constant 0 : index
    %get3A_109 = arith.constant 0 : index
    %get3A_110 = vector.load %arg10[%get3A_108, %get3A_109] : memref<16x16xf32, #tpu.memory_space<vmem>>, vector<16x16xf32>
    %dot_general3A_111 = arith.constant dense<0.000000e+00> : vector<1280x16xf32>
    %dot_general3A_112 = tpu.matmul %get3A_7, %get3A_110, %dot_general3A_111 {dimension_numbers = #tpu.dot_dimension_numbers<[1], [0], [0], [1], [0, 0, 1, 1], [], []>, transpose_lhs_hint = false} : vector<1280x16xf32>, vector<16x16xf32>, vector<1280x16xf32> -> vector<1280x16xf32>
    %add3A_113 = arith.addf %dot_general3A_107, %dot_general3A_112 : vector<1280x16xf32>
    %swap3A_114 = arith.constant 0 : index
    %swap3A_115 = arith.constant 0 : index
    %swap3A_116 = vector.load %arg16[%swap3A_114, %swap3A_115] : memref<1280x16xf32, #tpu.memory_space<vmem>>, vector<1280x16xf32>
    tpu.vector_store %arg16[%swap3A_114, %swap3A_115], %add3A_113 {strides = array<i32>} : memref<1280x16xf32, #tpu.memory_space<vmem>>, vector<1280x16xf32>,
    return
  }
  func.func @transform_0(%arg0: i32) -> (i32, i32) {
    %c0_i32 = arith.constant 0 : i32
    %c0_i32_0 = arith.constant 0 : i32
    return %arg0, %c0_i32 : i32, i32
  }
  func.func @transform_1(%arg0: i32) -> (i32, i32) {
    %c0_i32 = arith.constant 0 : i32
    %c0_i32_0 = arith.constant 0 : i32
    return %arg0, %c0_i32 : i32, i32
  }
  func.func @transform_2(%arg0: i32) -> (i32, i32) {
    %c0_i32 = arith.constant 0 : i32
    %c0_i32_0 = arith.constant 0 : i32
    return %arg0, %c0_i32 : i32, i32
  }
  func.func @transform_3(%arg0: i32) -> (i32, i32) {
    %c0_i32 = arith.constant 0 : i32
    %c0_i32_0 = arith.constant 0 : i32
    %c0_i32_1 = arith.constant 0 : i32
    return %c0_i32, %c0_i32_0 : i32, i32
  }
  func.func @transform_4(%arg0: i32) -> (i32, i32) {
    %c0_i32 = arith.constant 0 : i32
    %c0_i32_0 = arith.constant 0 : i32
    %c0_i32_1 = arith.constant 0 : i32
    return %c0_i32, %c0_i32_0 : i32, i32
  }
  func.func @transform_5(%arg0: i32) -> (i32, i32) {
    %c0_i32 = arith.constant 0 : i32
    %c0_i32_0 = arith.constant 0 : i32
    %c0_i32_1 = arith.constant 0 : i32
    return %c0_i32, %c0_i32_0 : i32, i32
  }
  func.func @transform_6(%arg0: i32) -> (i32, i32) {
    %c0_i32 = arith.constant 0 : i32
    %c0_i32_0 = arith.constant 0 : i32
    %c0_i32_1 = arith.constant 0 : i32
    return %c0_i32, %c0_i32_0 : i32, i32
  }
  func.func @transform_7(%arg0: i32) -> (i32, i32) {
    %c0_i32 = arith.constant 0 : i32
    %c0_i32_0 = arith.constant 0 : i32
    %c0_i32_1 = arith.constant 0 : i32
    return %c0_i32, %c0_i32_0 : i32, i32
  }
  func.func @transform_8(%arg0: i32) -> (i32, i32) {
    %c0_i32 = arith.constant 0 : i32
    %c0_i32_0 = arith.constant 0 : i32
    %c0_i32_1 = arith.constant 0 : i32
    return %c0_i32, %c0_i32_0 : i32, i32
  }
  func.func @transform_9(%arg0: i32) -> (i32, i32) {
    %c0_i32 = arith.constant 0 : i32
    %c0_i32_0 = arith.constant 0 : i32
    %c0_i32_1 = arith.constant 0 : i32
    return %c0_i32, %c0_i32_0 : i32, i32
  }
  func.func @transform_12(%arg0: i32) -> (i32, i32) {
    %add3A = arith.constant 64 : i32
    %add3A_0 = arith.addi %arg0, %add3A : i32
    %c0_i32 = arith.constant 0 : i32
    %c0_i32_1 = arith.constant 0 : i32
    return %c0_i32, %add3A_0 : i32, i32
  }
  func.func @transform_13(%arg0: i32) -> (i32, i32, i32) {
    %c0_i32 = arith.constant 0 : i32
    %c0_i32_0 = arith.constant 0 : i32
    %c0_i32_1 = arith.constant 0 : i32
    return %c0_i32, %arg0, %c0_i32_0 : i32, i32, i32
  }
  func.func @transform_14(%arg0: i32) -> (i32, i32) {
    %c0_i32 = arith.constant 0 : i32
    %c0_i32_0 = arith.constant 0 : i32
    return %arg0, %c0_i32 : i32, i32
  }
  func.func @transform_15(%arg0: i32) -> (i32, i32) {
    %add3A = arith.constant 64 : i32
    %add3A_0 = arith.addi %arg0, %add3A : i32
    %c0_i32 = arith.constant 0 : i32
    %c0_i32_1 = arith.constant 0 : i32
    return %add3A_0, %c0_i32 : i32, i32
  }
}

module attributes {stable_mosaic.version = 14 : i64} {
  func.func @_node_update_body(%arg0: i32, %arg1: memref<2x512x128xf32, #tpu.memory_space<vmem>>, %arg2: memref<2x512x128xf32, #tpu.memory_space<vmem>>, %arg3: memref<2x512x128xf32, #tpu.memory_space<vmem>>, %arg4: memref<2x512x128xf32, #tpu.memory_space<vmem>>, %arg5: memref<512x256xf32, #tpu.memory_space<vmem>>, %arg6: memref<528x256xf32, #tpu.memory_space<vmem>>, %arg7: memref<1x256xf32, #tpu.memory_space<vmem>>, %arg8: memref<256x16xf32, #tpu.memory_space<vmem>>, %arg9: memref<256x16xf32, #tpu.memory_space<vmem>>, %arg10: memref<512x256xf32, #tpu.memory_space<vmem>>, %arg11: memref<512x128xf32, #tpu.memory_space<vmem>>) attributes {dimension_semantics = [#tpu.dimension_semantics<arbitrary>], iteration_bounds = array<i64: 20>, scalar_prefetch = 0 : i64, scratch_operands = 0 : i64, tpu.core_type = #tpu.core_type<tc>, window_params = [{transform_indices = @transform_0, window_bounds = array<i64: 2, 512, 128>}, {transform_indices = @transform_1, window_bounds = array<i64: 2, 512, 128>}, {transform_indices = @transform_2, window_bounds = array<i64: 2, 512, 128>}, {transform_indices = @transform_3, window_bounds = array<i64: 2, 512, 128>}, {transform_indices = @transform_4, window_bounds = array<i64: 512, 256>}, {pipeline_mode = #tpu.pipeline_mode<synchronous>, transform_indices = @transform_5, window_bounds = array<i64: 528, 256>}, {pipeline_mode = #tpu.pipeline_mode<synchronous>, transform_indices = @transform_6, window_bounds = array<i64: 1, 256>}, {pipeline_mode = #tpu.pipeline_mode<synchronous>, transform_indices = @transform_7, window_bounds = array<i64: 256, 16>}, {pipeline_mode = #tpu.pipeline_mode<synchronous>, transform_indices = @transform_8, window_bounds = array<i64: 256, 16>}, {transform_indices = @transform_9, window_bounds = array<i64: 512, 256>}, {transform_indices = @transform_10, window_bounds = array<i64: 512, 128>}]} {
    %get3A = arith.constant 0 : index
    %get3A_0 = arith.constant 0 : index
    %get3A_1 = arith.constant 0 : index
    %get3A_2 = vector.load %arg1[%get3A, %get3A_0, %get3A_1] : memref<2x512x128xf32, #tpu.memory_space<vmem>>, vector<1x512x128xf32>
    %get3A_3 = vector.shape_cast %get3A_2 : vector<1x512x128xf32> to vector<512x128xf32>
    %get3A_4 = arith.constant 0 : index
    %get3A_5 = arith.constant 0 : index
    %get3A_6 = arith.constant 0 : index
    %get3A_7 = vector.load %arg2[%get3A_4, %get3A_5, %get3A_6] : memref<2x512x128xf32, #tpu.memory_space<vmem>>, vector<1x512x128xf32>
    %get3A_8 = vector.shape_cast %get3A_7 : vector<1x512x128xf32> to vector<512x128xf32>
    %add3A = arith.addf %get3A_3, %get3A_8 : vector<512x128xf32>
    %get3A_9 = arith.constant 1 : index
    %get3A_10 = arith.constant 0 : index
    %get3A_11 = arith.constant 0 : index
    %get3A_12 = vector.load %arg1[%get3A_9, %get3A_10, %get3A_11] : memref<2x512x128xf32, #tpu.memory_space<vmem>>, vector<1x512x128xf32>
    %get3A_13 = vector.shape_cast %get3A_12 : vector<1x512x128xf32> to vector<512x128xf32>
    %get3A_14 = arith.constant 1 : index
    %get3A_15 = arith.constant 0 : index
    %get3A_16 = arith.constant 0 : index
    %get3A_17 = vector.load %arg2[%get3A_14, %get3A_15, %get3A_16] : memref<2x512x128xf32, #tpu.memory_space<vmem>>, vector<1x512x128xf32>
    %get3A_18 = vector.shape_cast %get3A_17 : vector<1x512x128xf32> to vector<512x128xf32>
    %add3A_19 = arith.addf %get3A_13, %get3A_18 : vector<512x128xf32>
    %get3A_20 = arith.constant 0 : index
    %get3A_21 = arith.constant 0 : index
    %get3A_22 = arith.constant 0 : index
    %get3A_23 = vector.load %arg3[%get3A_20, %get3A_21, %get3A_22] : memref<2x512x128xf32, #tpu.memory_space<vmem>>, vector<1x512x128xf32>
    %get3A_24 = vector.shape_cast %get3A_23 : vector<1x512x128xf32> to vector<512x128xf32>
    %get3A_25 = arith.constant 1 : index
    %get3A_26 = arith.constant 0 : index
    %get3A_27 = arith.constant 0 : index
    %get3A_28 = vector.load %arg3[%get3A_25, %get3A_26, %get3A_27] : memref<2x512x128xf32, #tpu.memory_space<vmem>>, vector<1x512x128xf32>
    %get3A_29 = vector.shape_cast %get3A_28 : vector<1x512x128xf32> to vector<512x128xf32>
    %add3A_30 = arith.addf %get3A_24, %get3A_29 : vector<512x128xf32>
    %get3A_31 = arith.constant 0 : index
    %get3A_32 = arith.constant 0 : index
    %get3A_33 = arith.constant 0 : index
    %get3A_34 = vector.load %arg4[%get3A_31, %get3A_32, %get3A_33] : memref<2x512x128xf32, #tpu.memory_space<vmem>>, vector<1x512x128xf32>
    %get3A_35 = vector.shape_cast %get3A_34 : vector<1x512x128xf32> to vector<512x128xf32>
    %add3A_36 = arith.addf %add3A_30, %get3A_35 : vector<512x128xf32>
    %get3A_37 = arith.constant 1 : index
    %get3A_38 = arith.constant 0 : index
    %get3A_39 = arith.constant 0 : index
    %get3A_40 = vector.load %arg4[%get3A_37, %get3A_38, %get3A_39] : memref<2x512x128xf32, #tpu.memory_space<vmem>>, vector<1x512x128xf32>
    %get3A_41 = vector.shape_cast %get3A_40 : vector<1x512x128xf32> to vector<512x128xf32>
    %add3A_42 = arith.addf %add3A_36, %get3A_41 : vector<512x128xf32>
    %get3A_43 = arith.constant 0 : index
    %get3A_44 = arith.constant 0 : index
    %get3A_45 = vector.load %arg5[%get3A_43, %get3A_44] : memref<512x256xf32, #tpu.memory_space<vmem>>, vector<512x256xf32>
    %slice3A = vector.extract_strided_slice %add3A_42 {offsets = [0, 16], sizes = [512, 1], strides = [1, 1]} : vector<512x128xf32> to vector<512x1xf32>
    %gt3A = arith.constant 0.000000e+00 : f32
    %gt3A_46 = vector.broadcast %gt3A : f32 to vector<512x1xf32>
    %gt3A_47 = arith.cmpf ogt, %slice3A, %gt3A_46 : vector<512x1xf32>
    %max3A = arith.constant 9.99999996E-13 : f32
    %max3A_48 = vector.broadcast %max3A : f32 to vector<512x1xf32>
    %max3A_49 = arith.maximumf %slice3A, %max3A_48 : vector<512x1xf32>
    %div3A = arith.constant 1.000000e+00 : f32
    %div3A_50 = vector.broadcast %div3A : f32 to vector<512x1xf32>
    %div3A_51 = arith.divf %div3A_50, %max3A_49 : vector<512x1xf32>
    %jit3A = arith.constant 0.000000e+00 : f32
    %broadcast_in_dim3A = vector.broadcast %jit3A : f32 to vector<512x1xf32>
    %select_n3A = arith.select %gt3A_47, %div3A_51, %broadcast_in_dim3A : vector<512x1xi1>, vector<512x1xf32>
    %get3A_52 = arith.constant 0 : index
    %get3A_53 = arith.constant 0 : index
    %get3A_54 = vector.load %arg6[%get3A_52, %get3A_53] : memref<528x256xf32, #tpu.memory_space<vmem>>, vector<528x256xf32>
    %mul3A = vector.broadcast %select_n3A : vector<512x1xf32> to vector<512x128xf32>
    %mul3A_55 = arith.mulf %add3A, %mul3A : vector<512x128xf32>
    %slice3A_56 = vector.extract_strided_slice %get3A_54 {offsets = [0, 0], sizes = [128, 256], strides = [1, 1]} : vector<528x256xf32> to vector<128x256xf32>
    %dot_general3A = arith.constant dense<0.000000e+00> : vector<512x256xf32>
    %dot_general3A_57 = tpu.matmul %mul3A_55, %slice3A_56, %dot_general3A {dimension_numbers = #tpu.dot_dimension_numbers<[1], [0], [0], [1], [0, 0, 1, 1], [], []>, transpose_lhs_hint = false} : vector<512x128xf32>, vector<128x256xf32>, vector<512x256xf32> -> vector<512x256xf32>
    %mul3A_58 = vector.broadcast %select_n3A : vector<512x1xf32> to vector<512x128xf32>
    %mul3A_59 = arith.mulf %add3A_19, %mul3A_58 : vector<512x128xf32>
    %slice3A_60 = vector.extract_strided_slice %get3A_54 {offsets = [128, 0], sizes = [128, 256], strides = [1, 1]} : vector<528x256xf32> to vector<128x256xf32>
    %dot_general3A_61 = arith.constant dense<0.000000e+00> : vector<512x256xf32>
    %dot_general3A_62 = tpu.matmul %mul3A_59, %slice3A_60, %dot_general3A_61 {dimension_numbers = #tpu.dot_dimension_numbers<[1], [0], [0], [1], [0, 0, 1, 1], [], []>, transpose_lhs_hint = false} : vector<512x128xf32>, vector<128x256xf32>, vector<512x256xf32> -> vector<512x256xf32>
    %add3A_63 = arith.addf %dot_general3A_57, %dot_general3A_62 : vector<512x256xf32>
    %slice3A_64 = vector.extract_strided_slice %add3A_42 {offsets = [0, 0], sizes = [512, 16], strides = [1, 1]} : vector<512x128xf32> to vector<512x16xf32>
    %mul3A_65 = vector.broadcast %select_n3A : vector<512x1xf32> to vector<512x16xf32>
    %mul3A_66 = arith.mulf %slice3A_64, %mul3A_65 : vector<512x16xf32>
    %slice3A_67 = vector.extract_strided_slice %get3A_54 {offsets = [256, 0], sizes = [16, 256], strides = [1, 1]} : vector<528x256xf32> to vector<16x256xf32>
    %dot_general3A_68 = arith.constant dense<0.000000e+00> : vector<512x256xf32>
    %dot_general3A_69 = tpu.matmul %mul3A_66, %slice3A_67, %dot_general3A_68 {dimension_numbers = #tpu.dot_dimension_numbers<[1], [0], [0], [1], [0, 0, 1, 1], [], []>, transpose_lhs_hint = false} : vector<512x16xf32>, vector<16x256xf32>, vector<512x256xf32> -> vector<512x256xf32>
    %add3A_70 = arith.addf %add3A_63, %dot_general3A_69 : vector<512x256xf32>
    %slice3A_71 = vector.extract_strided_slice %get3A_54 {offsets = [272, 0], sizes = [256, 256], strides = [1, 1]} : vector<528x256xf32> to vector<256x256xf32>
    %dot_general3A_72 = arith.constant dense<0.000000e+00> : vector<512x256xf32>
    %dot_general3A_73 = tpu.matmul %get3A_45, %slice3A_71, %dot_general3A_72 {dimension_numbers = #tpu.dot_dimension_numbers<[1], [0], [0], [1], [0, 0, 1, 1], [], []>, transpose_lhs_hint = false} : vector<512x256xf32>, vector<256x256xf32>, vector<512x256xf32> -> vector<512x256xf32>
    %add3A_74 = arith.addf %add3A_70, %dot_general3A_73 : vector<512x256xf32>
    %get3A_75 = arith.constant 0 : index
    %get3A_76 = arith.constant 0 : index
    %get3A_77 = vector.load %arg7[%get3A_75, %get3A_76] : memref<1x256xf32, #tpu.memory_space<vmem>>, vector<1x256xf32>
    %add3A_78 = vector.broadcast %get3A_77 : vector<1x256xf32> to vector<512x256xf32>
    %add3A_79 = arith.addf %add3A_74, %add3A_78 : vector<512x256xf32>
    %gt3A_80 = arith.constant 0.000000e+00 : f32
    %gt3A_81 = vector.broadcast %gt3A_80 : f32 to vector<512x1xf32>
    %gt3A_82 = arith.cmpf ogt, %slice3A, %gt3A_81 : vector<512x1xf32>
    %broadcast_in_dim3A_83 = vector.shape_cast %gt3A_82 : vector<512x1xi1> to vector<512x1xi1>
    %broadcast_in_dim3A_84 = vector.broadcast %broadcast_in_dim3A_83 : vector<512x1xi1> to vector<512x256xi1>
    %select_n3A_85 = arith.select %broadcast_in_dim3A_84, %add3A_79, %get3A_45 : vector<512x256xi1>, vector<512x256xf32>
    %swap3A = arith.constant 0 : index
    %swap3A_86 = arith.constant 0 : index
    %swap3A_87 = vector.load %arg10[%swap3A, %swap3A_86] : memref<512x256xf32, #tpu.memory_space<vmem>>, vector<512x256xf32>
    tpu.vector_store %arg10[%swap3A, %swap3A_86], %select_n3A_85 {strides = array<i32>} : memref<512x256xf32, #tpu.memory_space<vmem>>, vector<512x256xf32>,
    %get3A_88 = arith.constant 0 : index
    %get3A_89 = arith.constant 0 : index
    %get3A_90 = vector.load %arg8[%get3A_88, %get3A_89] : memref<256x16xf32, #tpu.memory_space<vmem>>, vector<256x16xf32>
    %dot_general3A_91 = arith.constant dense<0.000000e+00> : vector<512x16xf32>
    %dot_general3A_92 = tpu.matmul %select_n3A_85, %get3A_90, %dot_general3A_91 {dimension_numbers = #tpu.dot_dimension_numbers<[1], [0], [0], [1], [0, 0, 1, 1], [], []>, transpose_lhs_hint = false} : vector<512x256xf32>, vector<256x16xf32>, vector<512x16xf32> -> vector<512x16xf32>
    %swap3A_93 = arith.constant 0 : index
    %swap3A_94 = arith.constant 0 : index
    %swap3A_95 = vector.load %arg11[%swap3A_93, %swap3A_94] : memref<512x128xf32, #tpu.memory_space<vmem>>, vector<512x16xf32>
    tpu.vector_store %arg11[%swap3A_93, %swap3A_94], %dot_general3A_92 {strides = array<i32>} : memref<512x128xf32, #tpu.memory_space<vmem>>, vector<512x16xf32>,
    %get3A_96 = arith.constant 0 : index
    %get3A_97 = arith.constant 0 : index
    %get3A_98 = vector.load %arg9[%get3A_96, %get3A_97] : memref<256x16xf32, #tpu.memory_space<vmem>>, vector<256x16xf32>
    %dot_general3A_99 = arith.constant dense<0.000000e+00> : vector<512x16xf32>
    %dot_general3A_100 = tpu.matmul %select_n3A_85, %get3A_98, %dot_general3A_99 {dimension_numbers = #tpu.dot_dimension_numbers<[1], [0], [0], [1], [0, 0, 1, 1], [], []>, transpose_lhs_hint = false} : vector<512x256xf32>, vector<256x16xf32>, vector<512x16xf32> -> vector<512x16xf32>
    %swap3A_101 = arith.constant 0 : index
    %swap3A_102 = arith.constant 16 : index
    %swap3A_103 = vector.load %arg11[%swap3A_101, %swap3A_102] : memref<512x128xf32, #tpu.memory_space<vmem>>, vector<512x16xf32>
    tpu.vector_store %arg11[%swap3A_101, %swap3A_102], %dot_general3A_100 {strides = array<i32>} : memref<512x128xf32, #tpu.memory_space<vmem>>, vector<512x16xf32>,
    %broadcast_in_dim3A_104 = arith.constant 0.000000e+00 : f32
    %broadcast_in_dim3A_105 = vector.broadcast %broadcast_in_dim3A_104 : f32 to vector<512x96xf32>
    %swap3A_106 = arith.constant 0 : index
    %swap3A_107 = arith.constant 32 : index
    %swap3A_108 = vector.load %arg11[%swap3A_106, %swap3A_107] : memref<512x128xf32, #tpu.memory_space<vmem>>, vector<512x96xf32>
    tpu.vector_store %arg11[%swap3A_106, %swap3A_107], %broadcast_in_dim3A_105 {strides = array<i32>} : memref<512x128xf32, #tpu.memory_space<vmem>>, vector<512x96xf32>,
    return
  }
  func.func @transform_0(%arg0: i32) -> (i32, i32, i32) {
    %c0_i32 = arith.constant 0 : i32
    %c0_i32_0 = arith.constant 0 : i32
    %c0_i32_1 = arith.constant 0 : i32
    return %c0_i32, %arg0, %c0_i32_0 : i32, i32, i32
  }
  func.func @transform_1(%arg0: i32) -> (i32, i32, i32) {
    %c0_i32 = arith.constant 0 : i32
    %c0_i32_0 = arith.constant 0 : i32
    %c0_i32_1 = arith.constant 0 : i32
    return %c0_i32, %arg0, %c0_i32_0 : i32, i32, i32
  }
  func.func @transform_2(%arg0: i32) -> (i32, i32, i32) {
    %c0_i32 = arith.constant 0 : i32
    %c0_i32_0 = arith.constant 0 : i32
    %c0_i32_1 = arith.constant 0 : i32
    return %c0_i32, %arg0, %c0_i32_0 : i32, i32, i32
  }
  func.func @transform_3(%arg0: i32) -> (i32, i32, i32) {
    %c0_i32 = arith.constant 0 : i32
    %c0_i32_0 = arith.constant 0 : i32
    %c0_i32_1 = arith.constant 0 : i32
    return %c0_i32, %arg0, %c0_i32_0 : i32, i32, i32
  }
  func.func @transform_4(%arg0: i32) -> (i32, i32) {
    %c0_i32 = arith.constant 0 : i32
    %c0_i32_0 = arith.constant 0 : i32
    return %arg0, %c0_i32 : i32, i32
  }
  func.func @transform_5(%arg0: i32) -> (i32, i32) {
    %c0_i32 = arith.constant 0 : i32
    %c0_i32_0 = arith.constant 0 : i32
    %c0_i32_1 = arith.constant 0 : i32
    return %c0_i32, %c0_i32_0 : i32, i32
  }
  func.func @transform_6(%arg0: i32) -> (i32, i32) {
    %c0_i32 = arith.constant 0 : i32
    %c0_i32_0 = arith.constant 0 : i32
    %c0_i32_1 = arith.constant 0 : i32
    return %c0_i32, %c0_i32_0 : i32, i32
  }
  func.func @transform_7(%arg0: i32) -> (i32, i32) {
    %c0_i32 = arith.constant 0 : i32
    %c0_i32_0 = arith.constant 0 : i32
    %c0_i32_1 = arith.constant 0 : i32
    return %c0_i32, %c0_i32_0 : i32, i32
  }
  func.func @transform_8(%arg0: i32) -> (i32, i32) {
    %c0_i32 = arith.constant 0 : i32
    %c0_i32_0 = arith.constant 0 : i32
    %c0_i32_1 = arith.constant 0 : i32
    return %c0_i32, %c0_i32_0 : i32, i32
  }
  func.func @transform_9(%arg0: i32) -> (i32, i32) {
    %c0_i32 = arith.constant 0 : i32
    %c0_i32_0 = arith.constant 0 : i32
    return %arg0, %c0_i32 : i32, i32
  }
  func.func @transform_10(%arg0: i32) -> (i32, i32) {
    %c0_i32 = arith.constant 0 : i32
    %c0_i32_0 = arith.constant 0 : i32
    return %arg0, %c0_i32 : i32, i32
  }
}

</mosaic_0001>

<sc_bundles>
// kernel: sc_g1a.3.cloned.1.call-start
scs
__scs_entry_jumppad:
0x0: {  	(pc) =	sbr.rel $0x88, $3  }
0x1: {  	(tag) =	ssettag $0x0;
	lr =	simm.s32 $0x1  }
0x2: {  	[smem:$0x3F95] =	sst lr;
	_ =	strace $0xD0000000  }
0x3: {  	_ = 	snop  }
0x4: {  	_ = 	snop  }
0x5: {  	_ = 	snop  }
0x6: {  	_ = 	snop  }
0x7: {  	_ = 	snop  }
__scs_overlays_trampoline_lowered:
0x8: {  	[smem:$0x3FA4] =	sst s0  }
0x9: {  	[smem:$0x3FA5] =	sst s1  }
0xa: {  	[smem:$0x3FA6] =	sst s2  }
0xb: {  	[smem:$0x3FA7] =	sst s3  }
0xc: {  	[smem:$0x3FA8] =	sst s4  }
0xd: {  	[smem:$0x3FA9] =	sst s5  }
0xe: {  	[smem:$0x3FAA] =	sst s6  }
0xf: {  	[smem:$0x3FAB] =	sst s7  }
0x10: {  	[smem:$0x3FAC] =	sst s8  }
0x11: {  	[smem:$0x3FAD] =	sst s9;
	s0 =	simm.s32 @!p0 $0x0  }
0x12: {  	s1 =	sld [smem:$0x3F93];
	s0 =	simm.s32 @p0 $0x1  }
0x13: {  	[smem:$0x3FAE] =	sst s0;
	s0 =	simm.s32 @!p1 $0x0  }
0x14: {  	s2 =	sld [smem:$0x3F92];
	s0 =	simm.s32 @p1 $0x1  }
0x15: {  	[smem:$0x3FAF] =	sst s0;
	s0 =	simm.s32 @!p2 $0x0  }
0x16: {  	s3 =	sld [smem:$0x3FDB];
	s0 =	simm.s32 @p2 $0x1  }
0x17: {  	s4 =	simm.s32 $0x1BF5;
	[smem:$0x3FB1] =	sst s0  }
0x18: {  	s0 =	sld [smem:$0x3F94];
	_ =	swait.ge [sflag:s4], $0x0  }
0x19: {  	s7 =	sld [smem:$0x3F95]  }
0x1a: {  	s8 =	sadd.s32 $0xFFFFE003, lr  }
0x1b: {  	s9 =	sadd.s32 $0xFFFFFEF7, lr;
	s5 =	simm.s32 $0xFFFFFFFF;
	p2 =	slt.u32 s8, $0xFFFFF086  }
0x1c: {  	p1 =	slt.u32 s9, $0xF7A;
	s5 =	simm.s32 @!p2 $0x0  }
0x1d: {  	s5 =	simm.s32 @p1 $0x1;
	p0 =	seq.s32 s7, s2  }
0x1e: {  	s7 =	smul.u32 @!p0 $0xF7A, s2;
	p2 =	seq.s32 @!p0 s5, $0x0  }
0x1f: {  	s9 =	smul.u32 $0xF7A, s1;
	s8 =	simm.s32 @!p0 $0x1BF5;
	p2 =	por !p2, p0  }
0x20: {  	[sflag:s8] =	ssyncset.s32 @!p0 $0xFFFFF086;
	s6 =	sadd.s32 @!p0 s3, s7;
	s7 =	simm.s32 @!p0 $0x108  }
0x21: {  	s3 =	sadd.s32 s3, s9;
	s6 =	sadd.s32 @!p0 $0x88, s6;
	s7 =	simm.s32 @p2 $0x1082  }
0x22: {  	[simem:s7], [sflag:s8] =	dma.local @!p0 [hbm:s6], $0xF7A  }
0x23: {  	s9 =	sor.u32 $0xD0000000, s2;
	s6 =	simm.s32 $0x108;
	_ =	swait.ge @!p0 [sflag:s8], $0x0  }
0x24: {  	s3 =	sadd.s32 $0x88, s3;
	s6 =	simm.s32 @!p1 $0x1082;
	[sflag:s4] =	ssyncset.s32 $0xFFFFF086  }
0x25: {  	[simem:s6], [sflag:s4] =	dma.local [hbm:s3], $0xF7A  }
0x26: {  	[smem:$0x3F95] =	sst s1;
	(tag) =	ssettag s2;
	_ =	strace s9  }
0x27: {  	s1 =	sld [smem:$0x3FA5]  }
0x28: {  	s2 =	sld [smem:$0x3FA6]  }
0x29: {  	s4 =	sld [smem:$0x3FA8]  }
0x2a: {  	p0 =	seq.s32 s5, $0x0;
	s5 =	sld [smem:$0x3FA9]  }
0x2b: {  	s6 =	sld [smem:$0x3FAA]  }
0x2c: {  	s7 =	sld [smem:$0x3FAB]  }
0x2d: {  	s3 =	simm.s32 $0x108;
	s8 =	sld [smem:$0x3FAC]  }
0x2e: {  	s3 =	simm.s32 @!p0 $0x1082;
	s9 =	sld [smem:$0x3FAD]  }
0x2f: {  	lr =	sadd.s32 s0, s3;
	s0 =	sld [smem:$0x3FA4]  }
0x30: {  	s3 =	sld [smem:$0x3FA7]  }
0x31: {  	[smem:$0x3FB0] =	sst s10  }
0x32: {  	s10 =	sld [smem:$0x3FAE];
	_ =	sdelay $0x3  }
0x33: {  	p0 =	seq.s32 s10, $0x1;
	s10 =	sld [smem:$0x3FB0];
	_ =	sdelay $0x3  }
0x34: {  	[smem:$0x3FB0] =	sst s10  }
0x35: {  	s10 =	sld [smem:$0x3FAF];
	_ =	sdelay $0x3  }
0x36: {  	p1 =	seq.s32 s10, $0x1;
	s10 =	sld [smem:$0x3FB0];
	_ =	sdelay $0x3  }
0x37: {  	[smem:$0x3FB0] =	sst s10  }
0x38: {  	s10 =	sld [smem:$0x3FB1]  }
0x39: {  	_ = 	snop;
	(pc) =	sbr.ind lr, $3  }
0x3a: {  	_ = 	snop  }
0x3b: {  	_ = 	snop  }
0x3c: {  	p2 =	seq.s32 s10, $0x1;
	s10 =	sld [smem:$0x3FB0]  }
0x3d: {  	_ =	shalt  }
0x3e: {  	_ =	shalt  }
0x3f: {  	_ =	shalt  }
0x40: {  	_ =	shalt  }
0x41: {  	_ =	shalt  }
0x42: {  	_ =	shalt  }
0x43: {  	_ =	shalt  }
0x44: {  	_ =	shalt  }
0x45: {  	_ =	shalt  }
0x46: {  	_ =	shalt  }
0x47: {  	_ =	shalt  }
0x48: {  	_ =	shalt  }
0x49: {  	_ =	shalt  }
0x4a: {  	_ =	shalt  }
0x4b: {  	_ =	shalt  }
0x4c: {  	_ =	shalt  }
0x4d: {  	_ =	shalt  }
0x4e: {  	_ =	shalt  }
0x4f: {  	_ =	shalt  }
0x50: {  	_ =	shalt  }
0x51: {  	_ =	shalt  }
0x52: {  	_ =	shalt  }
0x53: {  	_ =	shalt  }
0x54: {  	_ =	shalt  }
0x55: {  	_ =	shalt  }
0x56: {  	_ =	shalt  }
0x57: {  	_ =	shalt  }
0x58: {  	_ =	shalt  }
0x59: {  	_ =	shalt  }
0x5a: {  	_ =	shalt  }
0x5b: {  	_ =	shalt  }
0x5c: {  	_ =	shalt  }
0x5d: {  	_ =	shalt  }
0x5e: {  	_ =	shalt  }
0x5f: {  	_ =	shalt  }
0x60: {  	_ =	shalt  }
0x61: {  	_ =	shalt  }
0x62: {  	_ =	shalt  }
0x63: {  	_ =	shalt  }
0x64: {  	_ =	shalt  }
0x65: {  	_ =	shalt  }
0x66: {  	_ =	shalt  }
0x67: {  	_ =	shalt  }
0x68: {  	_ =	shalt  }
0x69: {  	_ =	shalt  }
0x6a: {  	_ =	shalt  }
0x6b: {  	_ =	shalt  }
0x6c: {  	_ =	shalt  }
0x6d: {  	_ =	shalt  }
0x6e: {  	_ =	shalt  }
0x6f: {  	_ =	shalt  }
0x70: {  	_ =	shalt  }
0x71: {  	_ =	shalt  }
0x72: {  	_ =	shalt  }
0x73: {  	_ =	shalt  }
0x74: {  	_ =	shalt  }
0x75: {  	_ =	shalt  }
0x76: {  	_ =	shalt  }
0x77: {  	_ =	shalt  }
0x78: {  	_ =	shalt  }
0x79: {  	_ =	shalt  }
0x7a: {  	_ =	shalt  }
0x7b: {  	_ =	shalt  }
0x7c: {  	_ =	shalt  }
0x7d: {  	_ =	shalt  }
0x7e: {  	_ =	shalt  }
0x7f: {  	_ =	shalt  }
0x80: {  	_ =	shalt  }
0x81: {  	_ =	shalt  }
0x82: {  	_ =	shalt  }
0x83: {  	_ =	shalt  }
0x84: {  	_ =	shalt  }
0x85: {  	_ =	shalt  }
0x86: {  	_ =	shalt  }
0x87: {  	_ =	shalt  }
.Lfunc_end0:
.L_simem_size_0:
called_computation_lowered:
.L_overlay_start_0:
0x88: {  	s2 =	sld [smem:$0x3FD9]  }
0x89: {  	s3 =	sld [smem:$0x3FFE];
	_ =	sdelay $0x1  }
0x8a: {  	s1 =	srdreg.scid  }
0x8b: {  	s0 =	sand.u32 $0x1, s1  }
0x8c: {  	s14 =	sshll.u32 s0, $0xA;
	s2 =	sadd.s32 s3, s2  }
0x8d: {  	s2 =	sadd.s32 s2, s14  }
0x8e: {  	[smem:$0x3FBC] =	sst s2  }
0x8f: {  	_ = 	snop  }
0x90: {  	s2 =	sld [smem:$0x3FD0];
	_ =	sdelay $0x2  }
0x91: {  	s15 =	simm.s32 $0xB;
	s4 =	simm.s32 $0x10  }
0x92: {  	[smem:s4], [sflag:s15] =	dma.local [hbm:s2], $0x1  }
0x93: {  	_ =	swait.eq [sflag:s15], $0x1  }
0x94: {  	[sflag:s15] =	ssyncset.done $0x0  }
0x95: {  	s16 =	sld [smem:$0x10];
	[sflag:s15] =	ssyncadd.s32 $0xFFFFFFFF  }
0x96: {  	s17 =	sld [smem:$0x11];
	(tm) =	ssettm $0x1  }
0x97: {  	s18 =	sld [smem:$0x3FFB];
	_ =	sdelay $0x3  }
0x98: {  	_ =	strace s18  }
0x99: {  	s4 =	sld [smem:$0x3FFC];
	_ =	sdelay $0x3  }
0x9a: {  	_ =	strace s4  }
0x9b: {  	s4 =	sld [smem:$0x3FFD];
	_ =	sdelay $0x3  }
0x9c: {  	_ =	strace s4  }
0x9d: {  	_ =	strace $0x8FFFFFFF  }
0x9e: {  	s19 =	sld [smem:$0x3FDB];
	_ =	sdelay $0x1  }
0x9f: {  	s5 =	simm.s32 $_scs_section_size  }
0xa0: {  	s6 =	simm.s32 $_size__tile_overlayer_lowered;
	s7 =	simm.s32 $_tile_overlayer_lowered  }
0xa1: {  	s22 =	simm.s32 $0x1BFF;
	s21 =	sshll.u32 s7, $0x1;
	s4 =	sadd.s32 s5, s19  }
0xa2: {  	s8 =	simm.s32 $0x0;
	s20 =	sshll.u32 s6, $0x1;
	s6 =	sadd.s32 s21, s4  }
0xa3: {  	[timem:s8], [sflag:s22] =	dma.local [hbm:s6], s20  }
0xa4: {  	_ =	swait.ge [sflag:s22], s20  }
0xa5: {  	s5 =	ssub.s32 $0x0, s20;
	[sflag:s22] =	ssyncset.done $0x0  }
0xa6: {  	[sflag:s22] =	ssyncadd.s32 s5;
	_ =	sdelay $0x1  }
0xa7: {  	s23 =	simm.s32 $0x1B8B  }
0xa8: {  	_ =	swait.ge [sflag:s23], $0x1  }
0xa9: {  	[sflag:s23] =	ssyncset.done $0x0  }
0xaa: {  	s25 =	simm.s32 $0x1B8E;
	s24 =	sld [smem:$0x3FFE];
	[sflag:s23] =	ssyncadd.s32 $0xFFFFFFFF  }
0xab: {  	s26 =	simm.s32 $execute0_lowered;
	[smem:$0x3FD2] =	sst s25  }
0xac: {  	s6 =	sshll.u32 s26, $0x1;
	_ =	strace $0x80000046;
	[dreg:$0x1] =	wrdreg $0xFFFFFFFF  }
0xad: {  	s28 =	simm.s32 $_size_execute0_lowered;
	s4 =	sadd.s32 s4, s6;
	[dreg:$0x0] =	wrdreg $0x0  }
0xae: {  	s6 =	sshll.u32 s28, $0x1;
	[dreg:$0x2] =	wrdreg s4  }
0xaf: {  	[dreg:$0x3] =	wrdreg s6  }
0xb0: {  	[dreg:$0x4] =	wrdreg $0xC0  }
0xb1: {  	_ =	task [dreg:s8], $0x5FFFF  }
0xb2: {  	[dreg:$0x1] =	wrdreg $0xFFFFFFFF  }
0xb3: {  	[dreg:$0x0] =	wrdreg $0x60  }
0xb4: {  	[dreg:$0x2] =	wrdreg s24  }
0xb5: {  	[dreg:$0x3] =	wrdreg s16  }
0xb6: {  	[dreg:$0x4] =	wrdreg s17  }
0xb7: {  	[dreg:$0x5] =	wrdreg $0xA  }
0xb8: {  	_ =	task.clear_ibuf [dreg:s8], $0x6FFFF;
	_ =	strace $0x90000046  }
0xb9: {  	s29 =	simm.s32 $0xA;
	_ =	strace $0x80000048  }
0xba: {  	_ =	swait.ge [sflag:s29], $0x1  }
0xbb: {  	[sflag:s29] =	ssyncadd.s32 $0xFFFFFFFF  }
0xbc: {  	_ =	strace $0x90000048  }
0xbd: {  	_ =	sfence  }
0xbe: {  	s30 =	sld [smem:$0x0];
	_ =	sdelay $0x2  }
0xbf: {  	s31 =	sshll.u32 s1, $0xD;
	s1 =	sshrl.u32 s1, $0x2  }
0xc0: {  	s3 =	sand.u32 $0x4000, s31;
	s1 =	sadd.s32 s1, s30  }
0xc1: {  	s0 =	sor.u32 s3, s0;
	s1 =	sshll.u32 s1, $0x11  }
0xc2: {  	s0 =	sor.u32 s1, s0  }
0xc3: {  	s0 =	sadd.s32 $0x8F2B, s0  }
0xc4: {  	[sflag:s0] =	ssyncadd.remote.s32 $0x1  }
0xc5: {  	_ =	sfence.sel $0xFFFF  }
0xc6: {  	[dreg:$0x0] =	wrdreg $0xFFFFFFFF;
	(pc) =	sbr.abs _section_cstart, $3  }
0xc7: {  	[dreg:$0x1] =	wrdreg $0xFFFFFFFF  }
0xc8: {  	_ =	task.clear_ibuf [dreg:s8], $0x2FFFF;
	_ =	strace $0x9FFFFFFF  }
0xc9: {  	(tm) =	ssettm $0x7FFFFFFF  }
tec
execute0_lowered:
.L_overlay_start_1:
0x0: {  	(tag) =	ssettag $0x1  }
0x1: {  	s0 =	rddreg [dreg:$0x0]  }
0x2: {  	s1 =	rddreg [dreg:$0x1]  }
0x3: {  	s4 =	rddreg [dreg:$0x2]  }
0x4: {  	s2 =	simm.s32 $0x0;
	s3 =	srdreg.scid;
	s11 =	stileid.u32  }
0x5: {  	s12 =	simm.s32 $0xA00;
	s29 =	simm.s32 $0x8A00;
	s16 =	simm.s32 $0x10A00  }
0x6: {  	s28 =	simm.s32 $0x2A00;
	s30 =	simm.s32 $0x4200;
	s15 =	simm.s32 $0x11200  }
0x7: {  	s14 =	simm.s32 $0x11A00;
	s13 =	simm.s32 $0x12200;
	s31 =	simm.s32 $0x18200  }
0x8: {  	[smem:$0x7FF] =	sst s2;
	s5 =	sand.u32 $0x1, s3;
	s17 =	sshll.u32 s11, $0x1  }
0x9: {  	s3 =	sadd.s32 $0x4E00, s0;
	s9 =	sadd.s32 $0x54E00, s0;
	s19 =	smul.u32 $0x28000, s11  }
0xa: {  	s6 =	sor.u32 s5, s17;
	s7 =	ssub.s32 $0x2, s5;
	s5 =	smul.u32 $0x14000, s5  }
0xb: {  	s0 =	sadd.s32 $0x2D4E00, s0;
	s11 =	simm.s32 $0x12A00;
	s8 =	smul.u32 $0xA00, s6  }
0xc: {  	_ =	strace $0x80000047;
	s10 =	sshrl.u32 s7, $0x1;
	s6 =	smul.u32 $0xA0000, s6  }
0xd: {  	s17 =	simm.s32 $0x4A00;
	s7 =	ssub.s32 s7, s10;
	s10 =	simm.s32 $0x13200  }
0xe: {  	s8 =	sshrl.u32 s8, $0x3;
	s18 =	sshrl.u32 s6, $0x3;
	s6 =	sadd.s32 s19, s0  }
0xf: {  	s26 =	smax.u32 s7, $0x1;
	s7 =	simm.s32 $0x14A00;
	s1 =	sadd.s32 s1, s8  }
0x10: {  	s20 =	sadd.s32 $0x12000, s18;
	s4 =	sadd.s32 s4, s8;
	s25 =	sadd.s32 s5, s6  }
0x11: {  	[dreg:$0xc] =	wrdreg s26;
	s26 =	simm.s32 $0x2200;
	s8 =	simm.s32 $0x14200  }
0x12: {  	s6 =	simm.s32 $0x15200;
	[dreg:$0x6] =	wrdreg s1;
	s1 =	sadd.s32 $0x13000, s18  }
0x13: {  	s21 =	sadd.s32 s9, s20;
	[dreg:$0x9] =	wrdreg s4;
	s24 =	sadd.s32 s0, s20  }
0x14: {  	[dreg:$0x5] =	wrdreg s25;
	s25 =	simm.s32 $0x1A00;
	s20 =	simm.s32 $0x3200  }
0x15: {  	s4 =	simm.s32 $0x16A00;
	[dreg:$0x7] =	wrdreg s21;
	s22 =	sadd.s32 s9, s1  }
0x16: {  	s9 =	sadd.s32 s19, s9;
	[dreg:$0xa] =	wrdreg s24;
	s0 =	sadd.s32 s0, s1  }
0x17: {  	s24 =	simm.s32 $0x1200;
	s19 =	simm.s32 $0x1;
	s21 =	simm.s32 $0x3A00  }
0x18: {  	v2 =	vlaneseq.u32;
	s1 =	simm.s32 $0x17200;
	[dreg:$0x8] =	wrdreg s22;
	s23 =	sadd.s32 s5, s9  }
0x19: {  	vm0 =	vmmov $0xffff;
	v1 =	vshrl.u32 v2, $0x3;
	[dreg:$0xb] =	wrdreg s0;
	s0 =	simm.s32 $0x0;
	s9 =	simm.s32 $0x13A00  }
0x1a: {  	v0 =	vand.u32 $0x7, v2;
	v2 =	vor.u32 $0x8, v2;
	v1 =	vmul.u32 $0x8, v1;
	s5 =	simm.s32 $0x15A00;
	s22 =	simm.s32 $0x16200;
	[dreg:$0x4] =	wrdreg s23  }
.LBB2_1:
0x1b: {  	[dreg:$0xd] =	wrdreg s0  }
0x1c: {  	s18 =	rddreg [dreg:$0x6];
	s23 =	simm.s32 $0x2  }
0x1d: {  	[tilespmem:s2], [sflag:$0x2] =	stream.linear.gather [hbm4b:s18+s2], $0xA00, $0x38;
	[tilespmem:$0x18A00] =	vst v63  }
0x1e: {  	_ =	swait.ge [sflag:s23], $0xA00  }
0x1f: {  	s0 =	simm.s32 $0x17A00;
	[sflag:s23] =	ssyncset.done $0x0  }
0x20: {  	s18 =	simm.s32 $0x0;
	[sflag:s23] =	ssyncadd.s32 $0xFFFFF600;
	s23 =	simm.s32 $0xC0  }
.LBB2_2:
0x21: {  	v3 =	vld [tilespmem:s23+$0xFFFFFF40];
	_ =	sdelay $0x4  }
0x22: {  	v4 =	vshll.u32 v3, $0x1  }
0x23: {  	v3 =	vand.u32 $0x7, v3;
	v4 =	vand.u32 $0xFFFFFFF0, v4  }
0x24: {  	v3 =	vor.u32 v3, v4  }
0x25: {  	v4 =	vperm.xlane v3, v0;
	_ =	sdelay $0x1  }
0x26: {  	v3 =	vperm.xlane v3, v2;
	v4 =	vadd.s32 v1, v4;
	_ =	sdelay $0x1  }
0x27: {  	v3 =	vadd.s32 v1, v3;
	_ =	sdelay $0x2  }
0x28: {  	[tilespmem:s12], [sflag:$0x1] =	stream.indirect_vreg.gather [hbm4b:s3+s2], $0x80, v4, vm0, $0xb8;
	[tilespmem:$0x18A00] =	vst v63  }
0x29: {  	_ = 	snop  }
0x2a: {  	[tilespmem:s24], [sflag:$0x1] =	stream.indirect_vreg.gather [hbm4b:s3+s2], $0x80, v3, vm0, $0xb8;
	[tilespmem:$0x18A00] =	vst v63  }
0x2b: {  	v3 =	vld [tilespmem:s23+$0xFFFFFF50];
	_ =	sdelay $0x4  }
0x2c: {  	v41 =	vshll.u32 v3, $0x1  }
0x2d: {  	v3 =	vand.u32 $0x7, v3;
	v4 =	vand.u32 $0xFFFFFFF0, v41  }
0x2e: {  	v3 =	vor.u32 v3, v4  }
0x2f: {  	v4 =	vperm.xlane v3, v0;
	_ =	sdelay $0x1  }
0x30: {  	v3 =	vperm.xlane v3, v2;
	v4 =	vadd.s32 v1, v4;
	_ =	sdelay $0x1  }
0x31: {  	v3 =	vadd.s32 v1, v3;
	_ =	sdelay $0x2  }
0x32: {  	[tilespmem:s25], [sflag:$0x1] =	stream.indirect_vreg.gather [hbm4b:s3+s2], $0x80, v4, vm0, $0xb8;
	[tilespmem:$0x18A00] =	vst v63  }
0x33: {  	_ = 	snop  }
0x34: {  	[tilespmem:s26], [sflag:$0x1] =	stream.indirect_vreg.gather [hbm4b:s3+s2], $0x80, v3, vm0, $0xb8;
	[tilespmem:$0x18A00] =	vst v63  }
0x35: {  	v3 =	vld [tilespmem:s23+$0xFFFFFF60];
	_ =	sdelay $0x4  }
0x36: {  	v42 =	vshll.u32 v3, $0x1  }
0x37: {  	v3 =	vand.u32 $0x7, v3;
	v4 =	vand.u32 $0xFFFFFFF0, v42  }
0x38: {  	v3 =	vor.u32 v3, v4  }
0x39: {  	v4 =	vperm.xlane v3, v0;
	_ =	sdelay $0x1  }
0x3a: {  	v3 =	vperm.xlane v3, v2;
	v4 =	vadd.s32 v1, v4;
	_ =	sdelay $0x1  }
0x3b: {  	v3 =	vadd.s32 v1, v3;
	_ =	sdelay $0x2  }
0x3c: {  	[tilespmem:s28], [sflag:$0x1] =	stream.indirect_vreg.gather [hbm4b:s3+s2], $0x80, v4, vm0, $0xb8;
	[tilespmem:$0x18A00] =	vst v63  }
0x3d: {  	_ = 	snop  }
0x3e: {  	[tilespmem:s20], [sflag:$0x1] =	stream.indirect_vreg.gather [hbm4b:s3+s2], $0x80, v3, vm0, $0xb8;
	[tilespmem:$0x18A00] =	vst v63  }
0x3f: {  	v3 =	vld [tilespmem:s23+$0xFFFFFF70];
	_ =	sdelay $0x4  }
0x40: {  	v43 =	vshll.u32 v3, $0x1  }
0x41: {  	v3 =	vand.u32 $0x7, v3;
	v4 =	vand.u32 $0xFFFFFFF0, v43  }
0x42: {  	v3 =	vor.u32 v3, v4  }
0x43: {  	v4 =	vperm.xlane v3, v0;
	_ =	sdelay $0x1  }
0x44: {  	v3 =	vperm.xlane v3, v2;
	v4 =	vadd.s32 v1, v4;
	_ =	sdelay $0x1  }
0x45: {  	v3 =	vadd.s32 v1, v3;
	_ =	sdelay $0x2  }
0x46: {  	[tilespmem:s21], [sflag:$0x1] =	stream.indirect_vreg.gather [hbm4b:s3+s2], $0x80, v4, vm0, $0xb8;
	[tilespmem:$0x18A00] =	vst v63  }
0x47: {  	_ = 	snop  }
0x48: {  	[tilespmem:s30], [sflag:$0x1] =	stream.indirect_vreg.gather [hbm4b:s3+s2], $0x80, v3, vm0, $0xb8;
	[tilespmem:$0x18A00] =	vst v63  }
0x49: {  	v3 =	vld [tilespmem:s23+$0xFFFFFF80];
	_ =	sdelay $0x4  }
0x4a: {  	v44 =	vshll.u32 v3, $0x1  }
0x4b: {  	v3 =	vand.u32 $0x7, v3;
	v4 =	vand.u32 $0xFFFFFFF0, v44  }
0x4c: {  	v3 =	vor.u32 v3, v4  }
0x4d: {  	v4 =	vperm.xlane v3, v0;
	_ =	sdelay $0x1  }
0x4e: {  	v3 =	vperm.xlane v3, v2;
	v4 =	vadd.s32 v1, v4;
	_ =	sdelay $0x1  }
0x4f: {  	v3 =	vadd.s32 v1, v3;
	_ =	sdelay $0x2  }
0x50: {  	[tilespmem:s17], [sflag:$0x1] =	stream.indirect_vreg.gather [hbm4b:s3+s2], $0x80, v4, vm0, $0xb8;
	[tilespmem:$0x18A00] =	vst v63  }
0x51: {  	s25 =	simm.s32 $0x5200  }
0x52: {  	[tilespmem:s25], [sflag:$0x1] =	stream.indirect_vreg.gather [hbm4b:s3+s2], $0x80, v3, vm0, $0xb8;
	[tilespmem:$0x18A00] =	vst v63  }
0x53: {  	v3 =	vld [tilespmem:s23+$0xFFFFFF90];
	_ =	sdelay $0x4  }
0x54: {  	v45 =	vshll.u32 v3, $0x1  }
0x55: {  	v3 =	vand.u32 $0x7, v3;
	v4 =	vand.u32 $0xFFFFFFF0, v45  }
0x56: {  	v3 =	vor.u32 v3, v4  }
0x57: {  	v4 =	vperm.xlane v3, v0;
	_ =	sdelay $0x1  }
0x58: {  	v3 =	vperm.xlane v3, v2;
	v4 =	vadd.s32 v1, v4;
	_ =	sdelay $0x1  }
0x59: {  	v3 =	vadd.s32 v1, v3;
	_ =	sdelay $0x1  }
0x5a: {  	s25 =	simm.s32 $0x5A00  }
0x5b: {  	[tilespmem:s25], [sflag:$0x1] =	stream.indirect_vreg.gather [hbm4b:s3+s2], $0x80, v4, vm0, $0xb8;
	[tilespmem:$0x18A00] =	vst v63  }
0x5c: {  	s25 =	simm.s32 $0x6200  }
0x5d: {  	[tilespmem:s25], [sflag:$0x1] =	stream.indirect_vreg.gather [hbm4b:s3+s2], $0x80, v3, vm0, $0xb8;
	[tilespmem:$0x18A00] =	vst v63  }
0x5e: {  	v3 =	vld [tilespmem:s23+$0xFFFFFFA0];
	_ =	sdelay $0x4  }
0x5f: {  	v46 =	vshll.u32 v3, $0x1  }
0x60: {  	v3 =	vand.u32 $0x7, v3;
	v4 =	vand.u32 $0xFFFFFFF0, v46  }
0x61: {  	v3 =	vor.u32 v3, v4  }
0x62: {  	v4 =	vperm.xlane v3, v0;
	_ =	sdelay $0x1  }
0x63: {  	v3 =	vperm.xlane v3, v2;
	v4 =	vadd.s32 v1, v4;
	_ =	sdelay $0x1  }
0x64: {  	v3 =	vadd.s32 v1, v3;
	_ =	sdelay $0x1  }
0x65: {  	s25 =	simm.s32 $0x6A00  }
0x66: {  	[tilespmem:s25], [sflag:$0x1] =	stream.indirect_vreg.gather [hbm4b:s3+s2], $0x80, v4, vm0, $0xb8;
	[tilespmem:$0x18A00] =	vst v63  }
0x67: {  	s25 =	simm.s32 $0x7200  }
0x68: {  	[tilespmem:s25], [sflag:$0x1] =	stream.indirect_vreg.gather [hbm4b:s3+s2], $0x80, v3, vm0, $0xb8;
	[tilespmem:$0x18A00] =	vst v63  }
0x69: {  	v3 =	vld [tilespmem:s23+$0xFFFFFFB0];
	_ =	sdelay $0x4  }
0x6a: {  	v47 =	vshll.u32 v3, $0x1  }
0x6b: {  	v3 =	vand.u32 $0x7, v3;
	v4 =	vand.u32 $0xFFFFFFF0, v47  }
0x6c: {  	v3 =	vor.u32 v3, v4  }
0x6d: {  	v4 =	vperm.xlane v3, v0;
	_ =	sdelay $0x1  }
0x6e: {  	v3 =	vperm.xlane v3, v2;
	v4 =	vadd.s32 v1, v4;
	_ =	sdelay $0x1  }
0x6f: {  	v3 =	vadd.s32 v1, v3;
	_ =	sdelay $0x1  }
0x70: {  	s25 =	simm.s32 $0x7A00  }
0x71: {  	[tilespmem:s25], [sflag:$0x1] =	stream.indirect_vreg.gather [hbm4b:s3+s2], $0x80, v4, vm0, $0xb8;
	[tilespmem:$0x18A00] =	vst v63  }
0x72: {  	s25 =	simm.s32 $0x8200  }
0x73: {  	[tilespmem:s25], [sflag:$0x1] =	stream.indirect_vreg.gather [hbm4b:s3+s2], $0x80, v3, vm0, $0xb8;
	[tilespmem:$0x18A00] =	vst v63  }
0x74: {  	v3 =	vld [tilespmem:s23+$0xFFFFFFC0];
	_ =	sdelay $0x4  }
0x75: {  	v48 =	vshll.u32 v3, $0x1  }
0x76: {  	v3 =	vand.u32 $0x7, v3;
	v4 =	vand.u32 $0xFFFFFFF0, v48  }
0x77: {  	v3 =	vor.u32 v3, v4  }
0x78: {  	v4 =	vperm.xlane v3, v0;
	_ =	sdelay $0x1  }
0x79: {  	v3 =	vperm.xlane v3, v2;
	v4 =	vadd.s32 v1, v4;
	_ =	sdelay $0x1  }
0x7a: {  	v3 =	vadd.s32 v1, v3;
	_ =	sdelay $0x2  }
0x7b: {  	[tilespmem:s29], [sflag:$0x1] =	stream.indirect_vreg.gather [hbm4b:s3+s2], $0x80, v4, vm0, $0xb8;
	[tilespmem:$0x18A00] =	vst v63  }
0x7c: {  	s25 =	simm.s32 $0x9200  }
0x7d: {  	[tilespmem:s25], [sflag:$0x1] =	stream.indirect_vreg.gather [hbm4b:s3+s2], $0x80, v3, vm0, $0xb8;
	[tilespmem:$0x18A00] =	vst v63  }
0x7e: {  	v3 =	vld [tilespmem:s23+$0xFFFFFFD0];
	_ =	sdelay $0x4  }
0x7f: {  	v49 =	vshll.u32 v3, $0x1  }
0x80: {  	v3 =	vand.u32 $0x7, v3;
	v4 =	vand.u32 $0xFFFFFFF0, v49  }
0x81: {  	v3 =	vor.u32 v3, v4  }
0x82: {  	v4 =	vperm.xlane v3, v0;
	_ =	sdelay $0x1  }
0x83: {  	v3 =	vperm.xlane v3, v2;
	v4 =	vadd.s32 v1, v4;
	_ =	sdelay $0x1  }
0x84: {  	v3 =	vadd.s32 v1, v3;
	_ =	sdelay $0x1  }
0x85: {  	s25 =	simm.s32 $0x9A00  }
0x86: {  	[tilespmem:s25], [sflag:$0x1] =	stream.indirect_vreg.gather [hbm4b:s3+s2], $0x80, v4, vm0, $0xb8;
	[tilespmem:$0x18A00] =	vst v63  }
0x87: {  	s25 =	simm.s32 $0xA200  }
0x88: {  	[tilespmem:s25], [sflag:$0x1] =	stream.indirect_vreg.gather [hbm4b:s3+s2], $0x80, v3, vm0, $0xb8;
	[tilespmem:$0x18A00] =	vst v63  }
0x89: {  	v3 =	vld [tilespmem:s23+$0xFFFFFFE0];
	_ =	sdelay $0x4  }
0x8a: {  	v50 =	vshll.u32 v3, $0x1  }
0x8b: {  	v3 =	vand.u32 $0x7, v3;
	v4 =	vand.u32 $0xFFFFFFF0, v50  }
0x8c: {  	v3 =	vor.u32 v3, v4  }
0x8d: {  	v4 =	vperm.xlane v3, v0;
	_ =	sdelay $0x1  }
0x8e: {  	v3 =	vperm.xlane v3, v2;
	v4 =	vadd.s32 v1, v4;
	_ =	sdelay $0x1  }
0x8f: {  	v3 =	vadd.s32 v1, v3;
	_ =	sdelay $0x1  }
0x90: {  	s25 =	simm.s32 $0xAA00  }
0x91: {  	[tilespmem:s25], [sflag:$0x1] =	stream.indirect_vreg.gather [hbm4b:s3+s2], $0x80, v4, vm0, $0xb8;
	[tilespmem:$0x18A00] =	vst v63  }
0x92: {  	s25 =	simm.s32 $0xB200  }
0x93: {  	[tilespmem:s25], [sflag:$0x1] =	stream.indirect_vreg.gather [hbm4b:s3+s2], $0x80, v3, vm0, $0xb8;
	[tilespmem:$0x18A00] =	vst v63  }
0x94: {  	v3 =	vld [tilespmem:s23+$0xFFFFFFF0];
	_ =	sdelay $0x4  }
0x95: {  	v51 =	vshll.u32 v3, $0x1  }
0x96: {  	v3 =	vand.u32 $0x7, v3;
	v4 =	vand.u32 $0xFFFFFFF0, v51  }
0x97: {  	v3 =	vor.u32 v3, v4  }
0x98: {  	v4 =	vperm.xlane v3, v0;
	_ =	sdelay $0x1  }
0x99: {  	v3 =	vperm.xlane v3, v2;
	v4 =	vadd.s32 v1, v4;
	_ =	sdelay $0x1  }
0x9a: {  	v3 =	vadd.s32 v1, v3;
	_ =	sdelay $0x1  }
0x9b: {  	s25 =	simm.s32 $0xBA00  }
0x9c: {  	[tilespmem:s25], [sflag:$0x1] =	stream.indirect_vreg.gather [hbm4b:s3+s2], $0x80, v4, vm0, $0xb8;
	[tilespmem:$0x18A00] =	vst v63  }
0x9d: {  	s25 =	simm.s32 $0xC200  }
0x9e: {  	[tilespmem:s25], [sflag:$0x1] =	stream.indirect_vreg.gather [hbm4b:s3+s2], $0x80, v3, vm0, $0xb8;
	[tilespmem:$0x18A00] =	vst v63  }
0x9f: {  	v3 =	vld [tilespmem:s23+$0x0];
	_ =	sdelay $0x4  }
0xa0: {  	v52 =	vshll.u32 v3, $0x1  }
0xa1: {  	v3 =	vand.u32 $0x7, v3;
	v4 =	vand.u32 $0xFFFFFFF0, v52  }
0xa2: {  	v3 =	vor.u32 v3, v4  }
0xa3: {  	v4 =	vperm.xlane v3, v0;
	_ =	sdelay $0x1  }
0xa4: {  	v3 =	vperm.xlane v3, v2;
	v4 =	vadd.s32 v1, v4;
	_ =	sdelay $0x1  }
0xa5: {  	v3 =	vadd.s32 v1, v3;
	_ =	sdelay $0x1  }
0xa6: {  	s25 =	simm.s32 $0xCA00  }
0xa7: {  	[tilespmem:s25], [sflag:$0x1] =	stream.indirect_vreg.gather [hbm4b:s3+s2], $0x80, v4, vm0, $0xb8;
	[tilespmem:$0x18A00] =	vst v63  }
0xa8: {  	s25 =	simm.s32 $0xD200  }
0xa9: {  	[tilespmem:s25], [sflag:$0x1] =	stream.indirect_vreg.gather [hbm4b:s3+s2], $0x80, v3, vm0, $0xb8;
	[tilespmem:$0x18A00] =	vst v63  }
0xaa: {  	v3 =	vld [tilespmem:s23+$0x10];
	_ =	sdelay $0x4  }
0xab: {  	v53 =	vshll.u32 v3, $0x1  }
0xac: {  	v3 =	vand.u32 $0x7, v3;
	v4 =	vand.u32 $0xFFFFFFF0, v53  }
0xad: {  	v3 =	vor.u32 v3, v4  }
0xae: {  	v4 =	vperm.xlane v3, v0;
	_ =	sdelay $0x1  }
0xaf: {  	v3 =	vperm.xlane v3, v2;
	v4 =	vadd.s32 v1, v4;
	_ =	sdelay $0x1  }
0xb0: {  	v3 =	vadd.s32 v1, v3;
	_ =	sdelay $0x1  }
0xb1: {  	s25 =	simm.s32 $0xDA00  }
0xb2: {  	[tilespmem:s25], [sflag:$0x1] =	stream.indirect_vreg.gather [hbm4b:s3+s2], $0x80, v4, vm0, $0xb8;
	[tilespmem:$0x18A00] =	vst v63  }
0xb3: {  	s25 =	simm.s32 $0xE200  }
0xb4: {  	[tilespmem:s25], [sflag:$0x1] =	stream.indirect_vreg.gather [hbm4b:s3+s2], $0x80, v3, vm0, $0xb8;
	[tilespmem:$0x18A00] =	vst v63  }
0xb5: {  	v3 =	vld [tilespmem:s23+$0x20];
	_ =	sdelay $0x4  }
0xb6: {  	v54 =	vshll.u32 v3, $0x1  }
0xb7: {  	v3 =	vand.u32 $0x7, v3;
	v4 =	vand.u32 $0xFFFFFFF0, v54  }
0xb8: {  	v3 =	vor.u32 v3, v4  }
0xb9: {  	v4 =	vperm.xlane v3, v0;
	_ =	sdelay $0x1  }
0xba: {  	v3 =	vperm.xlane v3, v2;
	v4 =	vadd.s32 v1, v4;
	_ =	sdelay $0x1  }
0xbb: {  	v3 =	vadd.s32 v1, v3;
	_ =	sdelay $0x1  }
0xbc: {  	s25 =	simm.s32 $0xEA00  }
0xbd: {  	[tilespmem:s25], [sflag:$0x1] =	stream.indirect_vreg.gather [hbm4b:s3+s2], $0x80, v4, vm0, $0xb8;
	[tilespmem:$0x18A00] =	vst v63  }
0xbe: {  	s25 =	simm.s32 $0xF200  }
0xbf: {  	[tilespmem:s25], [sflag:$0x1] =	stream.indirect_vreg.gather [hbm4b:s3+s2], $0x80, v3, vm0, $0xb8;
	[tilespmem:$0x18A00] =	vst v63  }
0xc0: {  	v3 =	vld [tilespmem:s23+$0x30];
	_ =	sdelay $0x4  }
0xc1: {  	v55 =	vshll.u32 v3, $0x1  }
0xc2: {  	v3 =	vand.u32 $0x7, v3;
	v4 =	vand.u32 $0xFFFFFFF0, v55  }
0xc3: {  	v3 =	vor.u32 v3, v4  }
0xc4: {  	v4 =	vperm.xlane v3, v0;
	_ =	sdelay $0x1  }
0xc5: {  	v3 =	vperm.xlane v3, v2;
	v4 =	vadd.s32 v1, v4;
	_ =	sdelay $0x1  }
0xc6: {  	v3 =	vadd.s32 v1, v3;
	_ =	sdelay $0x1  }
0xc7: {  	s25 =	simm.s32 $0xFA00  }
0xc8: {  	[tilespmem:s25], [sflag:$0x1] =	stream.indirect_vreg.gather [hbm4b:s3+s2], $0x80, v4, vm0, $0xb8;
	[tilespmem:$0x18A00] =	vst v63  }
0xc9: {  	s25 =	simm.s32 $0x10200  }
0xca: {  	[tilespmem:s25], [sflag:$0x1] =	stream.indirect_vreg.gather [hbm4b:s3+s2], $0x80, v3, vm0, $0xb8;
	[tilespmem:$0x18A00] =	vst v63  }
0xcb: {  	v3 =	vld [tilespmem:s23+$0x40];
	_ =	sdelay $0x4  }
0xcc: {  	v56 =	vshll.u32 v3, $0x1  }
0xcd: {  	v3 =	vand.u32 $0x7, v3;
	v4 =	vand.u32 $0xFFFFFFF0, v56  }
0xce: {  	v3 =	vor.u32 v3, v4  }
0xcf: {  	v4 =	vperm.xlane v3, v0;
	_ =	sdelay $0x1  }
0xd0: {  	v3 =	vperm.xlane v3, v2;
	v4 =	vadd.s32 v1, v4;
	_ =	sdelay $0x1  }
0xd1: {  	v3 =	vadd.s32 v1, v3;
	_ =	sdelay $0x2  }
0xd2: {  	[tilespmem:s16], [sflag:$0x1] =	stream.indirect_vreg.gather [hbm4b:s3+s2], $0x80, v4, vm0, $0xb8;
	[tilespmem:$0x18A00] =	vst v63  }
0xd3: {  	_ = 	snop  }
0xd4: {  	[tilespmem:s15], [sflag:$0x1] =	stream.indirect_vreg.gather [hbm4b:s3+s2], $0x80, v3, vm0, $0xb8;
	[tilespmem:$0x18A00] =	vst v63  }
0xd5: {  	v3 =	vld [tilespmem:s23+$0x50];
	_ =	sdelay $0x4  }
0xd6: {  	v57 =	vshll.u32 v3, $0x1  }
0xd7: {  	v3 =	vand.u32 $0x7, v3;
	v4 =	vand.u32 $0xFFFFFFF0, v57  }
0xd8: {  	v3 =	vor.u32 v3, v4  }
0xd9: {  	v4 =	vperm.xlane v3, v0;
	_ =	sdelay $0x1  }
0xda: {  	v3 =	vperm.xlane v3, v2;
	v4 =	vadd.s32 v1, v4;
	_ =	sdelay $0x1  }
0xdb: {  	v3 =	vadd.s32 v1, v3;
	_ =	sdelay $0x2  }
0xdc: {  	[tilespmem:s14], [sflag:$0x1] =	stream.indirect_vreg.gather [hbm4b:s3+s2], $0x80, v4, vm0, $0xb8;
	[tilespmem:$0x18A00] =	vst v63  }
0xdd: {  	_ = 	snop  }
0xde: {  	[tilespmem:s13], [sflag:$0x1] =	stream.indirect_vreg.gather [hbm4b:s3+s2], $0x80, v3, vm0, $0xb8;
	[tilespmem:$0x18A00] =	vst v63  }
0xdf: {  	v3 =	vld [tilespmem:s23+$0x60];
	_ =	sdelay $0x4  }
0xe0: {  	v58 =	vshll.u32 v3, $0x1  }
0xe1: {  	v3 =	vand.u32 $0x7, v3;
	v4 =	vand.u32 $0xFFFFFFF0, v58  }
0xe2: {  	v3 =	vor.u32 v3, v4  }
0xe3: {  	v4 =	vperm.xlane v3, v0;
	_ =	sdelay $0x1  }
0xe4: {  	v3 =	vperm.xlane v3, v2;
	v4 =	vadd.s32 v1, v4;
	_ =	sdelay $0x1  }
0xe5: {  	v3 =	vadd.s32 v1, v3;
	_ =	sdelay $0x2  }
0xe6: {  	[tilespmem:s11], [sflag:$0x1] =	stream.indirect_vreg.gather [hbm4b:s3+s2], $0x80, v4, vm0, $0xb8;
	[tilespmem:$0x18A00] =	vst v63  }
0xe7: {  	_ = 	snop  }
0xe8: {  	[tilespmem:s10], [sflag:$0x1] =	stream.indirect_vreg.gather [hbm4b:s3+s2], $0x80, v3, vm0, $0xb8;
	[tilespmem:$0x18A00] =	vst v63  }
0xe9: {  	v3 =	vld [tilespmem:s23+$0x70];
	_ =	sdelay $0x4  }
0xea: {  	v59 =	vshll.u32 v3, $0x1  }
0xeb: {  	v3 =	vand.u32 $0x7, v3;
	v4 =	vand.u32 $0xFFFFFFF0, v59  }
0xec: {  	v3 =	vor.u32 v3, v4  }
0xed: {  	v4 =	vperm.xlane v3, v0;
	_ =	sdelay $0x1  }
0xee: {  	v3 =	vperm.xlane v3, v2;
	v4 =	vadd.s32 v1, v4;
	_ =	sdelay $0x1  }
0xef: {  	v3 =	vadd.s32 v1, v3;
	_ =	sdelay $0x2  }
0xf0: {  	[tilespmem:s9], [sflag:$0x1] =	stream.indirect_vreg.gather [hbm4b:s3+s2], $0x80, v4, vm0, $0xb8;
	[tilespmem:$0x18A00] =	vst v63  }
0xf1: {  	_ = 	snop  }
0xf2: {  	[tilespmem:s8], [sflag:$0x1] =	stream.indirect_vreg.gather [hbm4b:s3+s2], $0x80, v3, vm0, $0xb8;
	[tilespmem:$0x18A00] =	vst v63  }
0xf3: {  	v3 =	vld [tilespmem:s23+$0x80];
	_ =	sdelay $0x4  }
0xf4: {  	v60 =	vshll.u32 v3, $0x1  }
0xf5: {  	v3 =	vand.u32 $0x7, v3;
	v4 =	vand.u32 $0xFFFFFFF0, v60  }
0xf6: {  	v3 =	vor.u32 v3, v4  }
0xf7: {  	v4 =	vperm.xlane v3, v0;
	_ =	sdelay $0x1  }
0xf8: {  	v3 =	vperm.xlane v3, v2;
	v4 =	vadd.s32 v1, v4;
	_ =	sdelay $0x1  }
0xf9: {  	v3 =	vadd.s32 v1, v3;
	_ =	sdelay $0x2  }
0xfa: {  	[tilespmem:s7], [sflag:$0x1] =	stream.indirect_vreg.gather [hbm4b:s3+s2], $0x80, v4, vm0, $0xb8;
	[tilespmem:$0x18A00] =	vst v63  }
0xfb: {  	_ = 	snop  }
0xfc: {  	[tilespmem:s6], [sflag:$0x1] =	stream.indirect_vreg.gather [hbm4b:s3+s2], $0x80, v3, vm0, $0xb8;
	[tilespmem:$0x18A00] =	vst v63  }
0xfd: {  	v3 =	vld [tilespmem:s23+$0x90];
	_ =	sdelay $0x4  }
0xfe: {  	v61 =	vshll.u32 v3, $0x1  }
0xff: {  	v3 =	vand.u32 $0x7, v3;
	v4 =	vand.u32 $0xFFFFFFF0, v61  }
0x100: {  	v3 =	vor.u32 v3, v4  }
0x101: {  	v4 =	vperm.xlane v3, v0;
	_ =	sdelay $0x1  }
0x102: {  	v3 =	vperm.xlane v3, v2;
	v4 =	vadd.s32 v1, v4;
	_ =	sdelay $0x1  }
0x103: {  	v3 =	vadd.s32 v1, v3;
	_ =	sdelay $0x2  }
0x104: {  	[tilespmem:s5], [sflag:$0x1] =	stream.indirect_vreg.gather [hbm4b:s3+s2], $0x80, v4, vm0, $0xb8;
	[tilespmem:$0x18A00] =	vst v63  }
0x105: {  	_ = 	snop  }
0x106: {  	[tilespmem:s22], [sflag:$0x1] =	stream.indirect_vreg.gather [hbm4b:s3+s2], $0x80, v3, vm0, $0xb8;
	[tilespmem:$0x18A00] =	vst v63  }
0x107: {  	v3 =	vld [tilespmem:s23+$0xA0];
	_ =	sdelay $0x4  }
0x108: {  	v62 =	vshll.u32 v3, $0x1  }
0x109: {  	v3 =	vand.u32 $0x7, v3;
	v4 =	vand.u32 $0xFFFFFFF0, v62  }
0x10a: {  	v3 =	vor.u32 v3, v4  }
0x10b: {  	v4 =	vperm.xlane v3, v0;
	_ =	sdelay $0x1  }
0x10c: {  	v3 =	vperm.xlane v3, v2;
	v4 =	vadd.s32 v1, v4;
	_ =	sdelay $0x1  }
0x10d: {  	v3 =	vadd.s32 v1, v3;
	_ =	sdelay $0x2  }
0x10e: {  	[tilespmem:s4], [sflag:$0x1] =	stream.indirect_vreg.gather [hbm4b:s3+s2], $0x80, v4, vm0, $0xb8;
	[tilespmem:$0x18A00] =	vst v63  }
0x10f: {  	_ = 	snop  }
0x110: {  	[tilespmem:s1], [sflag:$0x1] =	stream.indirect_vreg.gather [hbm4b:s3+s2], $0x80, v3, vm0, $0xb8;
	[tilespmem:$0x18A00] =	vst v63  }
0x111: {  	v3 =	vld [tilespmem:s23+$0xB0];
	_ =	sdelay $0x4  }
0x112: {  	v63 =	vshll.u32 v3, $0x1  }
0x113: {  	v3 =	vand.u32 $0x7, v3;
	v4 =	vand.u32 $0xFFFFFFF0, v63  }
0x114: {  	v3 =	vor.u32 v3, v4  }
0x115: {  	v4 =	vperm.xlane v3, v0;
	_ =	sdelay $0x1  }
0x116: {  	v3 =	vperm.xlane v3, v2;
	v4 =	vadd.s32 v1, v4;
	_ =	sdelay $0x1  }
0x117: {  	v3 =	vadd.s32 v1, v3;
	_ =	sdelay $0x2  }
0x118: {  	[tilespmem:s0], [sflag:$0x1] =	stream.indirect_vreg.gather [hbm4b:s3+s2], $0x80, v4, vm0, $0xb8;
	[tilespmem:$0x18A00] =	vst v63  }
0x119: {  	_ = 	snop  }
0x11a: {  	[tilespmem:s31], [sflag:$0x1] =	stream.indirect_vreg.gather [hbm4b:s3+s2], $0x80, v3, vm0, $0xb8;
	[tilespmem:$0x18A00] =	vst v63  }
0x11b: {  	_ =	swait.ge [sflag:s19], $0x8000  }
0x11c: {  	[sflag:s19] =	ssyncset.done $0x0  }
0x11d: {  	[sflag:s19] =	ssyncadd.s32 $0xFFFF8000  }
0x11e: {  	_ =	swait.ge [sflag:s19], $0x8000  }
0x11f: {  	[sflag:s19] =	ssyncset.done $0x0  }
0x120: {  	[sflag:s19] =	ssyncadd.s32 $0xFFFF8000  }
0x121: {  	_ =	swait.ge [sflag:s19], $0x8000  }
0x122: {  	s25 =	rddreg [dreg:$0x4];
	[sflag:s19] =	ssyncset.done $0x0  }
0x123: {  	[sflag:s19] =	ssyncadd.s32 $0xFFFF8000;
	s24 =	sadd.s32 s18, s25  }
0x124: {  	[hbm4b:s24+s2] =	stream.linear.scatter [tilespmem:s12], [sflag:$0x1], $0x8000, $0x38;
	[tilespmem:$0x18A00] =	vst v63  }
0x125: {  	s25 =	sadd.s32 $0x1000, s24  }
0x126: {  	[hbm4b:s25+s2] =	stream.linear.scatter [tilespmem:s29], [sflag:$0x1], $0x8000, $0x38;
	[tilespmem:$0x18A00] =	vst v63  }
0x127: {  	s24 =	sadd.s32 $0x2000, s24  }
0x128: {  	[hbm4b:s24+s2] =	stream.linear.scatter [tilespmem:s16], [sflag:$0x1], $0x8000, $0x38;
	[tilespmem:$0x18A00] =	vst v63  }
0x129: {  	_ =	swait.ge [sflag:s19], $0x8000  }
0x12a: {  	[sflag:s19] =	ssyncset.done $0x0  }
0x12b: {  	[sflag:s19] =	ssyncadd.s32 $0xFFFF8000  }
0x12c: {  	p0 =	sne.s32 s18, $0xF000;
	_ =	swait.ge [sflag:s19], $0x8000  }
.Ltmp0:
0x12d: {  	[sflag:s19] =	ssyncset.done $0x0;
	(pc) =	sbr.rel @p0 .LBB2_2-.Ltmp0, $4  }
0x12e: {  	[sflag:s19] =	ssyncadd.s32 $0xFFFF8000  }
0x12f: {  	_ =	swait.ge [sflag:s19], $0x8000  }
0x130: {  	s23 =	sadd.s32 $0x180, s23;
	s18 =	sadd.s32 $0x3000, s18;
	[sflag:s19] =	ssyncset.done $0x0  }
0x131: {  	s25 =	simm.s32 $0x1A00;
	s24 =	simm.s32 $0x1200;
	[sflag:s19] =	ssyncadd.s32 $0xFFFF8000  }
0x132: {  	v3 =	vld [tilespmem:$0x900];
	_ =	sdelay $0x4  }
0x133: {  	v4 =	vshll.u32 v3, $0x1  }
0x134: {  	v3 =	vand.u32 $0x7, v3;
	v4 =	vand.u32 $0xFFFFFFF0, v4  }
0x135: {  	v3 =	vor.u32 v3, v4  }
0x136: {  	v4 =	vperm.xlane v3, v0;
	_ =	sdelay $0x1  }
0x137: {  	v3 =	vperm.xlane v3, v2;
	v4 =	vadd.s32 v1, v4;
	_ =	sdelay $0x1  }
0x138: {  	v3 =	vadd.s32 v1, v3;
	_ =	sdelay $0x1  }
0x139: {  	s23 =	simm.s32 $0x0  }
0x13a: {  	[tilespmem:s12], [sflag:$0x1] =	stream.indirect_vreg.gather [hbm4b:s3+s23], $0x80, v4, vm0, $0xb8;
	[tilespmem:$0x18A00] =	vst v63  }
0x13b: {  	_ = 	snop  }
0x13c: {  	[tilespmem:s24], [sflag:$0x1] =	stream.indirect_vreg.gather [hbm4b:s3+s23], $0x80, v3, vm0, $0xb8;
	[tilespmem:$0x18A00] =	vst v63  }
0x13d: {  	v3 =	vld [tilespmem:$0x910];
	_ =	sdelay $0x4  }
0x13e: {  	v49 =	vshll.u32 v3, $0x1  }
0x13f: {  	v3 =	vand.u32 $0x7, v3;
	v4 =	vand.u32 $0xFFFFFFF0, v49  }
0x140: {  	v3 =	vor.u32 v3, v4  }
0x141: {  	v4 =	vperm.xlane v3, v0;
	_ =	sdelay $0x1  }
0x142: {  	v3 =	vperm.xlane v3, v2;
	v4 =	vadd.s32 v1, v4;
	_ =	sdelay $0x1  }
0x143: {  	v3 =	vadd.s32 v1, v3;
	_ =	sdelay $0x2  }
0x144: {  	[tilespmem:s25], [sflag:$0x1] =	stream.indirect_vreg.gather [hbm4b:s3+s23], $0x80, v4, vm0, $0xb8;
	[tilespmem:$0x18A00] =	vst v63  }
0x145: {  	_ = 	snop  }
0x146: {  	[tilespmem:s26], [sflag:$0x1] =	stream.indirect_vreg.gather [hbm4b:s3+s23], $0x80, v3, vm0, $0xb8;
	[tilespmem:$0x18A00] =	vst v63  }
0x147: {  	v3 =	vld [tilespmem:$0x920];
	_ =	sdelay $0x4  }
0x148: {  	v50 =	vshll.u32 v3, $0x1  }
0x149: {  	v3 =	vand.u32 $0x7, v3;
	v4 =	vand.u32 $0xFFFFFFF0, v50  }
0x14a: {  	v3 =	vor.u32 v3, v4  }
0x14b: {  	v4 =	vperm.xlane v3, v0;
	_ =	sdelay $0x1  }
0x14c: {  	v3 =	vperm.xlane v3, v2;
	v4 =	vadd.s32 v1, v4;
	_ =	sdelay $0x1  }
0x14d: {  	v3 =	vadd.s32 v1, v3;
	_ =	sdelay $0x2  }
0x14e: {  	[tilespmem:s28], [sflag:$0x1] =	stream.indirect_vreg.gather [hbm4b:s3+s23], $0x80, v4, vm0, $0xb8;
	[tilespmem:$0x18A00] =	vst v63  }
0x14f: {  	_ = 	snop  }
0x150: {  	[tilespmem:s20], [sflag:$0x1] =	stream.indirect_vreg.gather [hbm4b:s3+s23], $0x80, v3, vm0, $0xb8;
	[tilespmem:$0x18A00] =	vst v63  }
0x151: {  	v3 =	vld [tilespmem:$0x930];
	_ =	sdelay $0x4  }
0x152: {  	v51 =	vshll.u32 v3, $0x1  }
0x153: {  	v3 =	vand.u32 $0x7, v3;
	v4 =	vand.u32 $0xFFFFFFF0, v51  }
0x154: {  	v3 =	vor.u32 v3, v4  }
0x155: {  	v4 =	vperm.xlane v3, v0;
	_ =	sdelay $0x1  }
0x156: {  	v3 =	vperm.xlane v3, v2;
	v4 =	vadd.s32 v1, v4;
	_ =	sdelay $0x1  }
0x157: {  	v3 =	vadd.s32 v1, v3;
	_ =	sdelay $0x2  }
0x158: {  	[tilespmem:s21], [sflag:$0x1] =	stream.indirect_vreg.gather [hbm4b:s3+s23], $0x80, v4, vm0, $0xb8;
	[tilespmem:$0x18A00] =	vst v63  }
0x159: {  	_ = 	snop  }
0x15a: {  	[tilespmem:s30], [sflag:$0x1] =	stream.indirect_vreg.gather [hbm4b:s3+s23], $0x80, v3, vm0, $0xb8;
	[tilespmem:$0x18A00] =	vst v63  }
0x15b: {  	v3 =	vld [tilespmem:$0x940];
	_ =	sdelay $0x4  }
0x15c: {  	v52 =	vshll.u32 v3, $0x1  }
0x15d: {  	v3 =	vand.u32 $0x7, v3;
	v4 =	vand.u32 $0xFFFFFFF0, v52  }
0x15e: {  	v3 =	vor.u32 v3, v4  }
0x15f: {  	v4 =	vperm.xlane v3, v0;
	_ =	sdelay $0x1  }
0x160: {  	v3 =	vperm.xlane v3, v2;
	v4 =	vadd.s32 v1, v4;
	_ =	sdelay $0x1  }
0x161: {  	v3 =	vadd.s32 v1, v3;
	_ =	sdelay $0x2  }
0x162: {  	[tilespmem:s17], [sflag:$0x1] =	stream.indirect_vreg.gather [hbm4b:s3+s23], $0x80, v4, vm0, $0xb8;
	[tilespmem:$0x18A00] =	vst v63  }
0x163: {  	s18 =	simm.s32 $0x5200  }
0x164: {  	[tilespmem:s18], [sflag:$0x1] =	stream.indirect_vreg.gather [hbm4b:s3+s23], $0x80, v3, vm0, $0xb8;
	[tilespmem:$0x18A00] =	vst v63  }
0x165: {  	v3 =	vld [tilespmem:$0x950];
	_ =	sdelay $0x4  }
0x166: {  	v53 =	vshll.u32 v3, $0x1  }
0x167: {  	v3 =	vand.u32 $0x7, v3;
	v4 =	vand.u32 $0xFFFFFFF0, v53  }
0x168: {  	v3 =	vor.u32 v3, v4  }
0x169: {  	v4 =	vperm.xlane v3, v0;
	_ =	sdelay $0x1  }
0x16a: {  	v3 =	vperm.xlane v3, v2;
	v4 =	vadd.s32 v1, v4;
	_ =	sdelay $0x1  }
0x16b: {  	v3 =	vadd.s32 v1, v3;
	_ =	sdelay $0x1  }
0x16c: {  	s18 =	simm.s32 $0x5A00  }
0x16d: {  	[tilespmem:s18], [sflag:$0x1] =	stream.indirect_vreg.gather [hbm4b:s3+s23], $0x80, v4, vm0, $0xb8;
	[tilespmem:$0x18A00] =	vst v63  }
0x16e: {  	s18 =	simm.s32 $0x6200  }
0x16f: {  	[tilespmem:s18], [sflag:$0x1] =	stream.indirect_vreg.gather [hbm4b:s3+s23], $0x80, v3, vm0, $0xb8;
	[tilespmem:$0x18A00] =	vst v63  }
0x170: {  	v3 =	vld [tilespmem:$0x960];
	_ =	sdelay $0x4  }
0x171: {  	v54 =	vshll.u32 v3, $0x1  }
0x172: {  	v3 =	vand.u32 $0x7, v3;
	v4 =	vand.u32 $0xFFFFFFF0, v54  }
0x173: {  	v3 =	vor.u32 v3, v4  }
0x174: {  	v4 =	vperm.xlane v3, v0;
	_ =	sdelay $0x1  }
0x175: {  	v3 =	vperm.xlane v3, v2;
	v4 =	vadd.s32 v1, v4;
	_ =	sdelay $0x1  }
0x176: {  	v3 =	vadd.s32 v1, v3;
	_ =	sdelay $0x1  }
0x177: {  	s18 =	simm.s32 $0x6A00  }
0x178: {  	[tilespmem:s18], [sflag:$0x1] =	stream.indirect_vreg.gather [hbm4b:s3+s23], $0x80, v4, vm0, $0xb8;
	[tilespmem:$0x18A00] =	vst v63  }
0x179: {  	s18 =	simm.s32 $0x7200  }
0x17a: {  	[tilespmem:s18], [sflag:$0x1] =	stream.indirect_vreg.gather [hbm4b:s3+s23], $0x80, v3, vm0, $0xb8;
	[tilespmem:$0x18A00] =	vst v63  }
0x17b: {  	v3 =	vld [tilespmem:$0x970];
	_ =	sdelay $0x4  }
0x17c: {  	v55 =	vshll.u32 v3, $0x1  }
0x17d: {  	v3 =	vand.u32 $0x7, v3;
	v4 =	vand.u32 $0xFFFFFFF0, v55  }
0x17e: {  	v3 =	vor.u32 v3, v4  }
0x17f: {  	v4 =	vperm.xlane v3, v0;
	_ =	sdelay $0x1  }
0x180: {  	v3 =	vperm.xlane v3, v2;
	v4 =	vadd.s32 v1, v4;
	_ =	sdelay $0x1  }
0x181: {  	v3 =	vadd.s32 v1, v3;
	_ =	sdelay $0x1  }
0x182: {  	s18 =	simm.s32 $0x7A00  }
0x183: {  	[tilespmem:s18], [sflag:$0x1] =	stream.indirect_vreg.gather [hbm4b:s3+s23], $0x80, v4, vm0, $0xb8;
	[tilespmem:$0x18A00] =	vst v63  }
0x184: {  	s18 =	simm.s32 $0x8200  }
0x185: {  	[tilespmem:s18], [sflag:$0x1] =	stream.indirect_vreg.gather [hbm4b:s3+s23], $0x80, v3, vm0, $0xb8;
	[tilespmem:$0x18A00] =	vst v63  }
0x186: {  	v3 =	vld [tilespmem:$0x980];
	_ =	sdelay $0x4  }
0x187: {  	v56 =	vshll.u32 v3, $0x1  }
0x188: {  	v3 =	vand.u32 $0x7, v3;
	v4 =	vand.u32 $0xFFFFFFF0, v56  }
0x189: {  	v3 =	vor.u32 v3, v4  }
0x18a: {  	v4 =	vperm.xlane v3, v0;
	_ =	sdelay $0x1  }
0x18b: {  	v3 =	vperm.xlane v3, v2;
	v4 =	vadd.s32 v1, v4;
	_ =	sdelay $0x1  }
0x18c: {  	v3 =	vadd.s32 v1, v3;
	_ =	sdelay $0x2  }
0x18d: {  	[tilespmem:s29], [sflag:$0x1] =	stream.indirect_vreg.gather [hbm4b:s3+s23], $0x80, v4, vm0, $0xb8;
	[tilespmem:$0x18A00] =	vst v63  }
0x18e: {  	s18 =	simm.s32 $0x9200  }
0x18f: {  	[tilespmem:s18], [sflag:$0x1] =	stream.indirect_vreg.gather [hbm4b:s3+s23], $0x80, v3, vm0, $0xb8;
	[tilespmem:$0x18A00] =	vst v63  }
0x190: {  	v3 =	vld [tilespmem:$0x990];
	_ =	sdelay $0x4  }
0x191: {  	v57 =	vshll.u32 v3, $0x1  }
0x192: {  	v3 =	vand.u32 $0x7, v3;
	v4 =	vand.u32 $0xFFFFFFF0, v57  }
0x193: {  	v3 =	vor.u32 v3, v4  }
0x194: {  	v4 =	vperm.xlane v3, v0;
	_ =	sdelay $0x1  }
0x195: {  	v3 =	vperm.xlane v3, v2;
	v4 =	vadd.s32 v1, v4;
	_ =	sdelay $0x1  }
0x196: {  	v3 =	vadd.s32 v1, v3;
	_ =	sdelay $0x1  }
0x197: {  	s18 =	simm.s32 $0x9A00  }
0x198: {  	[tilespmem:s18], [sflag:$0x1] =	stream.indirect_vreg.gather [hbm4b:s3+s23], $0x80, v4, vm0, $0xb8;
	[tilespmem:$0x18A00] =	vst v63  }
0x199: {  	s18 =	simm.s32 $0xA200  }
0x19a: {  	[tilespmem:s18], [sflag:$0x1] =	stream.indirect_vreg.gather [hbm4b:s3+s23], $0x80, v3, vm0, $0xb8;
	[tilespmem:$0x18A00] =	vst v63  }
0x19b: {  	v3 =	vld [tilespmem:$0x9A0];
	_ =	sdelay $0x4  }
0x19c: {  	v58 =	vshll.u32 v3, $0x1  }
0x19d: {  	v3 =	vand.u32 $0x7, v3;
	v4 =	vand.u32 $0xFFFFFFF0, v58  }
0x19e: {  	v3 =	vor.u32 v3, v4  }
0x19f: {  	v4 =	vperm.xlane v3, v0;
	_ =	sdelay $0x1  }
0x1a0: {  	v3 =	vperm.xlane v3, v2;
	v4 =	vadd.s32 v1, v4;
	_ =	sdelay $0x1  }
0x1a1: {  	v3 =	vadd.s32 v1, v3;
	_ =	sdelay $0x1  }
0x1a2: {  	s18 =	simm.s32 $0xAA00  }
0x1a3: {  	[tilespmem:s18], [sflag:$0x1] =	stream.indirect_vreg.gather [hbm4b:s3+s23], $0x80, v4, vm0, $0xb8;
	[tilespmem:$0x18A00] =	vst v63  }
0x1a4: {  	s18 =	simm.s32 $0xB200  }
0x1a5: {  	[tilespmem:s18], [sflag:$0x1] =	stream.indirect_vreg.gather [hbm4b:s3+s23], $0x80, v3, vm0, $0xb8;
	[tilespmem:$0x18A00] =	vst v63  }
0x1a6: {  	v3 =	vld [tilespmem:$0x9B0];
	_ =	sdelay $0x4  }
0x1a7: {  	v59 =	vshll.u32 v3, $0x1  }
0x1a8: {  	v3 =	vand.u32 $0x7, v3;
	v4 =	vand.u32 $0xFFFFFFF0, v59  }
0x1a9: {  	v3 =	vor.u32 v3, v4  }
0x1aa: {  	v4 =	vperm.xlane v3, v0;
	_ =	sdelay $0x1  }
0x1ab: {  	v3 =	vperm.xlane v3, v2;
	v4 =	vadd.s32 v1, v4;
	_ =	sdelay $0x1  }
0x1ac: {  	v3 =	vadd.s32 v1, v3;
	_ =	sdelay $0x1  }
0x1ad: {  	s18 =	simm.s32 $0xBA00  }
0x1ae: {  	[tilespmem:s18], [sflag:$0x1] =	stream.indirect_vreg.gather [hbm4b:s3+s23], $0x80, v4, vm0, $0xb8;
	[tilespmem:$0x18A00] =	vst v63  }
0x1af: {  	s18 =	simm.s32 $0xC200  }
0x1b0: {  	[tilespmem:s18], [sflag:$0x1] =	stream.indirect_vreg.gather [hbm4b:s3+s23], $0x80, v3, vm0, $0xb8;
	[tilespmem:$0x18A00] =	vst v63  }
0x1b1: {  	v3 =	vld [tilespmem:$0x9C0];
	_ =	sdelay $0x4  }
0x1b2: {  	v60 =	vshll.u32 v3, $0x1  }
0x1b3: {  	v3 =	vand.u32 $0x7, v3;
	v4 =	vand.u32 $0xFFFFFFF0, v60  }
0x1b4: {  	v3 =	vor.u32 v3, v4  }
0x1b5: {  	v4 =	vperm.xlane v3, v0;
	_ =	sdelay $0x1  }
0x1b6: {  	v3 =	vperm.xlane v3, v2;
	v4 =	vadd.s32 v1, v4;
	_ =	sdelay $0x1  }
0x1b7: {  	v3 =	vadd.s32 v1, v3;
	_ =	sdelay $0x1  }
0x1b8: {  	s18 =	simm.s32 $0xCA00  }
0x1b9: {  	[tilespmem:s18], [sflag:$0x1] =	stream.indirect_vreg.gather [hbm4b:s3+s23], $0x80, v4, vm0, $0xb8;
	[tilespmem:$0x18A00] =	vst v63  }
0x1ba: {  	s18 =	simm.s32 $0xD200  }
0x1bb: {  	[tilespmem:s18], [sflag:$0x1] =	stream.indirect_vreg.gather [hbm4b:s3+s23], $0x80, v3, vm0, $0xb8;
	[tilespmem:$0x18A00] =	vst v63  }
0x1bc: {  	v3 =	vld [tilespmem:$0x9D0];
	_ =	sdelay $0x4  }
0x1bd: {  	v61 =	vshll.u32 v3, $0x1  }
0x1be: {  	v3 =	vand.u32 $0x7, v3;
	v4 =	vand.u32 $0xFFFFFFF0, v61  }
0x1bf: {  	v3 =	vor.u32 v3, v4  }
0x1c0: {  	v4 =	vperm.xlane v3, v0;
	_ =	sdelay $0x1  }
0x1c1: {  	v3 =	vperm.xlane v3, v2;
	v4 =	vadd.s32 v1, v4;
	_ =	sdelay $0x1  }
0x1c2: {  	v3 =	vadd.s32 v1, v3;
	_ =	sdelay $0x1  }
0x1c3: {  	s18 =	simm.s32 $0xDA00  }
0x1c4: {  	[tilespmem:s18], [sflag:$0x1] =	stream.indirect_vreg.gather [hbm4b:s3+s23], $0x80, v4, vm0, $0xb8;
	[tilespmem:$0x18A00] =	vst v63  }
0x1c5: {  	s18 =	simm.s32 $0xE200  }
0x1c6: {  	[tilespmem:s18], [sflag:$0x1] =	stream.indirect_vreg.gather [hbm4b:s3+s23], $0x80, v3, vm0, $0xb8;
	[tilespmem:$0x18A00] =	vst v63  }
0x1c7: {  	v3 =	vld [tilespmem:$0x9E0];
	_ =	sdelay $0x4  }
0x1c8: {  	v62 =	vshll.u32 v3, $0x1  }
0x1c9: {  	v3 =	vand.u32 $0x7, v3;
	v4 =	vand.u32 $0xFFFFFFF0, v62  }
0x1ca: {  	v3 =	vor.u32 v3, v4  }
0x1cb: {  	v4 =	vperm.xlane v3, v0;
	_ =	sdelay $0x1  }
0x1cc: {  	v3 =	vperm.xlane v3, v2;
	v4 =	vadd.s32 v1, v4;
	_ =	sdelay $0x1  }
0x1cd: {  	v3 =	vadd.s32 v1, v3;
	_ =	sdelay $0x1  }
0x1ce: {  	s18 =	simm.s32 $0xEA00  }
0x1cf: {  	[tilespmem:s18], [sflag:$0x1] =	stream.indirect_vreg.gather [hbm4b:s3+s23], $0x80, v4, vm0, $0xb8;
	[tilespmem:$0x18A00] =	vst v63  }
0x1d0: {  	s18 =	simm.s32 $0xF200  }
0x1d1: {  	[tilespmem:s18], [sflag:$0x1] =	stream.indirect_vreg.gather [hbm4b:s3+s23], $0x80, v3, vm0, $0xb8;
	[tilespmem:$0x18A00] =	vst v63  }
0x1d2: {  	v3 =	vld [tilespmem:$0x9F0];
	_ =	sdelay $0x4  }
0x1d3: {  	v63 =	vshll.u32 v3, $0x1  }
0x1d4: {  	v3 =	vand.u32 $0x7, v3;
	v4 =	vand.u32 $0xFFFFFFF0, v63  }
0x1d5: {  	v3 =	vor.u32 v3, v4  }
0x1d6: {  	v4 =	vperm.xlane v3, v0;
	_ =	sdelay $0x1  }
0x1d7: {  	v3 =	vperm.xlane v3, v2;
	v4 =	vadd.s32 v1, v4;
	_ =	sdelay $0x1  }
0x1d8: {  	v3 =	vadd.s32 v1, v3;
	_ =	sdelay $0x1  }
0x1d9: {  	s18 =	simm.s32 $0xFA00  }
0x1da: {  	[tilespmem:s18], [sflag:$0x1] =	stream.indirect_vreg.gather [hbm4b:s3+s23], $0x80, v4, vm0, $0xb8;
	[tilespmem:$0x18A00] =	vst v63  }
0x1db: {  	s18 =	simm.s32 $0x10200  }
0x1dc: {  	[tilespmem:s18], [sflag:$0x1] =	stream.indirect_vreg.gather [hbm4b:s3+s23], $0x80, v3, vm0, $0xb8;
	[tilespmem:$0x18A00] =	vst v63  }
0x1dd: {  	_ =	swait.ge [sflag:s19], $0x8000  }
0x1de: {  	[sflag:s19] =	ssyncset.done $0x0  }
0x1df: {  	[sflag:s19] =	ssyncadd.s32 $0xFFFF8000  }
0x1e0: {  	_ =	swait.ge [sflag:s19], $0x8000  }
0x1e1: {  	[sflag:s19] =	ssyncset.done $0x0  }
0x1e2: {  	s18 =	rddreg [dreg:$0x7];
	[sflag:s19] =	ssyncadd.s32 $0xFFFF8000  }
0x1e3: {  	[hbm4b:s18+s23] =	stream.linear.scatter [tilespmem:s12], [sflag:$0x1], $0x8000, $0x38;
	[tilespmem:$0x18A00] =	vst v63  }
0x1e4: {  	s18 =	rddreg [dreg:$0x8]  }
0x1e5: {  	[hbm4b:s18+s23] =	stream.linear.scatter [tilespmem:s29], [sflag:$0x1], $0x8000, $0x38;
	[tilespmem:$0x18A00] =	vst v63  }
0x1e6: {  	_ =	swait.ge [sflag:s19], $0x8000  }
0x1e7: {  	[sflag:s19] =	ssyncset.done $0x0  }
0x1e8: {  	[sflag:s19] =	ssyncadd.s32 $0xFFFF8000  }
0x1e9: {  	_ =	swait.ge [sflag:s19], $0x8000  }
0x1ea: {  	[sflag:s19] =	ssyncset.done $0x0  }
0x1eb: {  	s18 =	rddreg [dreg:$0x9];
	[sflag:s19] =	ssyncadd.s32 $0xFFFF8000  }
0x1ec: {  	[tilespmem:s23], [sflag:$0x2] =	stream.linear.gather [hbm4b:s18+s23], $0xA00, $0x38;
	[tilespmem:$0x18A00] =	vst v63  }
0x1ed: {  	s18 =	simm.s32 $0x2  }
0x1ee: {  	_ =	swait.ge [sflag:s18], $0xA00  }
0x1ef: {  	[sflag:s18] =	ssyncset.done $0x0  }
0x1f0: {  	[sflag:s18] =	ssyncadd.s32 $0xFFFFF600;
	s18 =	simm.s32 $0xC0  }
.LBB2_4:
0x1f1: {  	v3 =	vld [tilespmem:s18+$0xFFFFFF40];
	_ =	sdelay $0x4  }
0x1f2: {  	v4 =	vshll.u32 v3, $0x1  }
0x1f3: {  	v3 =	vand.u32 $0x7, v3;
	v4 =	vand.u32 $0xFFFFFFF0, v4  }
0x1f4: {  	v3 =	vor.u32 v3, v4  }
0x1f5: {  	v4 =	vperm.xlane v3, v0;
	_ =	sdelay $0x1  }
0x1f6: {  	v3 =	vperm.xlane v3, v2;
	v4 =	vadd.s32 v1, v4;
	_ =	sdelay $0x1  }
0x1f7: {  	v3 =	vadd.s32 v1, v3;
	_ =	sdelay $0x2  }
0x1f8: {  	[tilespmem:s12], [sflag:$0x1] =	stream.indirect_vreg.gather [hbm4b:s3+s2], $0x80, v4, vm0, $0xb8;
	[tilespmem:$0x18A00] =	vst v63  }
0x1f9: {  	_ = 	snop  }
0x1fa: {  	[tilespmem:s24], [sflag:$0x1] =	stream.indirect_vreg.gather [hbm4b:s3+s2], $0x80, v3, vm0, $0xb8;
	[tilespmem:$0x18A00] =	vst v63  }
0x1fb: {  	v3 =	vld [tilespmem:s18+$0xFFFFFF50];
	_ =	sdelay $0x4  }
0x1fc: {  	v41 =	vshll.u32 v3, $0x1  }
0x1fd: {  	v3 =	vand.u32 $0x7, v3;
	v4 =	vand.u32 $0xFFFFFFF0, v41  }
0x1fe: {  	v3 =	vor.u32 v3, v4  }
0x1ff: {  	v4 =	vperm.xlane v3, v0;
	_ =	sdelay $0x1  }
0x200: {  	v3 =	vperm.xlane v3, v2;
	v4 =	vadd.s32 v1, v4;
	_ =	sdelay $0x1  }
0x201: {  	v3 =	vadd.s32 v1, v3;
	_ =	sdelay $0x2  }
0x202: {  	[tilespmem:s25], [sflag:$0x1] =	stream.indirect_vreg.gather [hbm4b:s3+s2], $0x80, v4, vm0, $0xb8;
	[tilespmem:$0x18A00] =	vst v63  }
0x203: {  	_ = 	snop  }
0x204: {  	[tilespmem:s26], [sflag:$0x1] =	stream.indirect_vreg.gather [hbm4b:s3+s2], $0x80, v3, vm0, $0xb8;
	[tilespmem:$0x18A00] =	vst v63  }
0x205: {  	v3 =	vld [tilespmem:s18+$0xFFFFFF60];
	_ =	sdelay $0x4  }
0x206: {  	v42 =	vshll.u32 v3, $0x1  }
0x207: {  	v3 =	vand.u32 $0x7, v3;
	v4 =	vand.u32 $0xFFFFFFF0, v42  }
0x208: {  	v3 =	vor.u32 v3, v4  }
0x209: {  	v4 =	vperm.xlane v3, v0;
	_ =	sdelay $0x1  }
0x20a: {  	v3 =	vperm.xlane v3, v2;
	v4 =	vadd.s32 v1, v4;
	_ =	sdelay $0x1  }
0x20b: {  	v3 =	vadd.s32 v1, v3;
	_ =	sdelay $0x2  }
0x20c: {  	[tilespmem:s28], [sflag:$0x1] =	stream.indirect_vreg.gather [hbm4b:s3+s2], $0x80, v4, vm0, $0xb8;
	[tilespmem:$0x18A00] =	vst v63  }
0x20d: {  	_ = 	snop  }
0x20e: {  	[tilespmem:s20], [sflag:$0x1] =	stream.indirect_vreg.gather [hbm4b:s3+s2], $0x80, v3, vm0, $0xb8;
	[tilespmem:$0x18A00] =	vst v63  }
0x20f: {  	v3 =	vld [tilespmem:s18+$0xFFFFFF70];
	_ =	sdelay $0x4  }
0x210: {  	v43 =	vshll.u32 v3, $0x1  }
0x211: {  	v3 =	vand.u32 $0x7, v3;
	v4 =	vand.u32 $0xFFFFFFF0, v43  }
0x212: {  	v3 =	vor.u32 v3, v4  }
0x213: {  	v4 =	vperm.xlane v3, v0;
	_ =	sdelay $0x1  }
0x214: {  	v3 =	vperm.xlane v3, v2;
	v4 =	vadd.s32 v1, v4;
	_ =	sdelay $0x1  }
0x215: {  	v3 =	vadd.s32 v1, v3;
	_ =	sdelay $0x2  }
0x216: {  	[tilespmem:s21], [sflag:$0x1] =	stream.indirect_vreg.gather [hbm4b:s3+s2], $0x80, v4, vm0, $0xb8;
	[tilespmem:$0x18A00] =	vst v63  }
0x217: {  	_ = 	snop  }
0x218: {  	[tilespmem:s30], [sflag:$0x1] =	stream.indirect_vreg.gather [hbm4b:s3+s2], $0x80, v3, vm0, $0xb8;
	[tilespmem:$0x18A00] =	vst v63  }
0x219: {  	v3 =	vld [tilespmem:s18+$0xFFFFFF80];
	_ =	sdelay $0x4  }
0x21a: {  	v44 =	vshll.u32 v3, $0x1  }
0x21b: {  	v3 =	vand.u32 $0x7, v3;
	v4 =	vand.u32 $0xFFFFFFF0, v44  }
0x21c: {  	v3 =	vor.u32 v3, v4  }
0x21d: {  	v4 =	vperm.xlane v3, v0;
	_ =	sdelay $0x1  }
0x21e: {  	v3 =	vperm.xlane v3, v2;
	v4 =	vadd.s32 v1, v4;
	_ =	sdelay $0x1  }
0x21f: {  	v3 =	vadd.s32 v1, v3;
	_ =	sdelay $0x2  }
0x220: {  	[tilespmem:s17], [sflag:$0x1] =	stream.indirect_vreg.gather [hbm4b:s3+s2], $0x80, v4, vm0, $0xb8;
	[tilespmem:$0x18A00] =	vst v63  }
0x221: {  	s25 =	simm.s32 $0x5200  }
0x222: {  	[tilespmem:s25], [sflag:$0x1] =	stream.indirect_vreg.gather [hbm4b:s3+s2], $0x80, v3, vm0, $0xb8;
	[tilespmem:$0x18A00] =	vst v63  }
0x223: {  	v3 =	vld [tilespmem:s18+$0xFFFFFF90];
	_ =	sdelay $0x4  }
0x224: {  	v45 =	vshll.u32 v3, $0x1  }
0x225: {  	v3 =	vand.u32 $0x7, v3;
	v4 =	vand.u32 $0xFFFFFFF0, v45  }
0x226: {  	v3 =	vor.u32 v3, v4  }
0x227: {  	v4 =	vperm.xlane v3, v0;
	_ =	sdelay $0x1  }
0x228: {  	v3 =	vperm.xlane v3, v2;
	v4 =	vadd.s32 v1, v4;
	_ =	sdelay $0x1  }
0x229: {  	v3 =	vadd.s32 v1, v3;
	_ =	sdelay $0x1  }
0x22a: {  	s25 =	simm.s32 $0x5A00  }
0x22b: {  	[tilespmem:s25], [sflag:$0x1] =	stream.indirect_vreg.gather [hbm4b:s3+s2], $0x80, v4, vm0, $0xb8;
	[tilespmem:$0x18A00] =	vst v63  }
0x22c: {  	s25 =	simm.s32 $0x6200  }
0x22d: {  	[tilespmem:s25], [sflag:$0x1] =	stream.indirect_vreg.gather [hbm4b:s3+s2], $0x80, v3, vm0, $0xb8;
	[tilespmem:$0x18A00] =	vst v63  }
0x22e: {  	v3 =	vld [tilespmem:s18+$0xFFFFFFA0];
	_ =	sdelay $0x4  }
0x22f: {  	v46 =	vshll.u32 v3, $0x1  }
0x230: {  	v3 =	vand.u32 $0x7, v3;
	v4 =	vand.u32 $0xFFFFFFF0, v46  }
0x231: {  	v3 =	vor.u32 v3, v4  }
0x232: {  	v4 =	vperm.xlane v3, v0;
	_ =	sdelay $0x1  }
0x233: {  	v3 =	vperm.xlane v3, v2;
	v4 =	vadd.s32 v1, v4;
	_ =	sdelay $0x1  }
0x234: {  	v3 =	vadd.s32 v1, v3;
	_ =	sdelay $0x1  }
0x235: {  	s25 =	simm.s32 $0x6A00  }
0x236: {  	[tilespmem:s25], [sflag:$0x1] =	stream.indirect_vreg.gather [hbm4b:s3+s2], $0x80, v4, vm0, $0xb8;
	[tilespmem:$0x18A00] =	vst v63  }
0x237: {  	s25 =	simm.s32 $0x7200  }
0x238: {  	[tilespmem:s25], [sflag:$0x1] =	stream.indirect_vreg.gather [hbm4b:s3+s2], $0x80, v3, vm0, $0xb8;
	[tilespmem:$0x18A00] =	vst v63  }
0x239: {  	v3 =	vld [tilespmem:s18+$0xFFFFFFB0];
	_ =	sdelay $0x4  }
0x23a: {  	v47 =	vshll.u32 v3, $0x1  }
0x23b: {  	v3 =	vand.u32 $0x7, v3;
	v4 =	vand.u32 $0xFFFFFFF0, v47  }
0x23c: {  	v3 =	vor.u32 v3, v4  }
0x23d: {  	v4 =	vperm.xlane v3, v0;
	_ =	sdelay $0x1  }
0x23e: {  	v3 =	vperm.xlane v3, v2;
	v4 =	vadd.s32 v1, v4;
	_ =	sdelay $0x1  }
0x23f: {  	v3 =	vadd.s32 v1, v3;
	_ =	sdelay $0x1  }
0x240: {  	s25 =	simm.s32 $0x7A00  }
0x241: {  	[tilespmem:s25], [sflag:$0x1] =	stream.indirect_vreg.gather [hbm4b:s3+s2], $0x80, v4, vm0, $0xb8;
	[tilespmem:$0x18A00] =	vst v63  }
0x242: {  	s25 =	simm.s32 $0x8200  }
0x243: {  	[tilespmem:s25], [sflag:$0x1] =	stream.indirect_vreg.gather [hbm4b:s3+s2], $0x80, v3, vm0, $0xb8;
	[tilespmem:$0x18A00] =	vst v63  }
0x244: {  	v3 =	vld [tilespmem:s18+$0xFFFFFFC0];
	_ =	sdelay $0x4  }
0x245: {  	v48 =	vshll.u32 v3, $0x1  }
0x246: {  	v3 =	vand.u32 $0x7, v3;
	v4 =	vand.u32 $0xFFFFFFF0, v48  }
0x247: {  	v3 =	vor.u32 v3, v4  }
0x248: {  	v4 =	vperm.xlane v3, v0;
	_ =	sdelay $0x1  }
0x249: {  	v3 =	vperm.xlane v3, v2;
	v4 =	vadd.s32 v1, v4;
	_ =	sdelay $0x1  }
0x24a: {  	v3 =	vadd.s32 v1, v3;
	_ =	sdelay $0x2  }
0x24b: {  	[tilespmem:s29], [sflag:$0x1] =	stream.indirect_vreg.gather [hbm4b:s3+s2], $0x80, v4, vm0, $0xb8;
	[tilespmem:$0x18A00] =	vst v63  }
0x24c: {  	s25 =	simm.s32 $0x9200  }
0x24d: {  	[tilespmem:s25], [sflag:$0x1] =	stream.indirect_vreg.gather [hbm4b:s3+s2], $0x80, v3, vm0, $0xb8;
	[tilespmem:$0x18A00] =	vst v63  }
0x24e: {  	v3 =	vld [tilespmem:s18+$0xFFFFFFD0];
	_ =	sdelay $0x4  }
0x24f: {  	v49 =	vshll.u32 v3, $0x1  }
0x250: {  	v3 =	vand.u32 $0x7, v3;
	v4 =	vand.u32 $0xFFFFFFF0, v49  }
0x251: {  	v3 =	vor.u32 v3, v4  }
0x252: {  	v4 =	vperm.xlane v3, v0;
	_ =	sdelay $0x1  }
0x253: {  	v3 =	vperm.xlane v3, v2;
	v4 =	vadd.s32 v1, v4;
	_ =	sdelay $0x1  }
0x254: {  	v3 =	vadd.s32 v1, v3;
	_ =	sdelay $0x1  }
0x255: {  	s25 =	simm.s32 $0x9A00  }
0x256: {  	[tilespmem:s25], [sflag:$0x1] =	stream.indirect_vreg.gather [hbm4b:s3+s2], $0x80, v4, vm0, $0xb8;
	[tilespmem:$0x18A00] =	vst v63  }
0x257: {  	s25 =	simm.s32 $0xA200  }
0x258: {  	[tilespmem:s25], [sflag:$0x1] =	stream.indirect_vreg.gather [hbm4b:s3+s2], $0x80, v3, vm0, $0xb8;
	[tilespmem:$0x18A00] =	vst v63  }
0x259: {  	v3 =	vld [tilespmem:s18+$0xFFFFFFE0];
	_ =	sdelay $0x4  }
0x25a: {  	v50 =	vshll.u32 v3, $0x1  }
0x25b: {  	v3 =	vand.u32 $0x7, v3;
	v4 =	vand.u32 $0xFFFFFFF0, v50  }
0x25c: {  	v3 =	vor.u32 v3, v4  }
0x25d: {  	v4 =	vperm.xlane v3, v0;
	_ =	sdelay $0x1  }
0x25e: {  	v3 =	vperm.xlane v3, v2;
	v4 =	vadd.s32 v1, v4;
	_ =	sdelay $0x1  }
0x25f: {  	v3 =	vadd.s32 v1, v3;
	_ =	sdelay $0x1  }
0x260: {  	s25 =	simm.s32 $0xAA00  }
0x261: {  	[tilespmem:s25], [sflag:$0x1] =	stream.indirect_vreg.gather [hbm4b:s3+s2], $0x80, v4, vm0, $0xb8;
	[tilespmem:$0x18A00] =	vst v63  }
0x262: {  	s25 =	simm.s32 $0xB200  }
0x263: {  	[tilespmem:s25], [sflag:$0x1] =	stream.indirect_vreg.gather [hbm4b:s3+s2], $0x80, v3, vm0, $0xb8;
	[tilespmem:$0x18A00] =	vst v63  }
0x264: {  	v3 =	vld [tilespmem:s18+$0xFFFFFFF0];
	_ =	sdelay $0x4  }
0x265: {  	v51 =	vshll.u32 v3, $0x1  }
0x266: {  	v3 =	vand.u32 $0x7, v3;
	v4 =	vand.u32 $0xFFFFFFF0, v51  }
0x267: {  	v3 =	vor.u32 v3, v4  }
0x268: {  	v4 =	vperm.xlane v3, v0;
	_ =	sdelay $0x1  }
0x269: {  	v3 =	vperm.xlane v3, v2;
	v4 =	vadd.s32 v1, v4;
	_ =	sdelay $0x1  }
0x26a: {  	v3 =	vadd.s32 v1, v3;
	_ =	sdelay $0x1  }
0x26b: {  	s25 =	simm.s32 $0xBA00  }
0x26c: {  	[tilespmem:s25], [sflag:$0x1] =	stream.indirect_vreg.gather [hbm4b:s3+s2], $0x80, v4, vm0, $0xb8;
	[tilespmem:$0x18A00] =	vst v63  }
0x26d: {  	s25 =	simm.s32 $0xC200  }
0x26e: {  	[tilespmem:s25], [sflag:$0x1] =	stream.indirect_vreg.gather [hbm4b:s3+s2], $0x80, v3, vm0, $0xb8;
	[tilespmem:$0x18A00] =	vst v63  }
0x26f: {  	v3 =	vld [tilespmem:s18+$0x0];
	_ =	sdelay $0x4  }
0x270: {  	v52 =	vshll.u32 v3, $0x1  }
0x271: {  	v3 =	vand.u32 $0x7, v3;
	v4 =	vand.u32 $0xFFFFFFF0, v52  }
0x272: {  	v3 =	vor.u32 v3, v4  }
0x273: {  	v4 =	vperm.xlane v3, v0;
	_ =	sdelay $0x1  }
0x274: {  	v3 =	vperm.xlane v3, v2;
	v4 =	vadd.s32 v1, v4;
	_ =	sdelay $0x1  }
0x275: {  	v3 =	vadd.s32 v1, v3;
	_ =	sdelay $0x1  }
0x276: {  	s25 =	simm.s32 $0xCA00  }
0x277: {  	[tilespmem:s25], [sflag:$0x1] =	stream.indirect_vreg.gather [hbm4b:s3+s2], $0x80, v4, vm0, $0xb8;
	[tilespmem:$0x18A00] =	vst v63  }
0x278: {  	s25 =	simm.s32 $0xD200  }
0x279: {  	[tilespmem:s25], [sflag:$0x1] =	stream.indirect_vreg.gather [hbm4b:s3+s2], $0x80, v3, vm0, $0xb8;
	[tilespmem:$0x18A00] =	vst v63  }
0x27a: {  	v3 =	vld [tilespmem:s18+$0x10];
	_ =	sdelay $0x4  }
0x27b: {  	v53 =	vshll.u32 v3, $0x1  }
0x27c: {  	v3 =	vand.u32 $0x7, v3;
	v4 =	vand.u32 $0xFFFFFFF0, v53  }
0x27d: {  	v3 =	vor.u32 v3, v4  }
0x27e: {  	v4 =	vperm.xlane v3, v0;
	_ =	sdelay $0x1  }
0x27f: {  	v3 =	vperm.xlane v3, v2;
	v4 =	vadd.s32 v1, v4;
	_ =	sdelay $0x1  }
0x280: {  	v3 =	vadd.s32 v1, v3;
	_ =	sdelay $0x1  }
0x281: {  	s25 =	simm.s32 $0xDA00  }
0x282: {  	[tilespmem:s25], [sflag:$0x1] =	stream.indirect_vreg.gather [hbm4b:s3+s2], $0x80, v4, vm0, $0xb8;
	[tilespmem:$0x18A00] =	vst v63  }
0x283: {  	s25 =	simm.s32 $0xE200  }
0x284: {  	[tilespmem:s25], [sflag:$0x1] =	stream.indirect_vreg.gather [hbm4b:s3+s2], $0x80, v3, vm0, $0xb8;
	[tilespmem:$0x18A00] =	vst v63  }
0x285: {  	v3 =	vld [tilespmem:s18+$0x20];
	_ =	sdelay $0x4  }
0x286: {  	v54 =	vshll.u32 v3, $0x1  }
0x287: {  	v3 =	vand.u32 $0x7, v3;
	v4 =	vand.u32 $0xFFFFFFF0, v54  }
0x288: {  	v3 =	vor.u32 v3, v4  }
0x289: {  	v4 =	vperm.xlane v3, v0;
	_ =	sdelay $0x1  }
0x28a: {  	v3 =	vperm.xlane v3, v2;
	v4 =	vadd.s32 v1, v4;
	_ =	sdelay $0x1  }
0x28b: {  	v3 =	vadd.s32 v1, v3;
	_ =	sdelay $0x1  }
0x28c: {  	s25 =	simm.s32 $0xEA00  }
0x28d: {  	[tilespmem:s25], [sflag:$0x1] =	stream.indirect_vreg.gather [hbm4b:s3+s2], $0x80, v4, vm0, $0xb8;
	[tilespmem:$0x18A00] =	vst v63  }
0x28e: {  	s25 =	simm.s32 $0xF200  }
0x28f: {  	[tilespmem:s25], [sflag:$0x1] =	stream.indirect_vreg.gather [hbm4b:s3+s2], $0x80, v3, vm0, $0xb8;
	[tilespmem:$0x18A00] =	vst v63  }
0x290: {  	v3 =	vld [tilespmem:s18+$0x30];
	_ =	sdelay $0x4  }
0x291: {  	v55 =	vshll.u32 v3, $0x1  }
0x292: {  	v3 =	vand.u32 $0x7, v3;
	v4 =	vand.u32 $0xFFFFFFF0, v55  }
0x293: {  	v3 =	vor.u32 v3, v4  }
0x294: {  	v4 =	vperm.xlane v3, v0;
	_ =	sdelay $0x1  }
0x295: {  	v3 =	vperm.xlane v3, v2;
	v4 =	vadd.s32 v1, v4;
	_ =	sdelay $0x1  }
0x296: {  	v3 =	vadd.s32 v1, v3;
	_ =	sdelay $0x1  }
0x297: {  	s25 =	simm.s32 $0xFA00  }
0x298: {  	[tilespmem:s25], [sflag:$0x1] =	stream.indirect_vreg.gather [hbm4b:s3+s2], $0x80, v4, vm0, $0xb8;
	[tilespmem:$0x18A00] =	vst v63  }
0x299: {  	s25 =	simm.s32 $0x10200  }
0x29a: {  	[tilespmem:s25], [sflag:$0x1] =	stream.indirect_vreg.gather [hbm4b:s3+s2], $0x80, v3, vm0, $0xb8;
	[tilespmem:$0x18A00] =	vst v63  }
0x29b: {  	v3 =	vld [tilespmem:s18+$0x40];
	_ =	sdelay $0x4  }
0x29c: {  	v56 =	vshll.u32 v3, $0x1  }
0x29d: {  	v3 =	vand.u32 $0x7, v3;
	v4 =	vand.u32 $0xFFFFFFF0, v56  }
0x29e: {  	v3 =	vor.u32 v3, v4  }
0x29f: {  	v4 =	vperm.xlane v3, v0;
	_ =	sdelay $0x1  }
0x2a0: {  	v3 =	vperm.xlane v3, v2;
	v4 =	vadd.s32 v1, v4;
	_ =	sdelay $0x1  }
0x2a1: {  	v3 =	vadd.s32 v1, v3;
	_ =	sdelay $0x2  }
0x2a2: {  	[tilespmem:s16], [sflag:$0x1] =	stream.indirect_vreg.gather [hbm4b:s3+s2], $0x80, v4, vm0, $0xb8;
	[tilespmem:$0x18A00] =	vst v63  }
0x2a3: {  	_ = 	snop  }
0x2a4: {  	[tilespmem:s15], [sflag:$0x1] =	stream.indirect_vreg.gather [hbm4b:s3+s2], $0x80, v3, vm0, $0xb8;
	[tilespmem:$0x18A00] =	vst v63  }
0x2a5: {  	v3 =	vld [tilespmem:s18+$0x50];
	_ =	sdelay $0x4  }
0x2a6: {  	v57 =	vshll.u32 v3, $0x1  }
0x2a7: {  	v3 =	vand.u32 $0x7, v3;
	v4 =	vand.u32 $0xFFFFFFF0, v57  }
0x2a8: {  	v3 =	vor.u32 v3, v4  }
0x2a9: {  	v4 =	vperm.xlane v3, v0;
	_ =	sdelay $0x1  }
0x2aa: {  	v3 =	vperm.xlane v3, v2;
	v4 =	vadd.s32 v1, v4;
	_ =	sdelay $0x1  }
0x2ab: {  	v3 =	vadd.s32 v1, v3;
	_ =	sdelay $0x2  }
0x2ac: {  	[tilespmem:s14], [sflag:$0x1] =	stream.indirect_vreg.gather [hbm4b:s3+s2], $0x80, v4, vm0, $0xb8;
	[tilespmem:$0x18A00] =	vst v63  }
0x2ad: {  	_ = 	snop  }
0x2ae: {  	[tilespmem:s13], [sflag:$0x1] =	stream.indirect_vreg.gather [hbm4b:s3+s2], $0x80, v3, vm0, $0xb8;
	[tilespmem:$0x18A00] =	vst v63  }
0x2af: {  	v3 =	vld [tilespmem:s18+$0x60];
	_ =	sdelay $0x4  }
0x2b0: {  	v58 =	vshll.u32 v3, $0x1  }
0x2b1: {  	v3 =	vand.u32 $0x7, v3;
	v4 =	vand.u32 $0xFFFFFFF0, v58  }
0x2b2: {  	v3 =	vor.u32 v3, v4  }
0x2b3: {  	v4 =	vperm.xlane v3, v0;
	_ =	sdelay $0x1  }
0x2b4: {  	v3 =	vperm.xlane v3, v2;
	v4 =	vadd.s32 v1, v4;
	_ =	sdelay $0x1  }
0x2b5: {  	v3 =	vadd.s32 v1, v3;
	_ =	sdelay $0x2  }
0x2b6: {  	[tilespmem:s11], [sflag:$0x1] =	stream.indirect_vreg.gather [hbm4b:s3+s2], $0x80, v4, vm0, $0xb8;
	[tilespmem:$0x18A00] =	vst v63  }
0x2b7: {  	_ = 	snop  }
0x2b8: {  	[tilespmem:s10], [sflag:$0x1] =	stream.indirect_vreg.gather [hbm4b:s3+s2], $0x80, v3, vm0, $0xb8;
	[tilespmem:$0x18A00] =	vst v63  }
0x2b9: {  	v3 =	vld [tilespmem:s18+$0x70];
	_ =	sdelay $0x4  }
0x2ba: {  	v59 =	vshll.u32 v3, $0x1  }
0x2bb: {  	v3 =	vand.u32 $0x7, v3;
	v4 =	vand.u32 $0xFFFFFFF0, v59  }
0x2bc: {  	v3 =	vor.u32 v3, v4  }
0x2bd: {  	v4 =	vperm.xlane v3, v0;
	_ =	sdelay $0x1  }
0x2be: {  	v3 =	vperm.xlane v3, v2;
	v4 =	vadd.s32 v1, v4;
	_ =	sdelay $0x1  }
0x2bf: {  	v3 =	vadd.s32 v1, v3;
	_ =	sdelay $0x2  }
0x2c0: {  	[tilespmem:s9], [sflag:$0x1] =	stream.indirect_vreg.gather [hbm4b:s3+s2], $0x80, v4, vm0, $0xb8;
	[tilespmem:$0x18A00] =	vst v63  }
0x2c1: {  	_ = 	snop  }
0x2c2: {  	[tilespmem:s8], [sflag:$0x1] =	stream.indirect_vreg.gather [hbm4b:s3+s2], $0x80, v3, vm0, $0xb8;
	[tilespmem:$0x18A00] =	vst v63  }
0x2c3: {  	v3 =	vld [tilespmem:s18+$0x80];
	_ =	sdelay $0x4  }
0x2c4: {  	v60 =	vshll.u32 v3, $0x1  }
0x2c5: {  	v3 =	vand.u32 $0x7, v3;
	v4 =	vand.u32 $0xFFFFFFF0, v60  }
0x2c6: {  	v3 =	vor.u32 v3, v4  }
0x2c7: {  	v4 =	vperm.xlane v3, v0;
	_ =	sdelay $0x1  }
0x2c8: {  	v3 =	vperm.xlane v3, v2;
	v4 =	vadd.s32 v1, v4;
	_ =	sdelay $0x1  }
0x2c9: {  	v3 =	vadd.s32 v1, v3;
	_ =	sdelay $0x2  }
0x2ca: {  	[tilespmem:s7], [sflag:$0x1] =	stream.indirect_vreg.gather [hbm4b:s3+s2], $0x80, v4, vm0, $0xb8;
	[tilespmem:$0x18A00] =	vst v63  }
0x2cb: {  	_ = 	snop  }
0x2cc: {  	[tilespmem:s6], [sflag:$0x1] =	stream.indirect_vreg.gather [hbm4b:s3+s2], $0x80, v3, vm0, $0xb8;
	[tilespmem:$0x18A00] =	vst v63  }
0x2cd: {  	v3 =	vld [tilespmem:s18+$0x90];
	_ =	sdelay $0x4  }
0x2ce: {  	v61 =	vshll.u32 v3, $0x1  }
0x2cf: {  	v3 =	vand.u32 $0x7, v3;
	v4 =	vand.u32 $0xFFFFFFF0, v61  }
0x2d0: {  	v3 =	vor.u32 v3, v4  }
0x2d1: {  	v4 =	vperm.xlane v3, v0;
	_ =	sdelay $0x1  }
0x2d2: {  	v3 =	vperm.xlane v3, v2;
	v4 =	vadd.s32 v1, v4;
	_ =	sdelay $0x1  }
0x2d3: {  	v3 =	vadd.s32 v1, v3;
	_ =	sdelay $0x2  }
0x2d4: {  	[tilespmem:s5], [sflag:$0x1] =	stream.indirect_vreg.gather [hbm4b:s3+s2], $0x80, v4, vm0, $0xb8;
	[tilespmem:$0x18A00] =	vst v63  }
0x2d5: {  	_ = 	snop  }
0x2d6: {  	[tilespmem:s22], [sflag:$0x1] =	stream.indirect_vreg.gather [hbm4b:s3+s2], $0x80, v3, vm0, $0xb8;
	[tilespmem:$0x18A00] =	vst v63  }
0x2d7: {  	v3 =	vld [tilespmem:s18+$0xA0];
	_ =	sdelay $0x4  }
0x2d8: {  	v62 =	vshll.u32 v3, $0x1  }
0x2d9: {  	v3 =	vand.u32 $0x7, v3;
	v4 =	vand.u32 $0xFFFFFFF0, v62  }
0x2da: {  	v3 =	vor.u32 v3, v4  }
0x2db: {  	v4 =	vperm.xlane v3, v0;
	_ =	sdelay $0x1  }
0x2dc: {  	v3 =	vperm.xlane v3, v2;
	v4 =	vadd.s32 v1, v4;
	_ =	sdelay $0x1  }
0x2dd: {  	v3 =	vadd.s32 v1, v3;
	_ =	sdelay $0x2  }
0x2de: {  	[tilespmem:s4], [sflag:$0x1] =	stream.indirect_vreg.gather [hbm4b:s3+s2], $0x80, v4, vm0, $0xb8;
	[tilespmem:$0x18A00] =	vst v63  }
0x2df: {  	_ = 	snop  }
0x2e0: {  	[tilespmem:s1], [sflag:$0x1] =	stream.indirect_vreg.gather [hbm4b:s3+s2], $0x80, v3, vm0, $0xb8;
	[tilespmem:$0x18A00] =	vst v63  }
0x2e1: {  	v3 =	vld [tilespmem:s18+$0xB0];
	_ =	sdelay $0x4  }
0x2e2: {  	v63 =	vshll.u32 v3, $0x1  }
0x2e3: {  	v3 =	vand.u32 $0x7, v3;
	v4 =	vand.u32 $0xFFFFFFF0, v63  }
0x2e4: {  	v3 =	vor.u32 v3, v4  }
0x2e5: {  	v4 =	vperm.xlane v3, v0;
	_ =	sdelay $0x1  }
0x2e6: {  	v3 =	vperm.xlane v3, v2;
	v4 =	vadd.s32 v1, v4;
	_ =	sdelay $0x1  }
0x2e7: {  	v3 =	vadd.s32 v1, v3;
	_ =	sdelay $0x2  }
0x2e8: {  	[tilespmem:s0], [sflag:$0x1] =	stream.indirect_vreg.gather [hbm4b:s3+s2], $0x80, v4, vm0, $0xb8;
	[tilespmem:$0x18A00] =	vst v63  }
0x2e9: {  	_ = 	snop  }
0x2ea: {  	[tilespmem:s31], [sflag:$0x1] =	stream.indirect_vreg.gather [hbm4b:s3+s2], $0x80, v3, vm0, $0xb8;
	[tilespmem:$0x18A00] =	vst v63  }
0x2eb: {  	_ =	swait.ge [sflag:s19], $0x8000  }
0x2ec: {  	[sflag:s19] =	ssyncset.done $0x0  }
0x2ed: {  	[sflag:s19] =	ssyncadd.s32 $0xFFFF8000  }
0x2ee: {  	_ =	swait.ge [sflag:s19], $0x8000  }
0x2ef: {  	[sflag:s19] =	ssyncset.done $0x0  }
0x2f0: {  	[sflag:s19] =	ssyncadd.s32 $0xFFFF8000  }
0x2f1: {  	_ =	swait.ge [sflag:s19], $0x8000  }
0x2f2: {  	s25 =	rddreg [dreg:$0x5];
	[sflag:s19] =	ssyncset.done $0x0  }
0x2f3: {  	[sflag:s19] =	ssyncadd.s32 $0xFFFF8000;
	s24 =	sadd.s32 s23, s25  }
0x2f4: {  	[hbm4b:s24+s2] =	stream.linear.scatter [tilespmem:s12], [sflag:$0x1], $0x8000, $0x38;
	[tilespmem:$0x18A00] =	vst v63  }
0x2f5: {  	s25 =	sadd.s32 $0x1000, s24  }
0x2f6: {  	[hbm4b:s25+s2] =	stream.linear.scatter [tilespmem:s29], [sflag:$0x1], $0x8000, $0x38;
	[tilespmem:$0x18A00] =	vst v63  }
0x2f7: {  	s24 =	sadd.s32 $0x2000, s24  }
0x2f8: {  	[hbm4b:s24+s2] =	stream.linear.scatter [tilespmem:s16], [sflag:$0x1], $0x8000, $0x38;
	[tilespmem:$0x18A00] =	vst v63  }
0x2f9: {  	_ =	swait.ge [sflag:s19], $0x8000  }
0x2fa: {  	[sflag:s19] =	ssyncset.done $0x0  }
0x2fb: {  	[sflag:s19] =	ssyncadd.s32 $0xFFFF8000  }
0x2fc: {  	p0 =	sne.s32 s23, $0xF000;
	_ =	swait.ge [sflag:s19], $0x8000  }
.Ltmp1:
0x2fd: {  	[sflag:s19] =	ssyncset.done $0x0;
	(pc) =	sbr.rel @p0 .LBB2_4-.Ltmp1, $4  }
0x2fe: {  	[sflag:s19] =	ssyncadd.s32 $0xFFFF8000  }
0x2ff: {  	_ =	swait.ge [sflag:s19], $0x8000  }
0x300: {  	s18 =	sadd.s32 $0x180, s18;
	s23 =	sadd.s32 $0x3000, s23;
	[sflag:s19] =	ssyncset.done $0x0  }
0x301: {  	s25 =	simm.s32 $0x1A00;
	s24 =	simm.s32 $0x1200;
	[sflag:s19] =	ssyncadd.s32 $0xFFFF8000  }
0x302: {  	v3 =	vld [tilespmem:$0x900];
	_ =	sdelay $0x4  }
0x303: {  	v4 =	vshll.u32 v3, $0x1  }
0x304: {  	v3 =	vand.u32 $0x7, v3;
	v4 =	vand.u32 $0xFFFFFFF0, v4  }
0x305: {  	v3 =	vor.u32 v3, v4  }
0x306: {  	v4 =	vperm.xlane v3, v0;
	_ =	sdelay $0x1  }
0x307: {  	v3 =	vperm.xlane v3, v2;
	v4 =	vadd.s32 v1, v4;
	_ =	sdelay $0x1  }
0x308: {  	v3 =	vadd.s32 v1, v3;
	_ =	sdelay $0x2  }
0x309: {  	[tilespmem:s12], [sflag:$0x1] =	stream.indirect_vreg.gather [hbm4b:s3+s2], $0x80, v4, vm0, $0xb8;
	[tilespmem:$0x18A00] =	vst v63  }
0x30a: {  	_ = 	snop  }
0x30b: {  	[tilespmem:s24], [sflag:$0x1] =	stream.indirect_vreg.gather [hbm4b:s3+s2], $0x80, v3, vm0, $0xb8;
	[tilespmem:$0x18A00] =	vst v63  }
0x30c: {  	v3 =	vld [tilespmem:$0x910];
	_ =	sdelay $0x4  }
0x30d: {  	v49 =	vshll.u32 v3, $0x1  }
0x30e: {  	v3 =	vand.u32 $0x7, v3;
	v4 =	vand.u32 $0xFFFFFFF0, v49  }
0x30f: {  	v3 =	vor.u32 v3, v4  }
0x310: {  	v4 =	vperm.xlane v3, v0;
	_ =	sdelay $0x1  }
0x311: {  	v3 =	vperm.xlane v3, v2;
	v4 =	vadd.s32 v1, v4;
	_ =	sdelay $0x1  }
0x312: {  	v3 =	vadd.s32 v1, v3;
	_ =	sdelay $0x2  }
0x313: {  	[tilespmem:s25], [sflag:$0x1] =	stream.indirect_vreg.gather [hbm4b:s3+s2], $0x80, v4, vm0, $0xb8;
	[tilespmem:$0x18A00] =	vst v63  }
0x314: {  	_ = 	snop  }
0x315: {  	[tilespmem:s26], [sflag:$0x1] =	stream.indirect_vreg.gather [hbm4b:s3+s2], $0x80, v3, vm0, $0xb8;
	[tilespmem:$0x18A00] =	vst v63  }
0x316: {  	v3 =	vld [tilespmem:$0x920];
	_ =	sdelay $0x4  }
0x317: {  	v50 =	vshll.u32 v3, $0x1  }
0x318: {  	v3 =	vand.u32 $0x7, v3;
	v4 =	vand.u32 $0xFFFFFFF0, v50  }
0x319: {  	v3 =	vor.u32 v3, v4  }
0x31a: {  	v4 =	vperm.xlane v3, v0;
	_ =	sdelay $0x1  }
0x31b: {  	v3 =	vperm.xlane v3, v2;
	v4 =	vadd.s32 v1, v4;
	_ =	sdelay $0x1  }
0x31c: {  	v3 =	vadd.s32 v1, v3;
	_ =	sdelay $0x2  }
0x31d: {  	[tilespmem:s28], [sflag:$0x1] =	stream.indirect_vreg.gather [hbm4b:s3+s2], $0x80, v4, vm0, $0xb8;
	[tilespmem:$0x18A00] =	vst v63  }
0x31e: {  	_ = 	snop  }
0x31f: {  	[tilespmem:s20], [sflag:$0x1] =	stream.indirect_vreg.gather [hbm4b:s3+s2], $0x80, v3, vm0, $0xb8;
	[tilespmem:$0x18A00] =	vst v63  }
0x320: {  	v3 =	vld [tilespmem:$0x930];
	_ =	sdelay $0x4  }
0x321: {  	v51 =	vshll.u32 v3, $0x1  }
0x322: {  	v3 =	vand.u32 $0x7, v3;
	v4 =	vand.u32 $0xFFFFFFF0, v51  }
0x323: {  	v3 =	vor.u32 v3, v4  }
0x324: {  	v4 =	vperm.xlane v3, v0;
	_ =	sdelay $0x1  }
0x325: {  	v3 =	vperm.xlane v3, v2;
	v4 =	vadd.s32 v1, v4;
	_ =	sdelay $0x1  }
0x326: {  	v3 =	vadd.s32 v1, v3;
	_ =	sdelay $0x2  }
0x327: {  	[tilespmem:s21], [sflag:$0x1] =	stream.indirect_vreg.gather [hbm4b:s3+s2], $0x80, v4, vm0, $0xb8;
	[tilespmem:$0x18A00] =	vst v63  }
0x328: {  	_ = 	snop  }
0x329: {  	[tilespmem:s30], [sflag:$0x1] =	stream.indirect_vreg.gather [hbm4b:s3+s2], $0x80, v3, vm0, $0xb8;
	[tilespmem:$0x18A00] =	vst v63  }
0x32a: {  	v3 =	vld [tilespmem:$0x940];
	_ =	sdelay $0x4  }
0x32b: {  	v52 =	vshll.u32 v3, $0x1  }
0x32c: {  	v3 =	vand.u32 $0x7, v3;
	v4 =	vand.u32 $0xFFFFFFF0, v52  }
0x32d: {  	v3 =	vor.u32 v3, v4  }
0x32e: {  	v4 =	vperm.xlane v3, v0;
	_ =	sdelay $0x1  }
0x32f: {  	v3 =	vperm.xlane v3, v2;
	v4 =	vadd.s32 v1, v4;
	_ =	sdelay $0x1  }
0x330: {  	v3 =	vadd.s32 v1, v3;
	_ =	sdelay $0x2  }
0x331: {  	[tilespmem:s17], [sflag:$0x1] =	stream.indirect_vreg.gather [hbm4b:s3+s2], $0x80, v4, vm0, $0xb8;
	[tilespmem:$0x18A00] =	vst v63  }
0x332: {  	s0 =	simm.s32 $0x5200  }
0x333: {  	[tilespmem:s0], [sflag:$0x1] =	stream.indirect_vreg.gather [hbm4b:s3+s2], $0x80, v3, vm0, $0xb8;
	[tilespmem:$0x18A00] =	vst v63  }
0x334: {  	v3 =	vld [tilespmem:$0x950];
	_ =	sdelay $0x4  }
0x335: {  	v53 =	vshll.u32 v3, $0x1  }
0x336: {  	v3 =	vand.u32 $0x7, v3;
	v4 =	vand.u32 $0xFFFFFFF0, v53  }
0x337: {  	v3 =	vor.u32 v3, v4  }
0x338: {  	v4 =	vperm.xlane v3, v0;
	_ =	sdelay $0x1  }
0x339: {  	v3 =	vperm.xlane v3, v2;
	v4 =	vadd.s32 v1, v4;
	_ =	sdelay $0x1  }
0x33a: {  	v3 =	vadd.s32 v1, v3;
	_ =	sdelay $0x1  }
0x33b: {  	s23 =	simm.s32 $0x5A00  }
0x33c: {  	[tilespmem:s23], [sflag:$0x1] =	stream.indirect_vreg.gather [hbm4b:s3+s2], $0x80, v4, vm0, $0xb8;
	[tilespmem:$0x18A00] =	vst v63  }
0x33d: {  	s18 =	simm.s32 $0x6200  }
0x33e: {  	[tilespmem:s18], [sflag:$0x1] =	stream.indirect_vreg.gather [hbm4b:s3+s2], $0x80, v3, vm0, $0xb8;
	[tilespmem:$0x18A00] =	vst v63  }
0x33f: {  	v3 =	vld [tilespmem:$0x960];
	_ =	sdelay $0x4  }
0x340: {  	v54 =	vshll.u32 v3, $0x1  }
0x341: {  	v3 =	vand.u32 $0x7, v3;
	v4 =	vand.u32 $0xFFFFFFF0, v54  }
0x342: {  	v3 =	vor.u32 v3, v4  }
0x343: {  	v4 =	vperm.xlane v3, v0;
	_ =	sdelay $0x1  }
0x344: {  	v3 =	vperm.xlane v3, v2;
	v4 =	vadd.s32 v1, v4;
	_ =	sdelay $0x1  }
0x345: {  	v3 =	vadd.s32 v1, v3;
	_ =	sdelay $0x1  }
0x346: {  	s23 =	simm.s32 $0x6A00  }
0x347: {  	[tilespmem:s23], [sflag:$0x1] =	stream.indirect_vreg.gather [hbm4b:s3+s2], $0x80, v4, vm0, $0xb8;
	[tilespmem:$0x18A00] =	vst v63  }
0x348: {  	s18 =	simm.s32 $0x7200  }
0x349: {  	[tilespmem:s18], [sflag:$0x1] =	stream.indirect_vreg.gather [hbm4b:s3+s2], $0x80, v3, vm0, $0xb8;
	[tilespmem:$0x18A00] =	vst v63  }
0x34a: {  	v3 =	vld [tilespmem:$0x970];
	_ =	sdelay $0x4  }
0x34b: {  	v55 =	vshll.u32 v3, $0x1  }
0x34c: {  	v3 =	vand.u32 $0x7, v3;
	v4 =	vand.u32 $0xFFFFFFF0, v55  }
0x34d: {  	v3 =	vor.u32 v3, v4  }
0x34e: {  	v4 =	vperm.xlane v3, v0;
	_ =	sdelay $0x1  }
0x34f: {  	v3 =	vperm.xlane v3, v2;
	v4 =	vadd.s32 v1, v4;
	_ =	sdelay $0x1  }
0x350: {  	v3 =	vadd.s32 v1, v3;
	_ =	sdelay $0x1  }
0x351: {  	s23 =	simm.s32 $0x7A00  }
0x352: {  	[tilespmem:s23], [sflag:$0x1] =	stream.indirect_vreg.gather [hbm4b:s3+s2], $0x80, v4, vm0, $0xb8;
	[tilespmem:$0x18A00] =	vst v63  }
0x353: {  	s18 =	simm.s32 $0x8200  }
0x354: {  	[tilespmem:s18], [sflag:$0x1] =	stream.indirect_vreg.gather [hbm4b:s3+s2], $0x80, v3, vm0, $0xb8;
	[tilespmem:$0x18A00] =	vst v63  }
0x355: {  	v3 =	vld [tilespmem:$0x980];
	_ =	sdelay $0x4  }
0x356: {  	v56 =	vshll.u32 v3, $0x1  }
0x357: {  	v3 =	vand.u32 $0x7, v3;
	v4 =	vand.u32 $0xFFFFFFF0, v56  }
0x358: {  	v3 =	vor.u32 v3, v4  }
0x359: {  	v4 =	vperm.xlane v3, v0;
	_ =	sdelay $0x1  }
0x35a: {  	v3 =	vperm.xlane v3, v2;
	v4 =	vadd.s32 v1, v4;
	_ =	sdelay $0x1  }
0x35b: {  	v3 =	vadd.s32 v1, v3;
	_ =	sdelay $0x2  }
0x35c: {  	[tilespmem:s29], [sflag:$0x1] =	stream.indirect_vreg.gather [hbm4b:s3+s2], $0x80, v4, vm0, $0xb8;
	[tilespmem:$0x18A00] =	vst v63  }
0x35d: {  	s23 =	simm.s32 $0x9200  }
0x35e: {  	[tilespmem:s23], [sflag:$0x1] =	stream.indirect_vreg.gather [hbm4b:s3+s2], $0x80, v3, vm0, $0xb8;
	[tilespmem:$0x18A00] =	vst v63  }
0x35f: {  	v3 =	vld [tilespmem:$0x990];
	_ =	sdelay $0x4  }
0x360: {  	v57 =	vshll.u32 v3, $0x1  }
0x361: {  	v3 =	vand.u32 $0x7, v3;
	v4 =	vand.u32 $0xFFFFFFF0, v57  }
0x362: {  	v3 =	vor.u32 v3, v4  }
0x363: {  	v4 =	vperm.xlane v3, v0;
	_ =	sdelay $0x1  }
0x364: {  	v3 =	vperm.xlane v3, v2;
	v4 =	vadd.s32 v1, v4;
	_ =	sdelay $0x1  }
0x365: {  	v3 =	vadd.s32 v1, v3;
	_ =	sdelay $0x1  }
0x366: {  	s18 =	simm.s32 $0x9A00  }
0x367: {  	[tilespmem:s18], [sflag:$0x1] =	stream.indirect_vreg.gather [hbm4b:s3+s2], $0x80, v4, vm0, $0xb8;
	[tilespmem:$0x18A00] =	vst v63  }
0x368: {  	s23 =	simm.s32 $0xA200  }
0x369: {  	[tilespmem:s23], [sflag:$0x1] =	stream.indirect_vreg.gather [hbm4b:s3+s2], $0x80, v3, vm0, $0xb8;
	[tilespmem:$0x18A00] =	vst v63  }
0x36a: {  	v3 =	vld [tilespmem:$0x9A0];
	_ =	sdelay $0x4  }
0x36b: {  	v58 =	vshll.u32 v3, $0x1  }
0x36c: {  	v3 =	vand.u32 $0x7, v3;
	v4 =	vand.u32 $0xFFFFFFF0, v58  }
0x36d: {  	v3 =	vor.u32 v3, v4  }
0x36e: {  	v4 =	vperm.xlane v3, v0;
	_ =	sdelay $0x1  }
0x36f: {  	v3 =	vperm.xlane v3, v2;
	v4 =	vadd.s32 v1, v4;
	_ =	sdelay $0x1  }
0x370: {  	v3 =	vadd.s32 v1, v3;
	_ =	sdelay $0x1  }
0x371: {  	s18 =	simm.s32 $0xAA00  }
0x372: {  	[tilespmem:s18], [sflag:$0x1] =	stream.indirect_vreg.gather [hbm4b:s3+s2], $0x80, v4, vm0, $0xb8;
	[tilespmem:$0x18A00] =	vst v63  }
0x373: {  	s23 =	simm.s32 $0xB200  }
0x374: {  	[tilespmem:s23], [sflag:$0x1] =	stream.indirect_vreg.gather [hbm4b:s3+s2], $0x80, v3, vm0, $0xb8;
	[tilespmem:$0x18A00] =	vst v63  }
0x375: {  	v3 =	vld [tilespmem:$0x9B0];
	_ =	sdelay $0x4  }
0x376: {  	v59 =	vshll.u32 v3, $0x1  }
0x377: {  	v3 =	vand.u32 $0x7, v3;
	v4 =	vand.u32 $0xFFFFFFF0, v59  }
0x378: {  	v3 =	vor.u32 v3, v4  }
0x379: {  	v4 =	vperm.xlane v3, v0;
	_ =	sdelay $0x1  }
0x37a: {  	v3 =	vperm.xlane v3, v2;
	v4 =	vadd.s32 v1, v4;
	_ =	sdelay $0x1  }
0x37b: {  	v3 =	vadd.s32 v1, v3;
	_ =	sdelay $0x1  }
0x37c: {  	s18 =	simm.s32 $0xBA00  }
0x37d: {  	[tilespmem:s18], [sflag:$0x1] =	stream.indirect_vreg.gather [hbm4b:s3+s2], $0x80, v4, vm0, $0xb8;
	[tilespmem:$0x18A00] =	vst v63  }
0x37e: {  	s23 =	simm.s32 $0xC200  }
0x37f: {  	[tilespmem:s23], [sflag:$0x1] =	stream.indirect_vreg.gather [hbm4b:s3+s2], $0x80, v3, vm0, $0xb8;
	[tilespmem:$0x18A00] =	vst v63  }
0x380: {  	v3 =	vld [tilespmem:$0x9C0];
	_ =	sdelay $0x4  }
0x381: {  	v60 =	vshll.u32 v3, $0x1  }
0x382: {  	v3 =	vand.u32 $0x7, v3;
	v4 =	vand.u32 $0xFFFFFFF0, v60  }
0x383: {  	v3 =	vor.u32 v3, v4  }
0x384: {  	v4 =	vperm.xlane v3, v0;
	_ =	sdelay $0x1  }
0x385: {  	v3 =	vperm.xlane v3, v2;
	v4 =	vadd.s32 v1, v4;
	_ =	sdelay $0x1  }
0x386: {  	v3 =	vadd.s32 v1, v3;
	_ =	sdelay $0x1  }
0x387: {  	s18 =	simm.s32 $0xCA00  }
0x388: {  	[tilespmem:s18], [sflag:$0x1] =	stream.indirect_vreg.gather [hbm4b:s3+s2], $0x80, v4, vm0, $0xb8;
	[tilespmem:$0x18A00] =	vst v63  }
0x389: {  	s23 =	simm.s32 $0xD200  }
0x38a: {  	[tilespmem:s23], [sflag:$0x1] =	stream.indirect_vreg.gather [hbm4b:s3+s2], $0x80, v3, vm0, $0xb8;
	[tilespmem:$0x18A00] =	vst v63  }
0x38b: {  	v3 =	vld [tilespmem:$0x9D0];
	_ =	sdelay $0x4  }
0x38c: {  	v61 =	vshll.u32 v3, $0x1  }
0x38d: {  	v3 =	vand.u32 $0x7, v3;
	v4 =	vand.u32 $0xFFFFFFF0, v61  }
0x38e: {  	v3 =	vor.u32 v3, v4  }
0x38f: {  	v4 =	vperm.xlane v3, v0;
	_ =	sdelay $0x1  }
0x390: {  	v3 =	vperm.xlane v3, v2;
	v4 =	vadd.s32 v1, v4;
	_ =	sdelay $0x1  }
0x391: {  	v3 =	vadd.s32 v1, v3;
	_ =	sdelay $0x1  }
0x392: {  	s18 =	simm.s32 $0xDA00  }
0x393: {  	[tilespmem:s18], [sflag:$0x1] =	stream.indirect_vreg.gather [hbm4b:s3+s2], $0x80, v4, vm0, $0xb8;
	[tilespmem:$0x18A00] =	vst v63  }
0x394: {  	s23 =	simm.s32 $0xE200  }
0x395: {  	[tilespmem:s23], [sflag:$0x1] =	stream.indirect_vreg.gather [hbm4b:s3+s2], $0x80, v3, vm0, $0xb8;
	[tilespmem:$0x18A00] =	vst v63  }
0x396: {  	v3 =	vld [tilespmem:$0x9E0];
	_ =	sdelay $0x4  }
0x397: {  	v62 =	vshll.u32 v3, $0x1  }
0x398: {  	v3 =	vand.u32 $0x7, v3;
	v4 =	vand.u32 $0xFFFFFFF0, v62  }
0x399: {  	v3 =	vor.u32 v3, v4  }
0x39a: {  	v4 =	vperm.xlane v3, v0;
	_ =	sdelay $0x1  }
0x39b: {  	v3 =	vperm.xlane v3, v2;
	v4 =	vadd.s32 v1, v4;
	_ =	sdelay $0x1  }
0x39c: {  	v3 =	vadd.s32 v1, v3;
	_ =	sdelay $0x1  }
0x39d: {  	s18 =	simm.s32 $0xEA00  }
0x39e: {  	[tilespmem:s18], [sflag:$0x1] =	stream.indirect_vreg.gather [hbm4b:s3+s2], $0x80, v4, vm0, $0xb8;
	[tilespmem:$0x18A00] =	vst v63  }
0x39f: {  	s23 =	simm.s32 $0xF200  }
0x3a0: {  	[tilespmem:s23], [sflag:$0x1] =	stream.indirect_vreg.gather [hbm4b:s3+s2], $0x80, v3, vm0, $0xb8;
	[tilespmem:$0x18A00] =	vst v63  }
0x3a1: {  	v3 =	vld [tilespmem:$0x9F0];
	_ =	sdelay $0x4  }
0x3a2: {  	v63 =	vshll.u32 v3, $0x1  }
0x3a3: {  	v3 =	vand.u32 $0x7, v3;
	v4 =	vand.u32 $0xFFFFFFF0, v63  }
0x3a4: {  	v3 =	vor.u32 v3, v4  }
0x3a5: {  	v4 =	vperm.xlane v3, v0;
	_ =	sdelay $0x1  }
0x3a6: {  	v3 =	vperm.xlane v3, v2;
	v4 =	vadd.s32 v1, v4;
	_ =	sdelay $0x1  }
0x3a7: {  	v3 =	vadd.s32 v1, v3;
	_ =	sdelay $0x1  }
0x3a8: {  	s18 =	simm.s32 $0xFA00  }
0x3a9: {  	[tilespmem:s18], [sflag:$0x1] =	stream.indirect_vreg.gather [hbm4b:s3+s2], $0x80, v4, vm0, $0xb8;
	[tilespmem:$0x18A00] =	vst v63  }
0x3aa: {  	s23 =	simm.s32 $0x10200  }
0x3ab: {  	[tilespmem:s23], [sflag:$0x1] =	stream.indirect_vreg.gather [hbm4b:s3+s2], $0x80, v3, vm0, $0xb8;
	[tilespmem:$0x18A00] =	vst v63  }
0x3ac: {  	_ =	swait.ge [sflag:s19], $0x8000  }
0x3ad: {  	[sflag:s19] =	ssyncset.done $0x0  }
0x3ae: {  	[sflag:s19] =	ssyncadd.s32 $0xFFFF8000  }
0x3af: {  	_ =	swait.ge [sflag:s19], $0x8000  }
0x3b0: {  	[sflag:s19] =	ssyncset.done $0x0  }
0x3b1: {  	s18 =	rddreg [dreg:$0xa];
	[sflag:s19] =	ssyncadd.s32 $0xFFFF8000  }
0x3b2: {  	[hbm4b:s18+s2] =	stream.linear.scatter [tilespmem:s12], [sflag:$0x1], $0x8000, $0x38;
	[tilespmem:$0x18A00] =	vst v63  }
0x3b3: {  	s0 =	rddreg [dreg:$0xb]  }
0x3b4: {  	[hbm4b:s0+s2] =	stream.linear.scatter [tilespmem:s29], [sflag:$0x1], $0x8000, $0x38;
	[tilespmem:$0x18A00] =	vst v63  }
0x3b5: {  	_ =	swait.ge [sflag:s19], $0x8000  }
0x3b6: {  	[sflag:s19] =	ssyncset.done $0x0  }
0x3b7: {  	[sflag:s19] =	ssyncadd.s32 $0xFFFF8000  }
0x3b8: {  	_ =	swait.ge [sflag:s19], $0x8000  }
0x3b9: {  	s18 =	rddreg [dreg:$0xd]  }
0x3ba: {  	s23 =	rddreg [dreg:$0xc];
	s0 =	sadd.s32 $0x1, s18  }
0x3bb: {  	p0 =	sne.s32 s0, s23  }
.Ltmp2:
0x3bc: {  	_ = 	snop;
	(pc) =	sbr.rel @p0 .LBB2_1-.Ltmp2, $3  }
0x3bd: {  	_ =	sdelay $0x1  }
0x3be: {  	[sflag:s19] =	ssyncset.done $0x0  }
0x3bf: {  	[sflag:s19] =	ssyncadd.s32 $0xFFFF8000  }
0x3c0: {  	_ =	sfence.sel $0x180000  }
0x3c1: {  	[bflag:$0x0] =	sbarrier.arrive $0xFFFF  }
0x3c2: {  	_ =	strace $0x90000047  }
0x3c3: {  	s0 =	stileid.u32;
	[bflag:$0x2] =	sbarrier.arrive $0xFFFF  }
0x3c4: {  	p0 =	sne.s32 s0, $0x0;
	s0 =	rddreg [dreg:$0x3]  }
0x3c5: {  	s0 =	sadd.s32 @!p0 $0x100000, s0  }
0x3c6: {  	[sflag:s0] =	ssyncadd.tile.s32 @!p0 $0x1;
	_ =	shalt  }
.Lfunc_end2:
_tile_overlayer_lowered:
.L_overlay_start_2:
0x3c7: {  	(tag) =	ssettag $0x2  }
0x3c8: {  	s0 =	rddreg [dreg:$0x0];
	s2 =	stileid.u32  }
0x3c9: {  	s1 =	rddreg [dreg:$0x1];
	p0 =	sne.s32 s2, $0x0  }
0x3ca: {  	s3 =	rddreg [dreg:$0x2];
	[bflag:$0x3] =	sbarrier.arrive $0xFFFF;
	s2 =	simm.s32 @!p0 $0x1C02  }
0x3cb: {  	[timem:s3], [sflag:s2] =	dma.local @!p0 [hbm:s0], s1  }
0x3cc: {  	s0 =	simm.s32 @!p0 $0x2  }
0x3cd: {  	_ =	swait.ge @!p0 [sflag:s0], s1  }
0x3ce: {  	s1 =	ssub.s32 @!p0 $0x0, s1;
	[sflag:s0] =	ssyncset.done @!p0 $0x0  }
0x3cf: {  	[sflag:s0] =	ssyncadd.s32 @!p0 s1  }
0x3d0: {  	[bflag:$0x3] =	sbarrier.arrive $0xFFFF  }
0x3d1: {  	_ =	shalt  }

// kernel: sc_g1b.3.cloned.1.call-start
scs
__scs_entry_jumppad:
0x0: {  	(pc) =	sbr.rel $0x88, $3  }
0x1: {  	(tag) =	ssettag $0x0;
	lr =	simm.s32 $0x1  }
0x2: {  	[smem:$0x3F95] =	sst lr;
	_ =	strace $0xD0000000  }
0x3: {  	_ = 	snop  }
0x4: {  	_ = 	snop  }
0x5: {  	_ = 	snop  }
0x6: {  	_ = 	snop  }
0x7: {  	_ = 	snop  }
__scs_overlays_trampoline_lowered:
0x8: {  	[smem:$0x3FA4] =	sst s0  }
0x9: {  	[smem:$0x3FA5] =	sst s1  }
0xa: {  	[smem:$0x3FA6] =	sst s2  }
0xb: {  	[smem:$0x3FA7] =	sst s3  }
0xc: {  	[smem:$0x3FA8] =	sst s4  }
0xd: {  	[smem:$0x3FA9] =	sst s5  }
0xe: {  	[smem:$0x3FAA] =	sst s6  }
0xf: {  	[smem:$0x3FAB] =	sst s7  }
0x10: {  	[smem:$0x3FAC] =	sst s8  }
0x11: {  	[smem:$0x3FAD] =	sst s9;
	s0 =	simm.s32 @!p0 $0x0  }
0x12: {  	s1 =	sld [smem:$0x3F93];
	s0 =	simm.s32 @p0 $0x1  }
0x13: {  	[smem:$0x3FAE] =	sst s0;
	s0 =	simm.s32 @!p1 $0x0  }
0x14: {  	s2 =	sld [smem:$0x3F92];
	s0 =	simm.s32 @p1 $0x1  }
0x15: {  	[smem:$0x3FAF] =	sst s0;
	s0 =	simm.s32 @!p2 $0x0  }
0x16: {  	s3 =	sld [smem:$0x3FDB];
	s0 =	simm.s32 @p2 $0x1  }
0x17: {  	s4 =	simm.s32 $0x1BF5;
	[smem:$0x3FB1] =	sst s0  }
0x18: {  	s0 =	sld [smem:$0x3F94];
	_ =	swait.ge [sflag:s4], $0x0  }
0x19: {  	s7 =	sld [smem:$0x3F95]  }
0x1a: {  	s8 =	sadd.s32 $0xFFFFE003, lr  }
0x1b: {  	s9 =	sadd.s32 $0xFFFFFEF7, lr;
	s5 =	simm.s32 $0xFFFFFFFF;
	p2 =	slt.u32 s8, $0xFFFFF086  }
0x1c: {  	p1 =	slt.u32 s9, $0xF7A;
	s5 =	simm.s32 @!p2 $0x0  }
0x1d: {  	s5 =	simm.s32 @p1 $0x1;
	p0 =	seq.s32 s7, s2  }
0x1e: {  	s7 =	smul.u32 @!p0 $0xF7A, s2;
	p2 =	seq.s32 @!p0 s5, $0x0  }
0x1f: {  	s9 =	smul.u32 $0xF7A, s1;
	s8 =	simm.s32 @!p0 $0x1BF5;
	p2 =	por !p2, p0  }
0x20: {  	[sflag:s8] =	ssyncset.s32 @!p0 $0xFFFFF086;
	s6 =	sadd.s32 @!p0 s3, s7;
	s7 =	simm.s32 @!p0 $0x108  }
0x21: {  	s3 =	sadd.s32 s3, s9;
	s6 =	sadd.s32 @!p0 $0x88, s6;
	s7 =	simm.s32 @p2 $0x1082  }
0x22: {  	[simem:s7], [sflag:s8] =	dma.local @!p0 [hbm:s6], $0xF7A  }
0x23: {  	s9 =	sor.u32 $0xD0000000, s2;
	s6 =	simm.s32 $0x108;
	_ =	swait.ge @!p0 [sflag:s8], $0x0  }
0x24: {  	s3 =	sadd.s32 $0x88, s3;
	s6 =	simm.s32 @!p1 $0x1082;
	[sflag:s4] =	ssyncset.s32 $0xFFFFF086  }
0x25: {  	[simem:s6], [sflag:s4] =	dma.local [hbm:s3], $0xF7A  }
0x26: {  	[smem:$0x3F95] =	sst s1;
	(tag) =	ssettag s2;
	_ =	strace s9  }
0x27: {  	s1 =	sld [smem:$0x3FA5]  }
0x28: {  	s2 =	sld [smem:$0x3FA6]  }
0x29: {  	s4 =	sld [smem:$0x3FA8]  }
0x2a: {  	p0 =	seq.s32 s5, $0x0;
	s5 =	sld [smem:$0x3FA9]  }
0x2b: {  	s6 =	sld [smem:$0x3FAA]  }
0x2c: {  	s7 =	sld [smem:$0x3FAB]  }
0x2d: {  	s3 =	simm.s32 $0x108;
	s8 =	sld [smem:$0x3FAC]  }
0x2e: {  	s3 =	simm.s32 @!p0 $0x1082;
	s9 =	sld [smem:$0x3FAD]  }
0x2f: {  	lr =	sadd.s32 s0, s3;
	s0 =	sld [smem:$0x3FA4]  }
0x30: {  	s3 =	sld [smem:$0x3FA7]  }
0x31: {  	[smem:$0x3FB0] =	sst s10  }
0x32: {  	s10 =	sld [smem:$0x3FAE];
	_ =	sdelay $0x3  }
0x33: {  	p0 =	seq.s32 s10, $0x1;
	s10 =	sld [smem:$0x3FB0];
	_ =	sdelay $0x3  }
0x34: {  	[smem:$0x3FB0] =	sst s10  }
0x35: {  	s10 =	sld [smem:$0x3FAF];
	_ =	sdelay $0x3  }
0x36: {  	p1 =	seq.s32 s10, $0x1;
	s10 =	sld [smem:$0x3FB0];
	_ =	sdelay $0x3  }
0x37: {  	[smem:$0x3FB0] =	sst s10  }
0x38: {  	s10 =	sld [smem:$0x3FB1]  }
0x39: {  	_ = 	snop;
	(pc) =	sbr.ind lr, $3  }
0x3a: {  	_ = 	snop  }
0x3b: {  	_ = 	snop  }
0x3c: {  	p2 =	seq.s32 s10, $0x1;
	s10 =	sld [smem:$0x3FB0]  }
0x3d: {  	_ =	shalt  }
0x3e: {  	_ =	shalt  }
0x3f: {  	_ =	shalt  }
0x40: {  	_ =	shalt  }
0x41: {  	_ =	shalt  }
0x42: {  	_ =	shalt  }
0x43: {  	_ =	shalt  }
0x44: {  	_ =	shalt  }
0x45: {  	_ =	shalt  }
0x46: {  	_ =	shalt  }
0x47: {  	_ =	shalt  }
0x48: {  	_ =	shalt  }
0x49: {  	_ =	shalt  }
0x4a: {  	_ =	shalt  }
0x4b: {  	_ =	shalt  }
0x4c: {  	_ =	shalt  }
0x4d: {  	_ =	shalt  }
0x4e: {  	_ =	shalt  }
0x4f: {  	_ =	shalt  }
0x50: {  	_ =	shalt  }
0x51: {  	_ =	shalt  }
0x52: {  	_ =	shalt  }
0x53: {  	_ =	shalt  }
0x54: {  	_ =	shalt  }
0x55: {  	_ =	shalt  }
0x56: {  	_ =	shalt  }
0x57: {  	_ =	shalt  }
0x58: {  	_ =	shalt  }
0x59: {  	_ =	shalt  }
0x5a: {  	_ =	shalt  }
0x5b: {  	_ =	shalt  }
0x5c: {  	_ =	shalt  }
0x5d: {  	_ =	shalt  }
0x5e: {  	_ =	shalt  }
0x5f: {  	_ =	shalt  }
0x60: {  	_ =	shalt  }
0x61: {  	_ =	shalt  }
0x62: {  	_ =	shalt  }
0x63: {  	_ =	shalt  }
0x64: {  	_ =	shalt  }
0x65: {  	_ =	shalt  }
0x66: {  	_ =	shalt  }
0x67: {  	_ =	shalt  }
0x68: {  	_ =	shalt  }
0x69: {  	_ =	shalt  }
0x6a: {  	_ =	shalt  }
0x6b: {  	_ =	shalt  }
0x6c: {  	_ =	shalt  }
0x6d: {  	_ =	shalt  }
0x6e: {  	_ =	shalt  }
0x6f: {  	_ =	shalt  }
0x70: {  	_ =	shalt  }
0x71: {  	_ =	shalt  }
0x72: {  	_ =	shalt  }
0x73: {  	_ =	shalt  }
0x74: {  	_ =	shalt  }
0x75: {  	_ =	shalt  }
0x76: {  	_ =	shalt  }
0x77: {  	_ =	shalt  }
0x78: {  	_ =	shalt  }
0x79: {  	_ =	shalt  }
0x7a: {  	_ =	shalt  }
0x7b: {  	_ =	shalt  }
0x7c: {  	_ =	shalt  }
0x7d: {  	_ =	shalt  }
0x7e: {  	_ =	shalt  }
0x7f: {  	_ =	shalt  }
0x80: {  	_ =	shalt  }
0x81: {  	_ =	shalt  }
0x82: {  	_ =	shalt  }
0x83: {  	_ =	shalt  }
0x84: {  	_ =	shalt  }
0x85: {  	_ =	shalt  }
0x86: {  	_ =	shalt  }
0x87: {  	_ =	shalt  }
.Lfunc_end0:
.L_simem_size_0:
called_computation.1_lowered:
.L_overlay_start_0:
0x88: {  	s2 =	sld [smem:$0x3FD9]  }
0x89: {  	s3 =	sld [smem:$0x3FFE];
	_ =	sdelay $0x1  }
0x8a: {  	s1 =	srdreg.scid  }
0x8b: {  	s0 =	sand.u32 $0x1, s1  }
0x8c: {  	s17 =	sshll.u32 s0, $0xA;
	s2 =	sadd.s32 s3, s2  }
0x8d: {  	s2 =	sadd.s32 s2, s17  }
0x8e: {  	[smem:$0x3FBC] =	sst s2  }
0x8f: {  	_ = 	snop  }
0x90: {  	(tm) =	ssettm $0x1  }
0x91: {  	s18 =	sld [smem:$0x3FFB];
	_ =	sdelay $0x3  }
0x92: {  	_ =	strace s18  }
0x93: {  	s2 =	sld [smem:$0x3FFC];
	_ =	sdelay $0x3  }
0x94: {  	_ =	strace s2  }
0x95: {  	s2 =	sld [smem:$0x3FFD];
	_ =	sdelay $0x3  }
0x96: {  	_ =	strace s2  }
0x97: {  	_ =	strace $0x8FFFFFFF  }
0x98: {  	s19 =	sld [smem:$0x3FDB];
	_ =	sdelay $0x1  }
0x99: {  	s20 =	simm.s32 $_scs_section_size  }
0x9a: {  	s4 =	simm.s32 $_size__tile_overlayer_lowered;
	s5 =	simm.s32 $_tile_overlayer_lowered  }
0x9b: {  	s6 =	simm.s32 $0x1BFF;
	s21 =	sshll.u32 s5, $0x1;
	s3 =	sadd.s32 s20, s19  }
0x9c: {  	s22 =	simm.s32 $0x0;
	s4 =	sshll.u32 s4, $0x1;
	s5 =	sadd.s32 s21, s3  }
0x9d: {  	[timem:s22], [sflag:s6] =	dma.local [hbm:s5], s4  }
0x9e: {  	_ =	swait.ge [sflag:s6], s4  }
0x9f: {  	s4 =	ssub.s32 $0x0, s4;
	[sflag:s6] =	ssyncset.done $0x0  }
0xa0: {  	[sflag:s6] =	ssyncadd.s32 s4;
	_ =	sdelay $0x1  }
0xa1: {  	s23 =	simm.s32 $0x1B8B  }
0xa2: {  	_ =	swait.ge [sflag:s23], $0x1  }
0xa3: {  	[sflag:s23] =	ssyncset.done $0x0  }
0xa4: {  	[sflag:s23] =	ssyncadd.s32 $0xFFFFFFFF  }
0xa5: {  	s4 =	sld [smem:$0x0]  }
0xa6: {  	s5 =	sand.u32 $0xFFFFFFFE, s1  }
0xa7: {  	p0 =	sne.s32 s1, s5  }
0xa8: {  	s5 =	sshll.u32 @p0 s5, $0xE  }
0xa9: {  	s5 =	sadd.s32 @p0 $0x11B8D, s5;
	s6 =	sshll.u32 @p0 s4, $0x11  }
0xaa: {  	s5 =	sor.u32 @p0 s6, s5  }
0xab: {  	[sflag:s5] =	ssyncadd.remote.s32 @p0 $0x1;
	_ =	sdelay $0x1  }
0xac: {  	s5 =	simm.s32 @p0 $0x1B8D  }
0xad: {  	_ =	swait.eq @p0 [sflag:s5], $0x1  }
0xae: {  	[sflag:s5] =	ssyncadd.s32 @p0 $0xFFFFFFFF  }
0xaf: {  	s6 =	sshll.u32 @!p0 s1, $0xE  }
0xb0: {  	s6 =	sor.u32 @!p0 $0x4000, s6;
	s5 =	simm.s32 @!p0 $0x1B8D  }
0xb1: {  	s4 =	sshll.u32 @!p0 s4, $0x11;
	s6 =	sadd.s32 @!p0 $0x11B8D, s6;
	_ =	swait.eq @!p0 [sflag:s5], $0x1  }
0xb2: {  	s4 =	sor.u32 @!p0 s4, s6;
	[sflag:s5] =	ssyncadd.s32 @!p0 $0xFFFFFFFF  }
0xb3: {  	s25 =	simm.s32 $0x1B8E;
	s24 =	sld [smem:$0x3FFE];
	[sflag:s4] =	ssyncadd.remote.s32 @!p0 $0x1  }
0xb4: {  	s26 =	simm.s32 $execute0_lowered;
	[smem:$0x3FD2] =	sst s25  }
0xb5: {  	s5 =	sshll.u32 s26, $0x1;
	_ =	strace $0x80000049;
	[dreg:$0x1] =	wrdreg $0xFFFFFFFF  }
0xb6: {  	s28 =	simm.s32 $_size_execute0_lowered;
	s3 =	sadd.s32 s3, s5;
	[dreg:$0x0] =	wrdreg $0x0  }
0xb7: {  	s5 =	sshll.u32 s28, $0x1;
	[dreg:$0x2] =	wrdreg s3  }
0xb8: {  	[dreg:$0x3] =	wrdreg s5  }
0xb9: {  	[dreg:$0x4] =	wrdreg $0xC0  }
0xba: {  	_ =	task [dreg:s22], $0x5FFFF  }
0xbb: {  	[dreg:$0x1] =	wrdreg $0xFFFFFFFF  }
0xbc: {  	[dreg:$0x0] =	wrdreg $0x60  }
0xbd: {  	[dreg:$0x2] =	wrdreg s24  }
0xbe: {  	[dreg:$0x3] =	wrdreg $0x9  }
0xbf: {  	_ =	task.clear_ibuf [dreg:s22], $0x4FFFF;
	_ =	strace $0x90000049  }
0xc0: {  	s29 =	simm.s32 $0x9;
	_ =	strace $0x8000004B  }
0xc1: {  	_ =	swait.ge [sflag:s29], $0x1  }
0xc2: {  	[sflag:s29] =	ssyncadd.s32 $0xFFFFFFFF  }
0xc3: {  	_ =	strace $0x9000004B  }
0xc4: {  	_ =	sfence  }
0xc5: {  	s30 =	sld [smem:$0x0];
	_ =	sdelay $0x2  }
0xc6: {  	s31 =	sshll.u32 s1, $0xD;
	s1 =	sshrl.u32 s1, $0x2  }
0xc7: {  	s4 =	sand.u32 $0x4000, s31;
	s1 =	sadd.s32 s1, s30  }
0xc8: {  	s0 =	sor.u32 s4, s0;
	s1 =	sshll.u32 s1, $0x11  }
0xc9: {  	s0 =	sor.u32 s1, s0  }
0xca: {  	s0 =	sadd.s32 $0x8F2B, s0  }
0xcb: {  	[sflag:s0] =	ssyncadd.remote.s32 $0x1  }
0xcc: {  	_ =	sfence.sel $0xFFFF  }
0xcd: {  	[dreg:$0x0] =	wrdreg $0xFFFFFFFF;
	(pc) =	sbr.abs _section_cstart, $3  }
0xce: {  	[dreg:$0x1] =	wrdreg $0xFFFFFFFF  }
0xcf: {  	_ =	task.clear_ibuf [dreg:s22], $0x2FFFF;
	_ =	strace $0x9FFFFFFF  }
0xd0: {  	(tm) =	ssettm $0x7FFFFFFF  }
0xd1: {  	_ =	shalt  }
tec
execute0_lowered:
.L_overlay_start_1:
0x0: {  	(tag) =	ssettag $0x1  }
0x1: {  	s0 =	srdreg.scid  }
0x2: {  	s9 =	stileid.u32;
	s1 =	rddreg [dreg:$0x0];
	s2 =	simm.s32 $0x0  }
0x3: {  	s12 =	simm.s32 $0xA00;
	s19 =	simm.s32 $0x1200;
	s29 =	simm.s32 $0x8A00  }
0x4: {  	s17 =	simm.s32 $0x1;
	s11 =	simm.s32 $0xE200;
	s14 =	simm.s32 $0x15200  }
0x5: {  	s31 =	simm.s32 $0x15A00;
	s15 =	simm.s32 $0x16200;
	s16 =	simm.s32 $0x17200  }
0x6: {  	s30 =	simm.s32 $0x17A00;
	s0 =	sand.u32 $0x1, s0;
	s3 =	sshll.u32 s9, $0x1  }
0x7: {  	[smem:$0x7FF] =	sst s2;
	s7 =	sadd.s32 $0x563E00, s1;
	s9 =	smul.u32 $0x26200, s9  }
0x8: {  	s4 =	sor.u32 s0, s3;
	s6 =	ssub.s32 $0x2, s0;
	s0 =	smul.u32 $0x13100, s0  }
0x9: {  	s28 =	simm.s32 $0x18200;
	_ =	strace $0x8000004A;
	s5 =	smul.u32 $0x988, s4  }
0xa: {  	s3 =	sadd.s32 $0x4E00, s1;
	s4 =	smul.u32 $0x98800, s4;
	s8 =	sshrl.u32 s6, $0x1  }
0xb: {  	s23 =	sadd.s32 s9, s7;
	s6 =	ssub.s32 s6, s8;
	s8 =	simm.s32 $0x11A00  }
0xc: {  	s5 =	sshrl.u32 s5, $0x3;
	s4 =	sshrl.u32 s4, $0x3;
	s26 =	smax.u32 s6, $0x1  }
0xd: {  	s6 =	simm.s32 $0x13A00;
	s5 =	sadd.s32 s5, s1;
	s1 =	sadd.s32 $0x7C5E00, s1  }
0xe: {  	s21 =	sadd.s32 $0x12000, s4;
	[dreg:$0xa] =	wrdreg s26;
	s20 =	sadd.s32 $0x55EE00, s5  }
0xf: {  	s4 =	sadd.s32 $0x13000, s4;
	s10 =	sadd.s32 s7, s21;
	[dreg:$0x4] =	wrdreg s20  }
0x10: {  	s26 =	simm.s32 $0x14A00;
	s22 =	sadd.s32 s7, s4;
	[dreg:$0x5] =	wrdreg s10  }
0x11: {  	s5 =	sadd.s32 $0x561600, s5;
	s24 =	sadd.s32 s1, s21;
	[dreg:$0x6] =	wrdreg s22  }
0x12: {  	s25 =	sadd.s32 s9, s1;
	s1 =	sadd.s32 s1, s4;
	[dreg:$0x7] =	wrdreg s5  }
0x13: {  	s9 =	simm.s32 $0x10200;
	s21 =	simm.s32 $0x12200;
	[dreg:$0x8] =	wrdreg s24  }
0x14: {  	s7 =	simm.s32 $0x12A00;
	s5 =	sadd.s32 s0, s23;
	[dreg:$0x9] =	wrdreg s1  }
0x15: {  	s0 =	sadd.s32 s0, s25;
	s1 =	simm.s32 $0x0;
	s24 =	simm.s32 $0xEA00  }
0x16: {  	v2 =	vlaneseq.u32;
	s10 =	simm.s32 $0xF200;
	s23 =	simm.s32 $0xFA00;
	s22 =	simm.s32 $0x11200  }
0x17: {  	vm0 =	vmmov $0xffff;
	v1 =	vshrl.u32 v2, $0x3;
	s20 =	simm.s32 $0x13200;
	s25 =	simm.s32 $0x14200;
	[dreg:$0x2] =	wrdreg s5  }
0x18: {  	v0 =	vand.u32 $0x7, v2;
	v2 =	vor.u32 $0x8, v2;
	v1 =	vmul.u32 $0x8, v1;
	[dreg:$0x3] =	wrdreg s0;
	s5 =	simm.s32 $0x2;
	s0 =	simm.s32 $0x10A00  }
.LBB2_1:
0x19: {  	[dreg:$0xb] =	wrdreg s1  }
0x1a: {  	s4 =	rddreg [dreg:$0x4]  }
0x1b: {  	[tilespmem:s2], [sflag:$0x2] =	stream.linear.gather [hbm4b:s4+s2], $0x988, $0x38;
	[tilespmem:$0x19200] =	vst v63  }
0x1c: {  	_ =	swait.ge [sflag:s5], $0x988  }
0x1d: {  	s13 =	simm.s32 $0x8200;
	s18 =	simm.s32 $0x0;
	[sflag:s5] =	ssyncset.done $0x0  }
0x1e: {  	s1 =	simm.s32 $0x16A00;
	s4 =	simm.s32 $0xC0;
	[sflag:s5] =	ssyncadd.s32 $0xFFFFF678  }
.LBB2_2:
0x1f: {  	v3 =	vld [tilespmem:s4+$0xFFFFFF40];
	_ =	sdelay $0x4  }
0x20: {  	v4 =	vshll.u32 v3, $0x1  }
0x21: {  	v3 =	vand.u32 $0x7, v3;
	v4 =	vand.u32 $0xFFFFFFF0, v4  }
0x22: {  	v3 =	vor.u32 v3, v4  }
0x23: {  	v4 =	vperm.xlane v3, v0;
	_ =	sdelay $0x1  }
0x24: {  	v3 =	vperm.xlane v3, v2;
	v4 =	vadd.s32 v1, v4;
	_ =	sdelay $0x1  }
0x25: {  	v3 =	vadd.s32 v1, v3;
	_ =	sdelay $0x2  }
0x26: {  	[tilespmem:s12], [sflag:$0x1] =	stream.indirect_vreg.gather [hbm4b:s3+s2], $0x80, v4, vm0, $0xb8;
	[tilespmem:$0x19200] =	vst v63  }
0x27: {  	_ = 	snop  }
0x28: {  	[tilespmem:s19], [sflag:$0x1] =	stream.indirect_vreg.gather [hbm4b:s3+s2], $0x80, v3, vm0, $0xb8;
	[tilespmem:$0x19200] =	vst v63  }
0x29: {  	v3 =	vld [tilespmem:s4+$0xFFFFFF50];
	_ =	sdelay $0x4  }
0x2a: {  	v41 =	vshll.u32 v3, $0x1  }
0x2b: {  	v3 =	vand.u32 $0x7, v3;
	v4 =	vand.u32 $0xFFFFFFF0, v41  }
0x2c: {  	v3 =	vor.u32 v3, v4  }
0x2d: {  	v4 =	vperm.xlane v3, v0;
	_ =	sdelay $0x1  }
0x2e: {  	v3 =	vperm.xlane v3, v2;
	v4 =	vadd.s32 v1, v4;
	_ =	sdelay $0x1  }
0x2f: {  	v3 =	vadd.s32 v1, v3;
	_ =	sdelay $0x1  }
0x30: {  	s5 =	simm.s32 $0x1A00  }
0x31: {  	[tilespmem:s5], [sflag:$0x1] =	stream.indirect_vreg.gather [hbm4b:s3+s2], $0x80, v4, vm0, $0xb8;
	[tilespmem:$0x19200] =	vst v63  }
0x32: {  	s19 =	simm.s32 $0x2200  }
0x33: {  	[tilespmem:s19], [sflag:$0x1] =	stream.indirect_vreg.gather [hbm4b:s3+s2], $0x80, v3, vm0, $0xb8;
	[tilespmem:$0x19200] =	vst v63  }
0x34: {  	v3 =	vld [tilespmem:s4+$0xFFFFFF60];
	_ =	sdelay $0x4  }
0x35: {  	v42 =	vshll.u32 v3, $0x1  }
0x36: {  	v3 =	vand.u32 $0x7, v3;
	v4 =	vand.u32 $0xFFFFFFF0, v42  }
0x37: {  	v3 =	vor.u32 v3, v4  }
0x38: {  	v4 =	vperm.xlane v3, v0;
	_ =	sdelay $0x1  }
0x39: {  	v3 =	vperm.xlane v3, v2;
	v4 =	vadd.s32 v1, v4;
	_ =	sdelay $0x1  }
0x3a: {  	v3 =	vadd.s32 v1, v3;
	_ =	sdelay $0x1  }
0x3b: {  	s19 =	simm.s32 $0x2A00  }
0x3c: {  	[tilespmem:s19], [sflag:$0x1] =	stream.indirect_vreg.gather [hbm4b:s3+s2], $0x80, v4, vm0, $0xb8;
	[tilespmem:$0x19200] =	vst v63  }
0x3d: {  	s19 =	simm.s32 $0x3200  }
0x3e: {  	[tilespmem:s19], [sflag:$0x1] =	stream.indirect_vreg.gather [hbm4b:s3+s2], $0x80, v3, vm0, $0xb8;
	[tilespmem:$0x19200] =	vst v63  }
0x3f: {  	v3 =	vld [tilespmem:s4+$0xFFFFFF70];
	_ =	sdelay $0x4  }
0x40: {  	v43 =	vshll.u32 v3, $0x1  }
0x41: {  	v3 =	vand.u32 $0x7, v3;
	v4 =	vand.u32 $0xFFFFFFF0, v43  }
0x42: {  	v3 =	vor.u32 v3, v4  }
0x43: {  	v4 =	vperm.xlane v3, v0;
	_ =	sdelay $0x1  }
0x44: {  	v3 =	vperm.xlane v3, v2;
	v4 =	vadd.s32 v1, v4;
	_ =	sdelay $0x1  }
0x45: {  	v3 =	vadd.s32 v1, v3;
	_ =	sdelay $0x1  }
0x46: {  	s19 =	simm.s32 $0x3A00  }
0x47: {  	[tilespmem:s19], [sflag:$0x1] =	stream.indirect_vreg.gather [hbm4b:s3+s2], $0x80, v4, vm0, $0xb8;
	[tilespmem:$0x19200] =	vst v63  }
0x48: {  	s19 =	simm.s32 $0x4200  }
0x49: {  	[tilespmem:s19], [sflag:$0x1] =	stream.indirect_vreg.gather [hbm4b:s3+s2], $0x80, v3, vm0, $0xb8;
	[tilespmem:$0x19200] =	vst v63  }
0x4a: {  	v3 =	vld [tilespmem:s4+$0xFFFFFF80];
	_ =	sdelay $0x4  }
0x4b: {  	v44 =	vshll.u32 v3, $0x1  }
0x4c: {  	v3 =	vand.u32 $0x7, v3;
	v4 =	vand.u32 $0xFFFFFFF0, v44  }
0x4d: {  	v3 =	vor.u32 v3, v4  }
0x4e: {  	v4 =	vperm.xlane v3, v0;
	_ =	sdelay $0x1  }
0x4f: {  	v3 =	vperm.xlane v3, v2;
	v4 =	vadd.s32 v1, v4;
	_ =	sdelay $0x1  }
0x50: {  	v3 =	vadd.s32 v1, v3;
	_ =	sdelay $0x1  }
0x51: {  	s19 =	simm.s32 $0x4A00  }
0x52: {  	[tilespmem:s19], [sflag:$0x1] =	stream.indirect_vreg.gather [hbm4b:s3+s2], $0x80, v4, vm0, $0xb8;
	[tilespmem:$0x19200] =	vst v63  }
0x53: {  	s19 =	simm.s32 $0x5200  }
0x54: {  	[tilespmem:s19], [sflag:$0x1] =	stream.indirect_vreg.gather [hbm4b:s3+s2], $0x80, v3, vm0, $0xb8;
	[tilespmem:$0x19200] =	vst v63  }
0x55: {  	v3 =	vld [tilespmem:s4+$0xFFFFFF90];
	_ =	sdelay $0x4  }
0x56: {  	v45 =	vshll.u32 v3, $0x1  }
0x57: {  	v3 =	vand.u32 $0x7, v3;
	v4 =	vand.u32 $0xFFFFFFF0, v45  }
0x58: {  	v3 =	vor.u32 v3, v4  }
0x59: {  	v4 =	vperm.xlane v3, v0;
	_ =	sdelay $0x1  }
0x5a: {  	v3 =	vperm.xlane v3, v2;
	v4 =	vadd.s32 v1, v4;
	_ =	sdelay $0x1  }
0x5b: {  	v3 =	vadd.s32 v1, v3;
	_ =	sdelay $0x1  }
0x5c: {  	s19 =	simm.s32 $0x5A00  }
0x5d: {  	[tilespmem:s19], [sflag:$0x1] =	stream.indirect_vreg.gather [hbm4b:s3+s2], $0x80, v4, vm0, $0xb8;
	[tilespmem:$0x19200] =	vst v63  }
0x5e: {  	s19 =	simm.s32 $0x6200  }
0x5f: {  	[tilespmem:s19], [sflag:$0x1] =	stream.indirect_vreg.gather [hbm4b:s3+s2], $0x80, v3, vm0, $0xb8;
	[tilespmem:$0x19200] =	vst v63  }
0x60: {  	v3 =	vld [tilespmem:s4+$0xFFFFFFA0];
	_ =	sdelay $0x4  }
0x61: {  	v46 =	vshll.u32 v3, $0x1  }
0x62: {  	v3 =	vand.u32 $0x7, v3;
	v4 =	vand.u32 $0xFFFFFFF0, v46  }
0x63: {  	v3 =	vor.u32 v3, v4  }
0x64: {  	v4 =	vperm.xlane v3, v0;
	_ =	sdelay $0x1  }
0x65: {  	v3 =	vperm.xlane v3, v2;
	v4 =	vadd.s32 v1, v4;
	_ =	sdelay $0x1  }
0x66: {  	v3 =	vadd.s32 v1, v3;
	_ =	sdelay $0x1  }
0x67: {  	s19 =	simm.s32 $0x6A00  }
0x68: {  	[tilespmem:s19], [sflag:$0x1] =	stream.indirect_vreg.gather [hbm4b:s3+s2], $0x80, v4, vm0, $0xb8;
	[tilespmem:$0x19200] =	vst v63  }
0x69: {  	s19 =	simm.s32 $0x7200  }
0x6a: {  	[tilespmem:s19], [sflag:$0x1] =	stream.indirect_vreg.gather [hbm4b:s3+s2], $0x80, v3, vm0, $0xb8;
	[tilespmem:$0x19200] =	vst v63  }
0x6b: {  	v3 =	vld [tilespmem:s4+$0xFFFFFFB0];
	_ =	sdelay $0x4  }
0x6c: {  	v47 =	vshll.u32 v3, $0x1  }
0x6d: {  	v3 =	vand.u32 $0x7, v3;
	v4 =	vand.u32 $0xFFFFFFF0, v47  }
0x6e: {  	v3 =	vor.u32 v3, v4  }
0x6f: {  	v4 =	vperm.xlane v3, v0;
	_ =	sdelay $0x1  }
0x70: {  	v3 =	vperm.xlane v3, v2;
	v4 =	vadd.s32 v1, v4;
	_ =	sdelay $0x1  }
0x71: {  	v3 =	vadd.s32 v1, v3;
	_ =	sdelay $0x1  }
0x72: {  	s19 =	simm.s32 $0x7A00  }
0x73: {  	[tilespmem:s19], [sflag:$0x1] =	stream.indirect_vreg.gather [hbm4b:s3+s2], $0x80, v4, vm0, $0xb8;
	[tilespmem:$0x19200] =	vst v63  }
0x74: {  	_ = 	snop  }
0x75: {  	[tilespmem:s13], [sflag:$0x1] =	stream.indirect_vreg.gather [hbm4b:s3+s2], $0x80, v3, vm0, $0xb8;
	[tilespmem:$0x19200] =	vst v63  }
0x76: {  	v3 =	vld [tilespmem:s4+$0xFFFFFFC0];
	_ =	sdelay $0x4  }
0x77: {  	v48 =	vshll.u32 v3, $0x1  }
0x78: {  	v3 =	vand.u32 $0x7, v3;
	v4 =	vand.u32 $0xFFFFFFF0, v48  }
0x79: {  	v3 =	vor.u32 v3, v4  }
0x7a: {  	v4 =	vperm.xlane v3, v0;
	_ =	sdelay $0x1  }
0x7b: {  	v3 =	vperm.xlane v3, v2;
	v4 =	vadd.s32 v1, v4;
	_ =	sdelay $0x1  }
0x7c: {  	v3 =	vadd.s32 v1, v3;
	_ =	sdelay $0x2  }
0x7d: {  	[tilespmem:s29], [sflag:$0x1] =	stream.indirect_vreg.gather [hbm4b:s3+s2], $0x80, v4, vm0, $0xb8;
	[tilespmem:$0x19200] =	vst v63  }
0x7e: {  	s19 =	simm.s32 $0x9200  }
0x7f: {  	[tilespmem:s19], [sflag:$0x1] =	stream.indirect_vreg.gather [hbm4b:s3+s2], $0x80, v3, vm0, $0xb8;
	[tilespmem:$0x19200] =	vst v63  }
0x80: {  	v3 =	vld [tilespmem:s4+$0xFFFFFFD0];
	_ =	sdelay $0x4  }
0x81: {  	v49 =	vshll.u32 v3, $0x1  }
0x82: {  	v3 =	vand.u32 $0x7, v3;
	v4 =	vand.u32 $0xFFFFFFF0, v49  }
0x83: {  	v3 =	vor.u32 v3, v4  }
0x84: {  	v4 =	vperm.xlane v3, v0;
	_ =	sdelay $0x1  }
0x85: {  	v3 =	vperm.xlane v3, v2;
	v4 =	vadd.s32 v1, v4;
	_ =	sdelay $0x1  }
0x86: {  	v3 =	vadd.s32 v1, v3;
	_ =	sdelay $0x1  }
0x87: {  	s19 =	simm.s32 $0x9A00  }
0x88: {  	[tilespmem:s19], [sflag:$0x1] =	stream.indirect_vreg.gather [hbm4b:s3+s2], $0x80, v4, vm0, $0xb8;
	[tilespmem:$0x19200] =	vst v63  }
0x89: {  	s19 =	simm.s32 $0xA200  }
0x8a: {  	[tilespmem:s19], [sflag:$0x1] =	stream.indirect_vreg.gather [hbm4b:s3+s2], $0x80, v3, vm0, $0xb8;
	[tilespmem:$0x19200] =	vst v63  }
0x8b: {  	v3 =	vld [tilespmem:s4+$0xFFFFFFE0];
	_ =	sdelay $0x4  }
0x8c: {  	v50 =	vshll.u32 v3, $0x1  }
0x8d: {  	v3 =	vand.u32 $0x7, v3;
	v4 =	vand.u32 $0xFFFFFFF0, v50  }
0x8e: {  	v3 =	vor.u32 v3, v4  }
0x8f: {  	v4 =	vperm.xlane v3, v0;
	_ =	sdelay $0x1  }
0x90: {  	v3 =	vperm.xlane v3, v2;
	v4 =	vadd.s32 v1, v4;
	_ =	sdelay $0x1  }
0x91: {  	v3 =	vadd.s32 v1, v3;
	_ =	sdelay $0x1  }
0x92: {  	s19 =	simm.s32 $0xAA00  }
0x93: {  	[tilespmem:s19], [sflag:$0x1] =	stream.indirect_vreg.gather [hbm4b:s3+s2], $0x80, v4, vm0, $0xb8;
	[tilespmem:$0x19200] =	vst v63  }
0x94: {  	s19 =	simm.s32 $0xB200  }
0x95: {  	[tilespmem:s19], [sflag:$0x1] =	stream.indirect_vreg.gather [hbm4b:s3+s2], $0x80, v3, vm0, $0xb8;
	[tilespmem:$0x19200] =	vst v63  }
0x96: {  	v3 =	vld [tilespmem:s4+$0xFFFFFFF0];
	_ =	sdelay $0x4  }
0x97: {  	v51 =	vshll.u32 v3, $0x1  }
0x98: {  	v3 =	vand.u32 $0x7, v3;
	v4 =	vand.u32 $0xFFFFFFF0, v51  }
0x99: {  	v3 =	vor.u32 v3, v4  }
0x9a: {  	v4 =	vperm.xlane v3, v0;
	_ =	sdelay $0x1  }
0x9b: {  	v3 =	vperm.xlane v3, v2;
	v4 =	vadd.s32 v1, v4;
	_ =	sdelay $0x1  }
0x9c: {  	v3 =	vadd.s32 v1, v3;
	_ =	sdelay $0x1  }
0x9d: {  	s19 =	simm.s32 $0xBA00  }
0x9e: {  	[tilespmem:s19], [sflag:$0x1] =	stream.indirect_vreg.gather [hbm4b:s3+s2], $0x80, v4, vm0, $0xb8;
	[tilespmem:$0x19200] =	vst v63  }
0x9f: {  	s19 =	simm.s32 $0xC200  }
0xa0: {  	[tilespmem:s19], [sflag:$0x1] =	stream.indirect_vreg.gather [hbm4b:s3+s2], $0x80, v3, vm0, $0xb8;
	[tilespmem:$0x19200] =	vst v63  }
0xa1: {  	v3 =	vld [tilespmem:s4+$0x0];
	_ =	sdelay $0x4  }
0xa2: {  	v52 =	vshll.u32 v3, $0x1  }
0xa3: {  	v3 =	vand.u32 $0x7, v3;
	v4 =	vand.u32 $0xFFFFFFF0, v52  }
0xa4: {  	v3 =	vor.u32 v3, v4  }
0xa5: {  	v4 =	vperm.xlane v3, v0;
	_ =	sdelay $0x1  }
0xa6: {  	v3 =	vperm.xlane v3, v2;
	v4 =	vadd.s32 v1, v4;
	_ =	sdelay $0x1  }
0xa7: {  	v3 =	vadd.s32 v1, v3;
	_ =	sdelay $0x1  }
0xa8: {  	s19 =	simm.s32 $0xCA00  }
0xa9: {  	[tilespmem:s19], [sflag:$0x1] =	stream.indirect_vreg.gather [hbm4b:s3+s2], $0x80, v4, vm0, $0xb8;
	[tilespmem:$0x19200] =	vst v63  }
0xaa: {  	s19 =	simm.s32 $0xD200  }
0xab: {  	[tilespmem:s19], [sflag:$0x1] =	stream.indirect_vreg.gather [hbm4b:s3+s2], $0x80, v3, vm0, $0xb8;
	[tilespmem:$0x19200] =	vst v63  }
0xac: {  	v3 =	vld [tilespmem:s4+$0x10];
	_ =	sdelay $0x4  }
0xad: {  	v53 =	vshll.u32 v3, $0x1  }
0xae: {  	v3 =	vand.u32 $0x7, v3;
	v4 =	vand.u32 $0xFFFFFFF0, v53  }
0xaf: {  	v3 =	vor.u32 v3, v4  }
0xb0: {  	v4 =	vperm.xlane v3, v0;
	_ =	sdelay $0x1  }
0xb1: {  	v3 =	vperm.xlane v3, v2;
	v4 =	vadd.s32 v1, v4;
	_ =	sdelay $0x1  }
0xb2: {  	v3 =	vadd.s32 v1, v3;
	_ =	sdelay $0x1  }
0xb3: {  	s19 =	simm.s32 $0xDA00  }
0xb4: {  	[tilespmem:s19], [sflag:$0x1] =	stream.indirect_vreg.gather [hbm4b:s3+s2], $0x80, v4, vm0, $0xb8;
	[tilespmem:$0x19200] =	vst v63  }
0xb5: {  	_ = 	snop  }
0xb6: {  	[tilespmem:s11], [sflag:$0x1] =	stream.indirect_vreg.gather [hbm4b:s3+s2], $0x80, v3, vm0, $0xb8;
	[tilespmem:$0x19200] =	vst v63  }
0xb7: {  	v3 =	vld [tilespmem:s4+$0x20];
	_ =	sdelay $0x4  }
0xb8: {  	v54 =	vshll.u32 v3, $0x1  }
0xb9: {  	v3 =	vand.u32 $0x7, v3;
	v4 =	vand.u32 $0xFFFFFFF0, v54  }
0xba: {  	v3 =	vor.u32 v3, v4  }
0xbb: {  	v4 =	vperm.xlane v3, v0;
	_ =	sdelay $0x1  }
0xbc: {  	v3 =	vperm.xlane v3, v2;
	v4 =	vadd.s32 v1, v4;
	_ =	sdelay $0x1  }
0xbd: {  	v3 =	vadd.s32 v1, v3;
	_ =	sdelay $0x2  }
0xbe: {  	[tilespmem:s24], [sflag:$0x1] =	stream.indirect_vreg.gather [hbm4b:s3+s2], $0x80, v4, vm0, $0xb8;
	[tilespmem:$0x19200] =	vst v63  }
0xbf: {  	_ = 	snop  }
0xc0: {  	[tilespmem:s10], [sflag:$0x1] =	stream.indirect_vreg.gather [hbm4b:s3+s2], $0x80, v3, vm0, $0xb8;
	[tilespmem:$0x19200] =	vst v63  }
0xc1: {  	v3 =	vld [tilespmem:s4+$0x30];
	_ =	sdelay $0x4  }
0xc2: {  	v55 =	vshll.u32 v3, $0x1  }
0xc3: {  	v3 =	vand.u32 $0x7, v3;
	v4 =	vand.u32 $0xFFFFFFF0, v55  }
0xc4: {  	v3 =	vor.u32 v3, v4  }
0xc5: {  	v4 =	vperm.xlane v3, v0;
	_ =	sdelay $0x1  }
0xc6: {  	v3 =	vperm.xlane v3, v2;
	v4 =	vadd.s32 v1, v4;
	_ =	sdelay $0x1  }
0xc7: {  	v3 =	vadd.s32 v1, v3;
	_ =	sdelay $0x2  }
0xc8: {  	[tilespmem:s23], [sflag:$0x1] =	stream.indirect_vreg.gather [hbm4b:s3+s2], $0x80, v4, vm0, $0xb8;
	[tilespmem:$0x19200] =	vst v63  }
0xc9: {  	_ = 	snop  }
0xca: {  	[tilespmem:s9], [sflag:$0x1] =	stream.indirect_vreg.gather [hbm4b:s3+s2], $0x80, v3, vm0, $0xb8;
	[tilespmem:$0x19200] =	vst v63  }
0xcb: {  	v3 =	vld [tilespmem:s4+$0x40];
	_ =	sdelay $0x4  }
0xcc: {  	v56 =	vshll.u32 v3, $0x1  }
0xcd: {  	v3 =	vand.u32 $0x7, v3;
	v4 =	vand.u32 $0xFFFFFFF0, v56  }
0xce: {  	v3 =	vor.u32 v3, v4  }
0xcf: {  	v4 =	vperm.xlane v3, v0;
	_ =	sdelay $0x1  }
0xd0: {  	v3 =	vperm.xlane v3, v2;
	v4 =	vadd.s32 v1, v4;
	_ =	sdelay $0x1  }
0xd1: {  	v3 =	vadd.s32 v1, v3;
	_ =	sdelay $0x2  }
0xd2: {  	[tilespmem:s0], [sflag:$0x1] =	stream.indirect_vreg.gather [hbm4b:s3+s2], $0x80, v4, vm0, $0xb8;
	[tilespmem:$0x19200] =	vst v63  }
0xd3: {  	_ = 	snop  }
0xd4: {  	[tilespmem:s22], [sflag:$0x1] =	stream.indirect_vreg.gather [hbm4b:s3+s2], $0x80, v3, vm0, $0xb8;
	[tilespmem:$0x19200] =	vst v63  }
0xd5: {  	v3 =	vld [tilespmem:s4+$0x50];
	_ =	sdelay $0x4  }
0xd6: {  	v57 =	vshll.u32 v3, $0x1  }
0xd7: {  	v3 =	vand.u32 $0x7, v3;
	v4 =	vand.u32 $0xFFFFFFF0, v57  }
0xd8: {  	v3 =	vor.u32 v3, v4  }
0xd9: {  	v4 =	vperm.xlane v3, v0;
	_ =	sdelay $0x1  }
0xda: {  	v3 =	vperm.xlane v3, v2;
	v4 =	vadd.s32 v1, v4;
	_ =	sdelay $0x1  }
0xdb: {  	v3 =	vadd.s32 v1, v3;
	_ =	sdelay $0x2  }
0xdc: {  	[tilespmem:s8], [sflag:$0x1] =	stream.indirect_vreg.gather [hbm4b:s3+s2], $0x80, v4, vm0, $0xb8;
	[tilespmem:$0x19200] =	vst v63  }
0xdd: {  	_ = 	snop  }
0xde: {  	[tilespmem:s21], [sflag:$0x1] =	stream.indirect_vreg.gather [hbm4b:s3+s2], $0x80, v3, vm0, $0xb8;
	[tilespmem:$0x19200] =	vst v63  }
0xdf: {  	v3 =	vld [tilespmem:s4+$0x60];
	_ =	sdelay $0x4  }
0xe0: {  	v58 =	vshll.u32 v3, $0x1  }
0xe1: {  	v3 =	vand.u32 $0x7, v3;
	v4 =	vand.u32 $0xFFFFFFF0, v58  }
0xe2: {  	v3 =	vor.u32 v3, v4  }
0xe3: {  	v4 =	vperm.xlane v3, v0;
	_ =	sdelay $0x1  }
0xe4: {  	v3 =	vperm.xlane v3, v2;
	v4 =	vadd.s32 v1, v4;
	_ =	sdelay $0x1  }
0xe5: {  	v3 =	vadd.s32 v1, v3;
	_ =	sdelay $0x2  }
0xe6: {  	[tilespmem:s7], [sflag:$0x1] =	stream.indirect_vreg.gather [hbm4b:s3+s2], $0x80, v4, vm0, $0xb8;
	[tilespmem:$0x19200] =	vst v63  }
0xe7: {  	_ = 	snop  }
0xe8: {  	[tilespmem:s20], [sflag:$0x1] =	stream.indirect_vreg.gather [hbm4b:s3+s2], $0x80, v3, vm0, $0xb8;
	[tilespmem:$0x19200] =	vst v63  }
0xe9: {  	v3 =	vld [tilespmem:s4+$0x70];
	_ =	sdelay $0x4  }
0xea: {  	v59 =	vshll.u32 v3, $0x1  }
0xeb: {  	v3 =	vand.u32 $0x7, v3;
	v4 =	vand.u32 $0xFFFFFFF0, v59  }
0xec: {  	v3 =	vor.u32 v3, v4  }
0xed: {  	v4 =	vperm.xlane v3, v0;
	_ =	sdelay $0x1  }
0xee: {  	v3 =	vperm.xlane v3, v2;
	v4 =	vadd.s32 v1, v4;
	_ =	sdelay $0x1  }
0xef: {  	v3 =	vadd.s32 v1, v3;
	_ =	sdelay $0x2  }
0xf0: {  	[tilespmem:s6], [sflag:$0x1] =	stream.indirect_vreg.gather [hbm4b:s3+s2], $0x80, v4, vm0, $0xb8;
	[tilespmem:$0x19200] =	vst v63  }
0xf1: {  	_ = 	snop  }
0xf2: {  	[tilespmem:s25], [sflag:$0x1] =	stream.indirect_vreg.gather [hbm4b:s3+s2], $0x80, v3, vm0, $0xb8;
	[tilespmem:$0x19200] =	vst v63  }
0xf3: {  	v3 =	vld [tilespmem:s4+$0x80];
	_ =	sdelay $0x4  }
0xf4: {  	v60 =	vshll.u32 v3, $0x1  }
0xf5: {  	v3 =	vand.u32 $0x7, v3;
	v4 =	vand.u32 $0xFFFFFFF0, v60  }
0xf6: {  	v3 =	vor.u32 v3, v4  }
0xf7: {  	v4 =	vperm.xlane v3, v0;
	_ =	sdelay $0x1  }
0xf8: {  	v3 =	vperm.xlane v3, v2;
	v4 =	vadd.s32 v1, v4;
	_ =	sdelay $0x1  }
0xf9: {  	v3 =	vadd.s32 v1, v3;
	_ =	sdelay $0x2  }
0xfa: {  	[tilespmem:s26], [sflag:$0x1] =	stream.indirect_vreg.gather [hbm4b:s3+s2], $0x80, v4, vm0, $0xb8;
	[tilespmem:$0x19200] =	vst v63  }
0xfb: {  	_ = 	snop  }
0xfc: {  	[tilespmem:s14], [sflag:$0x1] =	stream.indirect_vreg.gather [hbm4b:s3+s2], $0x80, v3, vm0, $0xb8;
	[tilespmem:$0x19200] =	vst v63  }
0xfd: {  	v3 =	vld [tilespmem:s4+$0x90];
	_ =	sdelay $0x4  }
0xfe: {  	v61 =	vshll.u32 v3, $0x1  }
0xff: {  	v3 =	vand.u32 $0x7, v3;
	v4 =	vand.u32 $0xFFFFFFF0, v61  }
0x100: {  	v3 =	vor.u32 v3, v4  }
0x101: {  	v4 =	vperm.xlane v3, v0;
	_ =	sdelay $0x1  }
0x102: {  	v3 =	vperm.xlane v3, v2;
	v4 =	vadd.s32 v1, v4;
	_ =	sdelay $0x1  }
0x103: {  	v3 =	vadd.s32 v1, v3;
	_ =	sdelay $0x2  }
0x104: {  	[tilespmem:s31], [sflag:$0x1] =	stream.indirect_vreg.gather [hbm4b:s3+s2], $0x80, v4, vm0, $0xb8;
	[tilespmem:$0x19200] =	vst v63  }
0x105: {  	_ = 	snop  }
0x106: {  	[tilespmem:s15], [sflag:$0x1] =	stream.indirect_vreg.gather [hbm4b:s3+s2], $0x80, v3, vm0, $0xb8;
	[tilespmem:$0x19200] =	vst v63  }
0x107: {  	v3 =	vld [tilespmem:s4+$0xA0];
	_ =	sdelay $0x4  }
0x108: {  	v62 =	vshll.u32 v3, $0x1  }
0x109: {  	v3 =	vand.u32 $0x7, v3;
	v4 =	vand.u32 $0xFFFFFFF0, v62  }
0x10a: {  	v3 =	vor.u32 v3, v4  }
0x10b: {  	v4 =	vperm.xlane v3, v0;
	_ =	sdelay $0x1  }
0x10c: {  	v3 =	vperm.xlane v3, v2;
	v4 =	vadd.s32 v1, v4;
	_ =	sdelay $0x1  }
0x10d: {  	v3 =	vadd.s32 v1, v3;
	_ =	sdelay $0x2  }
0x10e: {  	[tilespmem:s1], [sflag:$0x1] =	stream.indirect_vreg.gather [hbm4b:s3+s2], $0x80, v4, vm0, $0xb8;
	[tilespmem:$0x19200] =	vst v63  }
0x10f: {  	_ = 	snop  }
0x110: {  	[tilespmem:s16], [sflag:$0x1] =	stream.indirect_vreg.gather [hbm4b:s3+s2], $0x80, v3, vm0, $0xb8;
	[tilespmem:$0x19200] =	vst v63  }
0x111: {  	v3 =	vld [tilespmem:s4+$0xB0];
	_ =	sdelay $0x4  }
0x112: {  	v63 =	vshll.u32 v3, $0x1  }
0x113: {  	v3 =	vand.u32 $0x7, v3;
	v4 =	vand.u32 $0xFFFFFFF0, v63  }
0x114: {  	v3 =	vor.u32 v3, v4  }
0x115: {  	v4 =	vperm.xlane v3, v0;
	_ =	sdelay $0x1  }
0x116: {  	v3 =	vperm.xlane v3, v2;
	v4 =	vadd.s32 v1, v4;
	_ =	sdelay $0x1  }
0x117: {  	v3 =	vadd.s32 v1, v3;
	_ =	sdelay $0x2  }
0x118: {  	[tilespmem:s30], [sflag:$0x1] =	stream.indirect_vreg.gather [hbm4b:s3+s2], $0x80, v4, vm0, $0xb8;
	[tilespmem:$0x19200] =	vst v63  }
0x119: {  	_ = 	snop  }
0x11a: {  	[tilespmem:s28], [sflag:$0x1] =	stream.indirect_vreg.gather [hbm4b:s3+s2], $0x80, v3, vm0, $0xb8;
	[tilespmem:$0x19200] =	vst v63  }
0x11b: {  	_ =	swait.ge [sflag:s17], $0x8000  }
0x11c: {  	[sflag:s17] =	ssyncset.done $0x0  }
0x11d: {  	[sflag:s17] =	ssyncadd.s32 $0xFFFF8000  }
0x11e: {  	_ =	swait.ge [sflag:s17], $0x8000  }
0x11f: {  	[sflag:s17] =	ssyncset.done $0x0  }
0x120: {  	[sflag:s17] =	ssyncadd.s32 $0xFFFF8000  }
0x121: {  	_ =	swait.ge [sflag:s17], $0x8000  }
0x122: {  	s19 =	rddreg [dreg:$0x2];
	[sflag:s17] =	ssyncset.done $0x0  }
0x123: {  	[sflag:s17] =	ssyncadd.s32 $0xFFFF8000;
	s5 =	sadd.s32 s18, s19  }
0x124: {  	[hbm4b:s5+s2] =	stream.linear.scatter [tilespmem:s12], [sflag:$0x1], $0x8000, $0x38;
	[tilespmem:$0x19200] =	vst v63  }
0x125: {  	s19 =	sadd.s32 $0x1000, s5  }
0x126: {  	[hbm4b:s19+s2] =	stream.linear.scatter [tilespmem:s29], [sflag:$0x1], $0x8000, $0x38;
	[tilespmem:$0x19200] =	vst v63  }
0x127: {  	s5 =	sadd.s32 $0x2000, s5  }
0x128: {  	[hbm4b:s5+s2] =	stream.linear.scatter [tilespmem:s0], [sflag:$0x1], $0x8000, $0x38;
	[tilespmem:$0x19200] =	vst v63  }
0x129: {  	_ =	swait.ge [sflag:s17], $0x8000  }
0x12a: {  	[sflag:s17] =	ssyncset.done $0x0  }
0x12b: {  	[sflag:s17] =	ssyncadd.s32 $0xFFFF8000  }
0x12c: {  	p0 =	sne.s32 s18, $0xF000;
	_ =	swait.ge [sflag:s17], $0x8000  }
.Ltmp0:
0x12d: {  	[sflag:s17] =	ssyncset.done $0x0;
	(pc) =	sbr.rel @p0 .LBB2_2-.Ltmp0, $4  }
0x12e: {  	[sflag:s17] =	ssyncadd.s32 $0xFFFF8000  }
0x12f: {  	_ =	swait.ge [sflag:s17], $0x8000  }
0x130: {  	s4 =	sadd.s32 $0x180, s4;
	[sflag:s17] =	ssyncset.done $0x0  }
0x131: {  	s18 =	sadd.s32 $0x3000, s18;
	s19 =	simm.s32 $0x1200;
	[sflag:s17] =	ssyncadd.s32 $0xFFFF8000  }
0x132: {  	v3 =	vld [tilespmem:$0x900];
	_ =	sdelay $0x4  }
0x133: {  	v4 =	vshll.u32 v3, $0x1  }
0x134: {  	v3 =	vand.u32 $0x7, v3;
	v4 =	vand.u32 $0xFFFFFFF0, v4  }
0x135: {  	v3 =	vor.u32 v3, v4  }
0x136: {  	v4 =	vperm.xlane v3, v0;
	_ =	sdelay $0x1  }
0x137: {  	v3 =	vperm.xlane v3, v2;
	v4 =	vadd.s32 v1, v4;
	_ =	sdelay $0x1  }
0x138: {  	v3 =	vadd.s32 v1, v3;
	_ =	sdelay $0x1  }
0x139: {  	s4 =	simm.s32 $0x0  }
0x13a: {  	[tilespmem:s12], [sflag:$0x1] =	stream.indirect_vreg.gather [hbm4b:s3+s4], $0x80, v4, vm0, $0xb8;
	[tilespmem:$0x19200] =	vst v63  }
0x13b: {  	_ = 	snop  }
0x13c: {  	[tilespmem:s19], [sflag:$0x1] =	stream.indirect_vreg.gather [hbm4b:s3+s4], $0x80, v3, vm0, $0xb8;
	[tilespmem:$0x19200] =	vst v63  }
0x13d: {  	v3 =	vld [tilespmem:$0x910];
	_ =	sdelay $0x4  }
0x13e: {  	v56 =	vshll.u32 v3, $0x1  }
0x13f: {  	v3 =	vand.u32 $0x7, v3;
	v4 =	vand.u32 $0xFFFFFFF0, v56  }
0x140: {  	v3 =	vor.u32 v3, v4  }
0x141: {  	v4 =	vperm.xlane v3, v0;
	_ =	sdelay $0x1  }
0x142: {  	v3 =	vperm.xlane v3, v2;
	v4 =	vadd.s32 v1, v4;
	_ =	sdelay $0x1  }
0x143: {  	v3 =	vadd.s32 v1, v3;
	_ =	sdelay $0x1  }
0x144: {  	s5 =	simm.s32 $0x1A00  }
0x145: {  	[tilespmem:s5], [sflag:$0x1] =	stream.indirect_vreg.gather [hbm4b:s3+s4], $0x80, v4, vm0, $0xb8;
	[tilespmem:$0x19200] =	vst v63  }
0x146: {  	s18 =	simm.s32 $0x2200  }
0x147: {  	[tilespmem:s18], [sflag:$0x1] =	stream.indirect_vreg.gather [hbm4b:s3+s4], $0x80, v3, vm0, $0xb8;
	[tilespmem:$0x19200] =	vst v63  }
0x148: {  	v3 =	vld [tilespmem:$0x920];
	_ =	sdelay $0x4  }
0x149: {  	v57 =	vshll.u32 v3, $0x1  }
0x14a: {  	v3 =	vand.u32 $0x7, v3;
	v4 =	vand.u32 $0xFFFFFFF0, v57  }
0x14b: {  	v3 =	vor.u32 v3, v4  }
0x14c: {  	v4 =	vperm.xlane v3, v0;
	_ =	sdelay $0x1  }
0x14d: {  	v3 =	vperm.xlane v3, v2;
	v4 =	vadd.s32 v1, v4;
	_ =	sdelay $0x1  }
0x14e: {  	v3 =	vadd.s32 v1, v3;
	_ =	sdelay $0x1  }
0x14f: {  	s18 =	simm.s32 $0x2A00  }
0x150: {  	[tilespmem:s18], [sflag:$0x1] =	stream.indirect_vreg.gather [hbm4b:s3+s4], $0x80, v4, vm0, $0xb8;
	[tilespmem:$0x19200] =	vst v63  }
0x151: {  	s18 =	simm.s32 $0x3200  }
0x152: {  	[tilespmem:s18], [sflag:$0x1] =	stream.indirect_vreg.gather [hbm4b:s3+s4], $0x80, v3, vm0, $0xb8;
	[tilespmem:$0x19200] =	vst v63  }
0x153: {  	v3 =	vld [tilespmem:$0x930];
	_ =	sdelay $0x4  }
0x154: {  	v58 =	vshll.u32 v3, $0x1  }
0x155: {  	v3 =	vand.u32 $0x7, v3;
	v4 =	vand.u32 $0xFFFFFFF0, v58  }
0x156: {  	v3 =	vor.u32 v3, v4  }
0x157: {  	v4 =	vperm.xlane v3, v0;
	_ =	sdelay $0x1  }
0x158: {  	v3 =	vperm.xlane v3, v2;
	v4 =	vadd.s32 v1, v4;
	_ =	sdelay $0x1  }
0x159: {  	v3 =	vadd.s32 v1, v3;
	_ =	sdelay $0x1  }
0x15a: {  	s18 =	simm.s32 $0x3A00  }
0x15b: {  	[tilespmem:s18], [sflag:$0x1] =	stream.indirect_vreg.gather [hbm4b:s3+s4], $0x80, v4, vm0, $0xb8;
	[tilespmem:$0x19200] =	vst v63  }
0x15c: {  	s18 =	simm.s32 $0x4200  }
0x15d: {  	[tilespmem:s18], [sflag:$0x1] =	stream.indirect_vreg.gather [hbm4b:s3+s4], $0x80, v3, vm0, $0xb8;
	[tilespmem:$0x19200] =	vst v63  }
0x15e: {  	v3 =	vld [tilespmem:$0x940];
	_ =	sdelay $0x4  }
0x15f: {  	v59 =	vshll.u32 v3, $0x1  }
0x160: {  	v3 =	vand.u32 $0x7, v3;
	v4 =	vand.u32 $0xFFFFFFF0, v59  }
0x161: {  	v3 =	vor.u32 v3, v4  }
0x162: {  	v4 =	vperm.xlane v3, v0;
	_ =	sdelay $0x1  }
0x163: {  	v3 =	vperm.xlane v3, v2;
	v4 =	vadd.s32 v1, v4;
	_ =	sdelay $0x1  }
0x164: {  	v3 =	vadd.s32 v1, v3;
	_ =	sdelay $0x1  }
0x165: {  	s18 =	simm.s32 $0x4A00  }
0x166: {  	[tilespmem:s18], [sflag:$0x1] =	stream.indirect_vreg.gather [hbm4b:s3+s4], $0x80, v4, vm0, $0xb8;
	[tilespmem:$0x19200] =	vst v63  }
0x167: {  	s18 =	simm.s32 $0x5200  }
0x168: {  	[tilespmem:s18], [sflag:$0x1] =	stream.indirect_vreg.gather [hbm4b:s3+s4], $0x80, v3, vm0, $0xb8;
	[tilespmem:$0x19200] =	vst v63  }
0x169: {  	v3 =	vld [tilespmem:$0x950];
	_ =	sdelay $0x4  }
0x16a: {  	v60 =	vshll.u32 v3, $0x1  }
0x16b: {  	v3 =	vand.u32 $0x7, v3;
	v4 =	vand.u32 $0xFFFFFFF0, v60  }
0x16c: {  	v3 =	vor.u32 v3, v4  }
0x16d: {  	v4 =	vperm.xlane v3, v0;
	_ =	sdelay $0x1  }
0x16e: {  	v3 =	vperm.xlane v3, v2;
	v4 =	vadd.s32 v1, v4;
	_ =	sdelay $0x1  }
0x16f: {  	v3 =	vadd.s32 v1, v3;
	_ =	sdelay $0x1  }
0x170: {  	s18 =	simm.s32 $0x5A00  }
0x171: {  	[tilespmem:s18], [sflag:$0x1] =	stream.indirect_vreg.gather [hbm4b:s3+s4], $0x80, v4, vm0, $0xb8;
	[tilespmem:$0x19200] =	vst v63  }
0x172: {  	s18 =	simm.s32 $0x6200  }
0x173: {  	[tilespmem:s18], [sflag:$0x1] =	stream.indirect_vreg.gather [hbm4b:s3+s4], $0x80, v3, vm0, $0xb8;
	[tilespmem:$0x19200] =	vst v63  }
0x174: {  	v3 =	vld [tilespmem:$0x960];
	_ =	sdelay $0x4  }
0x175: {  	v61 =	vshll.u32 v3, $0x1  }
0x176: {  	v3 =	vand.u32 $0x7, v3;
	v4 =	vand.u32 $0xFFFFFFF0, v61  }
0x177: {  	v3 =	vor.u32 v3, v4  }
0x178: {  	v4 =	vperm.xlane v3, v0;
	_ =	sdelay $0x1  }
0x179: {  	v3 =	vperm.xlane v3, v2;
	v4 =	vadd.s32 v1, v4;
	_ =	sdelay $0x1  }
0x17a: {  	v3 =	vadd.s32 v1, v3;
	_ =	sdelay $0x1  }
0x17b: {  	s18 =	simm.s32 $0x6A00  }
0x17c: {  	[tilespmem:s18], [sflag:$0x1] =	stream.indirect_vreg.gather [hbm4b:s3+s4], $0x80, v4, vm0, $0xb8;
	[tilespmem:$0x19200] =	vst v63  }
0x17d: {  	s18 =	simm.s32 $0x7200  }
0x17e: {  	[tilespmem:s18], [sflag:$0x1] =	stream.indirect_vreg.gather [hbm4b:s3+s4], $0x80, v3, vm0, $0xb8;
	[tilespmem:$0x19200] =	vst v63  }
0x17f: {  	v3 =	vld [tilespmem:$0x970];
	_ =	sdelay $0x4  }
0x180: {  	v62 =	vshll.u32 v3, $0x1  }
0x181: {  	v3 =	vand.u32 $0x7, v3;
	v4 =	vand.u32 $0xFFFFFFF0, v62  }
0x182: {  	v3 =	vor.u32 v3, v4  }
0x183: {  	v4 =	vperm.xlane v3, v0;
	_ =	sdelay $0x1  }
0x184: {  	v3 =	vperm.xlane v3, v2;
	v4 =	vadd.s32 v1, v4;
	_ =	sdelay $0x1  }
0x185: {  	v3 =	vadd.s32 v1, v3;
	_ =	sdelay $0x1  }
0x186: {  	s18 =	simm.s32 $0x7A00  }
0x187: {  	[tilespmem:s18], [sflag:$0x1] =	stream.indirect_vreg.gather [hbm4b:s3+s4], $0x80, v4, vm0, $0xb8;
	[tilespmem:$0x19200] =	vst v63  }
0x188: {  	_ = 	snop  }
0x189: {  	[tilespmem:s13], [sflag:$0x1] =	stream.indirect_vreg.gather [hbm4b:s3+s4], $0x80, v3, vm0, $0xb8;
	[tilespmem:$0x19200] =	vst v63  }
0x18a: {  	_ =	swait.ge [sflag:s17], $0x8000  }
0x18b: {  	[sflag:s17] =	ssyncset.done $0x0  }
0x18c: {  	s18 =	rddreg [dreg:$0x5];
	[sflag:s17] =	ssyncadd.s32 $0xFFFF8000  }
0x18d: {  	[hbm4b:s18+s4] =	stream.linear.scatter [tilespmem:s12], [sflag:$0x1], $0x8000, $0x38;
	[tilespmem:$0x19200] =	vst v63  }
0x18e: {  	_ =	swait.ge [sflag:s17], $0x8000  }
0x18f: {  	[sflag:s17] =	ssyncset.done $0x0  }
0x190: {  	[sflag:s17] =	ssyncadd.s32 $0xFFFF8000  }
0x191: {  	v3 =	vld.msk [tilespmem:$0x980], $0xff;
	_ =	sdelay $0x4  }
0x192: {  	v63 =	vshll.u32 v3, $0x1  }
0x193: {  	v3 =	vand.u32 $0x7, v3;
	v4 =	vand.u32 $0xFFFFFFF0, v63  }
0x194: {  	v3 =	vor.u32 v3, v4  }
0x195: {  	v3 =	vperm.xlane v3, v0;
	_ =	sdelay $0x1  }
0x196: {  	v3 =	vadd.s32 v1, v3;
	_ =	sdelay $0x3  }
0x197: {  	s13 =	simm.s32 $0x18A00;
	s18 =	simm.s32 $0x2  }
0x198: {  	[tilespmem:s13], [sflag:$0x2] =	stream.indirect_vreg.gather [hbm4b:s3+s4], $0x80, v3, vm0, $0xb8;
	[tilespmem:$0x19200] =	vst v63  }
0x199: {  	_ =	swait.ge [sflag:s18], $0x800  }
0x19a: {  	[sflag:s18] =	ssyncset.done $0x0  }
0x19b: {  	s5 =	rddreg [dreg:$0x6];
	[sflag:s18] =	ssyncadd.s32 $0xFFFFF800  }
0x19c: {  	[hbm4b:s5+s4] =	stream.linear.scatter [tilespmem:s13], [sflag:$0x2], $0x800, $0x38;
	[tilespmem:$0x19200] =	vst v63  }
0x19d: {  	_ =	swait.ge [sflag:s18], $0x800  }
0x19e: {  	[sflag:s18] =	ssyncset.done $0x0  }
0x19f: {  	s5 =	rddreg [dreg:$0x7];
	[sflag:s18] =	ssyncadd.s32 $0xFFFFF800  }
0x1a0: {  	[tilespmem:s4], [sflag:$0x2] =	stream.linear.gather [hbm4b:s5+s4], $0x988, $0x38;
	[tilespmem:$0x19200] =	vst v63  }
0x1a1: {  	_ =	swait.ge [sflag:s18], $0x988  }
0x1a2: {  	[sflag:s18] =	ssyncset.done $0x0  }
0x1a3: {  	s13 =	simm.s32 $0x8200;
	[sflag:s18] =	ssyncadd.s32 $0xFFFFF678;
	s18 =	simm.s32 $0xC0  }
.LBB2_4:
0x1a4: {  	v3 =	vld [tilespmem:s18+$0xFFFFFF40];
	_ =	sdelay $0x4  }
0x1a5: {  	v4 =	vshll.u32 v3, $0x1  }
0x1a6: {  	v3 =	vand.u32 $0x7, v3;
	v4 =	vand.u32 $0xFFFFFFF0, v4  }
0x1a7: {  	v3 =	vor.u32 v3, v4  }
0x1a8: {  	v4 =	vperm.xlane v3, v0;
	_ =	sdelay $0x1  }
0x1a9: {  	v3 =	vperm.xlane v3, v2;
	v4 =	vadd.s32 v1, v4;
	_ =	sdelay $0x1  }
0x1aa: {  	v3 =	vadd.s32 v1, v3;
	_ =	sdelay $0x2  }
0x1ab: {  	[tilespmem:s12], [sflag:$0x1] =	stream.indirect_vreg.gather [hbm4b:s3+s2], $0x80, v4, vm0, $0xb8;
	[tilespmem:$0x19200] =	vst v63  }
0x1ac: {  	_ = 	snop  }
0x1ad: {  	[tilespmem:s19], [sflag:$0x1] =	stream.indirect_vreg.gather [hbm4b:s3+s2], $0x80, v3, vm0, $0xb8;
	[tilespmem:$0x19200] =	vst v63  }
0x1ae: {  	v3 =	vld [tilespmem:s18+$0xFFFFFF50];
	_ =	sdelay $0x4  }
0x1af: {  	v41 =	vshll.u32 v3, $0x1  }
0x1b0: {  	v3 =	vand.u32 $0x7, v3;
	v4 =	vand.u32 $0xFFFFFFF0, v41  }
0x1b1: {  	v3 =	vor.u32 v3, v4  }
0x1b2: {  	v4 =	vperm.xlane v3, v0;
	_ =	sdelay $0x1  }
0x1b3: {  	v3 =	vperm.xlane v3, v2;
	v4 =	vadd.s32 v1, v4;
	_ =	sdelay $0x1  }
0x1b4: {  	v3 =	vadd.s32 v1, v3;
	_ =	sdelay $0x1  }
0x1b5: {  	s5 =	simm.s32 $0x1A00  }
0x1b6: {  	[tilespmem:s5], [sflag:$0x1] =	stream.indirect_vreg.gather [hbm4b:s3+s2], $0x80, v4, vm0, $0xb8;
	[tilespmem:$0x19200] =	vst v63  }
0x1b7: {  	s19 =	simm.s32 $0x2200  }
0x1b8: {  	[tilespmem:s19], [sflag:$0x1] =	stream.indirect_vreg.gather [hbm4b:s3+s2], $0x80, v3, vm0, $0xb8;
	[tilespmem:$0x19200] =	vst v63  }
0x1b9: {  	v3 =	vld [tilespmem:s18+$0xFFFFFF60];
	_ =	sdelay $0x4  }
0x1ba: {  	v42 =	vshll.u32 v3, $0x1  }
0x1bb: {  	v3 =	vand.u32 $0x7, v3;
	v4 =	vand.u32 $0xFFFFFFF0, v42  }
0x1bc: {  	v3 =	vor.u32 v3, v4  }
0x1bd: {  	v4 =	vperm.xlane v3, v0;
	_ =	sdelay $0x1  }
0x1be: {  	v3 =	vperm.xlane v3, v2;
	v4 =	vadd.s32 v1, v4;
	_ =	sdelay $0x1  }
0x1bf: {  	v3 =	vadd.s32 v1, v3;
	_ =	sdelay $0x1  }
0x1c0: {  	s19 =	simm.s32 $0x2A00  }
0x1c1: {  	[tilespmem:s19], [sflag:$0x1] =	stream.indirect_vreg.gather [hbm4b:s3+s2], $0x80, v4, vm0, $0xb8;
	[tilespmem:$0x19200] =	vst v63  }
0x1c2: {  	s19 =	simm.s32 $0x3200  }
0x1c3: {  	[tilespmem:s19], [sflag:$0x1] =	stream.indirect_vreg.gather [hbm4b:s3+s2], $0x80, v3, vm0, $0xb8;
	[tilespmem:$0x19200] =	vst v63  }
0x1c4: {  	v3 =	vld [tilespmem:s18+$0xFFFFFF70];
	_ =	sdelay $0x4  }
0x1c5: {  	v43 =	vshll.u32 v3, $0x1  }
0x1c6: {  	v3 =	vand.u32 $0x7, v3;
	v4 =	vand.u32 $0xFFFFFFF0, v43  }
0x1c7: {  	v3 =	vor.u32 v3, v4  }
0x1c8: {  	v4 =	vperm.xlane v3, v0;
	_ =	sdelay $0x1  }
0x1c9: {  	v3 =	vperm.xlane v3, v2;
	v4 =	vadd.s32 v1, v4;
	_ =	sdelay $0x1  }
0x1ca: {  	v3 =	vadd.s32 v1, v3;
	_ =	sdelay $0x1  }
0x1cb: {  	s19 =	simm.s32 $0x3A00  }
0x1cc: {  	[tilespmem:s19], [sflag:$0x1] =	stream.indirect_vreg.gather [hbm4b:s3+s2], $0x80, v4, vm0, $0xb8;
	[tilespmem:$0x19200] =	vst v63  }
0x1cd: {  	s19 =	simm.s32 $0x4200  }
0x1ce: {  	[tilespmem:s19], [sflag:$0x1] =	stream.indirect_vreg.gather [hbm4b:s3+s2], $0x80, v3, vm0, $0xb8;
	[tilespmem:$0x19200] =	vst v63  }
0x1cf: {  	v3 =	vld [tilespmem:s18+$0xFFFFFF80];
	_ =	sdelay $0x4  }
0x1d0: {  	v44 =	vshll.u32 v3, $0x1  }
0x1d1: {  	v3 =	vand.u32 $0x7, v3;
	v4 =	vand.u32 $0xFFFFFFF0, v44  }
0x1d2: {  	v3 =	vor.u32 v3, v4  }
0x1d3: {  	v4 =	vperm.xlane v3, v0;
	_ =	sdelay $0x1  }
0x1d4: {  	v3 =	vperm.xlane v3, v2;
	v4 =	vadd.s32 v1, v4;
	_ =	sdelay $0x1  }
0x1d5: {  	v3 =	vadd.s32 v1, v3;
	_ =	sdelay $0x1  }
0x1d6: {  	s19 =	simm.s32 $0x4A00  }
0x1d7: {  	[tilespmem:s19], [sflag:$0x1] =	stream.indirect_vreg.gather [hbm4b:s3+s2], $0x80, v4, vm0, $0xb8;
	[tilespmem:$0x19200] =	vst v63  }
0x1d8: {  	s19 =	simm.s32 $0x5200  }
0x1d9: {  	[tilespmem:s19], [sflag:$0x1] =	stream.indirect_vreg.gather [hbm4b:s3+s2], $0x80, v3, vm0, $0xb8;
	[tilespmem:$0x19200] =	vst v63  }
0x1da: {  	v3 =	vld [tilespmem:s18+$0xFFFFFF90];
	_ =	sdelay $0x4  }
0x1db: {  	v45 =	vshll.u32 v3, $0x1  }
0x1dc: {  	v3 =	vand.u32 $0x7, v3;
	v4 =	vand.u32 $0xFFFFFFF0, v45  }
0x1dd: {  	v3 =	vor.u32 v3, v4  }
0x1de: {  	v4 =	vperm.xlane v3, v0;
	_ =	sdelay $0x1  }
0x1df: {  	v3 =	vperm.xlane v3, v2;
	v4 =	vadd.s32 v1, v4;
	_ =	sdelay $0x1  }
0x1e0: {  	v3 =	vadd.s32 v1, v3;
	_ =	sdelay $0x1  }
0x1e1: {  	s19 =	simm.s32 $0x5A00  }
0x1e2: {  	[tilespmem:s19], [sflag:$0x1] =	stream.indirect_vreg.gather [hbm4b:s3+s2], $0x80, v4, vm0, $0xb8;
	[tilespmem:$0x19200] =	vst v63  }
0x1e3: {  	s19 =	simm.s32 $0x6200  }
0x1e4: {  	[tilespmem:s19], [sflag:$0x1] =	stream.indirect_vreg.gather [hbm4b:s3+s2], $0x80, v3, vm0, $0xb8;
	[tilespmem:$0x19200] =	vst v63  }
0x1e5: {  	v3 =	vld [tilespmem:s18+$0xFFFFFFA0];
	_ =	sdelay $0x4  }
0x1e6: {  	v46 =	vshll.u32 v3, $0x1  }
0x1e7: {  	v3 =	vand.u32 $0x7, v3;
	v4 =	vand.u32 $0xFFFFFFF0, v46  }
0x1e8: {  	v3 =	vor.u32 v3, v4  }
0x1e9: {  	v4 =	vperm.xlane v3, v0;
	_ =	sdelay $0x1  }
0x1ea: {  	v3 =	vperm.xlane v3, v2;
	v4 =	vadd.s32 v1, v4;
	_ =	sdelay $0x1  }
0x1eb: {  	v3 =	vadd.s32 v1, v3;
	_ =	sdelay $0x1  }
0x1ec: {  	s19 =	simm.s32 $0x6A00  }
0x1ed: {  	[tilespmem:s19], [sflag:$0x1] =	stream.indirect_vreg.gather [hbm4b:s3+s2], $0x80, v4, vm0, $0xb8;
	[tilespmem:$0x19200] =	vst v63  }
0x1ee: {  	s19 =	simm.s32 $0x7200  }
0x1ef: {  	[tilespmem:s19], [sflag:$0x1] =	stream.indirect_vreg.gather [hbm4b:s3+s2], $0x80, v3, vm0, $0xb8;
	[tilespmem:$0x19200] =	vst v63  }
0x1f0: {  	v3 =	vld [tilespmem:s18+$0xFFFFFFB0];
	_ =	sdelay $0x4  }
0x1f1: {  	v47 =	vshll.u32 v3, $0x1  }
0x1f2: {  	v3 =	vand.u32 $0x7, v3;
	v4 =	vand.u32 $0xFFFFFFF0, v47  }
0x1f3: {  	v3 =	vor.u32 v3, v4  }
0x1f4: {  	v4 =	vperm.xlane v3, v0;
	_ =	sdelay $0x1  }
0x1f5: {  	v3 =	vperm.xlane v3, v2;
	v4 =	vadd.s32 v1, v4;
	_ =	sdelay $0x1  }
0x1f6: {  	v3 =	vadd.s32 v1, v3;
	_ =	sdelay $0x1  }
0x1f7: {  	s19 =	simm.s32 $0x7A00  }
0x1f8: {  	[tilespmem:s19], [sflag:$0x1] =	stream.indirect_vreg.gather [hbm4b:s3+s2], $0x80, v4, vm0, $0xb8;
	[tilespmem:$0x19200] =	vst v63  }
0x1f9: {  	_ = 	snop  }
0x1fa: {  	[tilespmem:s13], [sflag:$0x1] =	stream.indirect_vreg.gather [hbm4b:s3+s2], $0x80, v3, vm0, $0xb8;
	[tilespmem:$0x19200] =	vst v63  }
0x1fb: {  	v3 =	vld [tilespmem:s18+$0xFFFFFFC0];
	_ =	sdelay $0x4  }
0x1fc: {  	v48 =	vshll.u32 v3, $0x1  }
0x1fd: {  	v3 =	vand.u32 $0x7, v3;
	v4 =	vand.u32 $0xFFFFFFF0, v48  }
0x1fe: {  	v3 =	vor.u32 v3, v4  }
0x1ff: {  	v4 =	vperm.xlane v3, v0;
	_ =	sdelay $0x1  }
0x200: {  	v3 =	vperm.xlane v3, v2;
	v4 =	vadd.s32 v1, v4;
	_ =	sdelay $0x1  }
0x201: {  	v3 =	vadd.s32 v1, v3;
	_ =	sdelay $0x2  }
0x202: {  	[tilespmem:s29], [sflag:$0x1] =	stream.indirect_vreg.gather [hbm4b:s3+s2], $0x80, v4, vm0, $0xb8;
	[tilespmem:$0x19200] =	vst v63  }
0x203: {  	s19 =	simm.s32 $0x9200  }
0x204: {  	[tilespmem:s19], [sflag:$0x1] =	stream.indirect_vreg.gather [hbm4b:s3+s2], $0x80, v3, vm0, $0xb8;
	[tilespmem:$0x19200] =	vst v63  }
0x205: {  	v3 =	vld [tilespmem:s18+$0xFFFFFFD0];
	_ =	sdelay $0x4  }
0x206: {  	v49 =	vshll.u32 v3, $0x1  }
0x207: {  	v3 =	vand.u32 $0x7, v3;
	v4 =	vand.u32 $0xFFFFFFF0, v49  }
0x208: {  	v3 =	vor.u32 v3, v4  }
0x209: {  	v4 =	vperm.xlane v3, v0;
	_ =	sdelay $0x1  }
0x20a: {  	v3 =	vperm.xlane v3, v2;
	v4 =	vadd.s32 v1, v4;
	_ =	sdelay $0x1  }
0x20b: {  	v3 =	vadd.s32 v1, v3;
	_ =	sdelay $0x1  }
0x20c: {  	s19 =	simm.s32 $0x9A00  }
0x20d: {  	[tilespmem:s19], [sflag:$0x1] =	stream.indirect_vreg.gather [hbm4b:s3+s2], $0x80, v4, vm0, $0xb8;
	[tilespmem:$0x19200] =	vst v63  }
0x20e: {  	s19 =	simm.s32 $0xA200  }
0x20f: {  	[tilespmem:s19], [sflag:$0x1] =	stream.indirect_vreg.gather [hbm4b:s3+s2], $0x80, v3, vm0, $0xb8;
	[tilespmem:$0x19200] =	vst v63  }
0x210: {  	v3 =	vld [tilespmem:s18+$0xFFFFFFE0];
	_ =	sdelay $0x4  }
0x211: {  	v50 =	vshll.u32 v3, $0x1  }
0x212: {  	v3 =	vand.u32 $0x7, v3;
	v4 =	vand.u32 $0xFFFFFFF0, v50  }
0x213: {  	v3 =	vor.u32 v3, v4  }
0x214: {  	v4 =	vperm.xlane v3, v0;
	_ =	sdelay $0x1  }
0x215: {  	v3 =	vperm.xlane v3, v2;
	v4 =	vadd.s32 v1, v4;
	_ =	sdelay $0x1  }
0x216: {  	v3 =	vadd.s32 v1, v3;
	_ =	sdelay $0x1  }
0x217: {  	s19 =	simm.s32 $0xAA00  }
0x218: {  	[tilespmem:s19], [sflag:$0x1] =	stream.indirect_vreg.gather [hbm4b:s3+s2], $0x80, v4, vm0, $0xb8;
	[tilespmem:$0x19200] =	vst v63  }
0x219: {  	s19 =	simm.s32 $0xB200  }
0x21a: {  	[tilespmem:s19], [sflag:$0x1] =	stream.indirect_vreg.gather [hbm4b:s3+s2], $0x80, v3, vm0, $0xb8;
	[tilespmem:$0x19200] =	vst v63  }
0x21b: {  	v3 =	vld [tilespmem:s18+$0xFFFFFFF0];
	_ =	sdelay $0x4  }
0x21c: {  	v51 =	vshll.u32 v3, $0x1  }
0x21d: {  	v3 =	vand.u32 $0x7, v3;
	v4 =	vand.u32 $0xFFFFFFF0, v51  }
0x21e: {  	v3 =	vor.u32 v3, v4  }
0x21f: {  	v4 =	vperm.xlane v3, v0;
	_ =	sdelay $0x1  }
0x220: {  	v3 =	vperm.xlane v3, v2;
	v4 =	vadd.s32 v1, v4;
	_ =	sdelay $0x1  }
0x221: {  	v3 =	vadd.s32 v1, v3;
	_ =	sdelay $0x1  }
0x222: {  	s19 =	simm.s32 $0xBA00  }
0x223: {  	[tilespmem:s19], [sflag:$0x1] =	stream.indirect_vreg.gather [hbm4b:s3+s2], $0x80, v4, vm0, $0xb8;
	[tilespmem:$0x19200] =	vst v63  }
0x224: {  	s19 =	simm.s32 $0xC200  }
0x225: {  	[tilespmem:s19], [sflag:$0x1] =	stream.indirect_vreg.gather [hbm4b:s3+s2], $0x80, v3, vm0, $0xb8;
	[tilespmem:$0x19200] =	vst v63  }
0x226: {  	v3 =	vld [tilespmem:s18+$0x0];
	_ =	sdelay $0x4  }
0x227: {  	v52 =	vshll.u32 v3, $0x1  }
0x228: {  	v3 =	vand.u32 $0x7, v3;
	v4 =	vand.u32 $0xFFFFFFF0, v52  }
0x229: {  	v3 =	vor.u32 v3, v4  }
0x22a: {  	v4 =	vperm.xlane v3, v0;
	_ =	sdelay $0x1  }
0x22b: {  	v3 =	vperm.xlane v3, v2;
	v4 =	vadd.s32 v1, v4;
	_ =	sdelay $0x1  }
0x22c: {  	v3 =	vadd.s32 v1, v3;
	_ =	sdelay $0x1  }
0x22d: {  	s19 =	simm.s32 $0xCA00  }
0x22e: {  	[tilespmem:s19], [sflag:$0x1] =	stream.indirect_vreg.gather [hbm4b:s3+s2], $0x80, v4, vm0, $0xb8;
	[tilespmem:$0x19200] =	vst v63  }
0x22f: {  	s19 =	simm.s32 $0xD200  }
0x230: {  	[tilespmem:s19], [sflag:$0x1] =	stream.indirect_vreg.gather [hbm4b:s3+s2], $0x80, v3, vm0, $0xb8;
	[tilespmem:$0x19200] =	vst v63  }
0x231: {  	v3 =	vld [tilespmem:s18+$0x10];
	_ =	sdelay $0x4  }
0x232: {  	v53 =	vshll.u32 v3, $0x1  }
0x233: {  	v3 =	vand.u32 $0x7, v3;
	v4 =	vand.u32 $0xFFFFFFF0, v53  }
0x234: {  	v3 =	vor.u32 v3, v4  }
0x235: {  	v4 =	vperm.xlane v3, v0;
	_ =	sdelay $0x1  }
0x236: {  	v3 =	vperm.xlane v3, v2;
	v4 =	vadd.s32 v1, v4;
	_ =	sdelay $0x1  }
0x237: {  	v3 =	vadd.s32 v1, v3;
	_ =	sdelay $0x1  }
0x238: {  	s19 =	simm.s32 $0xDA00  }
0x239: {  	[tilespmem:s19], [sflag:$0x1] =	stream.indirect_vreg.gather [hbm4b:s3+s2], $0x80, v4, vm0, $0xb8;
	[tilespmem:$0x19200] =	vst v63  }
0x23a: {  	_ = 	snop  }
0x23b: {  	[tilespmem:s11], [sflag:$0x1] =	stream.indirect_vreg.gather [hbm4b:s3+s2], $0x80, v3, vm0, $0xb8;
	[tilespmem:$0x19200] =	vst v63  }
0x23c: {  	v3 =	vld [tilespmem:s18+$0x20];
	_ =	sdelay $0x4  }
0x23d: {  	v54 =	vshll.u32 v3, $0x1  }
0x23e: {  	v3 =	vand.u32 $0x7, v3;
	v4 =	vand.u32 $0xFFFFFFF0, v54  }
0x23f: {  	v3 =	vor.u32 v3, v4  }
0x240: {  	v4 =	vperm.xlane v3, v0;
	_ =	sdelay $0x1  }
0x241: {  	v3 =	vperm.xlane v3, v2;
	v4 =	vadd.s32 v1, v4;
	_ =	sdelay $0x1  }
0x242: {  	v3 =	vadd.s32 v1, v3;
	_ =	sdelay $0x2  }
0x243: {  	[tilespmem:s24], [sflag:$0x1] =	stream.indirect_vreg.gather [hbm4b:s3+s2], $0x80, v4, vm0, $0xb8;
	[tilespmem:$0x19200] =	vst v63  }
0x244: {  	_ = 	snop  }
0x245: {  	[tilespmem:s10], [sflag:$0x1] =	stream.indirect_vreg.gather [hbm4b:s3+s2], $0x80, v3, vm0, $0xb8;
	[tilespmem:$0x19200] =	vst v63  }
0x246: {  	v3 =	vld [tilespmem:s18+$0x30];
	_ =	sdelay $0x4  }
0x247: {  	v55 =	vshll.u32 v3, $0x1  }
0x248: {  	v3 =	vand.u32 $0x7, v3;
	v4 =	vand.u32 $0xFFFFFFF0, v55  }
0x249: {  	v3 =	vor.u32 v3, v4  }
0x24a: {  	v4 =	vperm.xlane v3, v0;
	_ =	sdelay $0x1  }
0x24b: {  	v3 =	vperm.xlane v3, v2;
	v4 =	vadd.s32 v1, v4;
	_ =	sdelay $0x1  }
0x24c: {  	v3 =	vadd.s32 v1, v3;
	_ =	sdelay $0x2  }
0x24d: {  	[tilespmem:s23], [sflag:$0x1] =	stream.indirect_vreg.gather [hbm4b:s3+s2], $0x80, v4, vm0, $0xb8;
	[tilespmem:$0x19200] =	vst v63  }
0x24e: {  	_ = 	snop  }
0x24f: {  	[tilespmem:s9], [sflag:$0x1] =	stream.indirect_vreg.gather [hbm4b:s3+s2], $0x80, v3, vm0, $0xb8;
	[tilespmem:$0x19200] =	vst v63  }
0x250: {  	v3 =	vld [tilespmem:s18+$0x40];
	_ =	sdelay $0x4  }
0x251: {  	v56 =	vshll.u32 v3, $0x1  }
0x252: {  	v3 =	vand.u32 $0x7, v3;
	v4 =	vand.u32 $0xFFFFFFF0, v56  }
0x253: {  	v3 =	vor.u32 v3, v4  }
0x254: {  	v4 =	vperm.xlane v3, v0;
	_ =	sdelay $0x1  }
0x255: {  	v3 =	vperm.xlane v3, v2;
	v4 =	vadd.s32 v1, v4;
	_ =	sdelay $0x1  }
0x256: {  	v3 =	vadd.s32 v1, v3;
	_ =	sdelay $0x2  }
0x257: {  	[tilespmem:s0], [sflag:$0x1] =	stream.indirect_vreg.gather [hbm4b:s3+s2], $0x80, v4, vm0, $0xb8;
	[tilespmem:$0x19200] =	vst v63  }
0x258: {  	_ = 	snop  }
0x259: {  	[tilespmem:s22], [sflag:$0x1] =	stream.indirect_vreg.gather [hbm4b:s3+s2], $0x80, v3, vm0, $0xb8;
	[tilespmem:$0x19200] =	vst v63  }
0x25a: {  	v3 =	vld [tilespmem:s18+$0x50];
	_ =	sdelay $0x4  }
0x25b: {  	v57 =	vshll.u32 v3, $0x1  }
0x25c: {  	v3 =	vand.u32 $0x7, v3;
	v4 =	vand.u32 $0xFFFFFFF0, v57  }
0x25d: {  	v3 =	vor.u32 v3, v4  }
0x25e: {  	v4 =	vperm.xlane v3, v0;
	_ =	sdelay $0x1  }
0x25f: {  	v3 =	vperm.xlane v3, v2;
	v4 =	vadd.s32 v1, v4;
	_ =	sdelay $0x1  }
0x260: {  	v3 =	vadd.s32 v1, v3;
	_ =	sdelay $0x2  }
0x261: {  	[tilespmem:s8], [sflag:$0x1] =	stream.indirect_vreg.gather [hbm4b:s3+s2], $0x80, v4, vm0, $0xb8;
	[tilespmem:$0x19200] =	vst v63  }
0x262: {  	_ = 	snop  }
0x263: {  	[tilespmem:s21], [sflag:$0x1] =	stream.indirect_vreg.gather [hbm4b:s3+s2], $0x80, v3, vm0, $0xb8;
	[tilespmem:$0x19200] =	vst v63  }
0x264: {  	v3 =	vld [tilespmem:s18+$0x60];
	_ =	sdelay $0x4  }
0x265: {  	v58 =	vshll.u32 v3, $0x1  }
0x266: {  	v3 =	vand.u32 $0x7, v3;
	v4 =	vand.u32 $0xFFFFFFF0, v58  }
0x267: {  	v3 =	vor.u32 v3, v4  }
0x268: {  	v4 =	vperm.xlane v3, v0;
	_ =	sdelay $0x1  }
0x269: {  	v3 =	vperm.xlane v3, v2;
	v4 =	vadd.s32 v1, v4;
	_ =	sdelay $0x1  }
0x26a: {  	v3 =	vadd.s32 v1, v3;
	_ =	sdelay $0x2  }
0x26b: {  	[tilespmem:s7], [sflag:$0x1] =	stream.indirect_vreg.gather [hbm4b:s3+s2], $0x80, v4, vm0, $0xb8;
	[tilespmem:$0x19200] =	vst v63  }
0x26c: {  	_ = 	snop  }
0x26d: {  	[tilespmem:s20], [sflag:$0x1] =	stream.indirect_vreg.gather [hbm4b:s3+s2], $0x80, v3, vm0, $0xb8;
	[tilespmem:$0x19200] =	vst v63  }
0x26e: {  	v3 =	vld [tilespmem:s18+$0x70];
	_ =	sdelay $0x4  }
0x26f: {  	v59 =	vshll.u32 v3, $0x1  }
0x270: {  	v3 =	vand.u32 $0x7, v3;
	v4 =	vand.u32 $0xFFFFFFF0, v59  }
0x271: {  	v3 =	vor.u32 v3, v4  }
0x272: {  	v4 =	vperm.xlane v3, v0;
	_ =	sdelay $0x1  }
0x273: {  	v3 =	vperm.xlane v3, v2;
	v4 =	vadd.s32 v1, v4;
	_ =	sdelay $0x1  }
0x274: {  	v3 =	vadd.s32 v1, v3;
	_ =	sdelay $0x2  }
0x275: {  	[tilespmem:s6], [sflag:$0x1] =	stream.indirect_vreg.gather [hbm4b:s3+s2], $0x80, v4, vm0, $0xb8;
	[tilespmem:$0x19200] =	vst v63  }
0x276: {  	_ = 	snop  }
0x277: {  	[tilespmem:s25], [sflag:$0x1] =	stream.indirect_vreg.gather [hbm4b:s3+s2], $0x80, v3, vm0, $0xb8;
	[tilespmem:$0x19200] =	vst v63  }
0x278: {  	v3 =	vld [tilespmem:s18+$0x80];
	_ =	sdelay $0x4  }
0x279: {  	v60 =	vshll.u32 v3, $0x1  }
0x27a: {  	v3 =	vand.u32 $0x7, v3;
	v4 =	vand.u32 $0xFFFFFFF0, v60  }
0x27b: {  	v3 =	vor.u32 v3, v4  }
0x27c: {  	v4 =	vperm.xlane v3, v0;
	_ =	sdelay $0x1  }
0x27d: {  	v3 =	vperm.xlane v3, v2;
	v4 =	vadd.s32 v1, v4;
	_ =	sdelay $0x1  }
0x27e: {  	v3 =	vadd.s32 v1, v3;
	_ =	sdelay $0x2  }
0x27f: {  	[tilespmem:s26], [sflag:$0x1] =	stream.indirect_vreg.gather [hbm4b:s3+s2], $0x80, v4, vm0, $0xb8;
	[tilespmem:$0x19200] =	vst v63  }
0x280: {  	_ = 	snop  }
0x281: {  	[tilespmem:s14], [sflag:$0x1] =	stream.indirect_vreg.gather [hbm4b:s3+s2], $0x80, v3, vm0, $0xb8;
	[tilespmem:$0x19200] =	vst v63  }
0x282: {  	v3 =	vld [tilespmem:s18+$0x90];
	_ =	sdelay $0x4  }
0x283: {  	v61 =	vshll.u32 v3, $0x1  }
0x284: {  	v3 =	vand.u32 $0x7, v3;
	v4 =	vand.u32 $0xFFFFFFF0, v61  }
0x285: {  	v3 =	vor.u32 v3, v4  }
0x286: {  	v4 =	vperm.xlane v3, v0;
	_ =	sdelay $0x1  }
0x287: {  	v3 =	vperm.xlane v3, v2;
	v4 =	vadd.s32 v1, v4;
	_ =	sdelay $0x1  }
0x288: {  	v3 =	vadd.s32 v1, v3;
	_ =	sdelay $0x2  }
0x289: {  	[tilespmem:s31], [sflag:$0x1] =	stream.indirect_vreg.gather [hbm4b:s3+s2], $0x80, v4, vm0, $0xb8;
	[tilespmem:$0x19200] =	vst v63  }
0x28a: {  	_ = 	snop  }
0x28b: {  	[tilespmem:s15], [sflag:$0x1] =	stream.indirect_vreg.gather [hbm4b:s3+s2], $0x80, v3, vm0, $0xb8;
	[tilespmem:$0x19200] =	vst v63  }
0x28c: {  	v3 =	vld [tilespmem:s18+$0xA0];
	_ =	sdelay $0x4  }
0x28d: {  	v62 =	vshll.u32 v3, $0x1  }
0x28e: {  	v3 =	vand.u32 $0x7, v3;
	v4 =	vand.u32 $0xFFFFFFF0, v62  }
0x28f: {  	v3 =	vor.u32 v3, v4  }
0x290: {  	v4 =	vperm.xlane v3, v0;
	_ =	sdelay $0x1  }
0x291: {  	v3 =	vperm.xlane v3, v2;
	v4 =	vadd.s32 v1, v4;
	_ =	sdelay $0x1  }
0x292: {  	v3 =	vadd.s32 v1, v3;
	_ =	sdelay $0x2  }
0x293: {  	[tilespmem:s1], [sflag:$0x1] =	stream.indirect_vreg.gather [hbm4b:s3+s2], $0x80, v4, vm0, $0xb8;
	[tilespmem:$0x19200] =	vst v63  }
0x294: {  	_ = 	snop  }
0x295: {  	[tilespmem:s16], [sflag:$0x1] =	stream.indirect_vreg.gather [hbm4b:s3+s2], $0x80, v3, vm0, $0xb8;
	[tilespmem:$0x19200] =	vst v63  }
0x296: {  	v3 =	vld [tilespmem:s18+$0xB0];
	_ =	sdelay $0x4  }
0x297: {  	v63 =	vshll.u32 v3, $0x1  }
0x298: {  	v3 =	vand.u32 $0x7, v3;
	v4 =	vand.u32 $0xFFFFFFF0, v63  }
0x299: {  	v3 =	vor.u32 v3, v4  }
0x29a: {  	v4 =	vperm.xlane v3, v0;
	_ =	sdelay $0x1  }
0x29b: {  	v3 =	vperm.xlane v3, v2;
	v4 =	vadd.s32 v1, v4;
	_ =	sdelay $0x1  }
0x29c: {  	v3 =	vadd.s32 v1, v3;
	_ =	sdelay $0x2  }
0x29d: {  	[tilespmem:s30], [sflag:$0x1] =	stream.indirect_vreg.gather [hbm4b:s3+s2], $0x80, v4, vm0, $0xb8;
	[tilespmem:$0x19200] =	vst v63  }
0x29e: {  	_ = 	snop  }
0x29f: {  	[tilespmem:s28], [sflag:$0x1] =	stream.indirect_vreg.gather [hbm4b:s3+s2], $0x80, v3, vm0, $0xb8;
	[tilespmem:$0x19200] =	vst v63  }
0x2a0: {  	_ =	swait.ge [sflag:s17], $0x8000  }
0x2a1: {  	[sflag:s17] =	ssyncset.done $0x0  }
0x2a2: {  	[sflag:s17] =	ssyncadd.s32 $0xFFFF8000  }
0x2a3: {  	_ =	swait.ge [sflag:s17], $0x8000  }
0x2a4: {  	[sflag:s17] =	ssyncset.done $0x0  }
0x2a5: {  	[sflag:s17] =	ssyncadd.s32 $0xFFFF8000  }
0x2a6: {  	_ =	swait.ge [sflag:s17], $0x8000  }
0x2a7: {  	s19 =	rddreg [dreg:$0x3];
	[sflag:s17] =	ssyncset.done $0x0  }
0x2a8: {  	[sflag:s17] =	ssyncadd.s32 $0xFFFF8000;
	s5 =	sadd.s32 s4, s19  }
0x2a9: {  	[hbm4b:s5+s2] =	stream.linear.scatter [tilespmem:s12], [sflag:$0x1], $0x8000, $0x38;
	[tilespmem:$0x19200] =	vst v63  }
0x2aa: {  	s19 =	sadd.s32 $0x1000, s5  }
0x2ab: {  	[hbm4b:s19+s2] =	stream.linear.scatter [tilespmem:s29], [sflag:$0x1], $0x8000, $0x38;
	[tilespmem:$0x19200] =	vst v63  }
0x2ac: {  	s5 =	sadd.s32 $0x2000, s5  }
0x2ad: {  	[hbm4b:s5+s2] =	stream.linear.scatter [tilespmem:s0], [sflag:$0x1], $0x8000, $0x38;
	[tilespmem:$0x19200] =	vst v63  }
0x2ae: {  	_ =	swait.ge [sflag:s17], $0x8000  }
0x2af: {  	[sflag:s17] =	ssyncset.done $0x0  }
0x2b0: {  	[sflag:s17] =	ssyncadd.s32 $0xFFFF8000  }
0x2b1: {  	p0 =	sne.s32 s4, $0xF000;
	_ =	swait.ge [sflag:s17], $0x8000  }
.Ltmp1:
0x2b2: {  	[sflag:s17] =	ssyncset.done $0x0;
	(pc) =	sbr.rel @p0 .LBB2_4-.Ltmp1, $4  }
0x2b3: {  	[sflag:s17] =	ssyncadd.s32 $0xFFFF8000  }
0x2b4: {  	_ =	swait.ge [sflag:s17], $0x8000  }
0x2b5: {  	s18 =	sadd.s32 $0x180, s18;
	[sflag:s17] =	ssyncset.done $0x0  }
0x2b6: {  	s4 =	sadd.s32 $0x3000, s4;
	s19 =	simm.s32 $0x1200;
	[sflag:s17] =	ssyncadd.s32 $0xFFFF8000  }
0x2b7: {  	v3 =	vld [tilespmem:$0x900];
	_ =	sdelay $0x4  }
0x2b8: {  	v4 =	vshll.u32 v3, $0x1  }
0x2b9: {  	v3 =	vand.u32 $0x7, v3;
	v4 =	vand.u32 $0xFFFFFFF0, v4  }
0x2ba: {  	v3 =	vor.u32 v3, v4  }
0x2bb: {  	v4 =	vperm.xlane v3, v0;
	_ =	sdelay $0x1  }
0x2bc: {  	v3 =	vperm.xlane v3, v2;
	v4 =	vadd.s32 v1, v4;
	_ =	sdelay $0x1  }
0x2bd: {  	v3 =	vadd.s32 v1, v3;
	_ =	sdelay $0x2  }
0x2be: {  	[tilespmem:s12], [sflag:$0x1] =	stream.indirect_vreg.gather [hbm4b:s3+s2], $0x80, v4, vm0, $0xb8;
	[tilespmem:$0x19200] =	vst v63  }
0x2bf: {  	_ = 	snop  }
0x2c0: {  	[tilespmem:s19], [sflag:$0x1] =	stream.indirect_vreg.gather [hbm4b:s3+s2], $0x80, v3, vm0, $0xb8;
	[tilespmem:$0x19200] =	vst v63  }
0x2c1: {  	v3 =	vld [tilespmem:$0x910];
	_ =	sdelay $0x4  }
0x2c2: {  	v56 =	vshll.u32 v3, $0x1  }
0x2c3: {  	v3 =	vand.u32 $0x7, v3;
	v4 =	vand.u32 $0xFFFFFFF0, v56  }
0x2c4: {  	v3 =	vor.u32 v3, v4  }
0x2c5: {  	v4 =	vperm.xlane v3, v0;
	_ =	sdelay $0x1  }
0x2c6: {  	v3 =	vperm.xlane v3, v2;
	v4 =	vadd.s32 v1, v4;
	_ =	sdelay $0x1  }
0x2c7: {  	v3 =	vadd.s32 v1, v3;
	_ =	sdelay $0x1  }
0x2c8: {  	s1 =	simm.s32 $0x1A00  }
0x2c9: {  	[tilespmem:s1], [sflag:$0x1] =	stream.indirect_vreg.gather [hbm4b:s3+s2], $0x80, v4, vm0, $0xb8;
	[tilespmem:$0x19200] =	vst v63  }
0x2ca: {  	s18 =	simm.s32 $0x2200  }
0x2cb: {  	[tilespmem:s18], [sflag:$0x1] =	stream.indirect_vreg.gather [hbm4b:s3+s2], $0x80, v3, vm0, $0xb8;
	[tilespmem:$0x19200] =	vst v63  }
0x2cc: {  	v3 =	vld [tilespmem:$0x920];
	_ =	sdelay $0x4  }
0x2cd: {  	v57 =	vshll.u32 v3, $0x1  }
0x2ce: {  	v3 =	vand.u32 $0x7, v3;
	v4 =	vand.u32 $0xFFFFFFF0, v57  }
0x2cf: {  	v3 =	vor.u32 v3, v4  }
0x2d0: {  	v4 =	vperm.xlane v3, v0;
	_ =	sdelay $0x1  }
0x2d1: {  	v3 =	vperm.xlane v3, v2;
	v4 =	vadd.s32 v1, v4;
	_ =	sdelay $0x1  }
0x2d2: {  	v3 =	vadd.s32 v1, v3;
	_ =	sdelay $0x1  }
0x2d3: {  	s4 =	simm.s32 $0x2A00  }
0x2d4: {  	[tilespmem:s4], [sflag:$0x1] =	stream.indirect_vreg.gather [hbm4b:s3+s2], $0x80, v4, vm0, $0xb8;
	[tilespmem:$0x19200] =	vst v63  }
0x2d5: {  	s5 =	simm.s32 $0x3200  }
0x2d6: {  	[tilespmem:s5], [sflag:$0x1] =	stream.indirect_vreg.gather [hbm4b:s3+s2], $0x80, v3, vm0, $0xb8;
	[tilespmem:$0x19200] =	vst v63  }
0x2d7: {  	v3 =	vld [tilespmem:$0x930];
	_ =	sdelay $0x4  }
0x2d8: {  	v58 =	vshll.u32 v3, $0x1  }
0x2d9: {  	v3 =	vand.u32 $0x7, v3;
	v4 =	vand.u32 $0xFFFFFFF0, v58  }
0x2da: {  	v3 =	vor.u32 v3, v4  }
0x2db: {  	v4 =	vperm.xlane v3, v0;
	_ =	sdelay $0x1  }
0x2dc: {  	v3 =	vperm.xlane v3, v2;
	v4 =	vadd.s32 v1, v4;
	_ =	sdelay $0x1  }
0x2dd: {  	v3 =	vadd.s32 v1, v3;
	_ =	sdelay $0x1  }
0x2de: {  	s18 =	simm.s32 $0x3A00  }
0x2df: {  	[tilespmem:s18], [sflag:$0x1] =	stream.indirect_vreg.gather [hbm4b:s3+s2], $0x80, v4, vm0, $0xb8;
	[tilespmem:$0x19200] =	vst v63  }
0x2e0: {  	s4 =	simm.s32 $0x4200  }
0x2e1: {  	[tilespmem:s4], [sflag:$0x1] =	stream.indirect_vreg.gather [hbm4b:s3+s2], $0x80, v3, vm0, $0xb8;
	[tilespmem:$0x19200] =	vst v63  }
0x2e2: {  	v3 =	vld [tilespmem:$0x940];
	_ =	sdelay $0x4  }
0x2e3: {  	v59 =	vshll.u32 v3, $0x1  }
0x2e4: {  	v3 =	vand.u32 $0x7, v3;
	v4 =	vand.u32 $0xFFFFFFF0, v59  }
0x2e5: {  	v3 =	vor.u32 v3, v4  }
0x2e6: {  	v4 =	vperm.xlane v3, v0;
	_ =	sdelay $0x1  }
0x2e7: {  	v3 =	vperm.xlane v3, v2;
	v4 =	vadd.s32 v1, v4;
	_ =	sdelay $0x1  }
0x2e8: {  	v3 =	vadd.s32 v1, v3;
	_ =	sdelay $0x1  }
0x2e9: {  	s5 =	simm.s32 $0x4A00  }
0x2ea: {  	[tilespmem:s5], [sflag:$0x1] =	stream.indirect_vreg.gather [hbm4b:s3+s2], $0x80, v4, vm0, $0xb8;
	[tilespmem:$0x19200] =	vst v63  }
0x2eb: {  	s18 =	simm.s32 $0x5200  }
0x2ec: {  	[tilespmem:s18], [sflag:$0x1] =	stream.indirect_vreg.gather [hbm4b:s3+s2], $0x80, v3, vm0, $0xb8;
	[tilespmem:$0x19200] =	vst v63  }
0x2ed: {  	v3 =	vld [tilespmem:$0x950];
	_ =	sdelay $0x4  }
0x2ee: {  	v60 =	vshll.u32 v3, $0x1  }
0x2ef: {  	v3 =	vand.u32 $0x7, v3;
	v4 =	vand.u32 $0xFFFFFFF0, v60  }
0x2f0: {  	v3 =	vor.u32 v3, v4  }
0x2f1: {  	v4 =	vperm.xlane v3, v0;
	_ =	sdelay $0x1  }
0x2f2: {  	v3 =	vperm.xlane v3, v2;
	v4 =	vadd.s32 v1, v4;
	_ =	sdelay $0x1  }
0x2f3: {  	v3 =	vadd.s32 v1, v3;
	_ =	sdelay $0x1  }
0x2f4: {  	s4 =	simm.s32 $0x5A00  }
0x2f5: {  	[tilespmem:s4], [sflag:$0x1] =	stream.indirect_vreg.gather [hbm4b:s3+s2], $0x80, v4, vm0, $0xb8;
	[tilespmem:$0x19200] =	vst v63  }
0x2f6: {  	s5 =	simm.s32 $0x6200  }
0x2f7: {  	[tilespmem:s5], [sflag:$0x1] =	stream.indirect_vreg.gather [hbm4b:s3+s2], $0x80, v3, vm0, $0xb8;
	[tilespmem:$0x19200] =	vst v63  }
0x2f8: {  	v3 =	vld [tilespmem:$0x960];
	_ =	sdelay $0x4  }
0x2f9: {  	v61 =	vshll.u32 v3, $0x1  }
0x2fa: {  	v3 =	vand.u32 $0x7, v3;
	v4 =	vand.u32 $0xFFFFFFF0, v61  }
0x2fb: {  	v3 =	vor.u32 v3, v4  }
0x2fc: {  	v4 =	vperm.xlane v3, v0;
	_ =	sdelay $0x1  }
0x2fd: {  	v3 =	vperm.xlane v3, v2;
	v4 =	vadd.s32 v1, v4;
	_ =	sdelay $0x1  }
0x2fe: {  	v3 =	vadd.s32 v1, v3;
	_ =	sdelay $0x1  }
0x2ff: {  	s18 =	simm.s32 $0x6A00  }
0x300: {  	[tilespmem:s18], [sflag:$0x1] =	stream.indirect_vreg.gather [hbm4b:s3+s2], $0x80, v4, vm0, $0xb8;
	[tilespmem:$0x19200] =	vst v63  }
0x301: {  	s4 =	simm.s32 $0x7200  }
0x302: {  	[tilespmem:s4], [sflag:$0x1] =	stream.indirect_vreg.gather [hbm4b:s3+s2], $0x80, v3, vm0, $0xb8;
	[tilespmem:$0x19200] =	vst v63  }
0x303: {  	v3 =	vld [tilespmem:$0x970];
	_ =	sdelay $0x4  }
0x304: {  	v62 =	vshll.u32 v3, $0x1  }
0x305: {  	v3 =	vand.u32 $0x7, v3;
	v4 =	vand.u32 $0xFFFFFFF0, v62  }
0x306: {  	v3 =	vor.u32 v3, v4  }
0x307: {  	v4 =	vperm.xlane v3, v0;
	_ =	sdelay $0x1  }
0x308: {  	v3 =	vperm.xlane v3, v2;
	v4 =	vadd.s32 v1, v4;
	_ =	sdelay $0x1  }
0x309: {  	v3 =	vadd.s32 v1, v3;
	_ =	sdelay $0x1  }
0x30a: {  	s5 =	simm.s32 $0x7A00  }
0x30b: {  	[tilespmem:s5], [sflag:$0x1] =	stream.indirect_vreg.gather [hbm4b:s3+s2], $0x80, v4, vm0, $0xb8;
	[tilespmem:$0x19200] =	vst v63  }
0x30c: {  	_ = 	snop  }
0x30d: {  	[tilespmem:s13], [sflag:$0x1] =	stream.indirect_vreg.gather [hbm4b:s3+s2], $0x80, v3, vm0, $0xb8;
	[tilespmem:$0x19200] =	vst v63  }
0x30e: {  	_ =	swait.ge [sflag:s17], $0x8000  }
0x30f: {  	[sflag:s17] =	ssyncset.done $0x0  }
0x310: {  	s4 =	rddreg [dreg:$0x8];
	[sflag:s17] =	ssyncadd.s32 $0xFFFF8000  }
0x311: {  	[hbm4b:s4+s2] =	stream.linear.scatter [tilespmem:s12], [sflag:$0x1], $0x8000, $0x38;
	[tilespmem:$0x19200] =	vst v63  }
0x312: {  	_ =	swait.ge [sflag:s17], $0x8000  }
0x313: {  	[sflag:s17] =	ssyncset.done $0x0  }
0x314: {  	[sflag:s17] =	ssyncadd.s32 $0xFFFF8000  }
0x315: {  	v3 =	vld.msk [tilespmem:$0x980], $0xff;
	_ =	sdelay $0x4  }
0x316: {  	v63 =	vshll.u32 v3, $0x1  }
0x317: {  	v3 =	vand.u32 $0x7, v3;
	v4 =	vand.u32 $0xFFFFFFF0, v63  }
0x318: {  	v3 =	vor.u32 v3, v4  }
0x319: {  	v3 =	vperm.xlane v3, v0;
	_ =	sdelay $0x1  }
0x31a: {  	v3 =	vadd.s32 v1, v3;
	_ =	sdelay $0x3  }
0x31b: {  	s5 =	simm.s32 $0x2;
	s13 =	simm.s32 $0x18A00  }
0x31c: {  	[tilespmem:s13], [sflag:$0x2] =	stream.indirect_vreg.gather [hbm4b:s3+s2], $0x80, v3, vm0, $0xb8;
	[tilespmem:$0x19200] =	vst v63  }
0x31d: {  	_ =	swait.ge [sflag:s5], $0x800  }
0x31e: {  	[sflag:s5] =	ssyncset.done $0x0  }
0x31f: {  	s18 =	rddreg [dreg:$0x9];
	[sflag:s5] =	ssyncadd.s32 $0xFFFFF800  }
0x320: {  	[hbm4b:s18+s2] =	stream.linear.scatter [tilespmem:s13], [sflag:$0x2], $0x800, $0x38;
	[tilespmem:$0x19200] =	vst v63  }
0x321: {  	_ =	swait.ge [sflag:s5], $0x800  }
0x322: {  	s13 =	rddreg [dreg:$0xb]  }
0x323: {  	s18 =	rddreg [dreg:$0xa];
	s1 =	sadd.s32 $0x1, s13  }
0x324: {  	p0 =	sne.s32 s1, s18  }
.Ltmp2:
0x325: {  	_ = 	snop;
	(pc) =	sbr.rel @p0 .LBB2_1-.Ltmp2, $3  }
0x326: {  	_ =	sdelay $0x1  }
0x327: {  	[sflag:s5] =	ssyncset.done $0x0  }
0x328: {  	[sflag:s5] =	ssyncadd.s32 $0xFFFFF800  }
0x329: {  	_ =	sfence.sel $0x180000  }
0x32a: {  	[bflag:$0x0] =	sbarrier.arrive $0xFFFF  }
0x32b: {  	_ =	strace $0x9000004A  }
0x32c: {  	s0 =	stileid.u32;
	[bflag:$0x2] =	sbarrier.arrive $0xFFFF  }
0x32d: {  	p0 =	sne.s32 s0, $0x0;
	s0 =	rddreg [dreg:$0x1]  }
0x32e: {  	s0 =	sadd.s32 @!p0 $0x100000, s0  }
0x32f: {  	[sflag:s0] =	ssyncadd.tile.s32 @!p0 $0x1;
	_ =	shalt  }
.Lfunc_end2:
_tile_overlayer_lowered:
.L_overlay_start_2:
0x330: {  	(tag) =	ssettag $0x2  }
0x331: {  	s0 =	rddreg [dreg:$0x0];
	s2 =	stileid.u32  }
0x332: {  	s1 =	rddreg [dreg:$0x1];
	p0 =	sne.s32 s2, $0x0  }
0x333: {  	s3 =	rddreg [dreg:$0x2];
	[bflag:$0x3] =	sbarrier.arrive $0xFFFF;
	s2 =	simm.s32 @!p0 $0x1C02  }
0x334: {  	[timem:s3], [sflag:s2] =	dma.local @!p0 [hbm:s0], s1  }
0x335: {  	s0 =	simm.s32 @!p0 $0x2  }
0x336: {  	_ =	swait.ge @!p0 [sflag:s0], s1  }
0x337: {  	s1 =	ssub.s32 @!p0 $0x0, s1;
	[sflag:s0] =	ssyncset.done @!p0 $0x0  }
0x338: {  	[sflag:s0] =	ssyncadd.s32 @!p0 s1  }
0x339: {  	[bflag:$0x3] =	sbarrier.arrive $0xFFFF  }
0x33a: {  	_ =	shalt  }

// kernel: sc_g2.3.cloned.1.call-start
scs
__scs_entry_jumppad:
0x0: {  	(pc) =	sbr.rel $0x88, $3  }
0x1: {  	(tag) =	ssettag $0x0;
	lr =	simm.s32 $0x1  }
0x2: {  	[smem:$0x3F95] =	sst lr;
	_ =	strace $0xD0000000  }
0x3: {  	_ = 	snop  }
0x4: {  	_ = 	snop  }
0x5: {  	_ = 	snop  }
0x6: {  	_ = 	snop  }
0x7: {  	_ = 	snop  }
__scs_overlays_trampoline_lowered:
0x8: {  	[smem:$0x3FA4] =	sst s0  }
0x9: {  	[smem:$0x3FA5] =	sst s1  }
0xa: {  	[smem:$0x3FA6] =	sst s2  }
0xb: {  	[smem:$0x3FA7] =	sst s3  }
0xc: {  	[smem:$0x3FA8] =	sst s4  }
0xd: {  	[smem:$0x3FA9] =	sst s5  }
0xe: {  	[smem:$0x3FAA] =	sst s6  }
0xf: {  	[smem:$0x3FAB] =	sst s7  }
0x10: {  	[smem:$0x3FAC] =	sst s8  }
0x11: {  	[smem:$0x3FAD] =	sst s9;
	s0 =	simm.s32 @!p0 $0x0  }
0x12: {  	s1 =	sld [smem:$0x3F93];
	s0 =	simm.s32 @p0 $0x1  }
0x13: {  	[smem:$0x3FAE] =	sst s0;
	s0 =	simm.s32 @!p1 $0x0  }
0x14: {  	s2 =	sld [smem:$0x3F92];
	s0 =	simm.s32 @p1 $0x1  }
0x15: {  	[smem:$0x3FAF] =	sst s0;
	s0 =	simm.s32 @!p2 $0x0  }
0x16: {  	s3 =	sld [smem:$0x3FDB];
	s0 =	simm.s32 @p2 $0x1  }
0x17: {  	s4 =	simm.s32 $0x1BF5;
	[smem:$0x3FB1] =	sst s0  }
0x18: {  	s0 =	sld [smem:$0x3F94];
	_ =	swait.ge [sflag:s4], $0x0  }
0x19: {  	s7 =	sld [smem:$0x3F95]  }
0x1a: {  	s8 =	sadd.s32 $0xFFFFE003, lr  }
0x1b: {  	s9 =	sadd.s32 $0xFFFFFEF7, lr;
	s5 =	simm.s32 $0xFFFFFFFF;
	p2 =	slt.u32 s8, $0xFFFFF086  }
0x1c: {  	p1 =	slt.u32 s9, $0xF7A;
	s5 =	simm.s32 @!p2 $0x0  }
0x1d: {  	s5 =	simm.s32 @p1 $0x1;
	p0 =	seq.s32 s7, s2  }
0x1e: {  	s7 =	smul.u32 @!p0 $0xF7A, s2;
	p2 =	seq.s32 @!p0 s5, $0x0  }
0x1f: {  	s9 =	smul.u32 $0xF7A, s1;
	s8 =	simm.s32 @!p0 $0x1BF5;
	p2 =	por !p2, p0  }
0x20: {  	[sflag:s8] =	ssyncset.s32 @!p0 $0xFFFFF086;
	s6 =	sadd.s32 @!p0 s3, s7;
	s7 =	simm.s32 @!p0 $0x108  }
0x21: {  	s3 =	sadd.s32 s3, s9;
	s6 =	sadd.s32 @!p0 $0x88, s6;
	s7 =	simm.s32 @p2 $0x1082  }
0x22: {  	[simem:s7], [sflag:s8] =	dma.local @!p0 [hbm:s6], $0xF7A  }
0x23: {  	s9 =	sor.u32 $0xD0000000, s2;
	s6 =	simm.s32 $0x108;
	_ =	swait.ge @!p0 [sflag:s8], $0x0  }
0x24: {  	s3 =	sadd.s32 $0x88, s3;
	s6 =	simm.s32 @!p1 $0x1082;
	[sflag:s4] =	ssyncset.s32 $0xFFFFF086  }
0x25: {  	[simem:s6], [sflag:s4] =	dma.local [hbm:s3], $0xF7A  }
0x26: {  	[smem:$0x3F95] =	sst s1;
	(tag) =	ssettag s2;
	_ =	strace s9  }
0x27: {  	s1 =	sld [smem:$0x3FA5]  }
0x28: {  	s2 =	sld [smem:$0x3FA6]  }
0x29: {  	s4 =	sld [smem:$0x3FA8]  }
0x2a: {  	p0 =	seq.s32 s5, $0x0;
	s5 =	sld [smem:$0x3FA9]  }
0x2b: {  	s6 =	sld [smem:$0x3FAA]  }
0x2c: {  	s7 =	sld [smem:$0x3FAB]  }
0x2d: {  	s3 =	simm.s32 $0x108;
	s8 =	sld [smem:$0x3FAC]  }
0x2e: {  	s3 =	simm.s32 @!p0 $0x1082;
	s9 =	sld [smem:$0x3FAD]  }
0x2f: {  	lr =	sadd.s32 s0, s3;
	s0 =	sld [smem:$0x3FA4]  }
0x30: {  	s3 =	sld [smem:$0x3FA7]  }
0x31: {  	[smem:$0x3FB0] =	sst s10  }
0x32: {  	s10 =	sld [smem:$0x3FAE];
	_ =	sdelay $0x3  }
0x33: {  	p0 =	seq.s32 s10, $0x1;
	s10 =	sld [smem:$0x3FB0];
	_ =	sdelay $0x3  }
0x34: {  	[smem:$0x3FB0] =	sst s10  }
0x35: {  	s10 =	sld [smem:$0x3FAF];
	_ =	sdelay $0x3  }
0x36: {  	p1 =	seq.s32 s10, $0x1;
	s10 =	sld [smem:$0x3FB0];
	_ =	sdelay $0x3  }
0x37: {  	[smem:$0x3FB0] =	sst s10  }
0x38: {  	s10 =	sld [smem:$0x3FB1]  }
0x39: {  	_ = 	snop;
	(pc) =	sbr.ind lr, $3  }
0x3a: {  	_ = 	snop  }
0x3b: {  	_ = 	snop  }
0x3c: {  	p2 =	seq.s32 s10, $0x1;
	s10 =	sld [smem:$0x3FB0]  }
0x3d: {  	_ =	shalt  }
0x3e: {  	_ =	shalt  }
0x3f: {  	_ =	shalt  }
0x40: {  	_ =	shalt  }
0x41: {  	_ =	shalt  }
0x42: {  	_ =	shalt  }
0x43: {  	_ =	shalt  }
0x44: {  	_ =	shalt  }
0x45: {  	_ =	shalt  }
0x46: {  	_ =	shalt  }
0x47: {  	_ =	shalt  }
0x48: {  	_ =	shalt  }
0x49: {  	_ =	shalt  }
0x4a: {  	_ =	shalt  }
0x4b: {  	_ =	shalt  }
0x4c: {  	_ =	shalt  }
0x4d: {  	_ =	shalt  }
0x4e: {  	_ =	shalt  }
0x4f: {  	_ =	shalt  }
0x50: {  	_ =	shalt  }
0x51: {  	_ =	shalt  }
0x52: {  	_ =	shalt  }
0x53: {  	_ =	shalt  }
0x54: {  	_ =	shalt  }
0x55: {  	_ =	shalt  }
0x56: {  	_ =	shalt  }
0x57: {  	_ =	shalt  }
0x58: {  	_ =	shalt  }
0x59: {  	_ =	shalt  }
0x5a: {  	_ =	shalt  }
0x5b: {  	_ =	shalt  }
0x5c: {  	_ =	shalt  }
0x5d: {  	_ =	shalt  }
0x5e: {  	_ =	shalt  }
0x5f: {  	_ =	shalt  }
0x60: {  	_ =	shalt  }
0x61: {  	_ =	shalt  }
0x62: {  	_ =	shalt  }
0x63: {  	_ =	shalt  }
0x64: {  	_ =	shalt  }
0x65: {  	_ =	shalt  }
0x66: {  	_ =	shalt  }
0x67: {  	_ =	shalt  }
0x68: {  	_ =	shalt  }
0x69: {  	_ =	shalt  }
0x6a: {  	_ =	shalt  }
0x6b: {  	_ =	shalt  }
0x6c: {  	_ =	shalt  }
0x6d: {  	_ =	shalt  }
0x6e: {  	_ =	shalt  }
0x6f: {  	_ =	shalt  }
0x70: {  	_ =	shalt  }
0x71: {  	_ =	shalt  }
0x72: {  	_ =	shalt  }
0x73: {  	_ =	shalt  }
0x74: {  	_ =	shalt  }
0x75: {  	_ =	shalt  }
0x76: {  	_ =	shalt  }
0x77: {  	_ =	shalt  }
0x78: {  	_ =	shalt  }
0x79: {  	_ =	shalt  }
0x7a: {  	_ =	shalt  }
0x7b: {  	_ =	shalt  }
0x7c: {  	_ =	shalt  }
0x7d: {  	_ =	shalt  }
0x7e: {  	_ =	shalt  }
0x7f: {  	_ =	shalt  }
0x80: {  	_ =	shalt  }
0x81: {  	_ =	shalt  }
0x82: {  	_ =	shalt  }
0x83: {  	_ =	shalt  }
0x84: {  	_ =	shalt  }
0x85: {  	_ =	shalt  }
0x86: {  	_ =	shalt  }
0x87: {  	_ =	shalt  }
.Lfunc_end0:
.L_simem_size_0:
called_computation.4_lowered:
.L_overlay_start_0:
0x88: {  	s2 =	sld [smem:$0x3FD9]  }
0x89: {  	s3 =	sld [smem:$0x3FFE];
	_ =	sdelay $0x1  }
0x8a: {  	s1 =	srdreg.scid  }
0x8b: {  	s0 =	sand.u32 $0x1, s1  }
0x8c: {  	s14 =	sshll.u32 s0, $0xA;
	s2 =	sadd.s32 s3, s2  }
0x8d: {  	s2 =	sadd.s32 s2, s14  }
0x8e: {  	[smem:$0x3FBC] =	sst s2  }
0x8f: {  	_ = 	snop  }
0x90: {  	s2 =	sld [smem:$0x3FD0];
	_ =	sdelay $0x2  }
0x91: {  	s15 =	simm.s32 $0xB;
	s4 =	simm.s32 $0x10  }
0x92: {  	[smem:s4], [sflag:s15] =	dma.local [hbm:s2], $0x1  }
0x93: {  	_ =	swait.eq [sflag:s15], $0x1  }
0x94: {  	[sflag:s15] =	ssyncset.done $0x0  }
0x95: {  	[sflag:s15] =	ssyncadd.s32 $0xFFFFFFFF  }
0x96: {  	s16 =	sld [smem:$0x11];
	(tm) =	ssettm $0x1  }
0x97: {  	s17 =	sld [smem:$0x3FFB];
	_ =	sdelay $0x3  }
0x98: {  	_ =	strace s17  }
0x99: {  	s3 =	sld [smem:$0x3FFC];
	_ =	sdelay $0x3  }
0x9a: {  	_ =	strace s3  }
0x9b: {  	s3 =	sld [smem:$0x3FFD];
	_ =	sdelay $0x3  }
0x9c: {  	_ =	strace s3  }
0x9d: {  	_ =	strace $0x8FFFFFFF  }
0x9e: {  	s18 =	sld [smem:$0x3FDB];
	_ =	sdelay $0x1  }
0x9f: {  	s19 =	simm.s32 $_scs_section_size  }
0xa0: {  	s5 =	simm.s32 $_size__tile_overlayer_lowered;
	s6 =	simm.s32 $_tile_overlayer_lowered  }
0xa1: {  	s22 =	simm.s32 $0x1BFF;
	s21 =	sshll.u32 s6, $0x1;
	s3 =	sadd.s32 s19, s18  }
0xa2: {  	s7 =	simm.s32 $0x0;
	s20 =	sshll.u32 s5, $0x1;
	s5 =	sadd.s32 s21, s3  }
0xa3: {  	[timem:s7], [sflag:s22] =	dma.local [hbm:s5], s20  }
0xa4: {  	_ =	swait.ge [sflag:s22], s20  }
0xa5: {  	s4 =	ssub.s32 $0x0, s20;
	[sflag:s22] =	ssyncset.done $0x0  }
0xa6: {  	[sflag:s22] =	ssyncadd.s32 s4;
	_ =	sdelay $0x1  }
0xa7: {  	s23 =	simm.s32 $0x1B8B  }
0xa8: {  	_ =	swait.ge [sflag:s23], $0x1  }
0xa9: {  	[sflag:s23] =	ssyncset.done $0x0  }
0xaa: {  	s25 =	simm.s32 $0x1B8E;
	s24 =	sld [smem:$0x3FFE];
	[sflag:s23] =	ssyncadd.s32 $0xFFFFFFFF  }
0xab: {  	s26 =	simm.s32 $execute0_lowered;
	[smem:$0x3FD2] =	sst s25  }
0xac: {  	s5 =	sshll.u32 s26, $0x1;
	_ =	strace $0x80000052;
	[dreg:$0x1] =	wrdreg $0xFFFFFFFF  }
0xad: {  	s28 =	simm.s32 $_size_execute0_lowered;
	s3 =	sadd.s32 s3, s5;
	[dreg:$0x0] =	wrdreg $0x0  }
0xae: {  	s5 =	sshll.u32 s28, $0x1;
	[dreg:$0x2] =	wrdreg s3  }
0xaf: {  	[dreg:$0x3] =	wrdreg s5  }
0xb0: {  	[dreg:$0x4] =	wrdreg $0xC0  }
0xb1: {  	_ =	task [dreg:s7], $0x5FFFF  }
0xb2: {  	[dreg:$0x1] =	wrdreg $0xFFFFFFFF  }
0xb3: {  	[dreg:$0x0] =	wrdreg $0x60  }
0xb4: {  	[dreg:$0x2] =	wrdreg s16  }
0xb5: {  	[dreg:$0x3] =	wrdreg s24  }
0xb6: {  	[dreg:$0x4] =	wrdreg $0x9  }
0xb7: {  	_ =	task.clear_ibuf [dreg:s7], $0x5FFFF;
	_ =	strace $0x90000052  }
0xb8: {  	s29 =	simm.s32 $0x9;
	_ =	strace $0x80000054  }
0xb9: {  	_ =	swait.ge [sflag:s29], $0x1  }
0xba: {  	[sflag:s29] =	ssyncadd.s32 $0xFFFFFFFF  }
0xbb: {  	_ =	strace $0x90000054  }
0xbc: {  	_ =	sfence  }
0xbd: {  	s30 =	sld [smem:$0x0];
	_ =	sdelay $0x2  }
0xbe: {  	s31 =	sshll.u32 s1, $0xD;
	s1 =	sshrl.u32 s1, $0x2  }
0xbf: {  	s3 =	sand.u32 $0x4000, s31;
	s1 =	sadd.s32 s1, s30  }
0xc0: {  	s0 =	sor.u32 s3, s0;
	s1 =	sshll.u32 s1, $0x11  }
0xc1: {  	s0 =	sor.u32 s1, s0  }
0xc2: {  	s0 =	sadd.s32 $0x8F2B, s0  }
0xc3: {  	[sflag:s0] =	ssyncadd.remote.s32 $0x1  }
0xc4: {  	_ =	sfence.sel $0xFFFF  }
0xc5: {  	[dreg:$0x0] =	wrdreg $0xFFFFFFFF;
	(pc) =	sbr.abs _section_cstart, $3  }
0xc6: {  	[dreg:$0x1] =	wrdreg $0xFFFFFFFF  }
0xc7: {  	_ =	task.clear_ibuf [dreg:s7], $0x2FFFF;
	_ =	strace $0x9FFFFFFF  }
0xc8: {  	(tm) =	ssettm $0x7FFFFFFF  }
0xc9: {  	_ =	shalt  }
tec
execute0_lowered:
.L_overlay_start_1:
0x0: {  	(tag) =	ssettag $0x1  }
0x1: {  	s0 =	srdreg.scid  }
0x2: {  	s1 =	stileid.u32;
	s2 =	rddreg [dreg:$0x0]  }
0x3: {  	s9 =	rddreg [dreg:$0x1];
	s3 =	simm.s32 $0x0;
	s15 =	simm.s32 $0x2  }
0x4: {  	s17 =	simm.s32 $0x80;
	s18 =	simm.s32 $0x2800;
	s19 =	simm.s32 $0xA800  }
0x5: {  	s20 =	simm.s32 $0x12800;
	s21 =	simm.s32 $0x6800;
	s22 =	simm.s32 $0xE800  }
0x6: {  	s23 =	simm.s32 $0x16800;
	s0 =	sand.u32 $0x1, s0;
	s1 =	sshll.u32 s1, $0x1  }
0x7: {  	s24 =	simm.s32 $0x1;
	s28 =	simm.s32 $0x8;
	s1 =	sor.u32 s0, s1  }
0x8: {  	s16 =	simm.s32 $0x0;
	s0 =	ssub.s32 $0x2, s0;
	s4 =	smul.u32 $0x1388, s1  }
0x9: {  	[smem:$0x7FF] =	sst s3;
	s7 =	sshrl.u32 s0, $0x1;
	s1 =	smul.u32 $0x9C400, s1  }
0xa: {  	s6 =	sadd.s32 $0x54E00, s9;
	_ =	strace $0x80000053;
	s0 =	ssub.s32 s0, s7  }
0xb: {  	s5 =	sshrl.u32 s4, $0x3;
	s1 =	sshrl.u32 s1, $0x3;
	s14 =	smax.u32 s0, $0x1  }
0xc: {  	s0 =	simm.s32 $0x1B000;
	s8 =	sadd.s32 s5, s9;
	s5 =	sadd.s32 $0xB67E00, s9  }
0xd: {  	s9 =	sadd.s32 $0x55600, s9;
	s11 =	sadd.s32 $0x13000, s1;
	s1 =	sadd.s32 $0x13800, s1  }
0xe: {  	s7 =	sadd.s32 $0x554E00, s8;
	s8 =	sadd.s32 $0x559E00, s8;
	s10 =	sadd.s32 s5, s11  }
0xf: {  	s11 =	sadd.s32 s6, s11;
	s12 =	sadd.s32 s5, s1;
	s13 =	sadd.s32 s6, s1  }
.LBB2_1:
0x10: {  	[tilespmem:s3], [sflag:$0x2] =	stream.linear.gather [hbm4b:s7+s3], $0x1388, $0x38;
	[tilespmem:$0x1B400] =	vst v63  }
0x11: {  	_ =	swait.ge [sflag:s15], $0x1388  }
0x12: {  	[sflag:s15] =	ssyncset.done $0x0  }
0x13: {  	s1 =	simm.s32 $0x1400;
	[sflag:s15] =	ssyncadd.s32 $0xFFFFEC78  }
0x14: {  	[tilespmem:s1], [sflag:$0x2] =	stream.linear.gather [hbm4b:s8+s3], $0x1388, $0x38;
	[tilespmem:$0x1B400] =	vst v63  }
0x15: {  	_ =	swait.ge [sflag:s15], $0x1388  }
0x16: {  	[sflag:s15] =	ssyncset.done $0x0  }
0x17: {  	s25 =	simm.s32 $0x0;
	[sflag:s15] =	ssyncadd.s32 $0xFFFFEC78  }
.LBB2_2:
0x18: {  	s1 =	sshll.u32 s25, $0x8  }
0x19: {  	[tilespmem:s18], [sflag:$0x1] =	stream.indirect.gather [hbm4b:s2+s17], $0x80, s1, s17, $0xb8;
	[tilespmem:$0x1B400] =	vst v63  }
0x1a: {  	s26 =	sadd.s32 s4, s1  }
0x1b: {  	s29 =	sadd.s32 $0x1400, s1;
	s26 =	sshll.u32 s26, $0x4  }
0x1c: {  	[tilespmem:s19], [sflag:$0x1] =	stream.indirect.gather [hbm4b:s2+s17], $0x80, s29, s17, $0xb8;
	[tilespmem:$0x1B400] =	vst v63  }
0x1d: {  	s30 =	simm.s32 $0x0;
	s29 =	sadd.s32 s5, s26  }
0x1e: {  	[tilespmem:s20], [sflag:$0x1] =	stream.linear.gather [hbm4b:s29+s30], $0x4000, $0x38;
	[tilespmem:$0x1B400] =	vst v63  }
0x1f: {  	s29 =	sor.u32 $0x80, s1  }
0x20: {  	[tilespmem:s21], [sflag:$0x1] =	stream.indirect.gather [hbm4b:s2+s17], $0x80, s29, s17, $0xb8;
	[tilespmem:$0x1B400] =	vst v63  }
0x21: {  	s1 =	sadd.s32 $0x1480, s1  }
0x22: {  	[tilespmem:s22], [sflag:$0x1] =	stream.indirect.gather [hbm4b:s2+s17], $0x80, s1, s17, $0xb8;
	[tilespmem:$0x1B400] =	vst v63  }
0x23: {  	s1 =	sadd.s32 s4, s29  }
0x24: {  	s1 =	sshll.u32 s1, $0x4  }
0x25: {  	s1 =	sadd.s32 s5, s1  }
0x26: {  	[tilespmem:s23], [sflag:$0x1] =	stream.linear.gather [hbm4b:s1+s30], $0x4000, $0x38;
	[tilespmem:$0x1B400] =	vst v63  }
0x27: {  	_ =	swait.ge [sflag:s24], $0x4000  }
0x28: {  	[sflag:s24] =	ssyncset.done $0x0  }
0x29: {  	[sflag:s24] =	ssyncadd.s32 $0xFFFFC000  }
0x2a: {  	_ =	swait.ge [sflag:s24], $0x4000  }
0x2b: {  	[sflag:s24] =	ssyncset.done $0x0  }
0x2c: {  	[sflag:s24] =	ssyncadd.s32 $0xFFFFC000  }
0x2d: {  	_ =	swait.ge [sflag:s24], $0x4000  }
0x2e: {  	[sflag:s24] =	ssyncset.done $0x0  }
0x2f: {  	[sflag:s24] =	ssyncadd.s32 $0xFFFFC000  }
0x30: {  	_ =	swait.ge [sflag:s24], $0x4000  }
0x31: {  	[sflag:s24] =	ssyncset.done $0x0  }
0x32: {  	[sflag:s24] =	ssyncadd.s32 $0xFFFFC000  }
0x33: {  	_ =	swait.ge [sflag:s24], $0x4000  }
0x34: {  	[sflag:s24] =	ssyncset.done $0x0  }
0x35: {  	[sflag:s24] =	ssyncadd.s32 $0xFFFFC000  }
0x36: {  	_ =	swait.ge [sflag:s24], $0x4000  }
0x37: {  	[sflag:s24] =	ssyncset.done $0x0  }
0x38: {  	s29 =	simm.s32 $0x0;
	[sflag:s24] =	ssyncadd.s32 $0xFFFFC000  }
0x39: {  	v0 =	vld [tilespmem:s29+$0x2800]  }
0x3a: {  	v1 =	vld [tilespmem:s29+$0xA810];
	_ =	sdelay $0x1  }
0x3b: {  	v2 =	vld [tilespmem:s29+$0x12800];
	_ =	sdelay $0x2  }
0x3c: {  	v1 =	vadd.f32 v1, v0  }
0x3d: {  	s30 =	simm.s32 $0x80  }
0x3e: {  	s31 =	simm.s32 $0x400;
	s1 =	simm.s32 $0x0;
	v0 =	vld [tilespmem:s30+$0x2800];
	v1 =	vadd.f32 v2, v1  }
.LBB2_3:
0x3f: {  	p0 =	sne.s32 s31, $0xFE00;
	v2 =	vld [tilespmem:s30+$0xA810]  }
0x40: {  	[tilespmem:s1+$0x12800] =	vst v1;
	s1 =	smov.u32 s30  }
0x41: {  	v1 =	vld [tilespmem:s1+$0x12800]  }
.Ltmp0:
0x42: {  	(pc) =	sbr.rel @p0 .LBB2_3-.Ltmp0, $4  }
0x43: {  	_ = 	snop  }
0x44: {  	v2 =	vadd.f32 v2, v0  }
0x45: {  	s30 =	sshra.s32 s31, $0x2  }
0x46: {  	s31 =	sadd.s32 $0x200, s31;
	v0 =	vld [tilespmem:s30+$0x2800];
	v1 =	vadd.f32 v1, v2  }
0x47: {  	v2 =	vld [tilespmem:s30+$0xA810]  }
0x48: {  	[tilespmem:s1+$0x12800] =	vst v1  }
0x49: {  	v1 =	vld [tilespmem:s30+$0x12800];
	_ =	sdelay $0x2  }
0x4a: {  	v0 =	vadd.f32 v2, v0;
	_ =	sdelay $0x1  }
0x4b: {  	v0 =	vadd.f32 v1, v0;
	_ =	sdelay $0x1  }
0x4c: {  	[tilespmem:s30+$0x12800] =	vst v0  }
0x4d: {  	v0 =	vld [tilespmem:s29+$0x6800]  }
0x4e: {  	v1 =	vld [tilespmem:s29+$0xE810];
	_ =	sdelay $0x1  }
0x4f: {  	v2 =	vld [tilespmem:s29+$0x16800];
	_ =	sdelay $0x2  }
0x50: {  	v1 =	vadd.f32 v1, v0  }
0x51: {  	s1 =	simm.s32 $0x80  }
0x52: {  	s30 =	simm.s32 $0x400;
	v0 =	vld [tilespmem:s1+$0x6800];
	v1 =	vadd.f32 v2, v1  }
.LBB2_5:
0x53: {  	p0 =	sne.s32 s30, $0xFE00;
	v2 =	vld [tilespmem:s1+$0xE810]  }
0x54: {  	[tilespmem:s29+$0x16800] =	vst v1;
	s29 =	smov.u32 s1  }
0x55: {  	v1 =	vld [tilespmem:s29+$0x16800]  }
.Ltmp1:
0x56: {  	(pc) =	sbr.rel @p0 .LBB2_5-.Ltmp1, $4  }
0x57: {  	_ = 	snop  }
0x58: {  	v2 =	vadd.f32 v2, v0  }
0x59: {  	s1 =	sshra.s32 s30, $0x2  }
0x5a: {  	s30 =	sadd.s32 $0x200, s30;
	v0 =	vld [tilespmem:s1+$0x6800];
	v1 =	vadd.f32 v1, v2  }
0x5b: {  	v2 =	vld [tilespmem:s1+$0xE810]  }
0x5c: {  	[tilespmem:s29+$0x16800] =	vst v1  }
0x5d: {  	v1 =	vld [tilespmem:s1+$0x16800];
	_ =	sdelay $0x2  }
0x5e: {  	v0 =	vadd.f32 v2, v0;
	_ =	sdelay $0x1  }
0x5f: {  	v0 =	vadd.f32 v1, v0;
	_ =	sdelay $0x1  }
0x60: {  	s30 =	sadd.s32 s6, s26;
	[tilespmem:s1+$0x16800] =	vst v0  }
0x61: {  	[hbm4b:s30+s3] =	stream.linear.scatter [tilespmem:s20], [sflag:$0x1], $0x4000, $0x38;
	[tilespmem:$0x1B400] =	vst v63  }
0x62: {  	s31 =	sadd.s32 s26, s9;
	s25 =	sadd.s32 $0x1, s25  }
0x63: {  	[hbm4b:s31+s3] =	stream.linear.scatter [tilespmem:s23], [sflag:$0x1], $0x4000, $0x38;
	[tilespmem:$0x1B400] =	vst v63  }
0x64: {  	p0 =	sne.s32 s25, $0x13;
	_ =	swait.ge [sflag:s24], $0x4000  }
.Ltmp2:
0x65: {  	[sflag:s24] =	ssyncset.done $0x0;
	(pc) =	sbr.rel @p0 .LBB2_2-.Ltmp2, $4  }
0x66: {  	[sflag:s24] =	ssyncadd.s32 $0xFFFFC000  }
0x67: {  	_ =	swait.ge [sflag:s24], $0x4000  }
0x68: {  	[sflag:s24] =	ssyncset.done $0x0  }
0x69: {  	[sflag:s24] =	ssyncadd.s32 $0xFFFFC000  }
0x6a: {  	s1 =	simm.s32 $0x1300  }
0x6b: {  	[tilespmem:s18], [sflag:$0x1] =	stream.indirect.gather [hbm4b:s2+s17], $0x80, s1, s17, $0xb8;
	[tilespmem:$0x1B400] =	vst v63  }
0x6c: {  	s30 =	simm.s32 $0x2700  }
0x6d: {  	[tilespmem:s19], [sflag:$0x1] =	stream.indirect.gather [hbm4b:s2+s17], $0x80, s30, s17, $0xb8;
	[tilespmem:$0x1B400] =	vst v63  }
0x6e: {  	s31 =	simm.s32 $0x0  }
0x6f: {  	[tilespmem:s20], [sflag:$0x1] =	stream.linear.gather [hbm4b:s10+s31], $0x4000, $0x38;
	[tilespmem:$0x1B400] =	vst v63  }
0x70: {  	_ =	swait.ge [sflag:s24], $0x4000  }
0x71: {  	[sflag:s24] =	ssyncset.done $0x0  }
0x72: {  	[sflag:s24] =	ssyncadd.s32 $0xFFFFC000  }
0x73: {  	_ =	swait.ge [sflag:s24], $0x4000  }
0x74: {  	[sflag:s24] =	ssyncset.done $0x0  }
0x75: {  	[sflag:s24] =	ssyncadd.s32 $0xFFFFC000  }
0x76: {  	_ =	swait.ge [sflag:s24], $0x4000  }
0x77: {  	[sflag:s24] =	ssyncset.done $0x0  }
0x78: {  	s25 =	simm.s32 $0x0;
	[sflag:s24] =	ssyncadd.s32 $0xFFFFC000  }
0x79: {  	v0 =	vld [tilespmem:s25+$0x2800]  }
0x7a: {  	v1 =	vld [tilespmem:s25+$0xA810];
	_ =	sdelay $0x1  }
0x7b: {  	v2 =	vld [tilespmem:s25+$0x12800];
	_ =	sdelay $0x2  }
0x7c: {  	v1 =	vadd.f32 v1, v0  }
0x7d: {  	s1 =	simm.s32 $0x80  }
0x7e: {  	s26 =	simm.s32 $0x400;
	v0 =	vld [tilespmem:s1+$0x2800];
	v1 =	vadd.f32 v2, v1  }
.LBB2_8:
0x7f: {  	p0 =	sne.s32 s26, $0xFE00;
	v2 =	vld [tilespmem:s1+$0xA810]  }
0x80: {  	[tilespmem:s25+$0x12800] =	vst v1;
	s25 =	smov.u32 s1  }
0x81: {  	v1 =	vld [tilespmem:s25+$0x12800]  }
.Ltmp3:
0x82: {  	(pc) =	sbr.rel @p0 .LBB2_8-.Ltmp3, $4  }
0x83: {  	_ = 	snop  }
0x84: {  	v2 =	vadd.f32 v2, v0  }
0x85: {  	s1 =	sshra.s32 s26, $0x2  }
0x86: {  	s26 =	sadd.s32 $0x200, s26;
	v0 =	vld [tilespmem:s1+$0x2800];
	v1 =	vadd.f32 v1, v2  }
0x87: {  	v2 =	vld [tilespmem:s1+$0xA810]  }
0x88: {  	[tilespmem:s25+$0x12800] =	vst v1  }
0x89: {  	v1 =	vld [tilespmem:s1+$0x12800];
	_ =	sdelay $0x2  }
0x8a: {  	v0 =	vadd.f32 v2, v0;
	_ =	sdelay $0x1  }
0x8b: {  	v0 =	vadd.f32 v1, v0;
	_ =	sdelay $0x1  }
0x8c: {  	[tilespmem:s1+$0x12800] =	vst v0  }
0x8d: {  	[hbm4b:s11+s3] =	stream.linear.scatter [tilespmem:s20], [sflag:$0x1], $0x4000, $0x38;
	[tilespmem:$0x1B400] =	vst v63  }
0x8e: {  	_ =	swait.ge [sflag:s24], $0x4000  }
0x8f: {  	[sflag:s24] =	ssyncset.done $0x0  }
0x90: {  	s26 =	simm.s32 $0x1380;
	s29 =	simm.s32 $0x1A800;
	[sflag:s24] =	ssyncadd.s32 $0xFFFFC000  }
0x91: {  	[tilespmem:s29], [sflag:$0x2] =	stream.indirect.gather [hbm4b:s2+s28], $0x80, s26, s28, $0xb8;
	[tilespmem:$0x1B400] =	vst v63  }
0x92: {  	_ =	swait.ge [sflag:s15], $0x400  }
0x93: {  	[sflag:s15] =	ssyncset.done $0x0  }
0x94: {  	s30 =	simm.s32 $0x2780;
	s31 =	simm.s32 $0x1AC00;
	[sflag:s15] =	ssyncadd.s32 $0xFFFFFC00  }
0x95: {  	[tilespmem:s31], [sflag:$0x2] =	stream.indirect.gather [hbm4b:s2+s28], $0x80, s30, s28, $0xb8;
	[tilespmem:$0x1B400] =	vst v63  }
0x96: {  	_ =	swait.ge [sflag:s15], $0x400  }
0x97: {  	[sflag:s15] =	ssyncset.done $0x0  }
0x98: {  	[sflag:s15] =	ssyncadd.s32 $0xFFFFFC00  }
0x99: {  	[tilespmem:s0], [sflag:$0x2] =	stream.linear.gather [hbm4b:s12+s3], $0x400, $0x38;
	[tilespmem:$0x1B400] =	vst v63  }
0x9a: {  	_ =	swait.ge [sflag:s15], $0x400  }
0x9b: {  	[sflag:s15] =	ssyncset.done $0x0  }
0x9c: {  	[sflag:s15] =	ssyncadd.s32 $0xFFFFFC00  }
0x9d: {  	v45 =	vld [tilespmem:$0x1A800]  }
0x9e: {  	v46 =	vld [tilespmem:$0x1AC10]  }
0x9f: {  	v47 =	vld [tilespmem:$0x1B000]  }
0xa0: {  	v3 =	vld [tilespmem:$0x1A880]  }
0xa1: {  	v4 =	vld [tilespmem:$0x1AC90]  }
0xa2: {  	v5 =	vld [tilespmem:$0x1B080]  }
0xa3: {  	v6 =	vld [tilespmem:$0x1A900]  }
0xa4: {  	v7 =	vld [tilespmem:$0x1AD10]  }
0xa5: {  	v8 =	vld [tilespmem:$0x1B100]  }
0xa6: {  	v9 =	vld [tilespmem:$0x1A980]  }
0xa7: {  	v10 =	vld [tilespmem:$0x1AD90]  }
0xa8: {  	v11 =	vld [tilespmem:$0x1B180]  }
0xa9: {  	v12 =	vld [tilespmem:$0x1AA00]  }
0xaa: {  	v13 =	vld [tilespmem:$0x1AE10]  }
0xab: {  	v14 =	vld [tilespmem:$0x1B200]  }
0xac: {  	v15 =	vld [tilespmem:$0x1AA80]  }
0xad: {  	v16 =	vld [tilespmem:$0x1AE90]  }
0xae: {  	v17 =	vld [tilespmem:$0x1B280]  }
0xaf: {  	v18 =	vld [tilespmem:$0x1AB00]  }
0xb0: {  	v48 =	vld [tilespmem:$0x1AF10];
	v0 =	vadd.f32 v46, v45  }
0xb1: {  	v49 =	vld [tilespmem:$0x1AB80];
	v3 =	vadd.f32 v4, v3  }
0xb2: {  	v51 =	vld [tilespmem:$0x1AF90];
	v50 =	vadd.f32 v7, v6;
	v0 =	vadd.f32 v47, v0  }
0xb3: {  	v53 =	vld [tilespmem:$0x1B300];
	v52 =	vadd.f32 v10, v9;
	v3 =	vadd.f32 v5, v3  }
0xb4: {  	v56 =	vld [tilespmem:$0x1B380];
	v55 =	vadd.f32 v13, v12;
	v54 =	vadd.f32 v8, v50;
	[tilespmem:$0x1B000] =	vst v0  }
0xb5: {  	v58 =	vadd.f32 v16, v15;
	v57 =	vadd.f32 v11, v52;
	[tilespmem:$0x1B080] =	vst v3  }
0xb6: {  	v1 =	vadd.f32 v48, v18;
	v59 =	vadd.f32 v14, v55;
	[tilespmem:$0x1B100] =	vst v54  }
0xb7: {  	v61 =	vadd.f32 v51, v49;
	v60 =	vadd.f32 v17, v58;
	[tilespmem:$0x1B180] =	vst v57  }
0xb8: {  	v62 =	vadd.f32 v53, v1;
	[tilespmem:$0x1B200] =	vst v59  }
0xb9: {  	s16 =	sadd.s32 $0x1, s16;
	v63 =	vadd.f32 v56, v61;
	[tilespmem:$0x1B280] =	vst v60  }
0xba: {  	p0 =	sne.s32 s16, s14;
	[tilespmem:$0x1B300] =	vst v62  }
.Ltmp4:
0xbb: {  	[tilespmem:$0x1B380] =	vst v63;
	(pc) =	sbr.rel @p0 .LBB2_1-.Ltmp4, $4  }
0xbc: {  	[hbm4b:s13+s3] =	stream.linear.scatter [tilespmem:s0], [sflag:$0x2], $0x400, $0x38;
	[tilespmem:$0x1B400] =	vst v63  }
0xbd: {  	_ =	swait.ge [sflag:s15], $0x400  }
0xbe: {  	[sflag:s15] =	ssyncset.done $0x0  }
0xbf: {  	[sflag:s15] =	ssyncadd.s32 $0xFFFFFC00  }
0xc0: {  	_ =	sfence.sel $0x180000  }
0xc1: {  	[bflag:$0x0] =	sbarrier.arrive $0xFFFF  }
0xc2: {  	_ =	strace $0x90000053  }
0xc3: {  	s0 =	stileid.u32;
	[bflag:$0x2] =	sbarrier.arrive $0xFFFF  }
0xc4: {  	p0 =	sne.s32 s0, $0x0;
	s0 =	rddreg [dreg:$0x2]  }
0xc5: {  	s0 =	sadd.s32 @!p0 $0x100000, s0  }
0xc6: {  	[sflag:s0] =	ssyncadd.tile.s32 @!p0 $0x1;
	_ =	shalt  }
.Lfunc_end2:
_tile_overlayer_lowered:
.L_overlay_start_2:
0xc7: {  	(tag) =	ssettag $0x2  }
0xc8: {  	s0 =	rddreg [dreg:$0x0];
	s2 =	stileid.u32  }
0xc9: {  	s1 =	rddreg [dreg:$0x1];
	p0 =	sne.s32 s2, $0x0  }
0xca: {  	s3 =	rddreg [dreg:$0x2];
	[bflag:$0x3] =	sbarrier.arrive $0xFFFF;
	s2 =	simm.s32 @!p0 $0x1C02  }
0xcb: {  	[timem:s3], [sflag:s2] =	dma.local @!p0 [hbm:s0], s1  }
0xcc: {  	s0 =	simm.s32 @!p0 $0x2  }
0xcd: {  	_ =	swait.ge @!p0 [sflag:s0], s1  }
0xce: {  	s1 =	ssub.s32 @!p0 $0x0, s1;
	[sflag:s0] =	ssyncset.done @!p0 $0x0  }
0xcf: {  	[sflag:s0] =	ssyncadd.s32 @!p0 s1  }
0xd0: {  	[bflag:$0x3] =	sbarrier.arrive $0xFFFF  }
0xd1: {  	_ =	shalt  }

// kernel: sc_scat_a.3.cloned.1.call-start
scs
__scs_entry_jumppad:
0x0: {  	(pc) =	sbr.rel $0x88, $3  }
0x1: {  	(tag) =	ssettag $0x0;
	lr =	simm.s32 $0x1  }
0x2: {  	[smem:$0x3F95] =	sst lr;
	_ =	strace $0xD0000000  }
0x3: {  	_ = 	snop  }
0x4: {  	_ = 	snop  }
0x5: {  	_ = 	snop  }
0x6: {  	_ = 	snop  }
0x7: {  	_ = 	snop  }
__scs_overlays_trampoline_lowered:
0x8: {  	[smem:$0x3FA4] =	sst s0  }
0x9: {  	[smem:$0x3FA5] =	sst s1  }
0xa: {  	[smem:$0x3FA6] =	sst s2  }
0xb: {  	[smem:$0x3FA7] =	sst s3  }
0xc: {  	[smem:$0x3FA8] =	sst s4  }
0xd: {  	[smem:$0x3FA9] =	sst s5  }
0xe: {  	[smem:$0x3FAA] =	sst s6  }
0xf: {  	[smem:$0x3FAB] =	sst s7  }
0x10: {  	[smem:$0x3FAC] =	sst s8  }
0x11: {  	[smem:$0x3FAD] =	sst s9;
	s0 =	simm.s32 @!p0 $0x0  }
0x12: {  	s1 =	sld [smem:$0x3F93];
	s0 =	simm.s32 @p0 $0x1  }
0x13: {  	[smem:$0x3FAE] =	sst s0;
	s0 =	simm.s32 @!p1 $0x0  }
0x14: {  	s2 =	sld [smem:$0x3F92];
	s0 =	simm.s32 @p1 $0x1  }
0x15: {  	[smem:$0x3FAF] =	sst s0;
	s0 =	simm.s32 @!p2 $0x0  }
0x16: {  	s3 =	sld [smem:$0x3FDB];
	s0 =	simm.s32 @p2 $0x1  }
0x17: {  	s4 =	simm.s32 $0x1BF5;
	[smem:$0x3FB1] =	sst s0  }
0x18: {  	s0 =	sld [smem:$0x3F94];
	_ =	swait.ge [sflag:s4], $0x0  }
0x19: {  	s7 =	sld [smem:$0x3F95]  }
0x1a: {  	s8 =	sadd.s32 $0xFFFFE003, lr  }
0x1b: {  	s9 =	sadd.s32 $0xFFFFFEF7, lr;
	s5 =	simm.s32 $0xFFFFFFFF;
	p2 =	slt.u32 s8, $0xFFFFF086  }
0x1c: {  	p1 =	slt.u32 s9, $0xF7A;
	s5 =	simm.s32 @!p2 $0x0  }
0x1d: {  	s5 =	simm.s32 @p1 $0x1;
	p0 =	seq.s32 s7, s2  }
0x1e: {  	s7 =	smul.u32 @!p0 $0xF7A, s2;
	p2 =	seq.s32 @!p0 s5, $0x0  }
0x1f: {  	s9 =	smul.u32 $0xF7A, s1;
	s8 =	simm.s32 @!p0 $0x1BF5;
	p2 =	por !p2, p0  }
0x20: {  	[sflag:s8] =	ssyncset.s32 @!p0 $0xFFFFF086;
	s6 =	sadd.s32 @!p0 s3, s7;
	s7 =	simm.s32 @!p0 $0x108  }
0x21: {  	s3 =	sadd.s32 s3, s9;
	s6 =	sadd.s32 @!p0 $0x88, s6;
	s7 =	simm.s32 @p2 $0x1082  }
0x22: {  	[simem:s7], [sflag:s8] =	dma.local @!p0 [hbm:s6], $0xF7A  }
0x23: {  	s9 =	sor.u32 $0xD0000000, s2;
	s6 =	simm.s32 $0x108;
	_ =	swait.ge @!p0 [sflag:s8], $0x0  }
0x24: {  	s3 =	sadd.s32 $0x88, s3;
	s6 =	simm.s32 @!p1 $0x1082;
	[sflag:s4] =	ssyncset.s32 $0xFFFFF086  }
0x25: {  	[simem:s6], [sflag:s4] =	dma.local [hbm:s3], $0xF7A  }
0x26: {  	[smem:$0x3F95] =	sst s1;
	(tag) =	ssettag s2;
	_ =	strace s9  }
0x27: {  	s1 =	sld [smem:$0x3FA5]  }
0x28: {  	s2 =	sld [smem:$0x3FA6]  }
0x29: {  	s4 =	sld [smem:$0x3FA8]  }
0x2a: {  	p0 =	seq.s32 s5, $0x0;
	s5 =	sld [smem:$0x3FA9]  }
0x2b: {  	s6 =	sld [smem:$0x3FAA]  }
0x2c: {  	s7 =	sld [smem:$0x3FAB]  }
0x2d: {  	s3 =	simm.s32 $0x108;
	s8 =	sld [smem:$0x3FAC]  }
0x2e: {  	s3 =	simm.s32 @!p0 $0x1082;
	s9 =	sld [smem:$0x3FAD]  }
0x2f: {  	lr =	sadd.s32 s0, s3;
	s0 =	sld [smem:$0x3FA4]  }
0x30: {  	s3 =	sld [smem:$0x3FA7]  }
0x31: {  	[smem:$0x3FB0] =	sst s10  }
0x32: {  	s10 =	sld [smem:$0x3FAE];
	_ =	sdelay $0x3  }
0x33: {  	p0 =	seq.s32 s10, $0x1;
	s10 =	sld [smem:$0x3FB0];
	_ =	sdelay $0x3  }
0x34: {  	[smem:$0x3FB0] =	sst s10  }
0x35: {  	s10 =	sld [smem:$0x3FAF];
	_ =	sdelay $0x3  }
0x36: {  	p1 =	seq.s32 s10, $0x1;
	s10 =	sld [smem:$0x3FB0];
	_ =	sdelay $0x3  }
0x37: {  	[smem:$0x3FB0] =	sst s10  }
0x38: {  	s10 =	sld [smem:$0x3FB1]  }
0x39: {  	_ = 	snop;
	(pc) =	sbr.ind lr, $3  }
0x3a: {  	_ = 	snop  }
0x3b: {  	_ = 	snop  }
0x3c: {  	p2 =	seq.s32 s10, $0x1;
	s10 =	sld [smem:$0x3FB0]  }
0x3d: {  	_ =	shalt  }
0x3e: {  	_ =	shalt  }
0x3f: {  	_ =	shalt  }
0x40: {  	_ =	shalt  }
0x41: {  	_ =	shalt  }
0x42: {  	_ =	shalt  }
0x43: {  	_ =	shalt  }
0x44: {  	_ =	shalt  }
0x45: {  	_ =	shalt  }
0x46: {  	_ =	shalt  }
0x47: {  	_ =	shalt  }
0x48: {  	_ =	shalt  }
0x49: {  	_ =	shalt  }
0x4a: {  	_ =	shalt  }
0x4b: {  	_ =	shalt  }
0x4c: {  	_ =	shalt  }
0x4d: {  	_ =	shalt  }
0x4e: {  	_ =	shalt  }
0x4f: {  	_ =	shalt  }
0x50: {  	_ =	shalt  }
0x51: {  	_ =	shalt  }
0x52: {  	_ =	shalt  }
0x53: {  	_ =	shalt  }
0x54: {  	_ =	shalt  }
0x55: {  	_ =	shalt  }
0x56: {  	_ =	shalt  }
0x57: {  	_ =	shalt  }
0x58: {  	_ =	shalt  }
0x59: {  	_ =	shalt  }
0x5a: {  	_ =	shalt  }
0x5b: {  	_ =	shalt  }
0x5c: {  	_ =	shalt  }
0x5d: {  	_ =	shalt  }
0x5e: {  	_ =	shalt  }
0x5f: {  	_ =	shalt  }
0x60: {  	_ =	shalt  }
0x61: {  	_ =	shalt  }
0x62: {  	_ =	shalt  }
0x63: {  	_ =	shalt  }
0x64: {  	_ =	shalt  }
0x65: {  	_ =	shalt  }
0x66: {  	_ =	shalt  }
0x67: {  	_ =	shalt  }
0x68: {  	_ =	shalt  }
0x69: {  	_ =	shalt  }
0x6a: {  	_ =	shalt  }
0x6b: {  	_ =	shalt  }
0x6c: {  	_ =	shalt  }
0x6d: {  	_ =	shalt  }
0x6e: {  	_ =	shalt  }
0x6f: {  	_ =	shalt  }
0x70: {  	_ =	shalt  }
0x71: {  	_ =	shalt  }
0x72: {  	_ =	shalt  }
0x73: {  	_ =	shalt  }
0x74: {  	_ =	shalt  }
0x75: {  	_ =	shalt  }
0x76: {  	_ =	shalt  }
0x77: {  	_ =	shalt  }
0x78: {  	_ =	shalt  }
0x79: {  	_ =	shalt  }
0x7a: {  	_ =	shalt  }
0x7b: {  	_ =	shalt  }
0x7c: {  	_ =	shalt  }
0x7d: {  	_ =	shalt  }
0x7e: {  	_ =	shalt  }
0x7f: {  	_ =	shalt  }
0x80: {  	_ =	shalt  }
0x81: {  	_ =	shalt  }
0x82: {  	_ =	shalt  }
0x83: {  	_ =	shalt  }
0x84: {  	_ =	shalt  }
0x85: {  	_ =	shalt  }
0x86: {  	_ =	shalt  }
0x87: {  	_ =	shalt  }
.Lfunc_end0:
.L_simem_size_0:
called_computation.2_lowered:
.L_overlay_start_0:
0x88: {  	s2 =	sld [smem:$0x3FD9]  }
0x89: {  	s3 =	sld [smem:$0x3FFE];
	_ =	sdelay $0x1  }
0x8a: {  	s1 =	srdreg.scid  }
0x8b: {  	s0 =	sand.u32 $0x1, s1  }
0x8c: {  	s15 =	sshll.u32 s0, $0xA;
	s2 =	sadd.s32 s3, s2  }
0x8d: {  	s2 =	sadd.s32 s2, s15  }
0x8e: {  	[smem:$0x3FBC] =	sst s2  }
0x8f: {  	_ = 	snop  }
0x90: {  	s2 =	sld [smem:$0x3FD0];
	_ =	sdelay $0x2  }
0x91: {  	s4 =	simm.s32 $0xB;
	s16 =	simm.s32 $0x10  }
0x92: {  	[smem:s16], [sflag:s4] =	dma.local [hbm:s2], $0x1  }
0x93: {  	_ =	swait.eq [sflag:s4], $0x1  }
0x94: {  	[sflag:s4] =	ssyncset.done $0x0  }
0x95: {  	s17 =	sld [smem:$0x10];
	[sflag:s4] =	ssyncadd.s32 $0xFFFFFFFF  }
0x96: {  	s18 =	sld [smem:$0x11];
	(tm) =	ssettm $0x1  }
0x97: {  	s19 =	sld [smem:$0x3FFB];
	_ =	sdelay $0x3  }
0x98: {  	_ =	strace s19  }
0x99: {  	s2 =	sld [smem:$0x3FFC];
	_ =	sdelay $0x3  }
0x9a: {  	_ =	strace s2  }
0x9b: {  	s2 =	sld [smem:$0x3FFD];
	_ =	sdelay $0x3  }
0x9c: {  	_ =	strace s2  }
0x9d: {  	_ =	strace $0x8FFFFFFF  }
0x9e: {  	s20 =	sld [smem:$0x3FDB];
	_ =	sdelay $0x1  }
0x9f: {  	s5 =	simm.s32 $_scs_section_size  }
0xa0: {  	s6 =	simm.s32 $_size__tile_overlayer_lowered;
	s7 =	simm.s32 $_tile_overlayer_lowered  }
0xa1: {  	s8 =	simm.s32 $0x1BFF;
	s21 =	sshll.u32 s7, $0x1;
	s5 =	sadd.s32 s5, s20  }
0xa2: {  	s22 =	simm.s32 $0x0;
	s6 =	sshll.u32 s6, $0x1;
	s7 =	sadd.s32 s21, s5  }
0xa3: {  	[timem:s22], [sflag:s8] =	dma.local [hbm:s7], s6  }
0xa4: {  	_ =	swait.ge [sflag:s8], s6  }
0xa5: {  	s6 =	ssub.s32 $0x0, s6;
	[sflag:s8] =	ssyncset.done $0x0  }
0xa6: {  	[sflag:s8] =	ssyncadd.s32 s6;
	_ =	sdelay $0x1  }
0xa7: {  	s23 =	simm.s32 $0x1B8B  }
0xa8: {  	_ =	swait.ge [sflag:s23], $0x1  }
0xa9: {  	[sflag:s23] =	ssyncset.done $0x0  }
0xaa: {  	[sflag:s23] =	ssyncadd.s32 $0xFFFFFFFF  }
0xab: {  	s6 =	sld [smem:$0x0]  }
0xac: {  	s7 =	sand.u32 $0xFFFFFFFE, s1  }
0xad: {  	p0 =	sne.s32 s1, s7  }
0xae: {  	s7 =	sshll.u32 @p0 s7, $0xE  }
0xaf: {  	s7 =	sadd.s32 @p0 $0x11B8D, s7;
	s8 =	sshll.u32 @p0 s6, $0x11  }
0xb0: {  	s7 =	sor.u32 @p0 s8, s7  }
0xb1: {  	[sflag:s7] =	ssyncadd.remote.s32 @p0 $0x1;
	_ =	sdelay $0x1  }
0xb2: {  	s7 =	simm.s32 @p0 $0x1B8D  }
0xb3: {  	_ =	swait.eq @p0 [sflag:s7], $0x1  }
0xb4: {  	[sflag:s7] =	ssyncadd.s32 @p0 $0xFFFFFFFF  }
0xb5: {  	s8 =	sshll.u32 @!p0 s1, $0xE  }
0xb6: {  	s8 =	sor.u32 @!p0 $0x4000, s8;
	s7 =	simm.s32 @!p0 $0x1B8D  }
0xb7: {  	s6 =	sshll.u32 @!p0 s6, $0x11;
	s8 =	sadd.s32 @!p0 $0x11B8D, s8;
	_ =	swait.eq @!p0 [sflag:s7], $0x1  }
0xb8: {  	s6 =	sor.u32 @!p0 s6, s8;
	[sflag:s7] =	ssyncadd.s32 @!p0 $0xFFFFFFFF  }
0xb9: {  	s25 =	simm.s32 $0x1B8E;
	s24 =	sld [smem:$0x3FFE];
	[sflag:s6] =	ssyncadd.remote.s32 @!p0 $0x1  }
0xba: {  	s26 =	simm.s32 $execute0_lowered;
	[smem:$0x3FD2] =	sst s25  }
0xbb: {  	s7 =	sshll.u32 s26, $0x1;
	_ =	strace $0x8000004C;
	[dreg:$0x1] =	wrdreg $0xFFFFFFFF  }
0xbc: {  	s28 =	simm.s32 $_size_execute0_lowered;
	s5 =	sadd.s32 s5, s7;
	[dreg:$0x0] =	wrdreg $0x0  }
0xbd: {  	s7 =	sshll.u32 s28, $0x1;
	[dreg:$0x2] =	wrdreg s5  }
0xbe: {  	[dreg:$0x3] =	wrdreg s7  }
0xbf: {  	[dreg:$0x4] =	wrdreg $0xC0  }
0xc0: {  	_ =	task [dreg:s22], $0x5FFFF  }
0xc1: {  	[dreg:$0x1] =	wrdreg $0xFFFFFFFF  }
0xc2: {  	[dreg:$0x0] =	wrdreg $0x60  }
0xc3: {  	[dreg:$0x2] =	wrdreg s24  }
0xc4: {  	[dreg:$0x3] =	wrdreg s18  }
0xc5: {  	[dreg:$0x4] =	wrdreg s17  }
0xc6: {  	[dreg:$0x5] =	wrdreg $0x81000  }
0xc7: {  	[dreg:$0x6] =	wrdreg $0xA  }
0xc8: {  	_ =	task.clear_ibuf [dreg:s22], $0x7FFFF;
	_ =	strace $0x9000004C  }
0xc9: {  	s29 =	simm.s32 $0xA;
	_ =	strace $0x8000004E  }
0xca: {  	_ =	swait.ge [sflag:s29], $0x1  }
0xcb: {  	[sflag:s29] =	ssyncadd.s32 $0xFFFFFFFF  }
0xcc: {  	_ =	strace $0x9000004E  }
0xcd: {  	_ =	sfence  }
0xce: {  	s30 =	sld [smem:$0x0];
	_ =	sdelay $0x2  }
0xcf: {  	s31 =	sshll.u32 s1, $0xD;
	s1 =	sshrl.u32 s1, $0x2  }
0xd0: {  	s4 =	sand.u32 $0x4000, s31;
	s1 =	sadd.s32 s1, s30  }
0xd1: {  	s0 =	sor.u32 s4, s0;
	s1 =	sshll.u32 s1, $0x11  }
0xd2: {  	s0 =	sor.u32 s1, s0  }
0xd3: {  	s0 =	sadd.s32 $0x8F2B, s0  }
0xd4: {  	[sflag:s0] =	ssyncadd.remote.s32 $0x1  }
0xd5: {  	_ =	sfence.sel $0xFFFF  }
0xd6: {  	[dreg:$0x0] =	wrdreg $0xFFFFFFFF;
	(pc) =	sbr.abs _section_cstart, $3  }
0xd7: {  	[dreg:$0x1] =	wrdreg $0xFFFFFFFF  }
0xd8: {  	_ =	task.clear_ibuf [dreg:s22], $0x2FFFF;
	_ =	strace $0x9FFFFFFF  }
0xd9: {  	(tm) =	ssettm $0x7FFFFFFF  }
tec
execute0_lowered:
.L_overlay_start_1:
0x0: {  	(tag) =	ssettag $0x1  }
0x1: {  	s3 =	stileid.u32  }
0x2: {  	s5 =	rddreg [dreg:$0x0];
	s9 =	smul.u32 $0x14000, s3  }
0x3: {  	s14 =	rddreg [dreg:$0x1];
	s22 =	smul.u32 $0x50000, s3  }
0x4: {  	s1 =	rddreg [dreg:$0x2];
	s26 =	smul.u32 $0xA0000, s3  }
0x5: {  	s0 =	srdreg.scid;
	s16 =	smul.u32 $0xA00, s3  }
0x6: {  	s2 =	rddreg [dreg:$0x3];
	s18 =	smul.u32 $0x280, s3  }
0x7: {  	s4 =	simm.s32 $0x0;
	s6 =	sand.u32 $0x1, s0;
	s29 =	smul.u32 $0xA000, s3  }
0x8: {  	s19 =	simm.s32 $0x4100;
	s0 =	rddreg [dreg:$0x4];
	s7 =	smul.u32 $0xA0000, s6  }
0x9: {  	[smem:$0x7FF] =	sst s4;
	s10 =	sadd.s32 $0xDD8E00, s5;
	s8 =	smul.u32 $0x140000, s6  }
0xa: {  	s25 =	sshll.u32 s3, $0x6;
	s21 =	ssub.s32 $0x2, s6;
	s11 =	smul.u32 $0xA00000, s6  }
0xb: {  	_ =	strace $0x8000004D;
	s13 =	smul.u32 $0xA000, s6;
	s23 =	sshrl.u32 s21, $0x1  }
0xc: {  	s24 =	sshrl.u32 s22, $0x2;
	s30 =	sadd.s32 s18, s14;
	s18 =	simm.s32 $0x80  }
0xd: {  	s12 =	sadd.s32 s7, s5;
	s20 =	sadd.s32 s9, s8;
	s8 =	ssub.s32 s21, s23  }
0xe: {  	s15 =	sadd.s32 s24, s2;
	s9 =	sadd.s32 s26, s11;
	s13 =	sadd.s32 s16, s13  }
0xf: {  	s21 =	simm.s32 $0x0;
	s7 =	sshrl.u32 s20, $0x3;
	s8 =	smax.u32 s8, $0x1  }
0x10: {  	s11 =	sshrl.u32 s9, $0x3;
	s17 =	sor.u32 $0x4000, s9;
	s12 =	sadd.s32 s29, s12  }
0x11: {  	s16 =	sor.u32 $0x80, s13;
	s31 =	sshrl.u32 s13, $0x3;
	s15 =	sshrl.u32 s15, $0x3  }
0x12: {  	s20 =	simm.s32 $0x1;
	s7 =	sadd.s32 s7, s5;
	s5 =	sor.u32 $0x1C02, s25  }
0x13: {  	s9 =	sadd.s32 s11, s10;
	s28 =	sshrl.u32 s17, $0x3;
	s11 =	sadd.s32 $0x10, s30  }
0x14: {  	s12 =	sadd.s32 $0x1058E00, s12;
	s16 =	sshrl.u32 s16, $0x3;
	s17 =	simm.s32 $0x100  }
0x15: {  	s6 =	sadd.s32 $0xA27E00, s7;
	s7 =	sadd.s32 $0xA77E00, s7;
	s10 =	sadd.s32 s28, s10  }
0x16: {  	s13 =	sadd.s32 s16, s14;
	s14 =	sadd.s32 s31, s14;
	s16 =	simm.s32 $0x2  }
.LBB2_1:
0x17: {  	[spmem:s15], [sflag:s5] =	dma.local [hbm:s1], $0x2800  }
0x18: {  	_ =	swait.ge [sflag:s16], $0x2800  }
0x19: {  	[sflag:s16] =	ssyncset.done $0x0  }
0x1a: {  	[sflag:s16] =	ssyncadd.s32 $0xFFFFD800  }
0x1b: {  	s22 =	sadd.s32 $0xFFFFFFF0, s11;
	[bflag:$0x0] =	sbarrier.arrive $0xFFFF  }
0x1c: {  	[tilespmem:s4], [sflag:$0x1] =	stream.linear.gather [hbm4b:s22+s4], $0x80, $0x38;
	[tilespmem:$0x1C100] =	vst v63  }
0x1d: {  	s30 =	sadd.s32 $0x0, s9  }
0x1e: {  	[tilespmem:s17], [sflag:$0x1] =	stream.linear.gather [hbm4b:s30+s4], $0x4000, $0x38;
	[tilespmem:$0x1C100] =	vst v63  }
0x1f: {  	_ = 	snop  }
0x20: {  	[tilespmem:s18], [sflag:$0x1] =	stream.linear.gather [hbm4b:s11+s4], $0x80, $0x38;
	[tilespmem:$0x1C100] =	vst v63  }
0x21: {  	s31 =	sadd.s32 $0x0, s10  }
0x22: {  	[tilespmem:s19], [sflag:$0x1] =	stream.linear.gather [hbm4b:s31+s4], $0x4000, $0x38;
	[tilespmem:$0x1C100] =	vst v63  }
0x23: {  	_ =	swait.ge [sflag:s20], $0x80  }
0x24: {  	[sflag:s20] =	ssyncset.done $0x0  }
0x25: {  	[sflag:s20] =	ssyncadd.s32 $0xFFFFFF80  }
0x26: {  	_ =	swait.ge [sflag:s20], $0x4000  }
0x27: {  	[sflag:s20] =	ssyncset.done $0x0  }
0x28: {  	[sflag:s20] =	ssyncadd.s32 $0xFFFFC000  }
0x29: {  	_ =	swait.ge [sflag:s20], $0x80  }
0x2a: {  	[sflag:s20] =	ssyncset.done $0x0  }
0x2b: {  	[sflag:s20] =	ssyncadd.s32 $0xFFFFFF80  }
0x2c: {  	_ =	swait.ge [sflag:s20], $0x4000  }
0x2d: {  	[sflag:s20] =	ssyncset.done $0x0  }
0x2e: {  	[sflag:s20] =	ssyncadd.s32 $0xFFFFC000  }
0x2f: {  	[spmem:s2] =	stream.indirect.scatter.add.f32 [tilespmem:s17], [sflag:$0x1], $0x80, s4, s18, $0xb8;
	[tilespmem:$0x1C100] =	vst v63  }
0x30: {  	_ = 	snop  }
0x31: {  	[spmem:s2] =	stream.indirect.scatter.add.f32 [tilespmem:s19], [sflag:$0x1], $0x80, s18, s18, $0xb8;
	[tilespmem:$0x1C100] =	vst v63  }
0x32: {  	_ =	swait.ge [sflag:s20], $0x4000  }
0x33: {  	[sflag:s20] =	ssyncset.done $0x0  }
0x34: {  	[sflag:s20] =	ssyncadd.s32 $0xFFFFC000  }
0x35: {  	s24 =	simm.s32 $0x2000;
	_ =	swait.ge [sflag:s20], $0x4000  }
0x36: {  	s23 =	sadd.s32 $0x20, s11;
	s22 =	simm.s32 $0x1000;
	[sflag:s20] =	ssyncset.done $0x0  }
.LBB2_2:
0x37: {  	p0 =	sne.s32 s24, $0x13000;
	s25 =	sadd.s32 $0xFFFFFFF0, s23;
	[sflag:s20] =	ssyncadd.s32 $0xFFFFC000  }
0x38: {  	[tilespmem:s4], [sflag:$0x1] =	stream.linear.gather [hbm4b:s25+s4], $0x80, $0x38;
	[tilespmem:$0x1C100] =	vst v63  }
0x39: {  	s26 =	smov.u32 s24;
	s24 =	sadd.s32 $0x1000, s24;
	s25 =	sadd.s32 s22, s9  }
0x3a: {  	[tilespmem:s17], [sflag:$0x1] =	stream.linear.gather [hbm4b:s25+s4], $0x4000, $0x38;
	[tilespmem:$0x1C100] =	vst v63  }
0x3b: {  	_ = 	snop  }
0x3c: {  	[tilespmem:s18], [sflag:$0x1] =	stream.linear.gather [hbm4b:s23+s4], $0x80, $0x38;
	[tilespmem:$0x1C100] =	vst v63  }
0x3d: {  	s25 =	sadd.s32 s22, s10;
	s22 =	smov.u32 s26  }
0x3e: {  	[tilespmem:s19], [sflag:$0x1] =	stream.linear.gather [hbm4b:s25+s4], $0x4000, $0x38;
	[tilespmem:$0x1C100] =	vst v63  }
0x3f: {  	_ =	swait.ge [sflag:s20], $0x80  }
0x40: {  	[sflag:s20] =	ssyncset.done $0x0  }
0x41: {  	[sflag:s20] =	ssyncadd.s32 $0xFFFFFF80  }
0x42: {  	_ =	swait.ge [sflag:s20], $0x4000  }
0x43: {  	[sflag:s20] =	ssyncset.done $0x0  }
0x44: {  	[sflag:s20] =	ssyncadd.s32 $0xFFFFC000  }
0x45: {  	_ =	swait.ge [sflag:s20], $0x80  }
0x46: {  	[sflag:s20] =	ssyncset.done $0x0  }
0x47: {  	[sflag:s20] =	ssyncadd.s32 $0xFFFFFF80  }
0x48: {  	_ =	swait.ge [sflag:s20], $0x4000  }
0x49: {  	[sflag:s20] =	ssyncset.done $0x0  }
0x4a: {  	[sflag:s20] =	ssyncadd.s32 $0xFFFFC000  }
0x4b: {  	[spmem:s2] =	stream.indirect.scatter.add.f32 [tilespmem:s17], [sflag:$0x1], $0x80, s4, s18, $0xb8;
	[tilespmem:$0x1C100] =	vst v63  }
0x4c: {  	_ = 	snop  }
0x4d: {  	[spmem:s2] =	stream.indirect.scatter.add.f32 [tilespmem:s19], [sflag:$0x1], $0x80, s18, s18, $0xb8;
	[tilespmem:$0x1C100] =	vst v63  }
.Ltmp0:
0x4e: {  	_ =	swait.ge [sflag:s20], $0x4000;
	(pc) =	sbr.rel @p0 .LBB2_2-.Ltmp0, $4  }
0x4f: {  	[sflag:s20] =	ssyncset.done $0x0  }
0x50: {  	[sflag:s20] =	ssyncadd.s32 $0xFFFFC000  }
0x51: {  	_ =	swait.ge [sflag:s20], $0x4000  }
0x52: {  	s23 =	sadd.s32 $0x20, s23;
	[sflag:s20] =	ssyncset.done $0x0  }
0x53: {  	s24 =	sadd.s32 $0xFFFFFFF0, s23;
	[sflag:s20] =	ssyncadd.s32 $0xFFFFC000  }
0x54: {  	[tilespmem:s4], [sflag:$0x1] =	stream.linear.gather [hbm4b:s24+s4], $0x80, $0x38;
	[tilespmem:$0x1C100] =	vst v63  }
0x55: {  	s26 =	sadd.s32 s22, s9  }
0x56: {  	[tilespmem:s17], [sflag:$0x1] =	stream.linear.gather [hbm4b:s26+s4], $0x4000, $0x38;
	[tilespmem:$0x1C100] =	vst v63  }
0x57: {  	_ = 	snop  }
0x58: {  	[tilespmem:s18], [sflag:$0x1] =	stream.linear.gather [hbm4b:s23+s4], $0x80, $0x38;
	[tilespmem:$0x1C100] =	vst v63  }
0x59: {  	s28 =	sadd.s32 s22, s10  }
0x5a: {  	[tilespmem:s19], [sflag:$0x1] =	stream.linear.gather [hbm4b:s28+s4], $0x4000, $0x38;
	[tilespmem:$0x1C100] =	vst v63  }
0x5b: {  	_ =	swait.ge [sflag:s20], $0x80  }
0x5c: {  	[sflag:s20] =	ssyncset.done $0x0  }
0x5d: {  	[sflag:s20] =	ssyncadd.s32 $0xFFFFFF80  }
0x5e: {  	_ =	swait.ge [sflag:s20], $0x4000  }
0x5f: {  	[sflag:s20] =	ssyncset.done $0x0  }
0x60: {  	[sflag:s20] =	ssyncadd.s32 $0xFFFFC000  }
0x61: {  	_ =	swait.ge [sflag:s20], $0x80  }
0x62: {  	[sflag:s20] =	ssyncset.done $0x0  }
0x63: {  	[sflag:s20] =	ssyncadd.s32 $0xFFFFFF80  }
0x64: {  	_ =	swait.ge [sflag:s20], $0x4000  }
0x65: {  	[sflag:s20] =	ssyncset.done $0x0  }
0x66: {  	[sflag:s20] =	ssyncadd.s32 $0xFFFFC000  }
0x67: {  	[spmem:s2] =	stream.indirect.scatter.add.f32 [tilespmem:s17], [sflag:$0x1], $0x80, s4, s18, $0xb8;
	[tilespmem:$0x1C100] =	vst v63  }
0x68: {  	_ = 	snop  }
0x69: {  	[spmem:s2] =	stream.indirect.scatter.add.f32 [tilespmem:s19], [sflag:$0x1], $0x80, s18, s18, $0xb8;
	[tilespmem:$0x1C100] =	vst v63  }
0x6a: {  	_ =	swait.ge [sflag:s20], $0x4000  }
0x6b: {  	[sflag:s20] =	ssyncset.done $0x0  }
0x6c: {  	[sflag:s20] =	ssyncadd.s32 $0xFFFFC000  }
0x6d: {  	_ =	swait.ge [sflag:s20], $0x4000  }
0x6e: {  	[sflag:s20] =	ssyncset.done $0x0  }
0x6f: {  	[sflag:s20] =	ssyncadd.s32 $0xFFFFC000  }
0x70: {  	[bflag:$0x0] =	sbarrier.arrive $0xFFFF  }
0x71: {  	[hbm:s6], [sflag:s5] =	dma.local [spmem:s15], $0x2800  }
0x72: {  	_ =	swait.ge [sflag:s16], $0x2800  }
0x73: {  	[sflag:s16] =	ssyncset.done $0x0  }
0x74: {  	[sflag:s16] =	ssyncadd.s32 $0xFFFFD800  }
0x75: {  	[spmem:s15], [sflag:s5] =	dma.local [hbm:s1], $0x2800  }
0x76: {  	_ =	swait.ge [sflag:s16], $0x2800  }
0x77: {  	[sflag:s16] =	ssyncset.done $0x0  }
0x78: {  	[sflag:s16] =	ssyncadd.s32 $0xFFFFD800  }
0x79: {  	s29 =	sadd.s32 $0x0, s14;
	[bflag:$0x0] =	sbarrier.arrive $0xFFFF  }
0x7a: {  	[tilespmem:s4], [sflag:$0x1] =	stream.linear.gather [hbm4b:s29+s4], $0x80, $0x38;
	[tilespmem:$0x1C100] =	vst v63  }
0x7b: {  	_ = 	snop  }
0x7c: {  	[tilespmem:s17], [sflag:$0x1] =	stream.linear.gather [hbm4b:s12+s4], $0x4000, $0x38;
	[tilespmem:$0x1C100] =	vst v63  }
0x7d: {  	s30 =	sadd.s32 $0x0, s13  }
0x7e: {  	[tilespmem:s18], [sflag:$0x1] =	stream.linear.gather [hbm4b:s30+s4], $0x80, $0x38;
	[tilespmem:$0x1C100] =	vst v63  }
0x7f: {  	s31 =	sadd.s32 $0x800, s12  }
0x80: {  	[tilespmem:s19], [sflag:$0x1] =	stream.linear.gather [hbm4b:s31+s4], $0x4000, $0x38;
	[tilespmem:$0x1C100] =	vst v63  }
0x81: {  	_ =	swait.ge [sflag:s20], $0x80  }
0x82: {  	[sflag:s20] =	ssyncset.done $0x0  }
0x83: {  	[sflag:s20] =	ssyncadd.s32 $0xFFFFFF80  }
0x84: {  	_ =	swait.ge [sflag:s20], $0x4000  }
0x85: {  	[sflag:s20] =	ssyncset.done $0x0  }
0x86: {  	[sflag:s20] =	ssyncadd.s32 $0xFFFFC000  }
0x87: {  	_ =	swait.ge [sflag:s20], $0x80  }
0x88: {  	[sflag:s20] =	ssyncset.done $0x0  }
0x89: {  	[sflag:s20] =	ssyncadd.s32 $0xFFFFFF80  }
0x8a: {  	_ =	swait.ge [sflag:s20], $0x4000  }
0x8b: {  	[sflag:s20] =	ssyncset.done $0x0  }
0x8c: {  	[sflag:s20] =	ssyncadd.s32 $0xFFFFC000  }
0x8d: {  	[spmem:s2] =	stream.indirect.scatter.add.f32 [tilespmem:s17], [sflag:$0x1], $0x80, s4, s18, $0xb8;
	[tilespmem:$0x1C100] =	vst v63  }
0x8e: {  	_ = 	snop  }
0x8f: {  	[spmem:s2] =	stream.indirect.scatter.add.f32 [tilespmem:s19], [sflag:$0x1], $0x80, s18, s18, $0xb8;
	[tilespmem:$0x1C100] =	vst v63  }
0x90: {  	_ =	swait.ge [sflag:s20], $0x4000  }
0x91: {  	[sflag:s20] =	ssyncset.done $0x0  }
0x92: {  	[sflag:s20] =	ssyncadd.s32 $0xFFFFC000  }
0x93: {  	s22 =	simm.s32 $0x20;
	_ =	swait.ge [sflag:s20], $0x4000  }
0x94: {  	s24 =	simm.s32 $0x40;
	s23 =	sadd.s32 $0x1000, s12;
	[sflag:s20] =	ssyncset.done $0x0  }
.LBB2_4:
0x95: {  	s25 =	sadd.s32 s22, s14  }
0x96: {  	[sflag:s20] =	ssyncadd.s32 $0xFFFFC000;
	s26 =	smov.u32 s24;
	s28 =	sadd.s32 $0x20, s24  }
0x97: {  	[tilespmem:s4], [sflag:$0x1] =	stream.linear.gather [hbm4b:s25+s4], $0x80, $0x38;
	[tilespmem:$0x1C100] =	vst v63  }
0x98: {  	p0 =	sne.s32 s24, $0x120  }
0x99: {  	[tilespmem:s17], [sflag:$0x1] =	stream.linear.gather [hbm4b:s23+s4], $0x4000, $0x38;
	[tilespmem:$0x1C100] =	vst v63  }
0x9a: {  	s24 =	sadd.s32 s22, s13;
	s22 =	smov.u32 s26  }
0x9b: {  	[tilespmem:s18], [sflag:$0x1] =	stream.linear.gather [hbm4b:s24+s4], $0x80, $0x38;
	[tilespmem:$0x1C100] =	vst v63  }
0x9c: {  	s24 =	sadd.s32 $0x800, s23  }
0x9d: {  	[tilespmem:s19], [sflag:$0x1] =	stream.linear.gather [hbm4b:s24+s4], $0x4000, $0x38;
	[tilespmem:$0x1C100] =	vst v63  }
0x9e: {  	_ =	swait.ge [sflag:s20], $0x80  }
0x9f: {  	[sflag:s20] =	ssyncset.done $0x0  }
0xa0: {  	[sflag:s20] =	ssyncadd.s32 $0xFFFFFF80  }
0xa1: {  	_ =	swait.ge [sflag:s20], $0x4000  }
0xa2: {  	[sflag:s20] =	ssyncset.done $0x0  }
0xa3: {  	[sflag:s20] =	ssyncadd.s32 $0xFFFFC000  }
0xa4: {  	_ =	swait.ge [sflag:s20], $0x80  }
0xa5: {  	[sflag:s20] =	ssyncset.done $0x0  }
0xa6: {  	[sflag:s20] =	ssyncadd.s32 $0xFFFFFF80  }
0xa7: {  	_ =	swait.ge [sflag:s20], $0x4000  }
0xa8: {  	[sflag:s20] =	ssyncset.done $0x0  }
0xa9: {  	[sflag:s20] =	ssyncadd.s32 $0xFFFFC000  }
0xaa: {  	[spmem:s2] =	stream.indirect.scatter.add.f32 [tilespmem:s17], [sflag:$0x1], $0x80, s4, s18, $0xb8;
	[tilespmem:$0x1C100] =	vst v63  }
0xab: {  	_ = 	snop  }
0xac: {  	[spmem:s2] =	stream.indirect.scatter.add.f32 [tilespmem:s19], [sflag:$0x1], $0x80, s18, s18, $0xb8;
	[tilespmem:$0x1C100] =	vst v63  }
.Ltmp1:
0xad: {  	_ =	swait.ge [sflag:s20], $0x4000;
	(pc) =	sbr.rel @p0 .LBB2_4-.Ltmp1, $4  }
0xae: {  	[sflag:s20] =	ssyncset.done $0x0  }
0xaf: {  	[sflag:s20] =	ssyncadd.s32 $0xFFFFC000  }
0xb0: {  	_ =	swait.ge [sflag:s20], $0x4000  }
0xb1: {  	s23 =	sadd.s32 $0x1000, s23;
	s24 =	smov.u32 s28;
	[sflag:s20] =	ssyncset.done $0x0  }
0xb2: {  	s24 =	sadd.s32 s22, s14;
	[sflag:s20] =	ssyncadd.s32 $0xFFFFC000  }
0xb3: {  	[tilespmem:s4], [sflag:$0x1] =	stream.linear.gather [hbm4b:s24+s4], $0x80, $0x38;
	[tilespmem:$0x1C100] =	vst v63  }
0xb4: {  	_ = 	snop  }
0xb5: {  	[tilespmem:s17], [sflag:$0x1] =	stream.linear.gather [hbm4b:s23+s4], $0x4000, $0x38;
	[tilespmem:$0x1C100] =	vst v63  }
0xb6: {  	s30 =	sadd.s32 s22, s13  }
0xb7: {  	[tilespmem:s18], [sflag:$0x1] =	stream.linear.gather [hbm4b:s30+s4], $0x80, $0x38;
	[tilespmem:$0x1C100] =	vst v63  }
0xb8: {  	s31 =	sadd.s32 $0x800, s23  }
0xb9: {  	[tilespmem:s19], [sflag:$0x1] =	stream.linear.gather [hbm4b:s31+s4], $0x4000, $0x38;
	[tilespmem:$0x1C100] =	vst v63  }
0xba: {  	_ =	swait.ge [sflag:s20], $0x80  }
0xbb: {  	[sflag:s20] =	ssyncset.done $0x0  }
0xbc: {  	[sflag:s20] =	ssyncadd.s32 $0xFFFFFF80  }
0xbd: {  	_ =	swait.ge [sflag:s20], $0x4000  }
0xbe: {  	[sflag:s20] =	ssyncset.done $0x0  }
0xbf: {  	[sflag:s20] =	ssyncadd.s32 $0xFFFFC000  }
0xc0: {  	_ =	swait.ge [sflag:s20], $0x80  }
0xc1: {  	[sflag:s20] =	ssyncset.done $0x0  }
0xc2: {  	[sflag:s20] =	ssyncadd.s32 $0xFFFFFF80  }
0xc3: {  	_ =	swait.ge [sflag:s20], $0x4000  }
0xc4: {  	[sflag:s20] =	ssyncset.done $0x0  }
0xc5: {  	[sflag:s20] =	ssyncadd.s32 $0xFFFFC000  }
0xc6: {  	[spmem:s2] =	stream.indirect.scatter.add.f32 [tilespmem:s17], [sflag:$0x1], $0x80, s4, s18, $0xb8;
	[tilespmem:$0x1C100] =	vst v63  }
0xc7: {  	_ = 	snop  }
0xc8: {  	[spmem:s2] =	stream.indirect.scatter.add.f32 [tilespmem:s19], [sflag:$0x1], $0x80, s18, s18, $0xb8;
	[tilespmem:$0x1C100] =	vst v63  }
0xc9: {  	_ =	swait.ge [sflag:s20], $0x4000  }
0xca: {  	[sflag:s20] =	ssyncset.done $0x0  }
0xcb: {  	[sflag:s20] =	ssyncadd.s32 $0xFFFFC000  }
0xcc: {  	_ =	swait.ge [sflag:s20], $0x4000  }
0xcd: {  	s21 =	sadd.s32 $0x1, s21;
	[sflag:s20] =	ssyncset.done $0x0  }
0xce: {  	p0 =	sne.s32 s21, s8;
	[sflag:s20] =	ssyncadd.s32 $0xFFFFC000  }
.Ltmp2:
0xcf: {  	[bflag:$0x0] =	sbarrier.arrive $0xFFFF;
	(pc) =	sbr.rel @p0 .LBB2_1-.Ltmp2, $4  }
0xd0: {  	[hbm:s7], [sflag:s5] =	dma.local [spmem:s15], $0x2800  }
0xd1: {  	_ =	swait.ge [sflag:s16], $0x2800  }
0xd2: {  	[sflag:s16] =	ssyncset.done $0x0  }
0xd3: {  	[sflag:s16] =	ssyncadd.s32 $0xFFFFD800  }
0xd4: {  	_ =	sfence.sel $0x180000  }
0xd5: {  	[bflag:$0x0] =	sbarrier.arrive $0xFFFF  }
0xd6: {  	p0 =	sne.s32 s3, $0x0;
	_ =	strace $0x9000004D  }
0xd7: {  	s0 =	sadd.s32 @!p0 $0x100000, s0;
	[bflag:$0x2] =	sbarrier.arrive $0xFFFF  }
0xd8: {  	[sflag:s0] =	ssyncadd.tile.s32 @!p0 $0x1;
	_ =	shalt  }
.Lfunc_end2:
_tile_overlayer_lowered:
.L_overlay_start_2:
0xd9: {  	(tag) =	ssettag $0x2  }
0xda: {  	s0 =	rddreg [dreg:$0x0];
	s2 =	stileid.u32  }
0xdb: {  	s1 =	rddreg [dreg:$0x1];
	p0 =	sne.s32 s2, $0x0  }
0xdc: {  	s3 =	rddreg [dreg:$0x2];
	[bflag:$0x3] =	sbarrier.arrive $0xFFFF;
	s2 =	simm.s32 @!p0 $0x1C02  }
0xdd: {  	[timem:s3], [sflag:s2] =	dma.local @!p0 [hbm:s0], s1  }
0xde: {  	s0 =	simm.s32 @!p0 $0x2  }
0xdf: {  	_ =	swait.ge @!p0 [sflag:s0], s1  }
0xe0: {  	s1 =	ssub.s32 @!p0 $0x0, s1;
	[sflag:s0] =	ssyncset.done @!p0 $0x0  }
0xe1: {  	[sflag:s0] =	ssyncadd.s32 @!p0 s1  }
0xe2: {  	[bflag:$0x3] =	sbarrier.arrive $0xFFFF  }
0xe3: {  	_ =	shalt  }

// kernel: sc_scat_b.3.cloned.1.call-start
scs
__scs_entry_jumppad:
0x0: {  	(pc) =	sbr.rel $0x88, $3  }
0x1: {  	(tag) =	ssettag $0x0;
	lr =	simm.s32 $0x1  }
0x2: {  	[smem:$0x3F95] =	sst lr;
	_ =	strace $0xD0000000  }
0x3: {  	_ = 	snop  }
0x4: {  	_ = 	snop  }
0x5: {  	_ = 	snop  }
0x6: {  	_ = 	snop  }
0x7: {  	_ = 	snop  }
__scs_overlays_trampoline_lowered:
0x8: {  	[smem:$0x3FA4] =	sst s0  }
0x9: {  	[smem:$0x3FA5] =	sst s1  }
0xa: {  	[smem:$0x3FA6] =	sst s2  }
0xb: {  	[smem:$0x3FA7] =	sst s3  }
0xc: {  	[smem:$0x3FA8] =	sst s4  }
0xd: {  	[smem:$0x3FA9] =	sst s5  }
0xe: {  	[smem:$0x3FAA] =	sst s6  }
0xf: {  	[smem:$0x3FAB] =	sst s7  }
0x10: {  	[smem:$0x3FAC] =	sst s8  }
0x11: {  	[smem:$0x3FAD] =	sst s9;
	s0 =	simm.s32 @!p0 $0x0  }
0x12: {  	s1 =	sld [smem:$0x3F93];
	s0 =	simm.s32 @p0 $0x1  }
0x13: {  	[smem:$0x3FAE] =	sst s0;
	s0 =	simm.s32 @!p1 $0x0  }
0x14: {  	s2 =	sld [smem:$0x3F92];
	s0 =	simm.s32 @p1 $0x1  }
0x15: {  	[smem:$0x3FAF] =	sst s0;
	s0 =	simm.s32 @!p2 $0x0  }
0x16: {  	s3 =	sld [smem:$0x3FDB];
	s0 =	simm.s32 @p2 $0x1  }
0x17: {  	s4 =	simm.s32 $0x1BF5;
	[smem:$0x3FB1] =	sst s0  }
0x18: {  	s0 =	sld [smem:$0x3F94];
	_ =	swait.ge [sflag:s4], $0x0  }
0x19: {  	s7 =	sld [smem:$0x3F95]  }
0x1a: {  	s8 =	sadd.s32 $0xFFFFE003, lr  }
0x1b: {  	s9 =	sadd.s32 $0xFFFFFEF7, lr;
	s5 =	simm.s32 $0xFFFFFFFF;
	p2 =	slt.u32 s8, $0xFFFFF086  }
0x1c: {  	p1 =	slt.u32 s9, $0xF7A;
	s5 =	simm.s32 @!p2 $0x0  }
0x1d: {  	s5 =	simm.s32 @p1 $0x1;
	p0 =	seq.s32 s7, s2  }
0x1e: {  	s7 =	smul.u32 @!p0 $0xF7A, s2;
	p2 =	seq.s32 @!p0 s5, $0x0  }
0x1f: {  	s9 =	smul.u32 $0xF7A, s1;
	s8 =	simm.s32 @!p0 $0x1BF5;
	p2 =	por !p2, p0  }
0x20: {  	[sflag:s8] =	ssyncset.s32 @!p0 $0xFFFFF086;
	s6 =	sadd.s32 @!p0 s3, s7;
	s7 =	simm.s32 @!p0 $0x108  }
0x21: {  	s3 =	sadd.s32 s3, s9;
	s6 =	sadd.s32 @!p0 $0x88, s6;
	s7 =	simm.s32 @p2 $0x1082  }
0x22: {  	[simem:s7], [sflag:s8] =	dma.local @!p0 [hbm:s6], $0xF7A  }
0x23: {  	s9 =	sor.u32 $0xD0000000, s2;
	s6 =	simm.s32 $0x108;
	_ =	swait.ge @!p0 [sflag:s8], $0x0  }
0x24: {  	s3 =	sadd.s32 $0x88, s3;
	s6 =	simm.s32 @!p1 $0x1082;
	[sflag:s4] =	ssyncset.s32 $0xFFFFF086  }
0x25: {  	[simem:s6], [sflag:s4] =	dma.local [hbm:s3], $0xF7A  }
0x26: {  	[smem:$0x3F95] =	sst s1;
	(tag) =	ssettag s2;
	_ =	strace s9  }
0x27: {  	s1 =	sld [smem:$0x3FA5]  }
0x28: {  	s2 =	sld [smem:$0x3FA6]  }
0x29: {  	s4 =	sld [smem:$0x3FA8]  }
0x2a: {  	p0 =	seq.s32 s5, $0x0;
	s5 =	sld [smem:$0x3FA9]  }
0x2b: {  	s6 =	sld [smem:$0x3FAA]  }
0x2c: {  	s7 =	sld [smem:$0x3FAB]  }
0x2d: {  	s3 =	simm.s32 $0x108;
	s8 =	sld [smem:$0x3FAC]  }
0x2e: {  	s3 =	simm.s32 @!p0 $0x1082;
	s9 =	sld [smem:$0x3FAD]  }
0x2f: {  	lr =	sadd.s32 s0, s3;
	s0 =	sld [smem:$0x3FA4]  }
0x30: {  	s3 =	sld [smem:$0x3FA7]  }
0x31: {  	[smem:$0x3FB0] =	sst s10  }
0x32: {  	s10 =	sld [smem:$0x3FAE];
	_ =	sdelay $0x3  }
0x33: {  	p0 =	seq.s32 s10, $0x1;
	s10 =	sld [smem:$0x3FB0];
	_ =	sdelay $0x3  }
0x34: {  	[smem:$0x3FB0] =	sst s10  }
0x35: {  	s10 =	sld [smem:$0x3FAF];
	_ =	sdelay $0x3  }
0x36: {  	p1 =	seq.s32 s10, $0x1;
	s10 =	sld [smem:$0x3FB0];
	_ =	sdelay $0x3  }
0x37: {  	[smem:$0x3FB0] =	sst s10  }
0x38: {  	s10 =	sld [smem:$0x3FB1]  }
0x39: {  	_ = 	snop;
	(pc) =	sbr.ind lr, $3  }
0x3a: {  	_ = 	snop  }
0x3b: {  	_ = 	snop  }
0x3c: {  	p2 =	seq.s32 s10, $0x1;
	s10 =	sld [smem:$0x3FB0]  }
0x3d: {  	_ =	shalt  }
0x3e: {  	_ =	shalt  }
0x3f: {  	_ =	shalt  }
0x40: {  	_ =	shalt  }
0x41: {  	_ =	shalt  }
0x42: {  	_ =	shalt  }
0x43: {  	_ =	shalt  }
0x44: {  	_ =	shalt  }
0x45: {  	_ =	shalt  }
0x46: {  	_ =	shalt  }
0x47: {  	_ =	shalt  }
0x48: {  	_ =	shalt  }
0x49: {  	_ =	shalt  }
0x4a: {  	_ =	shalt  }
0x4b: {  	_ =	shalt  }
0x4c: {  	_ =	shalt  }
0x4d: {  	_ =	shalt  }
0x4e: {  	_ =	shalt  }
0x4f: {  	_ =	shalt  }
0x50: {  	_ =	shalt  }
0x51: {  	_ =	shalt  }
0x52: {  	_ =	shalt  }
0x53: {  	_ =	shalt  }
0x54: {  	_ =	shalt  }
0x55: {  	_ =	shalt  }
0x56: {  	_ =	shalt  }
0x57: {  	_ =	shalt  }
0x58: {  	_ =	shalt  }
0x59: {  	_ =	shalt  }
0x5a: {  	_ =	shalt  }
0x5b: {  	_ =	shalt  }
0x5c: {  	_ =	shalt  }
0x5d: {  	_ =	shalt  }
0x5e: {  	_ =	shalt  }
0x5f: {  	_ =	shalt  }
0x60: {  	_ =	shalt  }
0x61: {  	_ =	shalt  }
0x62: {  	_ =	shalt  }
0x63: {  	_ =	shalt  }
0x64: {  	_ =	shalt  }
0x65: {  	_ =	shalt  }
0x66: {  	_ =	shalt  }
0x67: {  	_ =	shalt  }
0x68: {  	_ =	shalt  }
0x69: {  	_ =	shalt  }
0x6a: {  	_ =	shalt  }
0x6b: {  	_ =	shalt  }
0x6c: {  	_ =	shalt  }
0x6d: {  	_ =	shalt  }
0x6e: {  	_ =	shalt  }
0x6f: {  	_ =	shalt  }
0x70: {  	_ =	shalt  }
0x71: {  	_ =	shalt  }
0x72: {  	_ =	shalt  }
0x73: {  	_ =	shalt  }
0x74: {  	_ =	shalt  }
0x75: {  	_ =	shalt  }
0x76: {  	_ =	shalt  }
0x77: {  	_ =	shalt  }
0x78: {  	_ =	shalt  }
0x79: {  	_ =	shalt  }
0x7a: {  	_ =	shalt  }
0x7b: {  	_ =	shalt  }
0x7c: {  	_ =	shalt  }
0x7d: {  	_ =	shalt  }
0x7e: {  	_ =	shalt  }
0x7f: {  	_ =	shalt  }
0x80: {  	_ =	shalt  }
0x81: {  	_ =	shalt  }
0x82: {  	_ =	shalt  }
0x83: {  	_ =	shalt  }
0x84: {  	_ =	shalt  }
0x85: {  	_ =	shalt  }
0x86: {  	_ =	shalt  }
0x87: {  	_ =	shalt  }
.Lfunc_end0:
.L_simem_size_0:
called_computation.3_lowered:
.L_overlay_start_0:
0x88: {  	s2 =	sld [smem:$0x3FD9]  }
0x89: {  	s3 =	sld [smem:$0x3FFE];
	_ =	sdelay $0x1  }
0x8a: {  	s1 =	srdreg.scid  }
0x8b: {  	s0 =	sand.u32 $0x1, s1  }
0x8c: {  	s15 =	sshll.u32 s0, $0xA;
	s2 =	sadd.s32 s3, s2  }
0x8d: {  	s2 =	sadd.s32 s2, s15  }
0x8e: {  	[smem:$0x3FBC] =	sst s2  }
0x8f: {  	_ = 	snop  }
0x90: {  	s2 =	sld [smem:$0x3FD0];
	_ =	sdelay $0x2  }
0x91: {  	s16 =	simm.s32 $0xB;
	s4 =	simm.s32 $0x10  }
0x92: {  	[smem:s4], [sflag:s16] =	dma.local [hbm:s2], $0x1  }
0x93: {  	_ =	swait.eq [sflag:s16], $0x1  }
0x94: {  	[sflag:s16] =	ssyncset.done $0x0  }
0x95: {  	[sflag:s16] =	ssyncadd.s32 $0xFFFFFFFF  }
0x96: {  	s17 =	sld [smem:$0x10];
	(tm) =	ssettm $0x1  }
0x97: {  	s18 =	sld [smem:$0x3FFB];
	_ =	sdelay $0x3  }
0x98: {  	_ =	strace s18  }
0x99: {  	s2 =	sld [smem:$0x3FFC];
	_ =	sdelay $0x3  }
0x9a: {  	_ =	strace s2  }
0x9b: {  	s2 =	sld [smem:$0x3FFD];
	_ =	sdelay $0x3  }
0x9c: {  	_ =	strace s2  }
0x9d: {  	_ =	strace $0x8FFFFFFF  }
0x9e: {  	s19 =	sld [smem:$0x3FDB];
	_ =	sdelay $0x1  }
0x9f: {  	s20 =	simm.s32 $_scs_section_size  }
0xa0: {  	s5 =	simm.s32 $_size__tile_overlayer_lowered;
	s6 =	simm.s32 $_tile_overlayer_lowered  }
0xa1: {  	s7 =	simm.s32 $0x1BFF;
	s21 =	sshll.u32 s6, $0x1;
	s4 =	sadd.s32 s20, s19  }
0xa2: {  	s22 =	simm.s32 $0x0;
	s5 =	sshll.u32 s5, $0x1;
	s6 =	sadd.s32 s21, s4  }
0xa3: {  	[timem:s22], [sflag:s7] =	dma.local [hbm:s6], s5  }
0xa4: {  	_ =	swait.ge [sflag:s7], s5  }
0xa5: {  	s5 =	ssub.s32 $0x0, s5;
	[sflag:s7] =	ssyncset.done $0x0  }
0xa6: {  	[sflag:s7] =	ssyncadd.s32 s5;
	_ =	sdelay $0x1  }
0xa7: {  	s23 =	simm.s32 $0x1B8B  }
0xa8: {  	_ =	swait.ge [sflag:s23], $0x1  }
0xa9: {  	[sflag:s23] =	ssyncset.done $0x0  }
0xaa: {  	[sflag:s23] =	ssyncadd.s32 $0xFFFFFFFF  }
0xab: {  	s5 =	sld [smem:$0x0]  }
0xac: {  	s6 =	sand.u32 $0xFFFFFFFE, s1  }
0xad: {  	p0 =	sne.s32 s1, s6  }
0xae: {  	s6 =	sshll.u32 @p0 s6, $0xE  }
0xaf: {  	s6 =	sadd.s32 @p0 $0x11B8D, s6;
	s7 =	sshll.u32 @p0 s5, $0x11  }
0xb0: {  	s6 =	sor.u32 @p0 s7, s6  }
0xb1: {  	[sflag:s6] =	ssyncadd.remote.s32 @p0 $0x1;
	_ =	sdelay $0x1  }
0xb2: {  	s6 =	simm.s32 @p0 $0x1B8D  }
0xb3: {  	_ =	swait.eq @p0 [sflag:s6], $0x1  }
0xb4: {  	[sflag:s6] =	ssyncadd.s32 @p0 $0xFFFFFFFF  }
0xb5: {  	s7 =	sshll.u32 @!p0 s1, $0xE  }
0xb6: {  	s7 =	sor.u32 @!p0 $0x4000, s7;
	s6 =	simm.s32 @!p0 $0x1B8D  }
0xb7: {  	s5 =	sshll.u32 @!p0 s5, $0x11;
	s7 =	sadd.s32 @!p0 $0x11B8D, s7;
	_ =	swait.eq @!p0 [sflag:s6], $0x1  }
0xb8: {  	s5 =	sor.u32 @!p0 s5, s7;
	[sflag:s6] =	ssyncadd.s32 @!p0 $0xFFFFFFFF  }
0xb9: {  	s25 =	simm.s32 $0x1B8E;
	s24 =	sld [smem:$0x3FFE];
	[sflag:s5] =	ssyncadd.remote.s32 @!p0 $0x1  }
0xba: {  	s26 =	simm.s32 $execute0_lowered;
	[smem:$0x3FD2] =	sst s25  }
0xbb: {  	s6 =	sshll.u32 s26, $0x1;
	_ =	strace $0x8000004F;
	[dreg:$0x1] =	wrdreg $0xFFFFFFFF  }
0xbc: {  	s28 =	simm.s32 $_size_execute0_lowered;
	s4 =	sadd.s32 s4, s6;
	[dreg:$0x0] =	wrdreg $0x0  }
0xbd: {  	s6 =	sshll.u32 s28, $0x1;
	[dreg:$0x2] =	wrdreg s4  }
0xbe: {  	[dreg:$0x3] =	wrdreg s6  }
0xbf: {  	[dreg:$0x4] =	wrdreg $0xC0  }
0xc0: {  	_ =	task [dreg:s22], $0x5FFFF  }
0xc1: {  	[dreg:$0x1] =	wrdreg $0xFFFFFFFF  }
0xc2: {  	[dreg:$0x0] =	wrdreg $0x60  }
0xc3: {  	[dreg:$0x2] =	wrdreg s24  }
0xc4: {  	[dreg:$0x3] =	wrdreg s17  }
0xc5: {  	[dreg:$0x4] =	wrdreg $0x8E000  }
0xc6: {  	[dreg:$0x5] =	wrdreg $0x9  }
0xc7: {  	_ =	task.clear_ibuf [dreg:s22], $0x6FFFF;
	_ =	strace $0x9000004F  }
0xc8: {  	s29 =	simm.s32 $0x9;
	_ =	strace $0x80000051  }
0xc9: {  	_ =	swait.ge [sflag:s29], $0x1  }
0xca: {  	[sflag:s29] =	ssyncadd.s32 $0xFFFFFFFF  }
0xcb: {  	_ =	strace $0x90000051  }
0xcc: {  	_ =	sfence  }
0xcd: {  	s30 =	sld [smem:$0x0];
	_ =	sdelay $0x2  }
0xce: {  	s31 =	sshll.u32 s1, $0xD;
	s1 =	sshrl.u32 s1, $0x2  }
0xcf: {  	s4 =	sand.u32 $0x4000, s31;
	s1 =	sadd.s32 s1, s30  }
0xd0: {  	s0 =	sor.u32 s4, s0;
	s1 =	sshll.u32 s1, $0x11  }
0xd1: {  	s0 =	sor.u32 s1, s0  }
0xd2: {  	s0 =	sadd.s32 $0x8F2B, s0  }
0xd3: {  	[sflag:s0] =	ssyncadd.remote.s32 $0x1  }
0xd4: {  	_ =	sfence.sel $0xFFFF  }
0xd5: {  	[dreg:$0x0] =	wrdreg $0xFFFFFFFF;
	(pc) =	sbr.abs _section_cstart, $3  }
0xd6: {  	[dreg:$0x1] =	wrdreg $0xFFFFFFFF  }
0xd7: {  	_ =	task.clear_ibuf [dreg:s22], $0x2FFFF;
	_ =	strace $0x9FFFFFFF  }
0xd8: {  	(tm) =	ssettm $0x7FFFFFFF  }
0xd9: {  	_ =	shalt  }
tec
execute0_lowered:
.L_overlay_start_1:
0x0: {  	(tag) =	ssettag $0x1  }
0x1: {  	s21 =	stileid.u32  }
0x2: {  	s0 =	rddreg [dreg:$0x0];
	s5 =	smul.u32 $0x14000, s21  }
0x3: {  	s2 =	rddreg [dreg:$0x2];
	s6 =	smul.u32 $0x50000, s21  }
0x4: {  	s1 =	srdreg.scid;
	s8 =	smul.u32 $0x1310, s21  }
0x5: {  	s4 =	simm.s32 $0x0;
	s28 =	simm.s32 $0x8100;
	s26 =	smul.u32 $0x988, s21  }
0x6: {  	s29 =	simm.s32 $0x8180;
	s1 =	sand.u32 $0x1, s1;
	s24 =	smul.u32 $0x9880, s21  }
0x7: {  	s31 =	simm.s32 $0x8980;
	s30 =	simm.s32 $0x0;
	s3 =	smul.u32 $0x140000, s1  }
0x8: {  	[smem:$0x7FF] =	sst s4;
	s7 =	sadd.s32 $0x185E00, s0;
	s10 =	smul.u32 $0x9880, s1  }
0x9: {  	s19 =	sadd.s32 $0x3E7E00, s0;
	s11 =	sshll.u32 s21, $0x6;
	s14 =	smul.u32 $0x988000, s1  }
0xa: {  	_ =	strace $0x80000050;
	s25 =	ssub.s32 $0x2, s1;
	s1 =	smul.u32 $0x98800, s1  }
0xb: {  	s9 =	sshrl.u32 s25, $0x1;
	s6 =	sshrl.u32 s6, $0x2;
	s8 =	sadd.s32 $0x1300, s8  }
0xc: {  	s3 =	sadd.s32 s5, s3;
	s5 =	sadd.s32 $0x561600, s0;
	s6 =	sadd.s32 s6, s2  }
0xd: {  	s20 =	sadd.s32 s26, s10;
	s1 =	sadd.s32 s1, s19;
	s3 =	sshrl.u32 s3, $0x3  }
0xe: {  	[dreg:$0x4] =	wrdreg s6;
	s6 =	sor.u32 $0x1C02, s11;
	s11 =	sshll.u32 s8, $0x7  }
0xf: {  	s8 =	sshrl.u32 s8, $0x3;
	s13 =	sadd.s32 $0x900, s20;
	s26 =	sshrl.u32 s20, $0x3  }
0x10: {  	s0 =	sadd.s32 s3, s0;
	s3 =	ssub.s32 s25, s9;
	s12 =	sadd.s32 s14, s11  }
0x11: {  	s8 =	sadd.s32 s5, s8;
	s16 =	sshrl.u32 s13, $0x3;
	s11 =	sshll.u32 s13, $0x4  }
0x12: {  	s25 =	sadd.s32 $0x80, s20;
	[dreg:$0x5] =	wrdreg s8;
	s15 =	sshrl.u32 s12, $0x3  }
0x13: {  	s17 =	sadd.s32 $0xAC7E00, s0;
	s18 =	sadd.s32 s5, s16;
	s12 =	sadd.s32 $0x980, s20  }
0x14: {  	s11 =	sadd.s32 s19, s11;
	s20 =	sadd.s32 s26, s5;
	[dreg:$0x7] =	wrdreg s17  }
0x15: {  	s26 =	simm.s32 $0x1;
	s8 =	sadd.s32 s7, s15;
	[dreg:$0x8] =	wrdreg s18  }
0x16: {  	s15 =	smul.u32 $0x98800, s21;
	s13 =	sshrl.u32 s12, $0x3;
	s16 =	sshll.u32 s12, $0x4  }
0x17: {  	s18 =	smul.u32 $0x262, s21;
	[dreg:$0x6] =	wrdreg s8;
	s12 =	sadd.s32 s5, s13  }
0x18: {  	s13 =	sadd.s32 s19, s16;
	s19 =	sadd.s32 s24, s1;
	s24 =	simm.s32 $0x80  }
0x19: {  	s17 =	sadd.s32 s15, s14;
	s14 =	sadd.s32 $0xB17E00, s0;
	s15 =	smax.u32 s3, $0x1  }
0x1a: {  	s3 =	sshrl.u32 s25, $0x3;
	s25 =	simm.s32 $0x4100;
	s22 =	sshrl.u32 s17, $0x3  }
0x1b: {  	s23 =	sadd.s32 $0x4000, s17;
	s17 =	sadd.s32 s18, s5;
	s21 =	sadd.s32 s3, s5  }
0x1c: {  	s16 =	sadd.s32 s22, s7;
	s0 =	sshrl.u32 s23, $0x3;
	s22 =	simm.s32 $0x2  }
0x1d: {  	s23 =	simm.s32 $0x100;
	s18 =	sadd.s32 s0, s7;
	s0 =	simm.s32 $0x8A00  }
.LBB2_1:
0x1e: {  	s1 =	rddreg [dreg:$0x4]  }
0x1f: {  	s7 =	rddreg [dreg:$0x1];
	s3 =	sshrl.u32 s1, $0x3  }
0x20: {  	[spmem:s3], [sflag:s6] =	dma.local [hbm:s7], $0x2800  }
0x21: {  	_ =	swait.ge [sflag:s22], $0x2800  }
0x22: {  	[sflag:s22] =	ssyncset.done $0x0  }
0x23: {  	[sflag:s22] =	ssyncadd.s32 $0xFFFFD800  }
0x24: {  	[bflag:$0x0] =	sbarrier.arrive $0xFFFF  }
0x25: {  	[tilespmem:s4], [sflag:$0x1] =	stream.linear.gather [hbm4b:s17+s4], $0x80, $0x38;
	[tilespmem:$0x1CE00] =	vst v63  }
0x26: {  	s8 =	sadd.s32 $0x0, s16  }
0x27: {  	[tilespmem:s23], [sflag:$0x1] =	stream.linear.gather [hbm4b:s8+s4], $0x4000, $0x38;
	[tilespmem:$0x1CE00] =	vst v63  }
0x28: {  	s9 =	sadd.s32 $0x10, s17  }
0x29: {  	[tilespmem:s24], [sflag:$0x1] =	stream.linear.gather [hbm4b:s9+s4], $0x80, $0x38;
	[tilespmem:$0x1CE00] =	vst v63  }
0x2a: {  	s10 =	sadd.s32 $0x0, s18  }
0x2b: {  	[tilespmem:s25], [sflag:$0x1] =	stream.linear.gather [hbm4b:s10+s4], $0x4000, $0x38;
	[tilespmem:$0x1CE00] =	vst v63  }
0x2c: {  	_ =	swait.ge [sflag:s26], $0x80  }
0x2d: {  	[sflag:s26] =	ssyncset.done $0x0  }
0x2e: {  	[sflag:s26] =	ssyncadd.s32 $0xFFFFFF80  }
0x2f: {  	_ =	swait.ge [sflag:s26], $0x4000  }
0x30: {  	[sflag:s26] =	ssyncset.done $0x0  }
0x31: {  	[sflag:s26] =	ssyncadd.s32 $0xFFFFC000  }
0x32: {  	_ =	swait.ge [sflag:s26], $0x80  }
0x33: {  	[sflag:s26] =	ssyncset.done $0x0  }
0x34: {  	[sflag:s26] =	ssyncadd.s32 $0xFFFFFF80  }
0x35: {  	_ =	swait.ge [sflag:s26], $0x4000  }
0x36: {  	[sflag:s26] =	ssyncset.done $0x0  }
0x37: {  	[sflag:s26] =	ssyncadd.s32 $0xFFFFC000  }
0x38: {  	[spmem:s2] =	stream.indirect.scatter.add.f32 [tilespmem:s23], [sflag:$0x1], $0x80, s4, s24, $0xb8;
	[tilespmem:$0x1CE00] =	vst v63  }
0x39: {  	_ = 	snop  }
0x3a: {  	[spmem:s2] =	stream.indirect.scatter.add.f32 [tilespmem:s25], [sflag:$0x1], $0x80, s24, s24, $0xb8;
	[tilespmem:$0x1CE00] =	vst v63  }
0x3b: {  	_ =	swait.ge [sflag:s26], $0x4000  }
0x3c: {  	[sflag:s26] =	ssyncset.done $0x0  }
0x3d: {  	[sflag:s26] =	ssyncadd.s32 $0xFFFFC000  }
0x3e: {  	_ =	swait.ge [sflag:s26], $0x4000  }
0x3f: {  	s5 =	smov.u32 s17;
	s1 =	simm.s32 $0x1000;
	[sflag:s26] =	ssyncset.done $0x0  }
.LBB2_2:
0x40: {  	p0 =	sne.s32 s1, $0x12000;
	[sflag:s26] =	ssyncadd.s32 $0xFFFFC000;
	s5 =	sadd.s32 $0x20, s5  }
0x41: {  	[tilespmem:s4], [sflag:$0x1] =	stream.linear.gather [hbm4b:s5+s4], $0x80, $0x38;
	[tilespmem:$0x1CE00] =	vst v63  }
0x42: {  	s7 =	sadd.s32 s1, s16;
	s8 =	smov.u32 s1;
	s1 =	sadd.s32 $0x1000, s1  }
0x43: {  	[tilespmem:s23], [sflag:$0x1] =	stream.linear.gather [hbm4b:s7+s4], $0x4000, $0x38;
	[tilespmem:$0x1CE00] =	vst v63  }
0x44: {  	s7 =	sadd.s32 $0x10, s5  }
0x45: {  	[tilespmem:s24], [sflag:$0x1] =	stream.linear.gather [hbm4b:s7+s4], $0x80, $0x38;
	[tilespmem:$0x1CE00] =	vst v63  }
0x46: {  	s7 =	sadd.s32 s8, s18  }
0x47: {  	[tilespmem:s25], [sflag:$0x1] =	stream.linear.gather [hbm4b:s7+s4], $0x4000, $0x38;
	[tilespmem:$0x1CE00] =	vst v63  }
0x48: {  	_ =	swait.ge [sflag:s26], $0x80  }
0x49: {  	[sflag:s26] =	ssyncset.done $0x0  }
0x4a: {  	[sflag:s26] =	ssyncadd.s32 $0xFFFFFF80  }
0x4b: {  	_ =	swait.ge [sflag:s26], $0x4000  }
0x4c: {  	[sflag:s26] =	ssyncset.done $0x0  }
0x4d: {  	[sflag:s26] =	ssyncadd.s32 $0xFFFFC000  }
0x4e: {  	_ =	swait.ge [sflag:s26], $0x80  }
0x4f: {  	[sflag:s26] =	ssyncset.done $0x0  }
0x50: {  	[sflag:s26] =	ssyncadd.s32 $0xFFFFFF80  }
0x51: {  	_ =	swait.ge [sflag:s26], $0x4000  }
0x52: {  	[sflag:s26] =	ssyncset.done $0x0  }
0x53: {  	[sflag:s26] =	ssyncadd.s32 $0xFFFFC000  }
0x54: {  	[spmem:s2] =	stream.indirect.scatter.add.f32 [tilespmem:s23], [sflag:$0x1], $0x80, s4, s24, $0xb8;
	[tilespmem:$0x1CE00] =	vst v63  }
0x55: {  	_ = 	snop  }
0x56: {  	[spmem:s2] =	stream.indirect.scatter.add.f32 [tilespmem:s25], [sflag:$0x1], $0x80, s24, s24, $0xb8;
	[tilespmem:$0x1CE00] =	vst v63  }
.Ltmp0:
0x57: {  	_ =	swait.ge [sflag:s26], $0x4000;
	(pc) =	sbr.rel @p0 .LBB2_2-.Ltmp0, $4  }
0x58: {  	[sflag:s26] =	ssyncset.done $0x0  }
0x59: {  	[sflag:s26] =	ssyncadd.s32 $0xFFFFC000  }
0x5a: {  	_ =	swait.ge [sflag:s26], $0x4000  }
0x5b: {  	[sflag:s26] =	ssyncset.done $0x0  }
0x5c: {  	[sflag:s26] =	ssyncadd.s32 $0xFFFFC000;
	s1 =	simm.s32 $0x0;
	s5 =	rddreg [dreg:$0x5]  }
0x5d: {  	[tilespmem:s28], [sflag:$0x2] =	stream.linear.gather [hbm4b:s5+s1], $0x10, $0x38;
	[tilespmem:$0x1CE00] =	vst v63  }
0x5e: {  	_ =	swait.ge [sflag:s22], $0x10  }
0x5f: {  	[sflag:s22] =	ssyncset.done $0x0  }
0x60: {  	s9 =	rddreg [dreg:$0x6];
	[sflag:s22] =	ssyncadd.s32 $0xFFFFFFF0  }
0x61: {  	[tilespmem:s29], [sflag:$0x2] =	stream.linear.gather [hbm4b:s9+s1], $0x800, $0x38;
	[tilespmem:$0x1CE00] =	vst v63  }
0x62: {  	_ =	swait.ge [sflag:s22], $0x800  }
0x63: {  	[sflag:s22] =	ssyncset.done $0x0  }
0x64: {  	s10 =	simm.s32 $0x10;
	[sflag:s22] =	ssyncadd.s32 $0xFFFFF800  }
0x65: {  	[spmem:s2] =	stream.indirect.scatter.add.f32 [tilespmem:s29], [sflag:$0x2], $0x80, s28, s10, $0xb8;
	[tilespmem:$0x1CE00] =	vst v63  }
0x66: {  	_ =	swait.ge [sflag:s22], $0x800  }
0x67: {  	[sflag:s22] =	ssyncset.done $0x0  }
0x68: {  	[sflag:s22] =	ssyncadd.s32 $0xFFFFF800  }
0x69: {  	[bflag:$0x0] =	sbarrier.arrive $0xFFFF  }
0x6a: {  	s5 =	rddreg [dreg:$0x7]  }
0x6b: {  	[hbm:s5], [sflag:s6] =	dma.local [spmem:s3], $0x2800  }
0x6c: {  	_ =	swait.ge [sflag:s22], $0x2800  }
0x6d: {  	[sflag:s22] =	ssyncset.done $0x0  }
0x6e: {  	[sflag:s22] =	ssyncadd.s32 $0xFFFFD800  }
0x6f: {  	s7 =	rddreg [dreg:$0x1]  }
0x70: {  	[spmem:s3], [sflag:s6] =	dma.local [hbm:s7], $0x2800  }
0x71: {  	_ =	swait.ge [sflag:s22], $0x2800  }
0x72: {  	[sflag:s22] =	ssyncset.done $0x0  }
0x73: {  	[sflag:s22] =	ssyncadd.s32 $0xFFFFD800  }
0x74: {  	s8 =	sadd.s32 $0x0, s20;
	[bflag:$0x0] =	sbarrier.arrive $0xFFFF  }
0x75: {  	[tilespmem:s4], [sflag:$0x1] =	stream.linear.gather [hbm4b:s8+s4], $0x80, $0x38;
	[tilespmem:$0x1CE00] =	vst v63  }
0x76: {  	_ = 	snop  }
0x77: {  	[tilespmem:s23], [sflag:$0x1] =	stream.linear.gather [hbm4b:s19+s4], $0x4000, $0x38;
	[tilespmem:$0x1CE00] =	vst v63  }
0x78: {  	s9 =	sadd.s32 $0x0, s21  }
0x79: {  	[tilespmem:s24], [sflag:$0x1] =	stream.linear.gather [hbm4b:s9+s4], $0x80, $0x38;
	[tilespmem:$0x1CE00] =	vst v63  }
0x7a: {  	s10 =	sadd.s32 $0x800, s19  }
0x7b: {  	[tilespmem:s25], [sflag:$0x1] =	stream.linear.gather [hbm4b:s10+s4], $0x4000, $0x38;
	[tilespmem:$0x1CE00] =	vst v63  }
0x7c: {  	_ =	swait.ge [sflag:s26], $0x80  }
0x7d: {  	[sflag:s26] =	ssyncset.done $0x0  }
0x7e: {  	[sflag:s26] =	ssyncadd.s32 $0xFFFFFF80  }
0x7f: {  	_ =	swait.ge [sflag:s26], $0x4000  }
0x80: {  	[sflag:s26] =	ssyncset.done $0x0  }
0x81: {  	[sflag:s26] =	ssyncadd.s32 $0xFFFFC000  }
0x82: {  	_ =	swait.ge [sflag:s26], $0x80  }
0x83: {  	[sflag:s26] =	ssyncset.done $0x0  }
0x84: {  	[sflag:s26] =	ssyncadd.s32 $0xFFFFFF80  }
0x85: {  	_ =	swait.ge [sflag:s26], $0x4000  }
0x86: {  	[sflag:s26] =	ssyncset.done $0x0  }
0x87: {  	[sflag:s26] =	ssyncadd.s32 $0xFFFFC000  }
0x88: {  	[spmem:s2] =	stream.indirect.scatter.add.f32 [tilespmem:s23], [sflag:$0x1], $0x80, s4, s24, $0xb8;
	[tilespmem:$0x1CE00] =	vst v63  }
0x89: {  	_ = 	snop  }
0x8a: {  	[spmem:s2] =	stream.indirect.scatter.add.f32 [tilespmem:s25], [sflag:$0x1], $0x80, s24, s24, $0xb8;
	[tilespmem:$0x1CE00] =	vst v63  }
0x8b: {  	_ =	swait.ge [sflag:s26], $0x4000  }
0x8c: {  	[sflag:s26] =	ssyncset.done $0x0  }
0x8d: {  	[sflag:s26] =	ssyncadd.s32 $0xFFFFC000  }
0x8e: {  	s1 =	simm.s32 $0x20;
	_ =	swait.ge [sflag:s26], $0x4000  }
0x8f: {  	s5 =	sadd.s32 $0x1000, s19;
	s7 =	simm.s32 $0x40;
	[sflag:s26] =	ssyncset.done $0x0  }
.LBB2_4:
0x90: {  	s8 =	sadd.s32 s1, s20  }
0x91: {  	[sflag:s26] =	ssyncadd.s32 $0xFFFFC000;
	s9 =	smov.u32 s7;
	s10 =	sadd.s32 $0x20, s7  }
0x92: {  	[tilespmem:s4], [sflag:$0x1] =	stream.linear.gather [hbm4b:s8+s4], $0x80, $0x38;
	[tilespmem:$0x1CE00] =	vst v63  }
0x93: {  	p0 =	sne.s32 s7, $0x100  }
0x94: {  	[tilespmem:s23], [sflag:$0x1] =	stream.linear.gather [hbm4b:s5+s4], $0x4000, $0x38;
	[tilespmem:$0x1CE00] =	vst v63  }
0x95: {  	s7 =	sadd.s32 s1, s21;
	s1 =	smov.u32 s9  }
0x96: {  	[tilespmem:s24], [sflag:$0x1] =	stream.linear.gather [hbm4b:s7+s4], $0x80, $0x38;
	[tilespmem:$0x1CE00] =	vst v63  }
0x97: {  	s7 =	sadd.s32 $0x800, s5  }
0x98: {  	[tilespmem:s25], [sflag:$0x1] =	stream.linear.gather [hbm4b:s7+s4], $0x4000, $0x38;
	[tilespmem:$0x1CE00] =	vst v63  }
0x99: {  	_ =	swait.ge [sflag:s26], $0x80  }
0x9a: {  	[sflag:s26] =	ssyncset.done $0x0  }
0x9b: {  	[sflag:s26] =	ssyncadd.s32 $0xFFFFFF80  }
0x9c: {  	_ =	swait.ge [sflag:s26], $0x4000  }
0x9d: {  	[sflag:s26] =	ssyncset.done $0x0  }
0x9e: {  	[sflag:s26] =	ssyncadd.s32 $0xFFFFC000  }
0x9f: {  	_ =	swait.ge [sflag:s26], $0x80  }
0xa0: {  	[sflag:s26] =	ssyncset.done $0x0  }
0xa1: {  	[sflag:s26] =	ssyncadd.s32 $0xFFFFFF80  }
0xa2: {  	_ =	swait.ge [sflag:s26], $0x4000  }
0xa3: {  	[sflag:s26] =	ssyncset.done $0x0  }
0xa4: {  	[sflag:s26] =	ssyncadd.s32 $0xFFFFC000  }
0xa5: {  	[spmem:s2] =	stream.indirect.scatter.add.f32 [tilespmem:s23], [sflag:$0x1], $0x80, s4, s24, $0xb8;
	[tilespmem:$0x1CE00] =	vst v63  }
0xa6: {  	_ = 	snop  }
0xa7: {  	[spmem:s2] =	stream.indirect.scatter.add.f32 [tilespmem:s25], [sflag:$0x1], $0x80, s24, s24, $0xb8;
	[tilespmem:$0x1CE00] =	vst v63  }
.Ltmp1:
0xa8: {  	_ =	swait.ge [sflag:s26], $0x4000;
	(pc) =	sbr.rel @p0 .LBB2_4-.Ltmp1, $4  }
0xa9: {  	[sflag:s26] =	ssyncset.done $0x0  }
0xaa: {  	[sflag:s26] =	ssyncadd.s32 $0xFFFFC000  }
0xab: {  	_ =	swait.ge [sflag:s26], $0x4000  }
0xac: {  	s5 =	sadd.s32 $0x1000, s5;
	s7 =	smov.u32 s10;
	[sflag:s26] =	ssyncset.done $0x0  }
0xad: {  	s7 =	sadd.s32 s1, s20;
	[sflag:s26] =	ssyncadd.s32 $0xFFFFC000  }
0xae: {  	[tilespmem:s4], [sflag:$0x1] =	stream.linear.gather [hbm4b:s7+s4], $0x80, $0x38;
	[tilespmem:$0x1CE00] =	vst v63  }
0xaf: {  	_ = 	snop  }
0xb0: {  	[tilespmem:s23], [sflag:$0x1] =	stream.linear.gather [hbm4b:s5+s4], $0x4000, $0x38;
	[tilespmem:$0x1CE00] =	vst v63  }
0xb1: {  	s7 =	sadd.s32 s1, s21  }
0xb2: {  	[tilespmem:s24], [sflag:$0x1] =	stream.linear.gather [hbm4b:s7+s4], $0x80, $0x38;
	[tilespmem:$0x1CE00] =	vst v63  }
0xb3: {  	s8 =	sadd.s32 $0x800, s5  }
0xb4: {  	[tilespmem:s25], [sflag:$0x1] =	stream.linear.gather [hbm4b:s8+s4], $0x4000, $0x38;
	[tilespmem:$0x1CE00] =	vst v63  }
0xb5: {  	_ =	swait.ge [sflag:s26], $0x80  }
0xb6: {  	[sflag:s26] =	ssyncset.done $0x0  }
0xb7: {  	[sflag:s26] =	ssyncadd.s32 $0xFFFFFF80  }
0xb8: {  	_ =	swait.ge [sflag:s26], $0x4000  }
0xb9: {  	[sflag:s26] =	ssyncset.done $0x0  }
0xba: {  	[sflag:s26] =	ssyncadd.s32 $0xFFFFC000  }
0xbb: {  	_ =	swait.ge [sflag:s26], $0x80  }
0xbc: {  	[sflag:s26] =	ssyncset.done $0x0  }
0xbd: {  	[sflag:s26] =	ssyncadd.s32 $0xFFFFFF80  }
0xbe: {  	_ =	swait.ge [sflag:s26], $0x4000  }
0xbf: {  	[sflag:s26] =	ssyncset.done $0x0  }
0xc0: {  	[sflag:s26] =	ssyncadd.s32 $0xFFFFC000  }
0xc1: {  	[spmem:s2] =	stream.indirect.scatter.add.f32 [tilespmem:s23], [sflag:$0x1], $0x80, s4, s24, $0xb8;
	[tilespmem:$0x1CE00] =	vst v63  }
0xc2: {  	_ = 	snop  }
0xc3: {  	[spmem:s2] =	stream.indirect.scatter.add.f32 [tilespmem:s25], [sflag:$0x1], $0x80, s24, s24, $0xb8;
	[tilespmem:$0x1CE00] =	vst v63  }
0xc4: {  	_ =	swait.ge [sflag:s26], $0x4000  }
0xc5: {  	[sflag:s26] =	ssyncset.done $0x0  }
0xc6: {  	[sflag:s26] =	ssyncadd.s32 $0xFFFFC000  }
0xc7: {  	_ =	swait.ge [sflag:s26], $0x4000  }
0xc8: {  	[sflag:s26] =	ssyncset.done $0x0  }
0xc9: {  	s9 =	rddreg [dreg:$0x8];
	[sflag:s26] =	ssyncadd.s32 $0xFFFFC000  }
0xca: {  	[tilespmem:s4], [sflag:$0x1] =	stream.linear.gather [hbm4b:s9+s4], $0x80, $0x38;
	[tilespmem:$0x1CE00] =	vst v63  }
0xcb: {  	_ = 	snop  }
0xcc: {  	[tilespmem:s23], [sflag:$0x1] =	stream.linear.gather [hbm4b:s11+s4], $0x4000, $0x38;
	[tilespmem:$0x1CE00] =	vst v63  }
0xcd: {  	_ =	swait.ge [sflag:s26], $0x80  }
0xce: {  	[sflag:s26] =	ssyncset.done $0x0  }
0xcf: {  	[sflag:s26] =	ssyncadd.s32 $0xFFFFFF80  }
0xd0: {  	_ =	swait.ge [sflag:s26], $0x4000  }
0xd1: {  	[sflag:s26] =	ssyncset.done $0x0  }
0xd2: {  	[sflag:s26] =	ssyncadd.s32 $0xFFFFC000  }
0xd3: {  	[spmem:s2] =	stream.indirect.scatter.add.f32 [tilespmem:s23], [sflag:$0x1], $0x80, s4, s24, $0xb8;
	[tilespmem:$0x1CE00] =	vst v63  }
0xd4: {  	_ =	swait.ge [sflag:s26], $0x4000  }
0xd5: {  	[sflag:s26] =	ssyncset.done $0x0  }
0xd6: {  	[sflag:s26] =	ssyncadd.s32 $0xFFFFC000  }
0xd7: {  	[tilespmem:s31], [sflag:$0x2] =	stream.linear.gather [hbm4b:s12+s4], $0x8, $0x38;
	[tilespmem:$0x1CE00] =	vst v63  }
0xd8: {  	_ =	swait.ge [sflag:s22], $0x8  }
0xd9: {  	[sflag:s22] =	ssyncset.done $0x0  }
0xda: {  	[sflag:s22] =	ssyncadd.s32 $0xFFFFFFF8  }
0xdb: {  	[tilespmem:s0], [sflag:$0x2] =	stream.linear.gather [hbm4b:s13+s4], $0x400, $0x38;
	[tilespmem:$0x1CE00] =	vst v63  }
0xdc: {  	_ =	swait.ge [sflag:s22], $0x400  }
0xdd: {  	[sflag:s22] =	ssyncset.done $0x0  }
0xde: {  	s10 =	simm.s32 $0x8;
	[sflag:s22] =	ssyncadd.s32 $0xFFFFFC00  }
0xdf: {  	[spmem:s2] =	stream.indirect.scatter.add.f32 [tilespmem:s0], [sflag:$0x2], $0x80, s31, s10, $0xb8;
	[tilespmem:$0x1CE00] =	vst v63  }
0xe0: {  	_ =	swait.ge [sflag:s22], $0x400  }
0xe1: {  	s30 =	sadd.s32 $0x1, s30;
	[sflag:s22] =	ssyncset.done $0x0  }
0xe2: {  	p0 =	sne.s32 s30, s15;
	[sflag:s22] =	ssyncadd.s32 $0xFFFFFC00  }
.Ltmp2:
0xe3: {  	[bflag:$0x0] =	sbarrier.arrive $0xFFFF;
	(pc) =	sbr.rel @p0 .LBB2_1-.Ltmp2, $4  }
0xe4: {  	[hbm:s14], [sflag:s6] =	dma.local [spmem:s3], $0x2800  }
0xe5: {  	_ =	swait.ge [sflag:s22], $0x2800  }
0xe6: {  	[sflag:s22] =	ssyncset.done $0x0  }
0xe7: {  	[sflag:s22] =	ssyncadd.s32 $0xFFFFD800  }
0xe8: {  	_ =	sfence.sel $0x180000  }
0xe9: {  	[bflag:$0x0] =	sbarrier.arrive $0xFFFF  }
0xea: {  	_ =	strace $0x90000050  }
0xeb: {  	s0 =	stileid.u32;
	[bflag:$0x2] =	sbarrier.arrive $0xFFFF  }
0xec: {  	p0 =	sne.s32 s0, $0x0;
	s0 =	rddreg [dreg:$0x3]  }
0xed: {  	s0 =	sadd.s32 @!p0 $0x100000, s0  }
0xee: {  	[sflag:s0] =	ssyncadd.tile.s32 @!p0 $0x1;
	_ =	shalt  }
.Lfunc_end2:
_tile_overlayer_lowered:
.L_overlay_start_2:
0xef: {  	(tag) =	ssettag $0x2  }
0xf0: {  	s0 =	rddreg [dreg:$0x0];
	s2 =	stileid.u32  }
0xf1: {  	s1 =	rddreg [dreg:$0x1];
	p0 =	sne.s32 s2, $0x0  }
0xf2: {  	s3 =	rddreg [dreg:$0x2];
	[bflag:$0x3] =	sbarrier.arrive $0xFFFF;
	s2 =	simm.s32 @!p0 $0x1C02  }
0xf3: {  	[timem:s3], [sflag:s2] =	dma.local @!p0 [hbm:s0], s1  }
0xf4: {  	s0 =	simm.s32 @!p0 $0x2  }
0xf5: {  	_ =	swait.ge @!p0 [sflag:s0], s1  }
0xf6: {  	s1 =	ssub.s32 @!p0 $0x0, s1;
	[sflag:s0] =	ssyncset.done @!p0 $0x0  }
0xf7: {  	[sflag:s0] =	ssyncadd.s32 @!p0 s1  }
0xf8: {  	[bflag:$0x3] =	sbarrier.arrive $0xFFFF  }
0xf9: {  	_ =	shalt  }

</sc_bundles>
